<compile_context>
chip_gen: v7x
topology: tpu7x:2x2x1
jax: 0.10.2.dev20260603
libtpu: 0.0.44.dev20260713+nightly
codegen_flags: <defaults>
</compile_context>

<pallas_src>
import jax
import jax.numpy as jnp
from jax import lax
from jax.experimental import pallas as pl
from jax.experimental.pallas import tpu as pltpu
from jax.experimental.pallas import tpu_sc as plsc

_N = 10000
_D = 128
_E = 320000
_NC = 2
_NS = 16
_NT = _NC * _NS
_EPAD = 327680
_EPT = _EPAD // _NT
_K = 128
_NCHUNK = _EPT // _K
_W = 16
_NW = _NCHUNK // _W
_NP = 10240
_RPT = _NP // _NS


def _hop_body(g_hbm, src_hbm, dst_hbm, out_hbm, src_all, dw0, dw1, rows0,
              rows1, acc, sem0, sem1, dsem0, dsem1):
    cid = lax.axis_index("c")
    sid = lax.axis_index("s")
    wid = cid * _NS + sid

    pltpu.sync_copy(src_hbm.at[wid], src_all)

    rows = (rows0, rows1)
    sems = (sem0, sem1)
    dwin = (dw0, dw1)
    dsem = (dsem0, dsem1)

    def start_dwin(w, p):
        pltpu.async_copy(dst_hbm.at[wid, pl.ds(w * _W, _W)], dwin[p],
                         dsem[p])

    def wait_dwin(p):
        pltpu.make_async_copy(dst_hbm.at[0, pl.ds(0, _W)], dwin[p],
                              dsem[p]).wait()

    def start_gather(b, c):
        pltpu.async_copy(g_hbm.at[src_all.at[c]], rows[b], sems[b])

    def wait_gather(b):
        pltpu.make_async_copy(g_hbm.at[src_all.at[0]], rows[b],
                              sems[b]).wait()

    def scatter(b, p, c):
        pltpu.sync_copy(rows[b], acc.at[dwin[p].at[c]], add=True)

    def fill_zeros(r, _):
        for c8 in range(_D // 16):
            rows0[r, pl.ds(c8 * 16, 16)] = jnp.zeros((16,), jnp.float32)
        return 0

    lax.fori_loop(0, _K, fill_zeros, 0)
    for z in range(_RPT // _K):
        pltpu.sync_copy(rows0, acc.at[pl.ds(sid * _RPT + z * _K, _K)])

    start_dwin(0, 0)
    start_gather(0, 0)
    start_gather(1, 1)
    plsc.subcore_barrier()

    for w in range(_NW):
        p = w % 2
        wait_dwin(p)
        if w + 1 < _NW:
            start_dwin(w + 1, 1 - p)

        def pair(j, _, w=w, p=p):
            c0 = w * _W + 2 * j
            wait_gather(0)
            scatter(0, p, 2 * j)
            start_gather(0, jnp.minimum(c0 + 2, _NCHUNK - 1))
            wait_gather(1)
            scatter(1, p, 2 * j + 1)
            start_gather(1, jnp.minimum(c0 + 3, _NCHUNK - 1))
            return 0

        lax.fori_loop(0, _W // 2, pair, 0)

    wait_gather(0)
    wait_gather(1)

    plsc.subcore_barrier()
    pltpu.sync_copy(acc.at[pl.ds(sid * _RPT, _RPT)],
                    out_hbm.at[cid, pl.ds(sid * _RPT, _RPT)])


def _deg_body(dst_hbm, out_hbm, dst_all, ones_v, zero_v, acc):
    cid = lax.axis_index("c")
    sid = lax.axis_index("s")
    wid = cid * _NS + sid

    pltpu.sync_copy(dst_hbm.at[wid], dst_all)

    def fill(r, _):
        for c8 in range(_D // 16):
            ones_v[r, pl.ds(c8 * 16, 16)] = jnp.ones((16,), jnp.float32)
            zero_v[r, pl.ds(c8 * 16, 16)] = jnp.zeros((16,), jnp.float32)
        return 0

    lax.fori_loop(0, _K, fill, 0)
    for z in range(_RPT // _K):
        pltpu.sync_copy(zero_v, acc.at[pl.ds(sid * _RPT + z * _K, _K)])

    plsc.subcore_barrier()

    def chunk(c, _):
        pltpu.sync_copy(ones_v, acc.at[dst_all.at[c]], add=True)
        return 0

    lax.fori_loop(0, _NCHUNK, chunk, 0)

    plsc.subcore_barrier()
    pltpu.sync_copy(acc.at[pl.ds(sid * _RPT, _RPT)],
                    out_hbm.at[cid, pl.ds(sid * _RPT, _RPT)])


def _sc_deg(dst3):
    mesh = plsc.VectorSubcoreMesh(core_axis_name="c", subcore_axis_name="s",
                                  num_cores=_NC, num_subcores=_NS)
    return pl.kernel(
        _deg_body,
        out_type=jax.ShapeDtypeStruct((_NC, _NP, _D), jnp.float32),
        mesh=mesh,
        scratch_types=[
            pltpu.VMEM((_NCHUNK, _K), jnp.int32),
            pltpu.VMEM((_K, _D), jnp.float32),
            pltpu.VMEM((_K, _D), jnp.float32),
            pltpu.VMEM_SHARED((_NP, _D), jnp.float32),
        ],
    )(dst3)


def _sc_hop(g, src3, dst3):
    mesh = plsc.VectorSubcoreMesh(core_axis_name="c", subcore_axis_name="s",
                                  num_cores=_NC, num_subcores=_NS)
    return pl.kernel(
        _hop_body,
        out_type=jax.ShapeDtypeStruct((_NC, _NP, _D), jnp.float32),
        mesh=mesh,
        scratch_types=[
            pltpu.VMEM((_NCHUNK, _K), jnp.int32),
            pltpu.VMEM((_W, _K), jnp.int32),
            pltpu.VMEM((_W, _K), jnp.int32),
            pltpu.VMEM((_K, _D), jnp.float32),
            pltpu.VMEM((_K, _D), jnp.float32),
            pltpu.VMEM_SHARED((_NP, _D), jnp.float32),
            pltpu.SemaphoreType.DMA,
            pltpu.SemaphoreType.DMA,
            pltpu.SemaphoreType.DMA,
            pltpu.SemaphoreType.DMA,
        ],
    )(g, src3, dst3)


_BLK = 1000


def _tc_matmul_body(feat_ref, w_ref, b_ref, out_ref):
    out_ref[...] = jnp.dot(feat_ref[...], w_ref[...],
                           preferred_element_type=jnp.float32) + b_ref[...]


def _tc_matmul(feat, w, b2):
    return pl.pallas_call(
        _tc_matmul_body,
        grid=(_N // _BLK,),
        in_specs=[
            pl.BlockSpec((_BLK, _D), lambda i: (i, 0)),
            pl.BlockSpec((_D, _D), lambda i: (0, 0)),
            pl.BlockSpec((1, _D), lambda i: (0, 0)),
        ],
        out_specs=pl.BlockSpec((_BLK, _D), lambda i: (i, 0)),
        out_shape=jax.ShapeDtypeStruct((_N, _D), jnp.float32),
    )(feat, w, b2)


def _tc_scale_h_body(h_ref, degp_ref, out_ref):
    dp = degp_ref[...]
    deg = dp[0, :, 0] + dp[1, :, 0]
    nrm = lax.rsqrt(jnp.maximum(deg, 1.0))
    out_ref[...] = h_ref[...] * nrm[:, None]


def _tc_scale_h(h, degp):
    return pl.pallas_call(
        _tc_scale_h_body,
        grid=(_N // _BLK,),
        in_specs=[
            pl.BlockSpec((_BLK, _D), lambda i: (i, 0)),
            pl.BlockSpec((_NC, _BLK, _D), lambda i: (0, i, 0)),
        ],
        out_specs=pl.BlockSpec((_BLK, _D), lambda i: (i, 0)),
        out_shape=jax.ShapeDtypeStruct((_N, _D), jnp.float32),
    )(h, degp)


def _tc_scale_body(s_ref, degp_ref, out_ref, power):
    dp = degp_ref[...]
    deg = dp[0, :, 0] + dp[1, :, 0]
    nrm = lax.rsqrt(jnp.maximum(deg, 1.0))
    scale = nrm * nrm if power == 2 else nrm
    s = s_ref[0] + s_ref[1]
    out_ref[...] = s * scale[:, None]


def _tc_scale(s, degp, power):
    body = lambda a, b, o: _tc_scale_body(a, b, o, power)
    return pl.pallas_call(
        body,
        grid=(_N // _BLK,),
        in_specs=[
            pl.BlockSpec((_NC, _BLK, _D), lambda i: (0, i, 0)),
            pl.BlockSpec((_NC, _BLK, _D), lambda i: (0, i, 0)),
        ],
        out_specs=pl.BlockSpec((_BLK, _D), lambda i: (i, 0)),
        out_shape=jax.ShapeDtypeStruct((_N, _D), jnp.float32),
    )(s, degp)


def kernel(feat, edge_index, W, b):
    pad = _EPAD - _E
    src_p = jnp.concatenate(
        [edge_index[0], jnp.zeros((pad,), jnp.int32)])
    dst_p = jnp.concatenate(
        [edge_index[1], jnp.full((pad,), _N, jnp.int32)])
    src3 = src_p.reshape(_NT, _NCHUNK, _K)
    dst3 = dst_p.reshape(_NT, _NCHUNK, _K)
    b2 = b.reshape(1, _D)
    degp = _sc_deg(dst3)
    h = _tc_matmul(feat, W, b2)
    g0 = _tc_scale_h(h, degp)
    s1 = _sc_hop(g0, src3, dst3)
    g1 = _tc_scale(s1, degp, 2)
    s2 = _sc_hop(g1, src3, dst3)
    return _tc_scale(s2, degp, 1)

# --- scband reference (transcript-rebuilt; emitter-appended) ---
"""Pipeline reference for scband-meta-6098853560963 (READ-ONLY COPY).

The authoritative reference and input builder live on the scoring server;
editing this copy changes nothing except your own understanding.
"""

import jax, jax.numpy as jnp
import numpy as np

N = 10000
E = 320000
D = 128
H = 128


def setup_inputs(seed: int = 0) -> dict:
    key = jax.random.key(seed)
    k1, k2, k3, k4 = jax.random.split(key, 4)
    feat = jax.random.normal(k1, (N, D), dtype=jnp.float32)
    edge_index = jax.random.randint(k2, (2, E), 0, N, dtype=jnp.int32)
    # Transform (linear) parameters, per init_kwargs hidden=128
    W = jax.random.normal(k3, (D, H), dtype=jnp.float32) * 0.05
    b = jnp.zeros((H,), dtype=jnp.float32)
    return {"feat": feat, "edge_index": edge_index, "W": W, "b": b}


def reference(feat, edge_index, W, b):
    # h = transformation(feat)  -- linear feature transform
    h = feat @ W + b
    src = edge_index[0]
    dst = edge_index[1]
    # symmetric-normalized SGC-style propagation: h <- D^-1/2 A D^-1/2 h, twice
    deg = jnp.zeros((N,), dtype=jnp.float32).at[dst].add(1.0)
    deg = jnp.clip(deg, 1.0, None)
    norm = 1.0 / jnp.sqrt(deg)
    # first hop (adj_tilde)
    msg1 = h[src] * norm[src][:, None]
    h1 = jnp.zeros_like(h).at[dst].add(msg1) * norm[:, None]
    # second hop (adj_two)
    msg2 = h1[src] * norm[src][:, None]
    h2 = jnp.zeros_like(h1).at[dst].add(msg2) * norm[:, None]
    return h2

if __name__ == "__main__":
    import jax
    _d = setup_inputs()
    print(jax.jit(kernel)(*tuple(_d.values())))

</pallas_src>

<mosaic_0001>
#map = affine_map<(d0, d1) -> (0, 0)>
#map1 = affine_map<(d0, d1) -> (0, 0, 0)>
module attributes {stable_mosaic.version = 14 : i64} {
  func.func @_hop_body(%arg0: i32, %arg1: i32, %arg2: memref<10000x128xf32, #tpu.memory_space<hbm>>, %arg3: memref<32x80x128xi32, #tpu.memory_space<hbm>>, %arg4: memref<32x80x128xi32, #tpu.memory_space<hbm>>, %arg5: memref<2x10240x128xf32, #tpu.memory_space<hbm>>, %arg6: memref<80x128xi32, #tpu.memory_space<vmem>>, %arg7: memref<16x128xi32, #tpu.memory_space<vmem>>, %arg8: memref<16x128xi32, #tpu.memory_space<vmem>>, %arg9: memref<128x128xf32, #tpu.memory_space<vmem>>, %arg10: memref<128x128xf32, #tpu.memory_space<vmem>>, %arg11: memref<10240x128xf32, #tpu.memory_space<vmem_shared>>, %arg12: memref<!tpu.dma_semaphore, #tpu.memory_space<semaphore_mem>>, %arg13: memref<!tpu.dma_semaphore, #tpu.memory_space<semaphore_mem>>, %arg14: memref<!tpu.dma_semaphore, #tpu.memory_space<semaphore_mem>>, %arg15: memref<!tpu.dma_semaphore, #tpu.memory_space<semaphore_mem>>) attributes {dimension_semantics = [#tpu.dimension_semantics<core_parallel>, #tpu.dimension_semantics<subcore_parallel>], iteration_bounds = array<i64: 2, 16>, scalar_prefetch = 0 : i64, scratch_operands = 10 : i64, tpu.core_type = #tpu.core_type<sc_vector_subcore>, window_params = [{transform_indices = #map}, {transform_indices = #map1}, {transform_indices = #map1}, {transform_indices = #map1}]} {
    %mul3A = arith.constant 16 : i32
    %mul3A_0 = arith.muli %arg0, %mul3A : i32
    %add3A = arith.addi %mul3A_0, %arg1 : i32
    "tpu.region"() ({
      %run_scoped3A = tpu.sem_alloc : memref<!tpu.dma_semaphore, #tpu.memory_space<semaphore_mem>>
      %dma_start3A_178 = arith.constant 0 : i32
      %dma_start3A_179 = arith.constant 0 : i32
      %dma_start3A_180 = tpu.memref_slice %arg3[%add3A, %dma_start3A_178, %dma_start3A_179] : memref<32x80x128xi32, #tpu.memory_space<hbm>> -> memref<1x80x128xi32, #tpu.memory_space<hbm>>
      %dma_start3A_181 = tpu.memref_squeeze %dma_start3A_180 : memref<1x80x128xi32, #tpu.memory_space<hbm>> -> memref<80x128xi32, #tpu.memory_space<hbm>>
      %dma_start3A_182 = arith.constant 0 : i32
      %dma_start3A_183 = arith.constant 0 : i32
      %dma_start3A_184 = tpu.memref_slice %arg3[%add3A, %dma_start3A_182, %dma_start3A_183] : memref<32x80x128xi32, #tpu.memory_space<hbm>> -> memref<1x80x128xi32, #tpu.memory_space<hbm>>
      %dma_start3A_185 = tpu.memref_squeeze %dma_start3A_184 : memref<1x80x128xi32, #tpu.memory_space<hbm>> -> memref<80x128xi32, #tpu.memory_space<hbm>>
      tpu.enqueue_dma source(%dma_start3A_185 : memref<80x128xi32, #tpu.memory_space<hbm>>) target(%arg6 : memref<80x128xi32, #tpu.memory_space<vmem>>) target_semaphore(%run_scoped3A : memref<!tpu.dma_semaphore, #tpu.memory_space<semaphore_mem>>)
      %dma_wait3A_186 = arith.constant 0 : i32
      %dma_wait3A_187 = arith.constant 0 : i32
      %dma_wait3A_188 = tpu.memref_slice %arg3[%add3A, %dma_wait3A_186, %dma_wait3A_187] : memref<32x80x128xi32, #tpu.memory_space<hbm>> -> memref<1x80x128xi32, #tpu.memory_space<hbm>>
      %dma_wait3A_189 = tpu.memref_squeeze %dma_wait3A_188 : memref<1x80x128xi32, #tpu.memory_space<hbm>> -> memref<80x128xi32, #tpu.memory_space<hbm>>
      %dma_wait3A_190 = arith.constant 0 : i32
      %dma_wait3A_191 = arith.constant 0 : i32
      %dma_wait3A_192 = tpu.memref_slice %arg3[%add3A, %dma_wait3A_190, %dma_wait3A_191] : memref<32x80x128xi32, #tpu.memory_space<hbm>> -> memref<1x80x128xi32, #tpu.memory_space<hbm>>
      %dma_wait3A_193 = tpu.memref_squeeze %dma_wait3A_192 : memref<1x80x128xi32, #tpu.memory_space<hbm>> -> memref<80x128xi32, #tpu.memory_space<hbm>>
      tpu.wait_dma2 semaphore(%run_scoped3A : memref<!tpu.dma_semaphore, #tpu.memory_space<semaphore_mem>>) src(%dma_wait3A_193 : memref<80x128xi32, #tpu.memory_space<hbm>>) dst(%arg6 : memref<80x128xi32, #tpu.memory_space<vmem>>)
      tpu.yield
    }) : () -> ()
    %scan3A = arith.constant 0 : i32
    %scan3A_1 = arith.constant 0 : i32
    %scan3A_2 = arith.constant 128 : i32
    %scan3A_3 = arith.addi %scan3A_1, %scan3A_2 : i32
    %scan3A_4 = arith.constant 1 : i32
    %scan3A_5 = scf.for %scan3A_178 = %scan3A_1 to %scan3A_3 step %scan3A_4 iter_args(%scan3A_179 = %scan3A) -> (i32)  : i32 {
      %broadcast_in_dim3A = arith.constant 0.000000e+00 : f32
      %broadcast_in_dim3A_180 = vector.broadcast %broadcast_in_dim3A : f32 to vector<16xf32>
      %swap3A = arith.index_cast %scan3A_178 : i32 to index
      %swap3A_181 = arith.constant 0 : index
      %swap3A_182 = tpu.vector_load %arg9[%swap3A, %swap3A_181] {strides = array<i32>} : memref<128x128xf32, #tpu.memory_space<vmem>>, vector<1x16xf32>,
      %swap3A_183 = vector.shape_cast %swap3A_182 : vector<1x16xf32> to vector<16xf32>
      %swap3A_184 = vector.shape_cast %broadcast_in_dim3A_180 : vector<16xf32> to vector<1x16xf32>
      tpu.vector_store %arg9[%swap3A, %swap3A_181], %swap3A_184 {strides = array<i32>} : memref<128x128xf32, #tpu.memory_space<vmem>>, vector<1x16xf32>,
      %broadcast_in_dim3A_185 = arith.constant 0.000000e+00 : f32
      %broadcast_in_dim3A_186 = vector.broadcast %broadcast_in_dim3A_185 : f32 to vector<16xf32>
      %swap3A_187 = arith.index_cast %scan3A_178 : i32 to index
      %swap3A_188 = arith.constant 16 : index
      %swap3A_189 = tpu.vector_load %arg9[%swap3A_187, %swap3A_188] {strides = array<i32>} : memref<128x128xf32, #tpu.memory_space<vmem>>, vector<1x16xf32>,
      %swap3A_190 = vector.shape_cast %swap3A_189 : vector<1x16xf32> to vector<16xf32>
      %swap3A_191 = vector.shape_cast %broadcast_in_dim3A_186 : vector<16xf32> to vector<1x16xf32>
      tpu.vector_store %arg9[%swap3A_187, %swap3A_188], %swap3A_191 {strides = array<i32>} : memref<128x128xf32, #tpu.memory_space<vmem>>, vector<1x16xf32>,
      %broadcast_in_dim3A_192 = arith.constant 0.000000e+00 : f32
      %broadcast_in_dim3A_193 = vector.broadcast %broadcast_in_dim3A_192 : f32 to vector<16xf32>
      %swap3A_194 = arith.index_cast %scan3A_178 : i32 to index
      %swap3A_195 = arith.constant 32 : index
      %swap3A_196 = tpu.vector_load %arg9[%swap3A_194, %swap3A_195] {strides = array<i32>} : memref<128x128xf32, #tpu.memory_space<vmem>>, vector<1x16xf32>,
      %swap3A_197 = vector.shape_cast %swap3A_196 : vector<1x16xf32> to vector<16xf32>
      %swap3A_198 = vector.shape_cast %broadcast_in_dim3A_193 : vector<16xf32> to vector<1x16xf32>
      tpu.vector_store %arg9[%swap3A_194, %swap3A_195], %swap3A_198 {strides = array<i32>} : memref<128x128xf32, #tpu.memory_space<vmem>>, vector<1x16xf32>,
      %broadcast_in_dim3A_199 = arith.constant 0.000000e+00 : f32
      %broadcast_in_dim3A_200 = vector.broadcast %broadcast_in_dim3A_199 : f32 to vector<16xf32>
      %swap3A_201 = arith.index_cast %scan3A_178 : i32 to index
      %swap3A_202 = arith.constant 48 : index
      %swap3A_203 = tpu.vector_load %arg9[%swap3A_201, %swap3A_202] {strides = array<i32>} : memref<128x128xf32, #tpu.memory_space<vmem>>, vector<1x16xf32>,
      %swap3A_204 = vector.shape_cast %swap3A_203 : vector<1x16xf32> to vector<16xf32>
      %swap3A_205 = vector.shape_cast %broadcast_in_dim3A_200 : vector<16xf32> to vector<1x16xf32>
      tpu.vector_store %arg9[%swap3A_201, %swap3A_202], %swap3A_205 {strides = array<i32>} : memref<128x128xf32, #tpu.memory_space<vmem>>, vector<1x16xf32>,
      %broadcast_in_dim3A_206 = arith.constant 0.000000e+00 : f32
      %broadcast_in_dim3A_207 = vector.broadcast %broadcast_in_dim3A_206 : f32 to vector<16xf32>
      %swap3A_208 = arith.index_cast %scan3A_178 : i32 to index
      %swap3A_209 = arith.constant 64 : index
      %swap3A_210 = tpu.vector_load %arg9[%swap3A_208, %swap3A_209] {strides = array<i32>} : memref<128x128xf32, #tpu.memory_space<vmem>>, vector<1x16xf32>,
      %swap3A_211 = vector.shape_cast %swap3A_210 : vector<1x16xf32> to vector<16xf32>
      %swap3A_212 = vector.shape_cast %broadcast_in_dim3A_207 : vector<16xf32> to vector<1x16xf32>
      tpu.vector_store %arg9[%swap3A_208, %swap3A_209], %swap3A_212 {strides = array<i32>} : memref<128x128xf32, #tpu.memory_space<vmem>>, vector<1x16xf32>,
      %broadcast_in_dim3A_213 = arith.constant 0.000000e+00 : f32
      %broadcast_in_dim3A_214 = vector.broadcast %broadcast_in_dim3A_213 : f32 to vector<16xf32>
      %swap3A_215 = arith.index_cast %scan3A_178 : i32 to index
      %swap3A_216 = arith.constant 80 : index
      %swap3A_217 = tpu.vector_load %arg9[%swap3A_215, %swap3A_216] {strides = array<i32>} : memref<128x128xf32, #tpu.memory_space<vmem>>, vector<1x16xf32>,
      %swap3A_218 = vector.shape_cast %swap3A_217 : vector<1x16xf32> to vector<16xf32>
      %swap3A_219 = vector.shape_cast %broadcast_in_dim3A_214 : vector<16xf32> to vector<1x16xf32>
      tpu.vector_store %arg9[%swap3A_215, %swap3A_216], %swap3A_219 {strides = array<i32>} : memref<128x128xf32, #tpu.memory_space<vmem>>, vector<1x16xf32>,
      %broadcast_in_dim3A_220 = arith.constant 0.000000e+00 : f32
      %broadcast_in_dim3A_221 = vector.broadcast %broadcast_in_dim3A_220 : f32 to vector<16xf32>
      %swap3A_222 = arith.index_cast %scan3A_178 : i32 to index
      %swap3A_223 = arith.constant 96 : index
      %swap3A_224 = tpu.vector_load %arg9[%swap3A_222, %swap3A_223] {strides = array<i32>} : memref<128x128xf32, #tpu.memory_space<vmem>>, vector<1x16xf32>,
      %swap3A_225 = vector.shape_cast %swap3A_224 : vector<1x16xf32> to vector<16xf32>
      %swap3A_226 = vector.shape_cast %broadcast_in_dim3A_221 : vector<16xf32> to vector<1x16xf32>
      tpu.vector_store %arg9[%swap3A_222, %swap3A_223], %swap3A_226 {strides = array<i32>} : memref<128x128xf32, #tpu.memory_space<vmem>>, vector<1x16xf32>,
      %broadcast_in_dim3A_227 = arith.constant 0.000000e+00 : f32
      %broadcast_in_dim3A_228 = vector.broadcast %broadcast_in_dim3A_227 : f32 to vector<16xf32>
      %swap3A_229 = arith.index_cast %scan3A_178 : i32 to index
      %swap3A_230 = arith.constant 112 : index
      %swap3A_231 = tpu.vector_load %arg9[%swap3A_229, %swap3A_230] {strides = array<i32>} : memref<128x128xf32, #tpu.memory_space<vmem>>, vector<1x16xf32>,
      %swap3A_232 = vector.shape_cast %swap3A_231 : vector<1x16xf32> to vector<16xf32>
      %swap3A_233 = vector.shape_cast %broadcast_in_dim3A_228 : vector<16xf32> to vector<1x16xf32>
      tpu.vector_store %arg9[%swap3A_229, %swap3A_230], %swap3A_233 {strides = array<i32>} : memref<128x128xf32, #tpu.memory_space<vmem>>, vector<1x16xf32>,
      %scan3A_234 = arith.constant 0 : i32
      scf.yield %scan3A_234 : i32
    }
    %scan3A_6 = arith.constant 128 : i32
    %mul3A_7 = arith.constant 640 : i32
    %mul3A_8 = arith.muli %arg1, %mul3A_7 : i32
    %add3A_9 = arith.constant 0 : i32
    %add3A_10 = arith.addi %mul3A_8, %add3A_9 : i32
    "tpu.region"() ({
      %run_scoped3A = tpu.sem_alloc : memref<!tpu.dma_semaphore, #tpu.memory_space<semaphore_mem>>
      %dma_start3A_178 = arith.constant 0 : i32
      %dma_start3A_179 = tpu.memref_slice %arg11[%add3A_10, %dma_start3A_178] : memref<10240x128xf32, #tpu.memory_space<vmem_shared>> -> memref<128x128xf32, #tpu.memory_space<vmem_shared>>
      %dma_start3A_180 = arith.constant 0 : i32
      %dma_start3A_181 = tpu.memref_slice %arg11[%add3A_10, %dma_start3A_180] : memref<10240x128xf32, #tpu.memory_space<vmem_shared>> -> memref<128x128xf32, #tpu.memory_space<vmem_shared>>
      tpu.enqueue_dma source(%arg9 : memref<128x128xf32, #tpu.memory_space<vmem>>) target(%dma_start3A_181 : memref<128x128xf32, #tpu.memory_space<vmem_shared>>) target_semaphore(%run_scoped3A : memref<!tpu.dma_semaphore, #tpu.memory_space<semaphore_mem>>)
      %dma_wait3A_182 = arith.constant 0 : i32
      %dma_wait3A_183 = tpu.memref_slice %arg11[%add3A_10, %dma_wait3A_182] : memref<10240x128xf32, #tpu.memory_space<vmem_shared>> -> memref<128x128xf32, #tpu.memory_space<vmem_shared>>
      %dma_wait3A_184 = arith.constant 0 : i32
      %dma_wait3A_185 = tpu.memref_slice %arg11[%add3A_10, %dma_wait3A_184] : memref<10240x128xf32, #tpu.memory_space<vmem_shared>> -> memref<128x128xf32, #tpu.memory_space<vmem_shared>>
      tpu.wait_dma2 semaphore(%run_scoped3A : memref<!tpu.dma_semaphore, #tpu.memory_space<semaphore_mem>>) src(%arg9 : memref<128x128xf32, #tpu.memory_space<vmem>>) dst(%dma_wait3A_185 : memref<128x128xf32, #tpu.memory_space<vmem_shared>>)
      tpu.yield
    }) : () -> ()
    %mul3A_11 = arith.constant 640 : i32
    %mul3A_12 = arith.muli %arg1, %mul3A_11 : i32
    %add3A_13 = arith.constant 128 : i32
    %add3A_14 = arith.addi %mul3A_12, %add3A_13 : i32
    "tpu.region"() ({
      %run_scoped3A = tpu.sem_alloc : memref<!tpu.dma_semaphore, #tpu.memory_space<semaphore_mem>>
      %dma_start3A_178 = arith.constant 0 : i32
      %dma_start3A_179 = tpu.memref_slice %arg11[%add3A_14, %dma_start3A_178] : memref<10240x128xf32, #tpu.memory_space<vmem_shared>> -> memref<128x128xf32, #tpu.memory_space<vmem_shared>>
      %dma_start3A_180 = arith.constant 0 : i32
      %dma_start3A_181 = tpu.memref_slice %arg11[%add3A_14, %dma_start3A_180] : memref<10240x128xf32, #tpu.memory_space<vmem_shared>> -> memref<128x128xf32, #tpu.memory_space<vmem_shared>>
      tpu.enqueue_dma source(%arg9 : memref<128x128xf32, #tpu.memory_space<vmem>>) target(%dma_start3A_181 : memref<128x128xf32, #tpu.memory_space<vmem_shared>>) target_semaphore(%run_scoped3A : memref<!tpu.dma_semaphore, #tpu.memory_space<semaphore_mem>>)
      %dma_wait3A_182 = arith.constant 0 : i32
      %dma_wait3A_183 = tpu.memref_slice %arg11[%add3A_14, %dma_wait3A_182] : memref<10240x128xf32, #tpu.memory_space<vmem_shared>> -> memref<128x128xf32, #tpu.memory_space<vmem_shared>>
      %dma_wait3A_184 = arith.constant 0 : i32
      %dma_wait3A_185 = tpu.memref_slice %arg11[%add3A_14, %dma_wait3A_184] : memref<10240x128xf32, #tpu.memory_space<vmem_shared>> -> memref<128x128xf32, #tpu.memory_space<vmem_shared>>
      tpu.wait_dma2 semaphore(%run_scoped3A : memref<!tpu.dma_semaphore, #tpu.memory_space<semaphore_mem>>) src(%arg9 : memref<128x128xf32, #tpu.memory_space<vmem>>) dst(%dma_wait3A_185 : memref<128x128xf32, #tpu.memory_space<vmem_shared>>)
      tpu.yield
    }) : () -> ()
    %mul3A_15 = arith.constant 640 : i32
    %mul3A_16 = arith.muli %arg1, %mul3A_15 : i32
    %add3A_17 = arith.constant 256 : i32
    %add3A_18 = arith.addi %mul3A_16, %add3A_17 : i32
    "tpu.region"() ({
      %run_scoped3A = tpu.sem_alloc : memref<!tpu.dma_semaphore, #tpu.memory_space<semaphore_mem>>
      %dma_start3A_178 = arith.constant 0 : i32
      %dma_start3A_179 = tpu.memref_slice %arg11[%add3A_18, %dma_start3A_178] : memref<10240x128xf32, #tpu.memory_space<vmem_shared>> -> memref<128x128xf32, #tpu.memory_space<vmem_shared>>
      %dma_start3A_180 = arith.constant 0 : i32
      %dma_start3A_181 = tpu.memref_slice %arg11[%add3A_18, %dma_start3A_180] : memref<10240x128xf32, #tpu.memory_space<vmem_shared>> -> memref<128x128xf32, #tpu.memory_space<vmem_shared>>
      tpu.enqueue_dma source(%arg9 : memref<128x128xf32, #tpu.memory_space<vmem>>) target(%dma_start3A_181 : memref<128x128xf32, #tpu.memory_space<vmem_shared>>) target_semaphore(%run_scoped3A : memref<!tpu.dma_semaphore, #tpu.memory_space<semaphore_mem>>)
      %dma_wait3A_182 = arith.constant 0 : i32
      %dma_wait3A_183 = tpu.memref_slice %arg11[%add3A_18, %dma_wait3A_182] : memref<10240x128xf32, #tpu.memory_space<vmem_shared>> -> memref<128x128xf32, #tpu.memory_space<vmem_shared>>
      %dma_wait3A_184 = arith.constant 0 : i32
      %dma_wait3A_185 = tpu.memref_slice %arg11[%add3A_18, %dma_wait3A_184] : memref<10240x128xf32, #tpu.memory_space<vmem_shared>> -> memref<128x128xf32, #tpu.memory_space<vmem_shared>>
      tpu.wait_dma2 semaphore(%run_scoped3A : memref<!tpu.dma_semaphore, #tpu.memory_space<semaphore_mem>>) src(%arg9 : memref<128x128xf32, #tpu.memory_space<vmem>>) dst(%dma_wait3A_185 : memref<128x128xf32, #tpu.memory_space<vmem_shared>>)
      tpu.yield
    }) : () -> ()
    %mul3A_19 = arith.constant 640 : i32
    %mul3A_20 = arith.muli %arg1, %mul3A_19 : i32
    %add3A_21 = arith.constant 384 : i32
    %add3A_22 = arith.addi %mul3A_20, %add3A_21 : i32
    "tpu.region"() ({
      %run_scoped3A = tpu.sem_alloc : memref<!tpu.dma_semaphore, #tpu.memory_space<semaphore_mem>>
      %dma_start3A_178 = arith.constant 0 : i32
      %dma_start3A_179 = tpu.memref_slice %arg11[%add3A_22, %dma_start3A_178] : memref<10240x128xf32, #tpu.memory_space<vmem_shared>> -> memref<128x128xf32, #tpu.memory_space<vmem_shared>>
      %dma_start3A_180 = arith.constant 0 : i32
      %dma_start3A_181 = tpu.memref_slice %arg11[%add3A_22, %dma_start3A_180] : memref<10240x128xf32, #tpu.memory_space<vmem_shared>> -> memref<128x128xf32, #tpu.memory_space<vmem_shared>>
      tpu.enqueue_dma source(%arg9 : memref<128x128xf32, #tpu.memory_space<vmem>>) target(%dma_start3A_181 : memref<128x128xf32, #tpu.memory_space<vmem_shared>>) target_semaphore(%run_scoped3A : memref<!tpu.dma_semaphore, #tpu.memory_space<semaphore_mem>>)
      %dma_wait3A_182 = arith.constant 0 : i32
      %dma_wait3A_183 = tpu.memref_slice %arg11[%add3A_22, %dma_wait3A_182] : memref<10240x128xf32, #tpu.memory_space<vmem_shared>> -> memref<128x128xf32, #tpu.memory_space<vmem_shared>>
      %dma_wait3A_184 = arith.constant 0 : i32
      %dma_wait3A_185 = tpu.memref_slice %arg11[%add3A_22, %dma_wait3A_184] : memref<10240x128xf32, #tpu.memory_space<vmem_shared>> -> memref<128x128xf32, #tpu.memory_space<vmem_shared>>
      tpu.wait_dma2 semaphore(%run_scoped3A : memref<!tpu.dma_semaphore, #tpu.memory_space<semaphore_mem>>) src(%arg9 : memref<128x128xf32, #tpu.memory_space<vmem>>) dst(%dma_wait3A_185 : memref<128x128xf32, #tpu.memory_space<vmem_shared>>)
      tpu.yield
    }) : () -> ()
    %mul3A_23 = arith.constant 640 : i32
    %mul3A_24 = arith.muli %arg1, %mul3A_23 : i32
    %add3A_25 = arith.constant 512 : i32
    %add3A_26 = arith.addi %mul3A_24, %add3A_25 : i32
    "tpu.region"() ({
      %run_scoped3A = tpu.sem_alloc : memref<!tpu.dma_semaphore, #tpu.memory_space<semaphore_mem>>
      %dma_start3A_178 = arith.constant 0 : i32
      %dma_start3A_179 = tpu.memref_slice %arg11[%add3A_26, %dma_start3A_178] : memref<10240x128xf32, #tpu.memory_space<vmem_shared>> -> memref<128x128xf32, #tpu.memory_space<vmem_shared>>
      %dma_start3A_180 = arith.constant 0 : i32
      %dma_start3A_181 = tpu.memref_slice %arg11[%add3A_26, %dma_start3A_180] : memref<10240x128xf32, #tpu.memory_space<vmem_shared>> -> memref<128x128xf32, #tpu.memory_space<vmem_shared>>
      tpu.enqueue_dma source(%arg9 : memref<128x128xf32, #tpu.memory_space<vmem>>) target(%dma_start3A_181 : memref<128x128xf32, #tpu.memory_space<vmem_shared>>) target_semaphore(%run_scoped3A : memref<!tpu.dma_semaphore, #tpu.memory_space<semaphore_mem>>)
      %dma_wait3A_182 = arith.constant 0 : i32
      %dma_wait3A_183 = tpu.memref_slice %arg11[%add3A_26, %dma_wait3A_182] : memref<10240x128xf32, #tpu.memory_space<vmem_shared>> -> memref<128x128xf32, #tpu.memory_space<vmem_shared>>
      %dma_wait3A_184 = arith.constant 0 : i32
      %dma_wait3A_185 = tpu.memref_slice %arg11[%add3A_26, %dma_wait3A_184] : memref<10240x128xf32, #tpu.memory_space<vmem_shared>> -> memref<128x128xf32, #tpu.memory_space<vmem_shared>>
      tpu.wait_dma2 semaphore(%run_scoped3A : memref<!tpu.dma_semaphore, #tpu.memory_space<semaphore_mem>>) src(%arg9 : memref<128x128xf32, #tpu.memory_space<vmem>>) dst(%dma_wait3A_185 : memref<128x128xf32, #tpu.memory_space<vmem_shared>>)
      tpu.yield
    }) : () -> ()
    %dma_start3A = arith.constant 0 : i32
    %dma_start3A_27 = arith.constant 0 : i32
    %dma_start3A_28 = tpu.memref_slice %arg4[%add3A, %dma_start3A, %dma_start3A_27] : memref<32x80x128xi32, #tpu.memory_space<hbm>> -> memref<1x16x128xi32, #tpu.memory_space<hbm>>
    %dma_start3A_29 = tpu.memref_squeeze %dma_start3A_28 : memref<1x16x128xi32, #tpu.memory_space<hbm>> -> memref<16x128xi32, #tpu.memory_space<hbm>>
    %dma_start3A_30 = arith.constant 0 : i32
    %dma_start3A_31 = arith.constant 0 : i32
    %dma_start3A_32 = tpu.memref_slice %arg4[%add3A, %dma_start3A_30, %dma_start3A_31] : memref<32x80x128xi32, #tpu.memory_space<hbm>> -> memref<1x16x128xi32, #tpu.memory_space<hbm>>
    %dma_start3A_33 = tpu.memref_squeeze %dma_start3A_32 : memref<1x16x128xi32, #tpu.memory_space<hbm>> -> memref<16x128xi32, #tpu.memory_space<hbm>>
    tpu.enqueue_dma source(%dma_start3A_33 : memref<16x128xi32, #tpu.memory_space<hbm>>) target(%arg7 : memref<16x128xi32, #tpu.memory_space<vmem>>) target_semaphore(%arg14 : memref<!tpu.dma_semaphore, #tpu.memory_space<semaphore_mem>>)
    %dma_start3A_34 = arith.constant 0 : i32
    %dma_start3A_35 = arith.constant 0 : i32
    %dma_start3A_36 = tpu.memref_slice %arg6[%dma_start3A_34, %dma_start3A_35] : memref<80x128xi32, #tpu.memory_space<vmem>> -> memref<1x128xi32, #tpu.memory_space<vmem>>
    %dma_start3A_37 = tpu.memref_squeeze %dma_start3A_36 : memref<1x128xi32, #tpu.memory_space<vmem>> -> memref<128xi32, #tpu.memory_space<vmem>>
    %dma_start3A_38 = arith.constant 0 : i32
    %dma_start3A_39 = arith.constant 0 : i32
    %dma_start3A_40 = tpu.memref_slice %arg2[%dma_start3A_38, %dma_start3A_39] : memref<10000x128xf32, #tpu.memory_space<hbm>> -> memref<10000x128xf32, #tpu.memory_space<hbm>>
    tpu.enqueue_indirect_dma source(%dma_start3A_40 : memref<10000x128xf32, #tpu.memory_space<hbm>>) target(%arg9 : memref<128x128xf32, #tpu.memory_space<vmem>>) offsets(%dma_start3A_37 : memref<128xi32, #tpu.memory_space<vmem>>) semaphore(%arg12 : memref<!tpu.dma_semaphore, #tpu.memory_space<semaphore_mem>>)
    %dma_start3A_41 = arith.constant 1 : i32
    %dma_start3A_42 = arith.constant 0 : i32
    %dma_start3A_43 = tpu.memref_slice %arg6[%dma_start3A_41, %dma_start3A_42] : memref<80x128xi32, #tpu.memory_space<vmem>> -> memref<1x128xi32, #tpu.memory_space<vmem>>
    %dma_start3A_44 = tpu.memref_squeeze %dma_start3A_43 : memref<1x128xi32, #tpu.memory_space<vmem>> -> memref<128xi32, #tpu.memory_space<vmem>>
    %dma_start3A_45 = arith.constant 0 : i32
    %dma_start3A_46 = arith.constant 0 : i32
    %dma_start3A_47 = tpu.memref_slice %arg2[%dma_start3A_45, %dma_start3A_46] : memref<10000x128xf32, #tpu.memory_space<hbm>> -> memref<10000x128xf32, #tpu.memory_space<hbm>>
    tpu.enqueue_indirect_dma source(%dma_start3A_47 : memref<10000x128xf32, #tpu.memory_space<hbm>>) target(%arg10 : memref<128x128xf32, #tpu.memory_space<vmem>>) offsets(%dma_start3A_44 : memref<128xi32, #tpu.memory_space<vmem>>) semaphore(%arg13 : memref<!tpu.dma_semaphore, #tpu.memory_space<semaphore_mem>>)
    %barrier3A = arith.constant 0 : index
    tpu.barrier barrier_id(%barrier3A)
    %dma_wait3A = arith.constant 0 : i32
    %dma_wait3A_48 = arith.constant 0 : i32
    %dma_wait3A_49 = arith.constant 0 : i32
    %dma_wait3A_50 = tpu.memref_slice %arg4[%dma_wait3A, %dma_wait3A_48, %dma_wait3A_49] : memref<32x80x128xi32, #tpu.memory_space<hbm>> -> memref<1x16x128xi32, #tpu.memory_space<hbm>>
    %dma_wait3A_51 = tpu.memref_squeeze %dma_wait3A_50 : memref<1x16x128xi32, #tpu.memory_space<hbm>> -> memref<16x128xi32, #tpu.memory_space<hbm>>
    %dma_wait3A_52 = arith.constant 0 : i32
    %dma_wait3A_53 = arith.constant 0 : i32
    %dma_wait3A_54 = tpu.memref_slice %arg4[%dma_wait3A, %dma_wait3A_52, %dma_wait3A_53] : memref<32x80x128xi32, #tpu.memory_space<hbm>> -> memref<1x16x128xi32, #tpu.memory_space<hbm>>
    %dma_wait3A_55 = tpu.memref_squeeze %dma_wait3A_54 : memref<1x16x128xi32, #tpu.memory_space<hbm>> -> memref<16x128xi32, #tpu.memory_space<hbm>>
    tpu.wait_dma2 semaphore(%arg14 : memref<!tpu.dma_semaphore, #tpu.memory_space<semaphore_mem>>) src(%dma_wait3A_55 : memref<16x128xi32, #tpu.memory_space<hbm>>) dst(%arg7 : memref<16x128xi32, #tpu.memory_space<vmem>>)
    %dma_start3A_56 = arith.constant 16 : i32
    %dma_start3A_57 = arith.constant 0 : i32
    %dma_start3A_58 = tpu.memref_slice %arg4[%add3A, %dma_start3A_56, %dma_start3A_57] : memref<32x80x128xi32, #tpu.memory_space<hbm>> -> memref<1x16x128xi32, #tpu.memory_space<hbm>>
    %dma_start3A_59 = tpu.memref_squeeze %dma_start3A_58 : memref<1x16x128xi32, #tpu.memory_space<hbm>> -> memref<16x128xi32, #tpu.memory_space<hbm>>
    %dma_start3A_60 = arith.constant 16 : i32
    %dma_start3A_61 = arith.constant 0 : i32
    %dma_start3A_62 = tpu.memref_slice %arg4[%add3A, %dma_start3A_60, %dma_start3A_61] : memref<32x80x128xi32, #tpu.memory_space<hbm>> -> memref<1x16x128xi32, #tpu.memory_space<hbm>>
    %dma_start3A_63 = tpu.memref_squeeze %dma_start3A_62 : memref<1x16x128xi32, #tpu.memory_space<hbm>> -> memref<16x128xi32, #tpu.memory_space<hbm>>
    tpu.enqueue_dma source(%dma_start3A_63 : memref<16x128xi32, #tpu.memory_space<hbm>>) target(%arg8 : memref<16x128xi32, #tpu.memory_space<vmem>>) target_semaphore(%arg15 : memref<!tpu.dma_semaphore, #tpu.memory_space<semaphore_mem>>)
    %scan3A_64 = arith.constant 0 : i32
    %scan3A_65 = arith.constant 0 : i32
    %scan3A_66 = arith.constant 8 : i32
    %scan3A_67 = arith.addi %scan3A_65, %scan3A_66 : i32
    %scan3A_68 = arith.constant 1 : i32
    %scan3A_69 = scf.for %scan3A_178 = %scan3A_65 to %scan3A_67 step %scan3A_68 iter_args(%scan3A_179 = %scan3A_64) -> (i32)  : i32 {
      %mul3A_180 = arith.constant 2 : i32
      %mul3A_181 = arith.muli %mul3A_180, %scan3A_178 : i32
      %add3A_182 = arith.constant 0 : i32
      %add3A_183 = arith.addi %add3A_182, %mul3A_181 : i32
      %dma_wait3A_184 = arith.constant 0 : i32
      %dma_wait3A_185 = arith.constant 0 : i32
      %dma_wait3A_186 = tpu.memref_slice %arg6[%dma_wait3A_184, %dma_wait3A_185] : memref<80x128xi32, #tpu.memory_space<vmem>> -> memref<1x128xi32, #tpu.memory_space<vmem>>
      %dma_wait3A_187 = tpu.memref_squeeze %dma_wait3A_186 : memref<1x128xi32, #tpu.memory_space<vmem>> -> memref<128xi32, #tpu.memory_space<vmem>>
      %dma_wait3A_188 = arith.constant 0 : i32
      %dma_wait3A_189 = arith.constant 0 : i32
      %dma_wait3A_190 = tpu.memref_slice %arg2[%dma_wait3A_188, %dma_wait3A_189] : memref<10000x128xf32, #tpu.memory_space<hbm>> -> memref<10000x128xf32, #tpu.memory_space<hbm>>
      tpu.wait_indirect_dma semaphore(%arg12 : memref<!tpu.dma_semaphore, #tpu.memory_space<semaphore_mem>>) src(%dma_wait3A_190 : memref<10000x128xf32, #tpu.memory_space<hbm>>) dst(%arg9 : memref<128x128xf32, #tpu.memory_space<vmem>>)
      %mul3A_191 = arith.constant 2 : i32
      %mul3A_192 = arith.muli %mul3A_191, %scan3A_178 : i32
      "tpu.region"() ({
        %run_scoped3A = tpu.sem_alloc : memref<!tpu.dma_semaphore, #tpu.memory_space<semaphore_mem>>
        %dma_start3A_224 = arith.constant 0 : i32
        %dma_start3A_225 = tpu.memref_slice %arg7[%mul3A_192, %dma_start3A_224] : memref<16x128xi32, #tpu.memory_space<vmem>> -> memref<1x128xi32, #tpu.memory_space<vmem>>
        %dma_start3A_226 = tpu.memref_squeeze %dma_start3A_225 : memref<1x128xi32, #tpu.memory_space<vmem>> -> memref<128xi32, #tpu.memory_space<vmem>>
        %dma_start3A_227 = arith.constant 0 : i32
        %dma_start3A_228 = arith.constant 0 : i32
        %dma_start3A_229 = tpu.memref_slice %arg11[%dma_start3A_227, %dma_start3A_228] : memref<10240x128xf32, #tpu.memory_space<vmem_shared>> -> memref<10240x128xf32, #tpu.memory_space<vmem_shared>>
        tpu.enqueue_indirect_dma source(%arg9 : memref<128x128xf32, #tpu.memory_space<vmem>>) target(%dma_start3A_229 : memref<10240x128xf32, #tpu.memory_space<vmem_shared>>) offsets(%dma_start3A_226 : memref<128xi32, #tpu.memory_space<vmem>>) semaphore(%run_scoped3A : memref<!tpu.dma_semaphore, #tpu.memory_space<semaphore_mem>>) {add = true}
        %dma_wait3A_230 = arith.constant 0 : i32
        %dma_wait3A_231 = tpu.memref_slice %arg7[%mul3A_192, %dma_wait3A_230] : memref<16x128xi32, #tpu.memory_space<vmem>> -> memref<1x128xi32, #tpu.memory_space<vmem>>
        %dma_wait3A_232 = tpu.memref_squeeze %dma_wait3A_231 : memref<1x128xi32, #tpu.memory_space<vmem>> -> memref<128xi32, #tpu.memory_space<vmem>>
        %dma_wait3A_233 = arith.constant 0 : i32
        %dma_wait3A_234 = arith.constant 0 : i32
        %dma_wait3A_235 = tpu.memref_slice %arg11[%dma_wait3A_233, %dma_wait3A_234] : memref<10240x128xf32, #tpu.memory_space<vmem_shared>> -> memref<10240x128xf32, #tpu.memory_space<vmem_shared>>
        tpu.wait_indirect_dma semaphore(%run_scoped3A : memref<!tpu.dma_semaphore, #tpu.memory_space<semaphore_mem>>) src(%arg9 : memref<128x128xf32, #tpu.memory_space<vmem>>) dst(%dma_wait3A_235 : memref<10240x128xf32, #tpu.memory_space<vmem_shared>>)
        tpu.yield
      }) : () -> ()
      %add3A_193 = arith.constant 2 : i32
      %add3A_194 = arith.addi %add3A_183, %add3A_193 : i32
      %min3A = arith.constant 79 : i32
      %min3A_195 = arith.minsi %add3A_194, %min3A : i32
      %dma_start3A_196 = arith.constant 0 : i32
      %dma_start3A_197 = tpu.memref_slice %arg6[%min3A_195, %dma_start3A_196] : memref<80x128xi32, #tpu.memory_space<vmem>> -> memref<1x128xi32, #tpu.memory_space<vmem>>
      %dma_start3A_198 = tpu.memref_squeeze %dma_start3A_197 : memref<1x128xi32, #tpu.memory_space<vmem>> -> memref<128xi32, #tpu.memory_space<vmem>>
      %dma_start3A_199 = arith.constant 0 : i32
      %dma_start3A_200 = arith.constant 0 : i32
      %dma_start3A_201 = tpu.memref_slice %arg2[%dma_start3A_199, %dma_start3A_200] : memref<10000x128xf32, #tpu.memory_space<hbm>> -> memref<10000x128xf32, #tpu.memory_space<hbm>>
      tpu.enqueue_indirect_dma source(%dma_start3A_201 : memref<10000x128xf32, #tpu.memory_space<hbm>>) target(%arg9 : memref<128x128xf32, #tpu.memory_space<vmem>>) offsets(%dma_start3A_198 : memref<128xi32, #tpu.memory_space<vmem>>) semaphore(%arg12 : memref<!tpu.dma_semaphore, #tpu.memory_space<semaphore_mem>>)
      %dma_wait3A_202 = arith.constant 0 : i32
      %dma_wait3A_203 = arith.constant 0 : i32
      %dma_wait3A_204 = tpu.memref_slice %arg6[%dma_wait3A_202, %dma_wait3A_203] : memref<80x128xi32, #tpu.memory_space<vmem>> -> memref<1x128xi32, #tpu.memory_space<vmem>>
      %dma_wait3A_205 = tpu.memref_squeeze %dma_wait3A_204 : memref<1x128xi32, #tpu.memory_space<vmem>> -> memref<128xi32, #tpu.memory_space<vmem>>
      %dma_wait3A_206 = arith.constant 0 : i32
      %dma_wait3A_207 = arith.constant 0 : i32
      %dma_wait3A_208 = tpu.memref_slice %arg2[%dma_wait3A_206, %dma_wait3A_207] : memref<10000x128xf32, #tpu.memory_space<hbm>> -> memref<10000x128xf32, #tpu.memory_space<hbm>>
      tpu.wait_indirect_dma semaphore(%arg13 : memref<!tpu.dma_semaphore, #tpu.memory_space<semaphore_mem>>) src(%dma_wait3A_208 : memref<10000x128xf32, #tpu.memory_space<hbm>>) dst(%arg10 : memref<128x128xf32, #tpu.memory_space<vmem>>)
      %mul3A_209 = arith.constant 2 : i32
      %mul3A_210 = arith.muli %mul3A_209, %scan3A_178 : i32
      %add3A_211 = arith.constant 1 : i32
      %add3A_212 = arith.addi %mul3A_210, %add3A_211 : i32
      "tpu.region"() ({
        %run_scoped3A = tpu.sem_alloc : memref<!tpu.dma_semaphore, #tpu.memory_space<semaphore_mem>>
        %dma_start3A_224 = arith.constant 0 : i32
        %dma_start3A_225 = tpu.memref_slice %arg7[%add3A_212, %dma_start3A_224] : memref<16x128xi32, #tpu.memory_space<vmem>> -> memref<1x128xi32, #tpu.memory_space<vmem>>
        %dma_start3A_226 = tpu.memref_squeeze %dma_start3A_225 : memref<1x128xi32, #tpu.memory_space<vmem>> -> memref<128xi32, #tpu.memory_space<vmem>>
        %dma_start3A_227 = arith.constant 0 : i32
        %dma_start3A_228 = arith.constant 0 : i32
        %dma_start3A_229 = tpu.memref_slice %arg11[%dma_start3A_227, %dma_start3A_228] : memref<10240x128xf32, #tpu.memory_space<vmem_shared>> -> memref<10240x128xf32, #tpu.memory_space<vmem_shared>>
        tpu.enqueue_indirect_dma source(%arg10 : memref<128x128xf32, #tpu.memory_space<vmem>>) target(%dma_start3A_229 : memref<10240x128xf32, #tpu.memory_space<vmem_shared>>) offsets(%dma_start3A_226 : memref<128xi32, #tpu.memory_space<vmem>>) semaphore(%run_scoped3A : memref<!tpu.dma_semaphore, #tpu.memory_space<semaphore_mem>>) {add = true}
        %dma_wait3A_230 = arith.constant 0 : i32
        %dma_wait3A_231 = tpu.memref_slice %arg7[%add3A_212, %dma_wait3A_230] : memref<16x128xi32, #tpu.memory_space<vmem>> -> memref<1x128xi32, #tpu.memory_space<vmem>>
        %dma_wait3A_232 = tpu.memref_squeeze %dma_wait3A_231 : memref<1x128xi32, #tpu.memory_space<vmem>> -> memref<128xi32, #tpu.memory_space<vmem>>
        %dma_wait3A_233 = arith.constant 0 : i32
        %dma_wait3A_234 = arith.constant 0 : i32
        %dma_wait3A_235 = tpu.memref_slice %arg11[%dma_wait3A_233, %dma_wait3A_234] : memref<10240x128xf32, #tpu.memory_space<vmem_shared>> -> memref<10240x128xf32, #tpu.memory_space<vmem_shared>>
        tpu.wait_indirect_dma semaphore(%run_scoped3A : memref<!tpu.dma_semaphore, #tpu.memory_space<semaphore_mem>>) src(%arg10 : memref<128x128xf32, #tpu.memory_space<vmem>>) dst(%dma_wait3A_235 : memref<10240x128xf32, #tpu.memory_space<vmem_shared>>)
        tpu.yield
      }) : () -> ()
      %add3A_213 = arith.constant 3 : i32
      %add3A_214 = arith.addi %add3A_183, %add3A_213 : i32
      %min3A_215 = arith.constant 79 : i32
      %min3A_216 = arith.minsi %add3A_214, %min3A_215 : i32
      %dma_start3A_217 = arith.constant 0 : i32
      %dma_start3A_218 = tpu.memref_slice %arg6[%min3A_216, %dma_start3A_217] : memref<80x128xi32, #tpu.memory_space<vmem>> -> memref<1x128xi32, #tpu.memory_space<vmem>>
      %dma_start3A_219 = tpu.memref_squeeze %dma_start3A_218 : memref<1x128xi32, #tpu.memory_space<vmem>> -> memref<128xi32, #tpu.memory_space<vmem>>
      %dma_start3A_220 = arith.constant 0 : i32
      %dma_start3A_221 = arith.constant 0 : i32
      %dma_start3A_222 = tpu.memref_slice %arg2[%dma_start3A_220, %dma_start3A_221] : memref<10000x128xf32, #tpu.memory_space<hbm>> -> memref<10000x128xf32, #tpu.memory_space<hbm>>
      tpu.enqueue_indirect_dma source(%dma_start3A_222 : memref<10000x128xf32, #tpu.memory_space<hbm>>) target(%arg10 : memref<128x128xf32, #tpu.memory_space<vmem>>) offsets(%dma_start3A_219 : memref<128xi32, #tpu.memory_space<vmem>>) semaphore(%arg13 : memref<!tpu.dma_semaphore, #tpu.memory_space<semaphore_mem>>)
      %scan3A_223 = arith.constant 0 : i32
      scf.yield %scan3A_223 : i32
    }
    %scan3A_70 = arith.constant 8 : i32
    %dma_wait3A_71 = arith.constant 0 : i32
    %dma_wait3A_72 = arith.constant 0 : i32
    %dma_wait3A_73 = arith.constant 0 : i32
    %dma_wait3A_74 = tpu.memref_slice %arg4[%dma_wait3A_71, %dma_wait3A_72, %dma_wait3A_73] : memref<32x80x128xi32, #tpu.memory_space<hbm>> -> memref<1x16x128xi32, #tpu.memory_space<hbm>>
    %dma_wait3A_75 = tpu.memref_squeeze %dma_wait3A_74 : memref<1x16x128xi32, #tpu.memory_space<hbm>> -> memref<16x128xi32, #tpu.memory_space<hbm>>
    %dma_wait3A_76 = arith.constant 0 : i32
    %dma_wait3A_77 = arith.constant 0 : i32
    %dma_wait3A_78 = tpu.memref_slice %arg4[%dma_wait3A_71, %dma_wait3A_76, %dma_wait3A_77] : memref<32x80x128xi32, #tpu.memory_space<hbm>> -> memref<1x16x128xi32, #tpu.memory_space<hbm>>
    %dma_wait3A_79 = tpu.memref_squeeze %dma_wait3A_78 : memref<1x16x128xi32, #tpu.memory_space<hbm>> -> memref<16x128xi32, #tpu.memory_space<hbm>>
    tpu.wait_dma2 semaphore(%arg15 : memref<!tpu.dma_semaphore, #tpu.memory_space<semaphore_mem>>) src(%dma_wait3A_79 : memref<16x128xi32, #tpu.memory_space<hbm>>) dst(%arg8 : memref<16x128xi32, #tpu.memory_space<vmem>>)
    %dma_start3A_80 = arith.constant 32 : i32
    %dma_start3A_81 = arith.constant 0 : i32
    %dma_start3A_82 = tpu.memref_slice %arg4[%add3A, %dma_start3A_80, %dma_start3A_81] : memref<32x80x128xi32, #tpu.memory_space<hbm>> -> memref<1x16x128xi32, #tpu.memory_space<hbm>>
    %dma_start3A_83 = tpu.memref_squeeze %dma_start3A_82 : memref<1x16x128xi32, #tpu.memory_space<hbm>> -> memref<16x128xi32, #tpu.memory_space<hbm>>
    %dma_start3A_84 = arith.constant 32 : i32
    %dma_start3A_85 = arith.constant 0 : i32
    %dma_start3A_86 = tpu.memref_slice %arg4[%add3A, %dma_start3A_84, %dma_start3A_85] : memref<32x80x128xi32, #tpu.memory_space<hbm>> -> memref<1x16x128xi32, #tpu.memory_space<hbm>>
    %dma_start3A_87 = tpu.memref_squeeze %dma_start3A_86 : memref<1x16x128xi32, #tpu.memory_space<hbm>> -> memref<16x128xi32, #tpu.memory_space<hbm>>
    tpu.enqueue_dma source(%dma_start3A_87 : memref<16x128xi32, #tpu.memory_space<hbm>>) target(%arg7 : memref<16x128xi32, #tpu.memory_space<vmem>>) target_semaphore(%arg14 : memref<!tpu.dma_semaphore, #tpu.memory_space<semaphore_mem>>)
    %scan3A_88 = arith.constant 0 : i32
    %scan3A_89 = arith.constant 0 : i32
    %scan3A_90 = arith.constant 8 : i32
    %scan3A_91 = arith.addi %scan3A_89, %scan3A_90 : i32
    %scan3A_92 = arith.constant 1 : i32
    %scan3A_93 = scf.for %scan3A_178 = %scan3A_89 to %scan3A_91 step %scan3A_92 iter_args(%scan3A_179 = %scan3A_88) -> (i32)  : i32 {
      %mul3A_180 = arith.constant 2 : i32
      %mul3A_181 = arith.muli %mul3A_180, %scan3A_178 : i32
      %add3A_182 = arith.constant 16 : i32
      %add3A_183 = arith.addi %add3A_182, %mul3A_181 : i32
      %dma_wait3A_184 = arith.constant 0 : i32
      %dma_wait3A_185 = arith.constant 0 : i32
      %dma_wait3A_186 = tpu.memref_slice %arg6[%dma_wait3A_184, %dma_wait3A_185] : memref<80x128xi32, #tpu.memory_space<vmem>> -> memref<1x128xi32, #tpu.memory_space<vmem>>
      %dma_wait3A_187 = tpu.memref_squeeze %dma_wait3A_186 : memref<1x128xi32, #tpu.memory_space<vmem>> -> memref<128xi32, #tpu.memory_space<vmem>>
      %dma_wait3A_188 = arith.constant 0 : i32
      %dma_wait3A_189 = arith.constant 0 : i32
      %dma_wait3A_190 = tpu.memref_slice %arg2[%dma_wait3A_188, %dma_wait3A_189] : memref<10000x128xf32, #tpu.memory_space<hbm>> -> memref<10000x128xf32, #tpu.memory_space<hbm>>
      tpu.wait_indirect_dma semaphore(%arg12 : memref<!tpu.dma_semaphore, #tpu.memory_space<semaphore_mem>>) src(%dma_wait3A_190 : memref<10000x128xf32, #tpu.memory_space<hbm>>) dst(%arg9 : memref<128x128xf32, #tpu.memory_space<vmem>>)
      %mul3A_191 = arith.constant 2 : i32
      %mul3A_192 = arith.muli %mul3A_191, %scan3A_178 : i32
      "tpu.region"() ({
        %run_scoped3A = tpu.sem_alloc : memref<!tpu.dma_semaphore, #tpu.memory_space<semaphore_mem>>
        %dma_start3A_224 = arith.constant 0 : i32
        %dma_start3A_225 = tpu.memref_slice %arg8[%mul3A_192, %dma_start3A_224] : memref<16x128xi32, #tpu.memory_space<vmem>> -> memref<1x128xi32, #tpu.memory_space<vmem>>
        %dma_start3A_226 = tpu.memref_squeeze %dma_start3A_225 : memref<1x128xi32, #tpu.memory_space<vmem>> -> memref<128xi32, #tpu.memory_space<vmem>>
        %dma_start3A_227 = arith.constant 0 : i32
        %dma_start3A_228 = arith.constant 0 : i32
        %dma_start3A_229 = tpu.memref_slice %arg11[%dma_start3A_227, %dma_start3A_228] : memref<10240x128xf32, #tpu.memory_space<vmem_shared>> -> memref<10240x128xf32, #tpu.memory_space<vmem_shared>>
        tpu.enqueue_indirect_dma source(%arg9 : memref<128x128xf32, #tpu.memory_space<vmem>>) target(%dma_start3A_229 : memref<10240x128xf32, #tpu.memory_space<vmem_shared>>) offsets(%dma_start3A_226 : memref<128xi32, #tpu.memory_space<vmem>>) semaphore(%run_scoped3A : memref<!tpu.dma_semaphore, #tpu.memory_space<semaphore_mem>>) {add = true}
        %dma_wait3A_230 = arith.constant 0 : i32
        %dma_wait3A_231 = tpu.memref_slice %arg8[%mul3A_192, %dma_wait3A_230] : memref<16x128xi32, #tpu.memory_space<vmem>> -> memref<1x128xi32, #tpu.memory_space<vmem>>
        %dma_wait3A_232 = tpu.memref_squeeze %dma_wait3A_231 : memref<1x128xi32, #tpu.memory_space<vmem>> -> memref<128xi32, #tpu.memory_space<vmem>>
        %dma_wait3A_233 = arith.constant 0 : i32
        %dma_wait3A_234 = arith.constant 0 : i32
        %dma_wait3A_235 = tpu.memref_slice %arg11[%dma_wait3A_233, %dma_wait3A_234] : memref<10240x128xf32, #tpu.memory_space<vmem_shared>> -> memref<10240x128xf32, #tpu.memory_space<vmem_shared>>
        tpu.wait_indirect_dma semaphore(%run_scoped3A : memref<!tpu.dma_semaphore, #tpu.memory_space<semaphore_mem>>) src(%arg9 : memref<128x128xf32, #tpu.memory_space<vmem>>) dst(%dma_wait3A_235 : memref<10240x128xf32, #tpu.memory_space<vmem_shared>>)
        tpu.yield
      }) : () -> ()
      %add3A_193 = arith.constant 2 : i32
      %add3A_194 = arith.addi %add3A_183, %add3A_193 : i32
      %min3A = arith.constant 79 : i32
      %min3A_195 = arith.minsi %add3A_194, %min3A : i32
      %dma_start3A_196 = arith.constant 0 : i32
      %dma_start3A_197 = tpu.memref_slice %arg6[%min3A_195, %dma_start3A_196] : memref<80x128xi32, #tpu.memory_space<vmem>> -> memref<1x128xi32, #tpu.memory_space<vmem>>
      %dma_start3A_198 = tpu.memref_squeeze %dma_start3A_197 : memref<1x128xi32, #tpu.memory_space<vmem>> -> memref<128xi32, #tpu.memory_space<vmem>>
      %dma_start3A_199 = arith.constant 0 : i32
      %dma_start3A_200 = arith.constant 0 : i32
      %dma_start3A_201 = tpu.memref_slice %arg2[%dma_start3A_199, %dma_start3A_200] : memref<10000x128xf32, #tpu.memory_space<hbm>> -> memref<10000x128xf32, #tpu.memory_space<hbm>>
      tpu.enqueue_indirect_dma source(%dma_start3A_201 : memref<10000x128xf32, #tpu.memory_space<hbm>>) target(%arg9 : memref<128x128xf32, #tpu.memory_space<vmem>>) offsets(%dma_start3A_198 : memref<128xi32, #tpu.memory_space<vmem>>) semaphore(%arg12 : memref<!tpu.dma_semaphore, #tpu.memory_space<semaphore_mem>>)
      %dma_wait3A_202 = arith.constant 0 : i32
      %dma_wait3A_203 = arith.constant 0 : i32
      %dma_wait3A_204 = tpu.memref_slice %arg6[%dma_wait3A_202, %dma_wait3A_203] : memref<80x128xi32, #tpu.memory_space<vmem>> -> memref<1x128xi32, #tpu.memory_space<vmem>>
      %dma_wait3A_205 = tpu.memref_squeeze %dma_wait3A_204 : memref<1x128xi32, #tpu.memory_space<vmem>> -> memref<128xi32, #tpu.memory_space<vmem>>
      %dma_wait3A_206 = arith.constant 0 : i32
      %dma_wait3A_207 = arith.constant 0 : i32
      %dma_wait3A_208 = tpu.memref_slice %arg2[%dma_wait3A_206, %dma_wait3A_207] : memref<10000x128xf32, #tpu.memory_space<hbm>> -> memref<10000x128xf32, #tpu.memory_space<hbm>>
      tpu.wait_indirect_dma semaphore(%arg13 : memref<!tpu.dma_semaphore, #tpu.memory_space<semaphore_mem>>) src(%dma_wait3A_208 : memref<10000x128xf32, #tpu.memory_space<hbm>>) dst(%arg10 : memref<128x128xf32, #tpu.memory_space<vmem>>)
      %mul3A_209 = arith.constant 2 : i32
      %mul3A_210 = arith.muli %mul3A_209, %scan3A_178 : i32
      %add3A_211 = arith.constant 1 : i32
      %add3A_212 = arith.addi %mul3A_210, %add3A_211 : i32
      "tpu.region"() ({
        %run_scoped3A = tpu.sem_alloc : memref<!tpu.dma_semaphore, #tpu.memory_space<semaphore_mem>>
        %dma_start3A_224 = arith.constant 0 : i32
        %dma_start3A_225 = tpu.memref_slice %arg8[%add3A_212, %dma_start3A_224] : memref<16x128xi32, #tpu.memory_space<vmem>> -> memref<1x128xi32, #tpu.memory_space<vmem>>
        %dma_start3A_226 = tpu.memref_squeeze %dma_start3A_225 : memref<1x128xi32, #tpu.memory_space<vmem>> -> memref<128xi32, #tpu.memory_space<vmem>>
        %dma_start3A_227 = arith.constant 0 : i32
        %dma_start3A_228 = arith.constant 0 : i32
        %dma_start3A_229 = tpu.memref_slice %arg11[%dma_start3A_227, %dma_start3A_228] : memref<10240x128xf32, #tpu.memory_space<vmem_shared>> -> memref<10240x128xf32, #tpu.memory_space<vmem_shared>>
        tpu.enqueue_indirect_dma source(%arg10 : memref<128x128xf32, #tpu.memory_space<vmem>>) target(%dma_start3A_229 : memref<10240x128xf32, #tpu.memory_space<vmem_shared>>) offsets(%dma_start3A_226 : memref<128xi32, #tpu.memory_space<vmem>>) semaphore(%run_scoped3A : memref<!tpu.dma_semaphore, #tpu.memory_space<semaphore_mem>>) {add = true}
        %dma_wait3A_230 = arith.constant 0 : i32
        %dma_wait3A_231 = tpu.memref_slice %arg8[%add3A_212, %dma_wait3A_230] : memref<16x128xi32, #tpu.memory_space<vmem>> -> memref<1x128xi32, #tpu.memory_space<vmem>>
        %dma_wait3A_232 = tpu.memref_squeeze %dma_wait3A_231 : memref<1x128xi32, #tpu.memory_space<vmem>> -> memref<128xi32, #tpu.memory_space<vmem>>
        %dma_wait3A_233 = arith.constant 0 : i32
        %dma_wait3A_234 = arith.constant 0 : i32
        %dma_wait3A_235 = tpu.memref_slice %arg11[%dma_wait3A_233, %dma_wait3A_234] : memref<10240x128xf32, #tpu.memory_space<vmem_shared>> -> memref<10240x128xf32, #tpu.memory_space<vmem_shared>>
        tpu.wait_indirect_dma semaphore(%run_scoped3A : memref<!tpu.dma_semaphore, #tpu.memory_space<semaphore_mem>>) src(%arg10 : memref<128x128xf32, #tpu.memory_space<vmem>>) dst(%dma_wait3A_235 : memref<10240x128xf32, #tpu.memory_space<vmem_shared>>)
        tpu.yield
      }) : () -> ()
      %add3A_213 = arith.constant 3 : i32
      %add3A_214 = arith.addi %add3A_183, %add3A_213 : i32
      %min3A_215 = arith.constant 79 : i32
      %min3A_216 = arith.minsi %add3A_214, %min3A_215 : i32
      %dma_start3A_217 = arith.constant 0 : i32
      %dma_start3A_218 = tpu.memref_slice %arg6[%min3A_216, %dma_start3A_217] : memref<80x128xi32, #tpu.memory_space<vmem>> -> memref<1x128xi32, #tpu.memory_space<vmem>>
      %dma_start3A_219 = tpu.memref_squeeze %dma_start3A_218 : memref<1x128xi32, #tpu.memory_space<vmem>> -> memref<128xi32, #tpu.memory_space<vmem>>
      %dma_start3A_220 = arith.constant 0 : i32
      %dma_start3A_221 = arith.constant 0 : i32
      %dma_start3A_222 = tpu.memref_slice %arg2[%dma_start3A_220, %dma_start3A_221] : memref<10000x128xf32, #tpu.memory_space<hbm>> -> memref<10000x128xf32, #tpu.memory_space<hbm>>
      tpu.enqueue_indirect_dma source(%dma_start3A_222 : memref<10000x128xf32, #tpu.memory_space<hbm>>) target(%arg10 : memref<128x128xf32, #tpu.memory_space<vmem>>) offsets(%dma_start3A_219 : memref<128xi32, #tpu.memory_space<vmem>>) semaphore(%arg13 : memref<!tpu.dma_semaphore, #tpu.memory_space<semaphore_mem>>)
      %scan3A_223 = arith.constant 0 : i32
      scf.yield %scan3A_223 : i32
    }
    %scan3A_94 = arith.constant 8 : i32
    %dma_wait3A_95 = arith.constant 0 : i32
    %dma_wait3A_96 = arith.constant 0 : i32
    %dma_wait3A_97 = arith.constant 0 : i32
    %dma_wait3A_98 = tpu.memref_slice %arg4[%dma_wait3A_95, %dma_wait3A_96, %dma_wait3A_97] : memref<32x80x128xi32, #tpu.memory_space<hbm>> -> memref<1x16x128xi32, #tpu.memory_space<hbm>>
    %dma_wait3A_99 = tpu.memref_squeeze %dma_wait3A_98 : memref<1x16x128xi32, #tpu.memory_space<hbm>> -> memref<16x128xi32, #tpu.memory_space<hbm>>
    %dma_wait3A_100 = arith.constant 0 : i32
    %dma_wait3A_101 = arith.constant 0 : i32
    %dma_wait3A_102 = tpu.memref_slice %arg4[%dma_wait3A_95, %dma_wait3A_100, %dma_wait3A_101] : memref<32x80x128xi32, #tpu.memory_space<hbm>> -> memref<1x16x128xi32, #tpu.memory_space<hbm>>
    %dma_wait3A_103 = tpu.memref_squeeze %dma_wait3A_102 : memref<1x16x128xi32, #tpu.memory_space<hbm>> -> memref<16x128xi32, #tpu.memory_space<hbm>>
    tpu.wait_dma2 semaphore(%arg14 : memref<!tpu.dma_semaphore, #tpu.memory_space<semaphore_mem>>) src(%dma_wait3A_103 : memref<16x128xi32, #tpu.memory_space<hbm>>) dst(%arg7 : memref<16x128xi32, #tpu.memory_space<vmem>>)
    %dma_start3A_104 = arith.constant 48 : i32
    %dma_start3A_105 = arith.constant 0 : i32
    %dma_start3A_106 = tpu.memref_slice %arg4[%add3A, %dma_start3A_104, %dma_start3A_105] : memref<32x80x128xi32, #tpu.memory_space<hbm>> -> memref<1x16x128xi32, #tpu.memory_space<hbm>>
    %dma_start3A_107 = tpu.memref_squeeze %dma_start3A_106 : memref<1x16x128xi32, #tpu.memory_space<hbm>> -> memref<16x128xi32, #tpu.memory_space<hbm>>
    %dma_start3A_108 = arith.constant 48 : i32
    %dma_start3A_109 = arith.constant 0 : i32
    %dma_start3A_110 = tpu.memref_slice %arg4[%add3A, %dma_start3A_108, %dma_start3A_109] : memref<32x80x128xi32, #tpu.memory_space<hbm>> -> memref<1x16x128xi32, #tpu.memory_space<hbm>>
    %dma_start3A_111 = tpu.memref_squeeze %dma_start3A_110 : memref<1x16x128xi32, #tpu.memory_space<hbm>> -> memref<16x128xi32, #tpu.memory_space<hbm>>
    tpu.enqueue_dma source(%dma_start3A_111 : memref<16x128xi32, #tpu.memory_space<hbm>>) target(%arg8 : memref<16x128xi32, #tpu.memory_space<vmem>>) target_semaphore(%arg15 : memref<!tpu.dma_semaphore, #tpu.memory_space<semaphore_mem>>)
    %scan3A_112 = arith.constant 0 : i32
    %scan3A_113 = arith.constant 0 : i32
    %scan3A_114 = arith.constant 8 : i32
    %scan3A_115 = arith.addi %scan3A_113, %scan3A_114 : i32
    %scan3A_116 = arith.constant 1 : i32
    %scan3A_117 = scf.for %scan3A_178 = %scan3A_113 to %scan3A_115 step %scan3A_116 iter_args(%scan3A_179 = %scan3A_112) -> (i32)  : i32 {
      %mul3A_180 = arith.constant 2 : i32
      %mul3A_181 = arith.muli %mul3A_180, %scan3A_178 : i32
      %add3A_182 = arith.constant 32 : i32
      %add3A_183 = arith.addi %add3A_182, %mul3A_181 : i32
      %dma_wait3A_184 = arith.constant 0 : i32
      %dma_wait3A_185 = arith.constant 0 : i32
      %dma_wait3A_186 = tpu.memref_slice %arg6[%dma_wait3A_184, %dma_wait3A_185] : memref<80x128xi32, #tpu.memory_space<vmem>> -> memref<1x128xi32, #tpu.memory_space<vmem>>
      %dma_wait3A_187 = tpu.memref_squeeze %dma_wait3A_186 : memref<1x128xi32, #tpu.memory_space<vmem>> -> memref<128xi32, #tpu.memory_space<vmem>>
      %dma_wait3A_188 = arith.constant 0 : i32
      %dma_wait3A_189 = arith.constant 0 : i32
      %dma_wait3A_190 = tpu.memref_slice %arg2[%dma_wait3A_188, %dma_wait3A_189] : memref<10000x128xf32, #tpu.memory_space<hbm>> -> memref<10000x128xf32, #tpu.memory_space<hbm>>
      tpu.wait_indirect_dma semaphore(%arg12 : memref<!tpu.dma_semaphore, #tpu.memory_space<semaphore_mem>>) src(%dma_wait3A_190 : memref<10000x128xf32, #tpu.memory_space<hbm>>) dst(%arg9 : memref<128x128xf32, #tpu.memory_space<vmem>>)
      %mul3A_191 = arith.constant 2 : i32
      %mul3A_192 = arith.muli %mul3A_191, %scan3A_178 : i32
      "tpu.region"() ({
        %run_scoped3A = tpu.sem_alloc : memref<!tpu.dma_semaphore, #tpu.memory_space<semaphore_mem>>
        %dma_start3A_224 = arith.constant 0 : i32
        %dma_start3A_225 = tpu.memref_slice %arg7[%mul3A_192, %dma_start3A_224] : memref<16x128xi32, #tpu.memory_space<vmem>> -> memref<1x128xi32, #tpu.memory_space<vmem>>
        %dma_start3A_226 = tpu.memref_squeeze %dma_start3A_225 : memref<1x128xi32, #tpu.memory_space<vmem>> -> memref<128xi32, #tpu.memory_space<vmem>>
        %dma_start3A_227 = arith.constant 0 : i32
        %dma_start3A_228 = arith.constant 0 : i32
        %dma_start3A_229 = tpu.memref_slice %arg11[%dma_start3A_227, %dma_start3A_228] : memref<10240x128xf32, #tpu.memory_space<vmem_shared>> -> memref<10240x128xf32, #tpu.memory_space<vmem_shared>>
        tpu.enqueue_indirect_dma source(%arg9 : memref<128x128xf32, #tpu.memory_space<vmem>>) target(%dma_start3A_229 : memref<10240x128xf32, #tpu.memory_space<vmem_shared>>) offsets(%dma_start3A_226 : memref<128xi32, #tpu.memory_space<vmem>>) semaphore(%run_scoped3A : memref<!tpu.dma_semaphore, #tpu.memory_space<semaphore_mem>>) {add = true}
        %dma_wait3A_230 = arith.constant 0 : i32
        %dma_wait3A_231 = tpu.memref_slice %arg7[%mul3A_192, %dma_wait3A_230] : memref<16x128xi32, #tpu.memory_space<vmem>> -> memref<1x128xi32, #tpu.memory_space<vmem>>
        %dma_wait3A_232 = tpu.memref_squeeze %dma_wait3A_231 : memref<1x128xi32, #tpu.memory_space<vmem>> -> memref<128xi32, #tpu.memory_space<vmem>>
        %dma_wait3A_233 = arith.constant 0 : i32
        %dma_wait3A_234 = arith.constant 0 : i32
        %dma_wait3A_235 = tpu.memref_slice %arg11[%dma_wait3A_233, %dma_wait3A_234] : memref<10240x128xf32, #tpu.memory_space<vmem_shared>> -> memref<10240x128xf32, #tpu.memory_space<vmem_shared>>
        tpu.wait_indirect_dma semaphore(%run_scoped3A : memref<!tpu.dma_semaphore, #tpu.memory_space<semaphore_mem>>) src(%arg9 : memref<128x128xf32, #tpu.memory_space<vmem>>) dst(%dma_wait3A_235 : memref<10240x128xf32, #tpu.memory_space<vmem_shared>>)
        tpu.yield
      }) : () -> ()
      %add3A_193 = arith.constant 2 : i32
      %add3A_194 = arith.addi %add3A_183, %add3A_193 : i32
      %min3A = arith.constant 79 : i32
      %min3A_195 = arith.minsi %add3A_194, %min3A : i32
      %dma_start3A_196 = arith.constant 0 : i32
      %dma_start3A_197 = tpu.memref_slice %arg6[%min3A_195, %dma_start3A_196] : memref<80x128xi32, #tpu.memory_space<vmem>> -> memref<1x128xi32, #tpu.memory_space<vmem>>
      %dma_start3A_198 = tpu.memref_squeeze %dma_start3A_197 : memref<1x128xi32, #tpu.memory_space<vmem>> -> memref<128xi32, #tpu.memory_space<vmem>>
      %dma_start3A_199 = arith.constant 0 : i32
      %dma_start3A_200 = arith.constant 0 : i32
      %dma_start3A_201 = tpu.memref_slice %arg2[%dma_start3A_199, %dma_start3A_200] : memref<10000x128xf32, #tpu.memory_space<hbm>> -> memref<10000x128xf32, #tpu.memory_space<hbm>>
      tpu.enqueue_indirect_dma source(%dma_start3A_201 : memref<10000x128xf32, #tpu.memory_space<hbm>>) target(%arg9 : memref<128x128xf32, #tpu.memory_space<vmem>>) offsets(%dma_start3A_198 : memref<128xi32, #tpu.memory_space<vmem>>) semaphore(%arg12 : memref<!tpu.dma_semaphore, #tpu.memory_space<semaphore_mem>>)
      %dma_wait3A_202 = arith.constant 0 : i32
      %dma_wait3A_203 = arith.constant 0 : i32
      %dma_wait3A_204 = tpu.memref_slice %arg6[%dma_wait3A_202, %dma_wait3A_203] : memref<80x128xi32, #tpu.memory_space<vmem>> -> memref<1x128xi32, #tpu.memory_space<vmem>>
      %dma_wait3A_205 = tpu.memref_squeeze %dma_wait3A_204 : memref<1x128xi32, #tpu.memory_space<vmem>> -> memref<128xi32, #tpu.memory_space<vmem>>
      %dma_wait3A_206 = arith.constant 0 : i32
      %dma_wait3A_207 = arith.constant 0 : i32
      %dma_wait3A_208 = tpu.memref_slice %arg2[%dma_wait3A_206, %dma_wait3A_207] : memref<10000x128xf32, #tpu.memory_space<hbm>> -> memref<10000x128xf32, #tpu.memory_space<hbm>>
      tpu.wait_indirect_dma semaphore(%arg13 : memref<!tpu.dma_semaphore, #tpu.memory_space<semaphore_mem>>) src(%dma_wait3A_208 : memref<10000x128xf32, #tpu.memory_space<hbm>>) dst(%arg10 : memref<128x128xf32, #tpu.memory_space<vmem>>)
      %mul3A_209 = arith.constant 2 : i32
      %mul3A_210 = arith.muli %mul3A_209, %scan3A_178 : i32
      %add3A_211 = arith.constant 1 : i32
      %add3A_212 = arith.addi %mul3A_210, %add3A_211 : i32
      "tpu.region"() ({
        %run_scoped3A = tpu.sem_alloc : memref<!tpu.dma_semaphore, #tpu.memory_space<semaphore_mem>>
        %dma_start3A_224 = arith.constant 0 : i32
        %dma_start3A_225 = tpu.memref_slice %arg7[%add3A_212, %dma_start3A_224] : memref<16x128xi32, #tpu.memory_space<vmem>> -> memref<1x128xi32, #tpu.memory_space<vmem>>
        %dma_start3A_226 = tpu.memref_squeeze %dma_start3A_225 : memref<1x128xi32, #tpu.memory_space<vmem>> -> memref<128xi32, #tpu.memory_space<vmem>>
        %dma_start3A_227 = arith.constant 0 : i32
        %dma_start3A_228 = arith.constant 0 : i32
        %dma_start3A_229 = tpu.memref_slice %arg11[%dma_start3A_227, %dma_start3A_228] : memref<10240x128xf32, #tpu.memory_space<vmem_shared>> -> memref<10240x128xf32, #tpu.memory_space<vmem_shared>>
        tpu.enqueue_indirect_dma source(%arg10 : memref<128x128xf32, #tpu.memory_space<vmem>>) target(%dma_start3A_229 : memref<10240x128xf32, #tpu.memory_space<vmem_shared>>) offsets(%dma_start3A_226 : memref<128xi32, #tpu.memory_space<vmem>>) semaphore(%run_scoped3A : memref<!tpu.dma_semaphore, #tpu.memory_space<semaphore_mem>>) {add = true}
        %dma_wait3A_230 = arith.constant 0 : i32
        %dma_wait3A_231 = tpu.memref_slice %arg7[%add3A_212, %dma_wait3A_230] : memref<16x128xi32, #tpu.memory_space<vmem>> -> memref<1x128xi32, #tpu.memory_space<vmem>>
        %dma_wait3A_232 = tpu.memref_squeeze %dma_wait3A_231 : memref<1x128xi32, #tpu.memory_space<vmem>> -> memref<128xi32, #tpu.memory_space<vmem>>
        %dma_wait3A_233 = arith.constant 0 : i32
        %dma_wait3A_234 = arith.constant 0 : i32
        %dma_wait3A_235 = tpu.memref_slice %arg11[%dma_wait3A_233, %dma_wait3A_234] : memref<10240x128xf32, #tpu.memory_space<vmem_shared>> -> memref<10240x128xf32, #tpu.memory_space<vmem_shared>>
        tpu.wait_indirect_dma semaphore(%run_scoped3A : memref<!tpu.dma_semaphore, #tpu.memory_space<semaphore_mem>>) src(%arg10 : memref<128x128xf32, #tpu.memory_space<vmem>>) dst(%dma_wait3A_235 : memref<10240x128xf32, #tpu.memory_space<vmem_shared>>)
        tpu.yield
      }) : () -> ()
      %add3A_213 = arith.constant 3 : i32
      %add3A_214 = arith.addi %add3A_183, %add3A_213 : i32
      %min3A_215 = arith.constant 79 : i32
      %min3A_216 = arith.minsi %add3A_214, %min3A_215 : i32
      %dma_start3A_217 = arith.constant 0 : i32
      %dma_start3A_218 = tpu.memref_slice %arg6[%min3A_216, %dma_start3A_217] : memref<80x128xi32, #tpu.memory_space<vmem>> -> memref<1x128xi32, #tpu.memory_space<vmem>>
      %dma_start3A_219 = tpu.memref_squeeze %dma_start3A_218 : memref<1x128xi32, #tpu.memory_space<vmem>> -> memref<128xi32, #tpu.memory_space<vmem>>
      %dma_start3A_220 = arith.constant 0 : i32
      %dma_start3A_221 = arith.constant 0 : i32
      %dma_start3A_222 = tpu.memref_slice %arg2[%dma_start3A_220, %dma_start3A_221] : memref<10000x128xf32, #tpu.memory_space<hbm>> -> memref<10000x128xf32, #tpu.memory_space<hbm>>
      tpu.enqueue_indirect_dma source(%dma_start3A_222 : memref<10000x128xf32, #tpu.memory_space<hbm>>) target(%arg10 : memref<128x128xf32, #tpu.memory_space<vmem>>) offsets(%dma_start3A_219 : memref<128xi32, #tpu.memory_space<vmem>>) semaphore(%arg13 : memref<!tpu.dma_semaphore, #tpu.memory_space<semaphore_mem>>)
      %scan3A_223 = arith.constant 0 : i32
      scf.yield %scan3A_223 : i32
    }
    %scan3A_118 = arith.constant 8 : i32
    %dma_wait3A_119 = arith.constant 0 : i32
    %dma_wait3A_120 = arith.constant 0 : i32
    %dma_wait3A_121 = arith.constant 0 : i32
    %dma_wait3A_122 = tpu.memref_slice %arg4[%dma_wait3A_119, %dma_wait3A_120, %dma_wait3A_121] : memref<32x80x128xi32, #tpu.memory_space<hbm>> -> memref<1x16x128xi32, #tpu.memory_space<hbm>>
    %dma_wait3A_123 = tpu.memref_squeeze %dma_wait3A_122 : memref<1x16x128xi32, #tpu.memory_space<hbm>> -> memref<16x128xi32, #tpu.memory_space<hbm>>
    %dma_wait3A_124 = arith.constant 0 : i32
    %dma_wait3A_125 = arith.constant 0 : i32
    %dma_wait3A_126 = tpu.memref_slice %arg4[%dma_wait3A_119, %dma_wait3A_124, %dma_wait3A_125] : memref<32x80x128xi32, #tpu.memory_space<hbm>> -> memref<1x16x128xi32, #tpu.memory_space<hbm>>
    %dma_wait3A_127 = tpu.memref_squeeze %dma_wait3A_126 : memref<1x16x128xi32, #tpu.memory_space<hbm>> -> memref<16x128xi32, #tpu.memory_space<hbm>>
    tpu.wait_dma2 semaphore(%arg15 : memref<!tpu.dma_semaphore, #tpu.memory_space<semaphore_mem>>) src(%dma_wait3A_127 : memref<16x128xi32, #tpu.memory_space<hbm>>) dst(%arg8 : memref<16x128xi32, #tpu.memory_space<vmem>>)
    %dma_start3A_128 = arith.constant 64 : i32
    %dma_start3A_129 = arith.constant 0 : i32
    %dma_start3A_130 = tpu.memref_slice %arg4[%add3A, %dma_start3A_128, %dma_start3A_129] : memref<32x80x128xi32, #tpu.memory_space<hbm>> -> memref<1x16x128xi32, #tpu.memory_space<hbm>>
    %dma_start3A_131 = tpu.memref_squeeze %dma_start3A_130 : memref<1x16x128xi32, #tpu.memory_space<hbm>> -> memref<16x128xi32, #tpu.memory_space<hbm>>
    %dma_start3A_132 = arith.constant 64 : i32
    %dma_start3A_133 = arith.constant 0 : i32
    %dma_start3A_134 = tpu.memref_slice %arg4[%add3A, %dma_start3A_132, %dma_start3A_133] : memref<32x80x128xi32, #tpu.memory_space<hbm>> -> memref<1x16x128xi32, #tpu.memory_space<hbm>>
    %dma_start3A_135 = tpu.memref_squeeze %dma_start3A_134 : memref<1x16x128xi32, #tpu.memory_space<hbm>> -> memref<16x128xi32, #tpu.memory_space<hbm>>
    tpu.enqueue_dma source(%dma_start3A_135 : memref<16x128xi32, #tpu.memory_space<hbm>>) target(%arg7 : memref<16x128xi32, #tpu.memory_space<vmem>>) target_semaphore(%arg14 : memref<!tpu.dma_semaphore, #tpu.memory_space<semaphore_mem>>)
    %scan3A_136 = arith.constant 0 : i32
    %scan3A_137 = arith.constant 0 : i32
    %scan3A_138 = arith.constant 8 : i32
    %scan3A_139 = arith.addi %scan3A_137, %scan3A_138 : i32
    %scan3A_140 = arith.constant 1 : i32
    %scan3A_141 = scf.for %scan3A_178 = %scan3A_137 to %scan3A_139 step %scan3A_140 iter_args(%scan3A_179 = %scan3A_136) -> (i32)  : i32 {
      %mul3A_180 = arith.constant 2 : i32
      %mul3A_181 = arith.muli %mul3A_180, %scan3A_178 : i32
      %add3A_182 = arith.constant 48 : i32
      %add3A_183 = arith.addi %add3A_182, %mul3A_181 : i32
      %dma_wait3A_184 = arith.constant 0 : i32
      %dma_wait3A_185 = arith.constant 0 : i32
      %dma_wait3A_186 = tpu.memref_slice %arg6[%dma_wait3A_184, %dma_wait3A_185] : memref<80x128xi32, #tpu.memory_space<vmem>> -> memref<1x128xi32, #tpu.memory_space<vmem>>
      %dma_wait3A_187 = tpu.memref_squeeze %dma_wait3A_186 : memref<1x128xi32, #tpu.memory_space<vmem>> -> memref<128xi32, #tpu.memory_space<vmem>>
      %dma_wait3A_188 = arith.constant 0 : i32
      %dma_wait3A_189 = arith.constant 0 : i32
      %dma_wait3A_190 = tpu.memref_slice %arg2[%dma_wait3A_188, %dma_wait3A_189] : memref<10000x128xf32, #tpu.memory_space<hbm>> -> memref<10000x128xf32, #tpu.memory_space<hbm>>
      tpu.wait_indirect_dma semaphore(%arg12 : memref<!tpu.dma_semaphore, #tpu.memory_space<semaphore_mem>>) src(%dma_wait3A_190 : memref<10000x128xf32, #tpu.memory_space<hbm>>) dst(%arg9 : memref<128x128xf32, #tpu.memory_space<vmem>>)
      %mul3A_191 = arith.constant 2 : i32
      %mul3A_192 = arith.muli %mul3A_191, %scan3A_178 : i32
      "tpu.region"() ({
        %run_scoped3A = tpu.sem_alloc : memref<!tpu.dma_semaphore, #tpu.memory_space<semaphore_mem>>
        %dma_start3A_224 = arith.constant 0 : i32
        %dma_start3A_225 = tpu.memref_slice %arg8[%mul3A_192, %dma_start3A_224] : memref<16x128xi32, #tpu.memory_space<vmem>> -> memref<1x128xi32, #tpu.memory_space<vmem>>
        %dma_start3A_226 = tpu.memref_squeeze %dma_start3A_225 : memref<1x128xi32, #tpu.memory_space<vmem>> -> memref<128xi32, #tpu.memory_space<vmem>>
        %dma_start3A_227 = arith.constant 0 : i32
        %dma_start3A_228 = arith.constant 0 : i32
        %dma_start3A_229 = tpu.memref_slice %arg11[%dma_start3A_227, %dma_start3A_228] : memref<10240x128xf32, #tpu.memory_space<vmem_shared>> -> memref<10240x128xf32, #tpu.memory_space<vmem_shared>>
        tpu.enqueue_indirect_dma source(%arg9 : memref<128x128xf32, #tpu.memory_space<vmem>>) target(%dma_start3A_229 : memref<10240x128xf32, #tpu.memory_space<vmem_shared>>) offsets(%dma_start3A_226 : memref<128xi32, #tpu.memory_space<vmem>>) semaphore(%run_scoped3A : memref<!tpu.dma_semaphore, #tpu.memory_space<semaphore_mem>>) {add = true}
        %dma_wait3A_230 = arith.constant 0 : i32
        %dma_wait3A_231 = tpu.memref_slice %arg8[%mul3A_192, %dma_wait3A_230] : memref<16x128xi32, #tpu.memory_space<vmem>> -> memref<1x128xi32, #tpu.memory_space<vmem>>
        %dma_wait3A_232 = tpu.memref_squeeze %dma_wait3A_231 : memref<1x128xi32, #tpu.memory_space<vmem>> -> memref<128xi32, #tpu.memory_space<vmem>>
        %dma_wait3A_233 = arith.constant 0 : i32
        %dma_wait3A_234 = arith.constant 0 : i32
        %dma_wait3A_235 = tpu.memref_slice %arg11[%dma_wait3A_233, %dma_wait3A_234] : memref<10240x128xf32, #tpu.memory_space<vmem_shared>> -> memref<10240x128xf32, #tpu.memory_space<vmem_shared>>
        tpu.wait_indirect_dma semaphore(%run_scoped3A : memref<!tpu.dma_semaphore, #tpu.memory_space<semaphore_mem>>) src(%arg9 : memref<128x128xf32, #tpu.memory_space<vmem>>) dst(%dma_wait3A_235 : memref<10240x128xf32, #tpu.memory_space<vmem_shared>>)
        tpu.yield
      }) : () -> ()
      %add3A_193 = arith.constant 2 : i32
      %add3A_194 = arith.addi %add3A_183, %add3A_193 : i32
      %min3A = arith.constant 79 : i32
      %min3A_195 = arith.minsi %add3A_194, %min3A : i32
      %dma_start3A_196 = arith.constant 0 : i32
      %dma_start3A_197 = tpu.memref_slice %arg6[%min3A_195, %dma_start3A_196] : memref<80x128xi32, #tpu.memory_space<vmem>> -> memref<1x128xi32, #tpu.memory_space<vmem>>
      %dma_start3A_198 = tpu.memref_squeeze %dma_start3A_197 : memref<1x128xi32, #tpu.memory_space<vmem>> -> memref<128xi32, #tpu.memory_space<vmem>>
      %dma_start3A_199 = arith.constant 0 : i32
      %dma_start3A_200 = arith.constant 0 : i32
      %dma_start3A_201 = tpu.memref_slice %arg2[%dma_start3A_199, %dma_start3A_200] : memref<10000x128xf32, #tpu.memory_space<hbm>> -> memref<10000x128xf32, #tpu.memory_space<hbm>>
      tpu.enqueue_indirect_dma source(%dma_start3A_201 : memref<10000x128xf32, #tpu.memory_space<hbm>>) target(%arg9 : memref<128x128xf32, #tpu.memory_space<vmem>>) offsets(%dma_start3A_198 : memref<128xi32, #tpu.memory_space<vmem>>) semaphore(%arg12 : memref<!tpu.dma_semaphore, #tpu.memory_space<semaphore_mem>>)
      %dma_wait3A_202 = arith.constant 0 : i32
      %dma_wait3A_203 = arith.constant 0 : i32
      %dma_wait3A_204 = tpu.memref_slice %arg6[%dma_wait3A_202, %dma_wait3A_203] : memref<80x128xi32, #tpu.memory_space<vmem>> -> memref<1x128xi32, #tpu.memory_space<vmem>>
      %dma_wait3A_205 = tpu.memref_squeeze %dma_wait3A_204 : memref<1x128xi32, #tpu.memory_space<vmem>> -> memref<128xi32, #tpu.memory_space<vmem>>
      %dma_wait3A_206 = arith.constant 0 : i32
      %dma_wait3A_207 = arith.constant 0 : i32
      %dma_wait3A_208 = tpu.memref_slice %arg2[%dma_wait3A_206, %dma_wait3A_207] : memref<10000x128xf32, #tpu.memory_space<hbm>> -> memref<10000x128xf32, #tpu.memory_space<hbm>>
      tpu.wait_indirect_dma semaphore(%arg13 : memref<!tpu.dma_semaphore, #tpu.memory_space<semaphore_mem>>) src(%dma_wait3A_208 : memref<10000x128xf32, #tpu.memory_space<hbm>>) dst(%arg10 : memref<128x128xf32, #tpu.memory_space<vmem>>)
      %mul3A_209 = arith.constant 2 : i32
      %mul3A_210 = arith.muli %mul3A_209, %scan3A_178 : i32
      %add3A_211 = arith.constant 1 : i32
      %add3A_212 = arith.addi %mul3A_210, %add3A_211 : i32
      "tpu.region"() ({
        %run_scoped3A = tpu.sem_alloc : memref<!tpu.dma_semaphore, #tpu.memory_space<semaphore_mem>>
        %dma_start3A_224 = arith.constant 0 : i32
        %dma_start3A_225 = tpu.memref_slice %arg8[%add3A_212, %dma_start3A_224] : memref<16x128xi32, #tpu.memory_space<vmem>> -> memref<1x128xi32, #tpu.memory_space<vmem>>
        %dma_start3A_226 = tpu.memref_squeeze %dma_start3A_225 : memref<1x128xi32, #tpu.memory_space<vmem>> -> memref<128xi32, #tpu.memory_space<vmem>>
        %dma_start3A_227 = arith.constant 0 : i32
        %dma_start3A_228 = arith.constant 0 : i32
        %dma_start3A_229 = tpu.memref_slice %arg11[%dma_start3A_227, %dma_start3A_228] : memref<10240x128xf32, #tpu.memory_space<vmem_shared>> -> memref<10240x128xf32, #tpu.memory_space<vmem_shared>>
        tpu.enqueue_indirect_dma source(%arg10 : memref<128x128xf32, #tpu.memory_space<vmem>>) target(%dma_start3A_229 : memref<10240x128xf32, #tpu.memory_space<vmem_shared>>) offsets(%dma_start3A_226 : memref<128xi32, #tpu.memory_space<vmem>>) semaphore(%run_scoped3A : memref<!tpu.dma_semaphore, #tpu.memory_space<semaphore_mem>>) {add = true}
        %dma_wait3A_230 = arith.constant 0 : i32
        %dma_wait3A_231 = tpu.memref_slice %arg8[%add3A_212, %dma_wait3A_230] : memref<16x128xi32, #tpu.memory_space<vmem>> -> memref<1x128xi32, #tpu.memory_space<vmem>>
        %dma_wait3A_232 = tpu.memref_squeeze %dma_wait3A_231 : memref<1x128xi32, #tpu.memory_space<vmem>> -> memref<128xi32, #tpu.memory_space<vmem>>
        %dma_wait3A_233 = arith.constant 0 : i32
        %dma_wait3A_234 = arith.constant 0 : i32
        %dma_wait3A_235 = tpu.memref_slice %arg11[%dma_wait3A_233, %dma_wait3A_234] : memref<10240x128xf32, #tpu.memory_space<vmem_shared>> -> memref<10240x128xf32, #tpu.memory_space<vmem_shared>>
        tpu.wait_indirect_dma semaphore(%run_scoped3A : memref<!tpu.dma_semaphore, #tpu.memory_space<semaphore_mem>>) src(%arg10 : memref<128x128xf32, #tpu.memory_space<vmem>>) dst(%dma_wait3A_235 : memref<10240x128xf32, #tpu.memory_space<vmem_shared>>)
        tpu.yield
      }) : () -> ()
      %add3A_213 = arith.constant 3 : i32
      %add3A_214 = arith.addi %add3A_183, %add3A_213 : i32
      %min3A_215 = arith.constant 79 : i32
      %min3A_216 = arith.minsi %add3A_214, %min3A_215 : i32
      %dma_start3A_217 = arith.constant 0 : i32
      %dma_start3A_218 = tpu.memref_slice %arg6[%min3A_216, %dma_start3A_217] : memref<80x128xi32, #tpu.memory_space<vmem>> -> memref<1x128xi32, #tpu.memory_space<vmem>>
      %dma_start3A_219 = tpu.memref_squeeze %dma_start3A_218 : memref<1x128xi32, #tpu.memory_space<vmem>> -> memref<128xi32, #tpu.memory_space<vmem>>
      %dma_start3A_220 = arith.constant 0 : i32
      %dma_start3A_221 = arith.constant 0 : i32
      %dma_start3A_222 = tpu.memref_slice %arg2[%dma_start3A_220, %dma_start3A_221] : memref<10000x128xf32, #tpu.memory_space<hbm>> -> memref<10000x128xf32, #tpu.memory_space<hbm>>
      tpu.enqueue_indirect_dma source(%dma_start3A_222 : memref<10000x128xf32, #tpu.memory_space<hbm>>) target(%arg10 : memref<128x128xf32, #tpu.memory_space<vmem>>) offsets(%dma_start3A_219 : memref<128xi32, #tpu.memory_space<vmem>>) semaphore(%arg13 : memref<!tpu.dma_semaphore, #tpu.memory_space<semaphore_mem>>)
      %scan3A_223 = arith.constant 0 : i32
      scf.yield %scan3A_223 : i32
    }
    %scan3A_142 = arith.constant 8 : i32
    %dma_wait3A_143 = arith.constant 0 : i32
    %dma_wait3A_144 = arith.constant 0 : i32
    %dma_wait3A_145 = arith.constant 0 : i32
    %dma_wait3A_146 = tpu.memref_slice %arg4[%dma_wait3A_143, %dma_wait3A_144, %dma_wait3A_145] : memref<32x80x128xi32, #tpu.memory_space<hbm>> -> memref<1x16x128xi32, #tpu.memory_space<hbm>>
    %dma_wait3A_147 = tpu.memref_squeeze %dma_wait3A_146 : memref<1x16x128xi32, #tpu.memory_space<hbm>> -> memref<16x128xi32, #tpu.memory_space<hbm>>
    %dma_wait3A_148 = arith.constant 0 : i32
    %dma_wait3A_149 = arith.constant 0 : i32
    %dma_wait3A_150 = tpu.memref_slice %arg4[%dma_wait3A_143, %dma_wait3A_148, %dma_wait3A_149] : memref<32x80x128xi32, #tpu.memory_space<hbm>> -> memref<1x16x128xi32, #tpu.memory_space<hbm>>
    %dma_wait3A_151 = tpu.memref_squeeze %dma_wait3A_150 : memref<1x16x128xi32, #tpu.memory_space<hbm>> -> memref<16x128xi32, #tpu.memory_space<hbm>>
    tpu.wait_dma2 semaphore(%arg14 : memref<!tpu.dma_semaphore, #tpu.memory_space<semaphore_mem>>) src(%dma_wait3A_151 : memref<16x128xi32, #tpu.memory_space<hbm>>) dst(%arg7 : memref<16x128xi32, #tpu.memory_space<vmem>>)
    %scan3A_152 = arith.constant 0 : i32
    %scan3A_153 = arith.constant 0 : i32
    %scan3A_154 = arith.constant 8 : i32
    %scan3A_155 = arith.addi %scan3A_153, %scan3A_154 : i32
    %scan3A_156 = arith.constant 1 : i32
    %scan3A_157 = scf.for %scan3A_178 = %scan3A_153 to %scan3A_155 step %scan3A_156 iter_args(%scan3A_179 = %scan3A_152) -> (i32)  : i32 {
      %mul3A_180 = arith.constant 2 : i32
      %mul3A_181 = arith.muli %mul3A_180, %scan3A_178 : i32
      %add3A_182 = arith.constant 64 : i32
      %add3A_183 = arith.addi %add3A_182, %mul3A_181 : i32
      %dma_wait3A_184 = arith.constant 0 : i32
      %dma_wait3A_185 = arith.constant 0 : i32
      %dma_wait3A_186 = tpu.memref_slice %arg6[%dma_wait3A_184, %dma_wait3A_185] : memref<80x128xi32, #tpu.memory_space<vmem>> -> memref<1x128xi32, #tpu.memory_space<vmem>>
      %dma_wait3A_187 = tpu.memref_squeeze %dma_wait3A_186 : memref<1x128xi32, #tpu.memory_space<vmem>> -> memref<128xi32, #tpu.memory_space<vmem>>
      %dma_wait3A_188 = arith.constant 0 : i32
      %dma_wait3A_189 = arith.constant 0 : i32
      %dma_wait3A_190 = tpu.memref_slice %arg2[%dma_wait3A_188, %dma_wait3A_189] : memref<10000x128xf32, #tpu.memory_space<hbm>> -> memref<10000x128xf32, #tpu.memory_space<hbm>>
      tpu.wait_indirect_dma semaphore(%arg12 : memref<!tpu.dma_semaphore, #tpu.memory_space<semaphore_mem>>) src(%dma_wait3A_190 : memref<10000x128xf32, #tpu.memory_space<hbm>>) dst(%arg9 : memref<128x128xf32, #tpu.memory_space<vmem>>)
      %mul3A_191 = arith.constant 2 : i32
      %mul3A_192 = arith.muli %mul3A_191, %scan3A_178 : i32
      "tpu.region"() ({
        %run_scoped3A = tpu.sem_alloc : memref<!tpu.dma_semaphore, #tpu.memory_space<semaphore_mem>>
        %dma_start3A_224 = arith.constant 0 : i32
        %dma_start3A_225 = tpu.memref_slice %arg7[%mul3A_192, %dma_start3A_224] : memref<16x128xi32, #tpu.memory_space<vmem>> -> memref<1x128xi32, #tpu.memory_space<vmem>>
        %dma_start3A_226 = tpu.memref_squeeze %dma_start3A_225 : memref<1x128xi32, #tpu.memory_space<vmem>> -> memref<128xi32, #tpu.memory_space<vmem>>
        %dma_start3A_227 = arith.constant 0 : i32
        %dma_start3A_228 = arith.constant 0 : i32
        %dma_start3A_229 = tpu.memref_slice %arg11[%dma_start3A_227, %dma_start3A_228] : memref<10240x128xf32, #tpu.memory_space<vmem_shared>> -> memref<10240x128xf32, #tpu.memory_space<vmem_shared>>
        tpu.enqueue_indirect_dma source(%arg9 : memref<128x128xf32, #tpu.memory_space<vmem>>) target(%dma_start3A_229 : memref<10240x128xf32, #tpu.memory_space<vmem_shared>>) offsets(%dma_start3A_226 : memref<128xi32, #tpu.memory_space<vmem>>) semaphore(%run_scoped3A : memref<!tpu.dma_semaphore, #tpu.memory_space<semaphore_mem>>) {add = true}
        %dma_wait3A_230 = arith.constant 0 : i32
        %dma_wait3A_231 = tpu.memref_slice %arg7[%mul3A_192, %dma_wait3A_230] : memref<16x128xi32, #tpu.memory_space<vmem>> -> memref<1x128xi32, #tpu.memory_space<vmem>>
        %dma_wait3A_232 = tpu.memref_squeeze %dma_wait3A_231 : memref<1x128xi32, #tpu.memory_space<vmem>> -> memref<128xi32, #tpu.memory_space<vmem>>
        %dma_wait3A_233 = arith.constant 0 : i32
        %dma_wait3A_234 = arith.constant 0 : i32
        %dma_wait3A_235 = tpu.memref_slice %arg11[%dma_wait3A_233, %dma_wait3A_234] : memref<10240x128xf32, #tpu.memory_space<vmem_shared>> -> memref<10240x128xf32, #tpu.memory_space<vmem_shared>>
        tpu.wait_indirect_dma semaphore(%run_scoped3A : memref<!tpu.dma_semaphore, #tpu.memory_space<semaphore_mem>>) src(%arg9 : memref<128x128xf32, #tpu.memory_space<vmem>>) dst(%dma_wait3A_235 : memref<10240x128xf32, #tpu.memory_space<vmem_shared>>)
        tpu.yield
      }) : () -> ()
      %add3A_193 = arith.constant 2 : i32
      %add3A_194 = arith.addi %add3A_183, %add3A_193 : i32
      %min3A = arith.constant 79 : i32
      %min3A_195 = arith.minsi %add3A_194, %min3A : i32
      %dma_start3A_196 = arith.constant 0 : i32
      %dma_start3A_197 = tpu.memref_slice %arg6[%min3A_195, %dma_start3A_196] : memref<80x128xi32, #tpu.memory_space<vmem>> -> memref<1x128xi32, #tpu.memory_space<vmem>>
      %dma_start3A_198 = tpu.memref_squeeze %dma_start3A_197 : memref<1x128xi32, #tpu.memory_space<vmem>> -> memref<128xi32, #tpu.memory_space<vmem>>
      %dma_start3A_199 = arith.constant 0 : i32
      %dma_start3A_200 = arith.constant 0 : i32
      %dma_start3A_201 = tpu.memref_slice %arg2[%dma_start3A_199, %dma_start3A_200] : memref<10000x128xf32, #tpu.memory_space<hbm>> -> memref<10000x128xf32, #tpu.memory_space<hbm>>
      tpu.enqueue_indirect_dma source(%dma_start3A_201 : memref<10000x128xf32, #tpu.memory_space<hbm>>) target(%arg9 : memref<128x128xf32, #tpu.memory_space<vmem>>) offsets(%dma_start3A_198 : memref<128xi32, #tpu.memory_space<vmem>>) semaphore(%arg12 : memref<!tpu.dma_semaphore, #tpu.memory_space<semaphore_mem>>)
      %dma_wait3A_202 = arith.constant 0 : i32
      %dma_wait3A_203 = arith.constant 0 : i32
      %dma_wait3A_204 = tpu.memref_slice %arg6[%dma_wait3A_202, %dma_wait3A_203] : memref<80x128xi32, #tpu.memory_space<vmem>> -> memref<1x128xi32, #tpu.memory_space<vmem>>
      %dma_wait3A_205 = tpu.memref_squeeze %dma_wait3A_204 : memref<1x128xi32, #tpu.memory_space<vmem>> -> memref<128xi32, #tpu.memory_space<vmem>>
      %dma_wait3A_206 = arith.constant 0 : i32
      %dma_wait3A_207 = arith.constant 0 : i32
      %dma_wait3A_208 = tpu.memref_slice %arg2[%dma_wait3A_206, %dma_wait3A_207] : memref<10000x128xf32, #tpu.memory_space<hbm>> -> memref<10000x128xf32, #tpu.memory_space<hbm>>
      tpu.wait_indirect_dma semaphore(%arg13 : memref<!tpu.dma_semaphore, #tpu.memory_space<semaphore_mem>>) src(%dma_wait3A_208 : memref<10000x128xf32, #tpu.memory_space<hbm>>) dst(%arg10 : memref<128x128xf32, #tpu.memory_space<vmem>>)
      %mul3A_209 = arith.constant 2 : i32
      %mul3A_210 = arith.muli %mul3A_209, %scan3A_178 : i32
      %add3A_211 = arith.constant 1 : i32
      %add3A_212 = arith.addi %mul3A_210, %add3A_211 : i32
      "tpu.region"() ({
        %run_scoped3A = tpu.sem_alloc : memref<!tpu.dma_semaphore, #tpu.memory_space<semaphore_mem>>
        %dma_start3A_224 = arith.constant 0 : i32
        %dma_start3A_225 = tpu.memref_slice %arg7[%add3A_212, %dma_start3A_224] : memref<16x128xi32, #tpu.memory_space<vmem>> -> memref<1x128xi32, #tpu.memory_space<vmem>>
        %dma_start3A_226 = tpu.memref_squeeze %dma_start3A_225 : memref<1x128xi32, #tpu.memory_space<vmem>> -> memref<128xi32, #tpu.memory_space<vmem>>
        %dma_start3A_227 = arith.constant 0 : i32
        %dma_start3A_228 = arith.constant 0 : i32
        %dma_start3A_229 = tpu.memref_slice %arg11[%dma_start3A_227, %dma_start3A_228] : memref<10240x128xf32, #tpu.memory_space<vmem_shared>> -> memref<10240x128xf32, #tpu.memory_space<vmem_shared>>
        tpu.enqueue_indirect_dma source(%arg10 : memref<128x128xf32, #tpu.memory_space<vmem>>) target(%dma_start3A_229 : memref<10240x128xf32, #tpu.memory_space<vmem_shared>>) offsets(%dma_start3A_226 : memref<128xi32, #tpu.memory_space<vmem>>) semaphore(%run_scoped3A : memref<!tpu.dma_semaphore, #tpu.memory_space<semaphore_mem>>) {add = true}
        %dma_wait3A_230 = arith.constant 0 : i32
        %dma_wait3A_231 = tpu.memref_slice %arg7[%add3A_212, %dma_wait3A_230] : memref<16x128xi32, #tpu.memory_space<vmem>> -> memref<1x128xi32, #tpu.memory_space<vmem>>
        %dma_wait3A_232 = tpu.memref_squeeze %dma_wait3A_231 : memref<1x128xi32, #tpu.memory_space<vmem>> -> memref<128xi32, #tpu.memory_space<vmem>>
        %dma_wait3A_233 = arith.constant 0 : i32
        %dma_wait3A_234 = arith.constant 0 : i32
        %dma_wait3A_235 = tpu.memref_slice %arg11[%dma_wait3A_233, %dma_wait3A_234] : memref<10240x128xf32, #tpu.memory_space<vmem_shared>> -> memref<10240x128xf32, #tpu.memory_space<vmem_shared>>
        tpu.wait_indirect_dma semaphore(%run_scoped3A : memref<!tpu.dma_semaphore, #tpu.memory_space<semaphore_mem>>) src(%arg10 : memref<128x128xf32, #tpu.memory_space<vmem>>) dst(%dma_wait3A_235 : memref<10240x128xf32, #tpu.memory_space<vmem_shared>>)
        tpu.yield
      }) : () -> ()
      %add3A_213 = arith.constant 3 : i32
      %add3A_214 = arith.addi %add3A_183, %add3A_213 : i32
      %min3A_215 = arith.constant 79 : i32
      %min3A_216 = arith.minsi %add3A_214, %min3A_215 : i32
      %dma_start3A_217 = arith.constant 0 : i32
      %dma_start3A_218 = tpu.memref_slice %arg6[%min3A_216, %dma_start3A_217] : memref<80x128xi32, #tpu.memory_space<vmem>> -> memref<1x128xi32, #tpu.memory_space<vmem>>
      %dma_start3A_219 = tpu.memref_squeeze %dma_start3A_218 : memref<1x128xi32, #tpu.memory_space<vmem>> -> memref<128xi32, #tpu.memory_space<vmem>>
      %dma_start3A_220 = arith.constant 0 : i32
      %dma_start3A_221 = arith.constant 0 : i32
      %dma_start3A_222 = tpu.memref_slice %arg2[%dma_start3A_220, %dma_start3A_221] : memref<10000x128xf32, #tpu.memory_space<hbm>> -> memref<10000x128xf32, #tpu.memory_space<hbm>>
      tpu.enqueue_indirect_dma source(%dma_start3A_222 : memref<10000x128xf32, #tpu.memory_space<hbm>>) target(%arg10 : memref<128x128xf32, #tpu.memory_space<vmem>>) offsets(%dma_start3A_219 : memref<128xi32, #tpu.memory_space<vmem>>) semaphore(%arg13 : memref<!tpu.dma_semaphore, #tpu.memory_space<semaphore_mem>>)
      %scan3A_223 = arith.constant 0 : i32
      scf.yield %scan3A_223 : i32
    }
    %scan3A_158 = arith.constant 8 : i32
    %dma_wait3A_159 = arith.constant 0 : i32
    %dma_wait3A_160 = arith.constant 0 : i32
    %dma_wait3A_161 = tpu.memref_slice %arg6[%dma_wait3A_159, %dma_wait3A_160] : memref<80x128xi32, #tpu.memory_space<vmem>> -> memref<1x128xi32, #tpu.memory_space<vmem>>
    %dma_wait3A_162 = tpu.memref_squeeze %dma_wait3A_161 : memref<1x128xi32, #tpu.memory_space<vmem>> -> memref<128xi32, #tpu.memory_space<vmem>>
    %dma_wait3A_163 = arith.constant 0 : i32
    %dma_wait3A_164 = arith.constant 0 : i32
    %dma_wait3A_165 = tpu.memref_slice %arg2[%dma_wait3A_163, %dma_wait3A_164] : memref<10000x128xf32, #tpu.memory_space<hbm>> -> memref<10000x128xf32, #tpu.memory_space<hbm>>
    tpu.wait_indirect_dma semaphore(%arg12 : memref<!tpu.dma_semaphore, #tpu.memory_space<semaphore_mem>>) src(%dma_wait3A_165 : memref<10000x128xf32, #tpu.memory_space<hbm>>) dst(%arg9 : memref<128x128xf32, #tpu.memory_space<vmem>>)
    %dma_wait3A_166 = arith.constant 0 : i32
    %dma_wait3A_167 = arith.constant 0 : i32
    %dma_wait3A_168 = tpu.memref_slice %arg6[%dma_wait3A_166, %dma_wait3A_167] : memref<80x128xi32, #tpu.memory_space<vmem>> -> memref<1x128xi32, #tpu.memory_space<vmem>>
    %dma_wait3A_169 = tpu.memref_squeeze %dma_wait3A_168 : memref<1x128xi32, #tpu.memory_space<vmem>> -> memref<128xi32, #tpu.memory_space<vmem>>
    %dma_wait3A_170 = arith.constant 0 : i32
    %dma_wait3A_171 = arith.constant 0 : i32
    %dma_wait3A_172 = tpu.memref_slice %arg2[%dma_wait3A_170, %dma_wait3A_171] : memref<10000x128xf32, #tpu.memory_space<hbm>> -> memref<10000x128xf32, #tpu.memory_space<hbm>>
    tpu.wait_indirect_dma semaphore(%arg13 : memref<!tpu.dma_semaphore, #tpu.memory_space<semaphore_mem>>) src(%dma_wait3A_172 : memref<10000x128xf32, #tpu.memory_space<hbm>>) dst(%arg10 : memref<128x128xf32, #tpu.memory_space<vmem>>)
    %barrier3A_173 = arith.constant 0 : index
    tpu.barrier barrier_id(%barrier3A_173)
    %mul3A_174 = arith.constant 640 : i32
    %mul3A_175 = arith.muli %arg1, %mul3A_174 : i32
    %mul3A_176 = arith.constant 640 : i32
    %mul3A_177 = arith.muli %arg1, %mul3A_176 : i32
    "tpu.region"() ({
      %run_scoped3A = tpu.sem_alloc : memref<!tpu.dma_semaphore, #tpu.memory_space<semaphore_mem>>
      %dma_start3A_178 = arith.constant 0 : i32
      %dma_start3A_179 = tpu.memref_slice %arg5[%arg0, %mul3A_177, %dma_start3A_178] : memref<2x10240x128xf32, #tpu.memory_space<hbm>> -> memref<1x640x128xf32, #tpu.memory_space<hbm>>
      %dma_start3A_180 = tpu.memref_squeeze %dma_start3A_179 : memref<1x640x128xf32, #tpu.memory_space<hbm>> -> memref<640x128xf32, #tpu.memory_space<hbm>>
      %dma_start3A_181 = arith.constant 0 : i32
      %dma_start3A_182 = tpu.memref_slice %arg11[%mul3A_175, %dma_start3A_181] : memref<10240x128xf32, #tpu.memory_space<vmem_shared>> -> memref<640x128xf32, #tpu.memory_space<vmem_shared>>
      tpu.enqueue_dma source(%dma_start3A_182 : memref<640x128xf32, #tpu.memory_space<vmem_shared>>) target(%dma_start3A_180 : memref<640x128xf32, #tpu.memory_space<hbm>>) target_semaphore(%run_scoped3A : memref<!tpu.dma_semaphore, #tpu.memory_space<semaphore_mem>>)
      %dma_wait3A_183 = arith.constant 0 : i32
      %dma_wait3A_184 = tpu.memref_slice %arg5[%arg0, %mul3A_177, %dma_wait3A_183] : memref<2x10240x128xf32, #tpu.memory_space<hbm>> -> memref<1x640x128xf32, #tpu.memory_space<hbm>>
      %dma_wait3A_185 = tpu.memref_squeeze %dma_wait3A_184 : memref<1x640x128xf32, #tpu.memory_space<hbm>> -> memref<640x128xf32, #tpu.memory_space<hbm>>
      %dma_wait3A_186 = arith.constant 0 : i32
      %dma_wait3A_187 = tpu.memref_slice %arg11[%mul3A_175, %dma_wait3A_186] : memref<10240x128xf32, #tpu.memory_space<vmem_shared>> -> memref<640x128xf32, #tpu.memory_space<vmem_shared>>
      tpu.wait_dma2 semaphore(%run_scoped3A : memref<!tpu.dma_semaphore, #tpu.memory_space<semaphore_mem>>) src(%dma_wait3A_187 : memref<640x128xf32, #tpu.memory_space<vmem_shared>>) dst(%dma_wait3A_185 : memref<640x128xf32, #tpu.memory_space<hbm>>)
      tpu.yield
    }) : () -> ()
    return
  }
}

#map = affine_map<(d0, d1) -> (0, 0)>
#map1 = affine_map<(d0, d1) -> (0, 0, 0)>
module attributes {stable_mosaic.version = 14 : i64} {
  func.func @_hop_body(%arg0: i32, %arg1: i32, %arg2: memref<10000x128xf32, #tpu.memory_space<hbm>>, %arg3: memref<32x80x128xi32, #tpu.memory_space<hbm>>, %arg4: memref<32x80x128xi32, #tpu.memory_space<hbm>>, %arg5: memref<2x10240x128xf32, #tpu.memory_space<hbm>>, %arg6: memref<80x128xi32, #tpu.memory_space<vmem>>, %arg7: memref<16x128xi32, #tpu.memory_space<vmem>>, %arg8: memref<16x128xi32, #tpu.memory_space<vmem>>, %arg9: memref<128x128xf32, #tpu.memory_space<vmem>>, %arg10: memref<128x128xf32, #tpu.memory_space<vmem>>, %arg11: memref<10240x128xf32, #tpu.memory_space<vmem_shared>>, %arg12: memref<!tpu.dma_semaphore, #tpu.memory_space<semaphore_mem>>, %arg13: memref<!tpu.dma_semaphore, #tpu.memory_space<semaphore_mem>>, %arg14: memref<!tpu.dma_semaphore, #tpu.memory_space<semaphore_mem>>, %arg15: memref<!tpu.dma_semaphore, #tpu.memory_space<semaphore_mem>>) attributes {dimension_semantics = [#tpu.dimension_semantics<core_parallel>, #tpu.dimension_semantics<subcore_parallel>], iteration_bounds = array<i64: 2, 16>, scalar_prefetch = 0 : i64, scratch_operands = 10 : i64, tpu.core_type = #tpu.core_type<sc_vector_subcore>, window_params = [{transform_indices = #map}, {transform_indices = #map1}, {transform_indices = #map1}, {transform_indices = #map1}]} {
    %mul3A = arith.constant 16 : i32
    %mul3A_0 = arith.muli %arg0, %mul3A : i32
    %add3A = arith.addi %mul3A_0, %arg1 : i32
    "tpu.region"() ({
      %run_scoped3A = tpu.sem_alloc : memref<!tpu.dma_semaphore, #tpu.memory_space<semaphore_mem>>
      %dma_start3A_178 = arith.constant 0 : i32
      %dma_start3A_179 = arith.constant 0 : i32
      %dma_start3A_180 = tpu.memref_slice %arg3[%add3A, %dma_start3A_178, %dma_start3A_179] : memref<32x80x128xi32, #tpu.memory_space<hbm>> -> memref<1x80x128xi32, #tpu.memory_space<hbm>>
      %dma_start3A_181 = tpu.memref_squeeze %dma_start3A_180 : memref<1x80x128xi32, #tpu.memory_space<hbm>> -> memref<80x128xi32, #tpu.memory_space<hbm>>
      %dma_start3A_182 = arith.constant 0 : i32
      %dma_start3A_183 = arith.constant 0 : i32
      %dma_start3A_184 = tpu.memref_slice %arg3[%add3A, %dma_start3A_182, %dma_start3A_183] : memref<32x80x128xi32, #tpu.memory_space<hbm>> -> memref<1x80x128xi32, #tpu.memory_space<hbm>>
      %dma_start3A_185 = tpu.memref_squeeze %dma_start3A_184 : memref<1x80x128xi32, #tpu.memory_space<hbm>> -> memref<80x128xi32, #tpu.memory_space<hbm>>
      tpu.enqueue_dma source(%dma_start3A_185 : memref<80x128xi32, #tpu.memory_space<hbm>>) target(%arg6 : memref<80x128xi32, #tpu.memory_space<vmem>>) target_semaphore(%run_scoped3A : memref<!tpu.dma_semaphore, #tpu.memory_space<semaphore_mem>>)
      %dma_wait3A_186 = arith.constant 0 : i32
      %dma_wait3A_187 = arith.constant 0 : i32
      %dma_wait3A_188 = tpu.memref_slice %arg3[%add3A, %dma_wait3A_186, %dma_wait3A_187] : memref<32x80x128xi32, #tpu.memory_space<hbm>> -> memref<1x80x128xi32, #tpu.memory_space<hbm>>
      %dma_wait3A_189 = tpu.memref_squeeze %dma_wait3A_188 : memref<1x80x128xi32, #tpu.memory_space<hbm>> -> memref<80x128xi32, #tpu.memory_space<hbm>>
      %dma_wait3A_190 = arith.constant 0 : i32
      %dma_wait3A_191 = arith.constant 0 : i32
      %dma_wait3A_192 = tpu.memref_slice %arg3[%add3A, %dma_wait3A_190, %dma_wait3A_191] : memref<32x80x128xi32, #tpu.memory_space<hbm>> -> memref<1x80x128xi32, #tpu.memory_space<hbm>>
      %dma_wait3A_193 = tpu.memref_squeeze %dma_wait3A_192 : memref<1x80x128xi32, #tpu.memory_space<hbm>> -> memref<80x128xi32, #tpu.memory_space<hbm>>
      tpu.wait_dma2 semaphore(%run_scoped3A : memref<!tpu.dma_semaphore, #tpu.memory_space<semaphore_mem>>) src(%dma_wait3A_193 : memref<80x128xi32, #tpu.memory_space<hbm>>) dst(%arg6 : memref<80x128xi32, #tpu.memory_space<vmem>>)
      tpu.yield
    }) : () -> ()
    %scan3A = arith.constant 0 : i32
    %scan3A_1 = arith.constant 0 : i32
    %scan3A_2 = arith.constant 128 : i32
    %scan3A_3 = arith.addi %scan3A_1, %scan3A_2 : i32
    %scan3A_4 = arith.constant 1 : i32
    %scan3A_5 = scf.for %scan3A_178 = %scan3A_1 to %scan3A_3 step %scan3A_4 iter_args(%scan3A_179 = %scan3A) -> (i32)  : i32 {
      %broadcast_in_dim3A = arith.constant 0.000000e+00 : f32
      %broadcast_in_dim3A_180 = vector.broadcast %broadcast_in_dim3A : f32 to vector<16xf32>
      %swap3A = arith.index_cast %scan3A_178 : i32 to index
      %swap3A_181 = arith.constant 0 : index
      %swap3A_182 = tpu.vector_load %arg9[%swap3A, %swap3A_181] {strides = array<i32>} : memref<128x128xf32, #tpu.memory_space<vmem>>, vector<1x16xf32>,
      %swap3A_183 = vector.shape_cast %swap3A_182 : vector<1x16xf32> to vector<16xf32>
      %swap3A_184 = vector.shape_cast %broadcast_in_dim3A_180 : vector<16xf32> to vector<1x16xf32>
      tpu.vector_store %arg9[%swap3A, %swap3A_181], %swap3A_184 {strides = array<i32>} : memref<128x128xf32, #tpu.memory_space<vmem>>, vector<1x16xf32>,
      %broadcast_in_dim3A_185 = arith.constant 0.000000e+00 : f32
      %broadcast_in_dim3A_186 = vector.broadcast %broadcast_in_dim3A_185 : f32 to vector<16xf32>
      %swap3A_187 = arith.index_cast %scan3A_178 : i32 to index
      %swap3A_188 = arith.constant 16 : index
      %swap3A_189 = tpu.vector_load %arg9[%swap3A_187, %swap3A_188] {strides = array<i32>} : memref<128x128xf32, #tpu.memory_space<vmem>>, vector<1x16xf32>,
      %swap3A_190 = vector.shape_cast %swap3A_189 : vector<1x16xf32> to vector<16xf32>
      %swap3A_191 = vector.shape_cast %broadcast_in_dim3A_186 : vector<16xf32> to vector<1x16xf32>
      tpu.vector_store %arg9[%swap3A_187, %swap3A_188], %swap3A_191 {strides = array<i32>} : memref<128x128xf32, #tpu.memory_space<vmem>>, vector<1x16xf32>,
      %broadcast_in_dim3A_192 = arith.constant 0.000000e+00 : f32
      %broadcast_in_dim3A_193 = vector.broadcast %broadcast_in_dim3A_192 : f32 to vector<16xf32>
      %swap3A_194 = arith.index_cast %scan3A_178 : i32 to index
      %swap3A_195 = arith.constant 32 : index
      %swap3A_196 = tpu.vector_load %arg9[%swap3A_194, %swap3A_195] {strides = array<i32>} : memref<128x128xf32, #tpu.memory_space<vmem>>, vector<1x16xf32>,
      %swap3A_197 = vector.shape_cast %swap3A_196 : vector<1x16xf32> to vector<16xf32>
      %swap3A_198 = vector.shape_cast %broadcast_in_dim3A_193 : vector<16xf32> to vector<1x16xf32>
      tpu.vector_store %arg9[%swap3A_194, %swap3A_195], %swap3A_198 {strides = array<i32>} : memref<128x128xf32, #tpu.memory_space<vmem>>, vector<1x16xf32>,
      %broadcast_in_dim3A_199 = arith.constant 0.000000e+00 : f32
      %broadcast_in_dim3A_200 = vector.broadcast %broadcast_in_dim3A_199 : f32 to vector<16xf32>
      %swap3A_201 = arith.index_cast %scan3A_178 : i32 to index
      %swap3A_202 = arith.constant 48 : index
      %swap3A_203 = tpu.vector_load %arg9[%swap3A_201, %swap3A_202] {strides = array<i32>} : memref<128x128xf32, #tpu.memory_space<vmem>>, vector<1x16xf32>,
      %swap3A_204 = vector.shape_cast %swap3A_203 : vector<1x16xf32> to vector<16xf32>
      %swap3A_205 = vector.shape_cast %broadcast_in_dim3A_200 : vector<16xf32> to vector<1x16xf32>
      tpu.vector_store %arg9[%swap3A_201, %swap3A_202], %swap3A_205 {strides = array<i32>} : memref<128x128xf32, #tpu.memory_space<vmem>>, vector<1x16xf32>,
      %broadcast_in_dim3A_206 = arith.constant 0.000000e+00 : f32
      %broadcast_in_dim3A_207 = vector.broadcast %broadcast_in_dim3A_206 : f32 to vector<16xf32>
      %swap3A_208 = arith.index_cast %scan3A_178 : i32 to index
      %swap3A_209 = arith.constant 64 : index
      %swap3A_210 = tpu.vector_load %arg9[%swap3A_208, %swap3A_209] {strides = array<i32>} : memref<128x128xf32, #tpu.memory_space<vmem>>, vector<1x16xf32>,
      %swap3A_211 = vector.shape_cast %swap3A_210 : vector<1x16xf32> to vector<16xf32>
      %swap3A_212 = vector.shape_cast %broadcast_in_dim3A_207 : vector<16xf32> to vector<1x16xf32>
      tpu.vector_store %arg9[%swap3A_208, %swap3A_209], %swap3A_212 {strides = array<i32>} : memref<128x128xf32, #tpu.memory_space<vmem>>, vector<1x16xf32>,
      %broadcast_in_dim3A_213 = arith.constant 0.000000e+00 : f32
      %broadcast_in_dim3A_214 = vector.broadcast %broadcast_in_dim3A_213 : f32 to vector<16xf32>
      %swap3A_215 = arith.index_cast %scan3A_178 : i32 to index
      %swap3A_216 = arith.constant 80 : index
      %swap3A_217 = tpu.vector_load %arg9[%swap3A_215, %swap3A_216] {strides = array<i32>} : memref<128x128xf32, #tpu.memory_space<vmem>>, vector<1x16xf32>,
      %swap3A_218 = vector.shape_cast %swap3A_217 : vector<1x16xf32> to vector<16xf32>
      %swap3A_219 = vector.shape_cast %broadcast_in_dim3A_214 : vector<16xf32> to vector<1x16xf32>
      tpu.vector_store %arg9[%swap3A_215, %swap3A_216], %swap3A_219 {strides = array<i32>} : memref<128x128xf32, #tpu.memory_space<vmem>>, vector<1x16xf32>,
      %broadcast_in_dim3A_220 = arith.constant 0.000000e+00 : f32
      %broadcast_in_dim3A_221 = vector.broadcast %broadcast_in_dim3A_220 : f32 to vector<16xf32>
      %swap3A_222 = arith.index_cast %scan3A_178 : i32 to index
      %swap3A_223 = arith.constant 96 : index
      %swap3A_224 = tpu.vector_load %arg9[%swap3A_222, %swap3A_223] {strides = array<i32>} : memref<128x128xf32, #tpu.memory_space<vmem>>, vector<1x16xf32>,
      %swap3A_225 = vector.shape_cast %swap3A_224 : vector<1x16xf32> to vector<16xf32>
      %swap3A_226 = vector.shape_cast %broadcast_in_dim3A_221 : vector<16xf32> to vector<1x16xf32>
      tpu.vector_store %arg9[%swap3A_222, %swap3A_223], %swap3A_226 {strides = array<i32>} : memref<128x128xf32, #tpu.memory_space<vmem>>, vector<1x16xf32>,
      %broadcast_in_dim3A_227 = arith.constant 0.000000e+00 : f32
      %broadcast_in_dim3A_228 = vector.broadcast %broadcast_in_dim3A_227 : f32 to vector<16xf32>
      %swap3A_229 = arith.index_cast %scan3A_178 : i32 to index
      %swap3A_230 = arith.constant 112 : index
      %swap3A_231 = tpu.vector_load %arg9[%swap3A_229, %swap3A_230] {strides = array<i32>} : memref<128x128xf32, #tpu.memory_space<vmem>>, vector<1x16xf32>,
      %swap3A_232 = vector.shape_cast %swap3A_231 : vector<1x16xf32> to vector<16xf32>
      %swap3A_233 = vector.shape_cast %broadcast_in_dim3A_228 : vector<16xf32> to vector<1x16xf32>
      tpu.vector_store %arg9[%swap3A_229, %swap3A_230], %swap3A_233 {strides = array<i32>} : memref<128x128xf32, #tpu.memory_space<vmem>>, vector<1x16xf32>,
      %scan3A_234 = arith.constant 0 : i32
      scf.yield %scan3A_234 : i32
    }
    %scan3A_6 = arith.constant 128 : i32
    %mul3A_7 = arith.constant 640 : i32
    %mul3A_8 = arith.muli %arg1, %mul3A_7 : i32
    %add3A_9 = arith.constant 0 : i32
    %add3A_10 = arith.addi %mul3A_8, %add3A_9 : i32
    "tpu.region"() ({
      %run_scoped3A = tpu.sem_alloc : memref<!tpu.dma_semaphore, #tpu.memory_space<semaphore_mem>>
      %dma_start3A_178 = arith.constant 0 : i32
      %dma_start3A_179 = tpu.memref_slice %arg11[%add3A_10, %dma_start3A_178] : memref<10240x128xf32, #tpu.memory_space<vmem_shared>> -> memref<128x128xf32, #tpu.memory_space<vmem_shared>>
      %dma_start3A_180 = arith.constant 0 : i32
      %dma_start3A_181 = tpu.memref_slice %arg11[%add3A_10, %dma_start3A_180] : memref<10240x128xf32, #tpu.memory_space<vmem_shared>> -> memref<128x128xf32, #tpu.memory_space<vmem_shared>>
      tpu.enqueue_dma source(%arg9 : memref<128x128xf32, #tpu.memory_space<vmem>>) target(%dma_start3A_181 : memref<128x128xf32, #tpu.memory_space<vmem_shared>>) target_semaphore(%run_scoped3A : memref<!tpu.dma_semaphore, #tpu.memory_space<semaphore_mem>>)
      %dma_wait3A_182 = arith.constant 0 : i32
      %dma_wait3A_183 = tpu.memref_slice %arg11[%add3A_10, %dma_wait3A_182] : memref<10240x128xf32, #tpu.memory_space<vmem_shared>> -> memref<128x128xf32, #tpu.memory_space<vmem_shared>>
      %dma_wait3A_184 = arith.constant 0 : i32
      %dma_wait3A_185 = tpu.memref_slice %arg11[%add3A_10, %dma_wait3A_184] : memref<10240x128xf32, #tpu.memory_space<vmem_shared>> -> memref<128x128xf32, #tpu.memory_space<vmem_shared>>
      tpu.wait_dma2 semaphore(%run_scoped3A : memref<!tpu.dma_semaphore, #tpu.memory_space<semaphore_mem>>) src(%arg9 : memref<128x128xf32, #tpu.memory_space<vmem>>) dst(%dma_wait3A_185 : memref<128x128xf32, #tpu.memory_space<vmem_shared>>)
      tpu.yield
    }) : () -> ()
    %mul3A_11 = arith.constant 640 : i32
    %mul3A_12 = arith.muli %arg1, %mul3A_11 : i32
    %add3A_13 = arith.constant 128 : i32
    %add3A_14 = arith.addi %mul3A_12, %add3A_13 : i32
    "tpu.region"() ({
      %run_scoped3A = tpu.sem_alloc : memref<!tpu.dma_semaphore, #tpu.memory_space<semaphore_mem>>
      %dma_start3A_178 = arith.constant 0 : i32
      %dma_start3A_179 = tpu.memref_slice %arg11[%add3A_14, %dma_start3A_178] : memref<10240x128xf32, #tpu.memory_space<vmem_shared>> -> memref<128x128xf32, #tpu.memory_space<vmem_shared>>
      %dma_start3A_180 = arith.constant 0 : i32
      %dma_start3A_181 = tpu.memref_slice %arg11[%add3A_14, %dma_start3A_180] : memref<10240x128xf32, #tpu.memory_space<vmem_shared>> -> memref<128x128xf32, #tpu.memory_space<vmem_shared>>
      tpu.enqueue_dma source(%arg9 : memref<128x128xf32, #tpu.memory_space<vmem>>) target(%dma_start3A_181 : memref<128x128xf32, #tpu.memory_space<vmem_shared>>) target_semaphore(%run_scoped3A : memref<!tpu.dma_semaphore, #tpu.memory_space<semaphore_mem>>)
      %dma_wait3A_182 = arith.constant 0 : i32
      %dma_wait3A_183 = tpu.memref_slice %arg11[%add3A_14, %dma_wait3A_182] : memref<10240x128xf32, #tpu.memory_space<vmem_shared>> -> memref<128x128xf32, #tpu.memory_space<vmem_shared>>
      %dma_wait3A_184 = arith.constant 0 : i32
      %dma_wait3A_185 = tpu.memref_slice %arg11[%add3A_14, %dma_wait3A_184] : memref<10240x128xf32, #tpu.memory_space<vmem_shared>> -> memref<128x128xf32, #tpu.memory_space<vmem_shared>>
      tpu.wait_dma2 semaphore(%run_scoped3A : memref<!tpu.dma_semaphore, #tpu.memory_space<semaphore_mem>>) src(%arg9 : memref<128x128xf32, #tpu.memory_space<vmem>>) dst(%dma_wait3A_185 : memref<128x128xf32, #tpu.memory_space<vmem_shared>>)
      tpu.yield
    }) : () -> ()
    %mul3A_15 = arith.constant 640 : i32
    %mul3A_16 = arith.muli %arg1, %mul3A_15 : i32
    %add3A_17 = arith.constant 256 : i32
    %add3A_18 = arith.addi %mul3A_16, %add3A_17 : i32
    "tpu.region"() ({
      %run_scoped3A = tpu.sem_alloc : memref<!tpu.dma_semaphore, #tpu.memory_space<semaphore_mem>>
      %dma_start3A_178 = arith.constant 0 : i32
      %dma_start3A_179 = tpu.memref_slice %arg11[%add3A_18, %dma_start3A_178] : memref<10240x128xf32, #tpu.memory_space<vmem_shared>> -> memref<128x128xf32, #tpu.memory_space<vmem_shared>>
      %dma_start3A_180 = arith.constant 0 : i32
      %dma_start3A_181 = tpu.memref_slice %arg11[%add3A_18, %dma_start3A_180] : memref<10240x128xf32, #tpu.memory_space<vmem_shared>> -> memref<128x128xf32, #tpu.memory_space<vmem_shared>>
      tpu.enqueue_dma source(%arg9 : memref<128x128xf32, #tpu.memory_space<vmem>>) target(%dma_start3A_181 : memref<128x128xf32, #tpu.memory_space<vmem_shared>>) target_semaphore(%run_scoped3A : memref<!tpu.dma_semaphore, #tpu.memory_space<semaphore_mem>>)
      %dma_wait3A_182 = arith.constant 0 : i32
      %dma_wait3A_183 = tpu.memref_slice %arg11[%add3A_18, %dma_wait3A_182] : memref<10240x128xf32, #tpu.memory_space<vmem_shared>> -> memref<128x128xf32, #tpu.memory_space<vmem_shared>>
      %dma_wait3A_184 = arith.constant 0 : i32
      %dma_wait3A_185 = tpu.memref_slice %arg11[%add3A_18, %dma_wait3A_184] : memref<10240x128xf32, #tpu.memory_space<vmem_shared>> -> memref<128x128xf32, #tpu.memory_space<vmem_shared>>
      tpu.wait_dma2 semaphore(%run_scoped3A : memref<!tpu.dma_semaphore, #tpu.memory_space<semaphore_mem>>) src(%arg9 : memref<128x128xf32, #tpu.memory_space<vmem>>) dst(%dma_wait3A_185 : memref<128x128xf32, #tpu.memory_space<vmem_shared>>)
      tpu.yield
    }) : () -> ()
    %mul3A_19 = arith.constant 640 : i32
    %mul3A_20 = arith.muli %arg1, %mul3A_19 : i32
    %add3A_21 = arith.constant 384 : i32
    %add3A_22 = arith.addi %mul3A_20, %add3A_21 : i32
    "tpu.region"() ({
      %run_scoped3A = tpu.sem_alloc : memref<!tpu.dma_semaphore, #tpu.memory_space<semaphore_mem>>
      %dma_start3A_178 = arith.constant 0 : i32
      %dma_start3A_179 = tpu.memref_slice %arg11[%add3A_22, %dma_start3A_178] : memref<10240x128xf32, #tpu.memory_space<vmem_shared>> -> memref<128x128xf32, #tpu.memory_space<vmem_shared>>
      %dma_start3A_180 = arith.constant 0 : i32
      %dma_start3A_181 = tpu.memref_slice %arg11[%add3A_22, %dma_start3A_180] : memref<10240x128xf32, #tpu.memory_space<vmem_shared>> -> memref<128x128xf32, #tpu.memory_space<vmem_shared>>
      tpu.enqueue_dma source(%arg9 : memref<128x128xf32, #tpu.memory_space<vmem>>) target(%dma_start3A_181 : memref<128x128xf32, #tpu.memory_space<vmem_shared>>) target_semaphore(%run_scoped3A : memref<!tpu.dma_semaphore, #tpu.memory_space<semaphore_mem>>)
      %dma_wait3A_182 = arith.constant 0 : i32
      %dma_wait3A_183 = tpu.memref_slice %arg11[%add3A_22, %dma_wait3A_182] : memref<10240x128xf32, #tpu.memory_space<vmem_shared>> -> memref<128x128xf32, #tpu.memory_space<vmem_shared>>
      %dma_wait3A_184 = arith.constant 0 : i32
      %dma_wait3A_185 = tpu.memref_slice %arg11[%add3A_22, %dma_wait3A_184] : memref<10240x128xf32, #tpu.memory_space<vmem_shared>> -> memref<128x128xf32, #tpu.memory_space<vmem_shared>>
      tpu.wait_dma2 semaphore(%run_scoped3A : memref<!tpu.dma_semaphore, #tpu.memory_space<semaphore_mem>>) src(%arg9 : memref<128x128xf32, #tpu.memory_space<vmem>>) dst(%dma_wait3A_185 : memref<128x128xf32, #tpu.memory_space<vmem_shared>>)
      tpu.yield
    }) : () -> ()
    %mul3A_23 = arith.constant 640 : i32
    %mul3A_24 = arith.muli %arg1, %mul3A_23 : i32
    %add3A_25 = arith.constant 512 : i32
    %add3A_26 = arith.addi %mul3A_24, %add3A_25 : i32
    "tpu.region"() ({
      %run_scoped3A = tpu.sem_alloc : memref<!tpu.dma_semaphore, #tpu.memory_space<semaphore_mem>>
      %dma_start3A_178 = arith.constant 0 : i32
      %dma_start3A_179 = tpu.memref_slice %arg11[%add3A_26, %dma_start3A_178] : memref<10240x128xf32, #tpu.memory_space<vmem_shared>> -> memref<128x128xf32, #tpu.memory_space<vmem_shared>>
      %dma_start3A_180 = arith.constant 0 : i32
      %dma_start3A_181 = tpu.memref_slice %arg11[%add3A_26, %dma_start3A_180] : memref<10240x128xf32, #tpu.memory_space<vmem_shared>> -> memref<128x128xf32, #tpu.memory_space<vmem_shared>>
      tpu.enqueue_dma source(%arg9 : memref<128x128xf32, #tpu.memory_space<vmem>>) target(%dma_start3A_181 : memref<128x128xf32, #tpu.memory_space<vmem_shared>>) target_semaphore(%run_scoped3A : memref<!tpu.dma_semaphore, #tpu.memory_space<semaphore_mem>>)
      %dma_wait3A_182 = arith.constant 0 : i32
      %dma_wait3A_183 = tpu.memref_slice %arg11[%add3A_26, %dma_wait3A_182] : memref<10240x128xf32, #tpu.memory_space<vmem_shared>> -> memref<128x128xf32, #tpu.memory_space<vmem_shared>>
      %dma_wait3A_184 = arith.constant 0 : i32
      %dma_wait3A_185 = tpu.memref_slice %arg11[%add3A_26, %dma_wait3A_184] : memref<10240x128xf32, #tpu.memory_space<vmem_shared>> -> memref<128x128xf32, #tpu.memory_space<vmem_shared>>
      tpu.wait_dma2 semaphore(%run_scoped3A : memref<!tpu.dma_semaphore, #tpu.memory_space<semaphore_mem>>) src(%arg9 : memref<128x128xf32, #tpu.memory_space<vmem>>) dst(%dma_wait3A_185 : memref<128x128xf32, #tpu.memory_space<vmem_shared>>)
      tpu.yield
    }) : () -> ()
    %dma_start3A = arith.constant 0 : i32
    %dma_start3A_27 = arith.constant 0 : i32
    %dma_start3A_28 = tpu.memref_slice %arg4[%add3A, %dma_start3A, %dma_start3A_27] : memref<32x80x128xi32, #tpu.memory_space<hbm>> -> memref<1x16x128xi32, #tpu.memory_space<hbm>>
    %dma_start3A_29 = tpu.memref_squeeze %dma_start3A_28 : memref<1x16x128xi32, #tpu.memory_space<hbm>> -> memref<16x128xi32, #tpu.memory_space<hbm>>
    %dma_start3A_30 = arith.constant 0 : i32
    %dma_start3A_31 = arith.constant 0 : i32
    %dma_start3A_32 = tpu.memref_slice %arg4[%add3A, %dma_start3A_30, %dma_start3A_31] : memref<32x80x128xi32, #tpu.memory_space<hbm>> -> memref<1x16x128xi32, #tpu.memory_space<hbm>>
    %dma_start3A_33 = tpu.memref_squeeze %dma_start3A_32 : memref<1x16x128xi32, #tpu.memory_space<hbm>> -> memref<16x128xi32, #tpu.memory_space<hbm>>
    tpu.enqueue_dma source(%dma_start3A_33 : memref<16x128xi32, #tpu.memory_space<hbm>>) target(%arg7 : memref<16x128xi32, #tpu.memory_space<vmem>>) target_semaphore(%arg14 : memref<!tpu.dma_semaphore, #tpu.memory_space<semaphore_mem>>)
    %dma_start3A_34 = arith.constant 0 : i32
    %dma_start3A_35 = arith.constant 0 : i32
    %dma_start3A_36 = tpu.memref_slice %arg6[%dma_start3A_34, %dma_start3A_35] : memref<80x128xi32, #tpu.memory_space<vmem>> -> memref<1x128xi32, #tpu.memory_space<vmem>>
    %dma_start3A_37 = tpu.memref_squeeze %dma_start3A_36 : memref<1x128xi32, #tpu.memory_space<vmem>> -> memref<128xi32, #tpu.memory_space<vmem>>
    %dma_start3A_38 = arith.constant 0 : i32
    %dma_start3A_39 = arith.constant 0 : i32
    %dma_start3A_40 = tpu.memref_slice %arg2[%dma_start3A_38, %dma_start3A_39] : memref<10000x128xf32, #tpu.memory_space<hbm>> -> memref<10000x128xf32, #tpu.memory_space<hbm>>
    tpu.enqueue_indirect_dma source(%dma_start3A_40 : memref<10000x128xf32, #tpu.memory_space<hbm>>) target(%arg9 : memref<128x128xf32, #tpu.memory_space<vmem>>) offsets(%dma_start3A_37 : memref<128xi32, #tpu.memory_space<vmem>>) semaphore(%arg12 : memref<!tpu.dma_semaphore, #tpu.memory_space<semaphore_mem>>)
    %dma_start3A_41 = arith.constant 1 : i32
    %dma_start3A_42 = arith.constant 0 : i32
    %dma_start3A_43 = tpu.memref_slice %arg6[%dma_start3A_41, %dma_start3A_42] : memref<80x128xi32, #tpu.memory_space<vmem>> -> memref<1x128xi32, #tpu.memory_space<vmem>>
    %dma_start3A_44 = tpu.memref_squeeze %dma_start3A_43 : memref<1x128xi32, #tpu.memory_space<vmem>> -> memref<128xi32, #tpu.memory_space<vmem>>
    %dma_start3A_45 = arith.constant 0 : i32
    %dma_start3A_46 = arith.constant 0 : i32
    %dma_start3A_47 = tpu.memref_slice %arg2[%dma_start3A_45, %dma_start3A_46] : memref<10000x128xf32, #tpu.memory_space<hbm>> -> memref<10000x128xf32, #tpu.memory_space<hbm>>
    tpu.enqueue_indirect_dma source(%dma_start3A_47 : memref<10000x128xf32, #tpu.memory_space<hbm>>) target(%arg10 : memref<128x128xf32, #tpu.memory_space<vmem>>) offsets(%dma_start3A_44 : memref<128xi32, #tpu.memory_space<vmem>>) semaphore(%arg13 : memref<!tpu.dma_semaphore, #tpu.memory_space<semaphore_mem>>)
    %barrier3A = arith.constant 0 : index
    tpu.barrier barrier_id(%barrier3A)
    %dma_wait3A = arith.constant 0 : i32
    %dma_wait3A_48 = arith.constant 0 : i32
    %dma_wait3A_49 = arith.constant 0 : i32
    %dma_wait3A_50 = tpu.memref_slice %arg4[%dma_wait3A, %dma_wait3A_48, %dma_wait3A_49] : memref<32x80x128xi32, #tpu.memory_space<hbm>> -> memref<1x16x128xi32, #tpu.memory_space<hbm>>
    %dma_wait3A_51 = tpu.memref_squeeze %dma_wait3A_50 : memref<1x16x128xi32, #tpu.memory_space<hbm>> -> memref<16x128xi32, #tpu.memory_space<hbm>>
    %dma_wait3A_52 = arith.constant 0 : i32
    %dma_wait3A_53 = arith.constant 0 : i32
    %dma_wait3A_54 = tpu.memref_slice %arg4[%dma_wait3A, %dma_wait3A_52, %dma_wait3A_53] : memref<32x80x128xi32, #tpu.memory_space<hbm>> -> memref<1x16x128xi32, #tpu.memory_space<hbm>>
    %dma_wait3A_55 = tpu.memref_squeeze %dma_wait3A_54 : memref<1x16x128xi32, #tpu.memory_space<hbm>> -> memref<16x128xi32, #tpu.memory_space<hbm>>
    tpu.wait_dma2 semaphore(%arg14 : memref<!tpu.dma_semaphore, #tpu.memory_space<semaphore_mem>>) src(%dma_wait3A_55 : memref<16x128xi32, #tpu.memory_space<hbm>>) dst(%arg7 : memref<16x128xi32, #tpu.memory_space<vmem>>)
    %dma_start3A_56 = arith.constant 16 : i32
    %dma_start3A_57 = arith.constant 0 : i32
    %dma_start3A_58 = tpu.memref_slice %arg4[%add3A, %dma_start3A_56, %dma_start3A_57] : memref<32x80x128xi32, #tpu.memory_space<hbm>> -> memref<1x16x128xi32, #tpu.memory_space<hbm>>
    %dma_start3A_59 = tpu.memref_squeeze %dma_start3A_58 : memref<1x16x128xi32, #tpu.memory_space<hbm>> -> memref<16x128xi32, #tpu.memory_space<hbm>>
    %dma_start3A_60 = arith.constant 16 : i32
    %dma_start3A_61 = arith.constant 0 : i32
    %dma_start3A_62 = tpu.memref_slice %arg4[%add3A, %dma_start3A_60, %dma_start3A_61] : memref<32x80x128xi32, #tpu.memory_space<hbm>> -> memref<1x16x128xi32, #tpu.memory_space<hbm>>
    %dma_start3A_63 = tpu.memref_squeeze %dma_start3A_62 : memref<1x16x128xi32, #tpu.memory_space<hbm>> -> memref<16x128xi32, #tpu.memory_space<hbm>>
    tpu.enqueue_dma source(%dma_start3A_63 : memref<16x128xi32, #tpu.memory_space<hbm>>) target(%arg8 : memref<16x128xi32, #tpu.memory_space<vmem>>) target_semaphore(%arg15 : memref<!tpu.dma_semaphore, #tpu.memory_space<semaphore_mem>>)
    %scan3A_64 = arith.constant 0 : i32
    %scan3A_65 = arith.constant 0 : i32
    %scan3A_66 = arith.constant 8 : i32
    %scan3A_67 = arith.addi %scan3A_65, %scan3A_66 : i32
    %scan3A_68 = arith.constant 1 : i32
    %scan3A_69 = scf.for %scan3A_178 = %scan3A_65 to %scan3A_67 step %scan3A_68 iter_args(%scan3A_179 = %scan3A_64) -> (i32)  : i32 {
      %mul3A_180 = arith.constant 2 : i32
      %mul3A_181 = arith.muli %mul3A_180, %scan3A_178 : i32
      %add3A_182 = arith.constant 0 : i32
      %add3A_183 = arith.addi %add3A_182, %mul3A_181 : i32
      %dma_wait3A_184 = arith.constant 0 : i32
      %dma_wait3A_185 = arith.constant 0 : i32
      %dma_wait3A_186 = tpu.memref_slice %arg6[%dma_wait3A_184, %dma_wait3A_185] : memref<80x128xi32, #tpu.memory_space<vmem>> -> memref<1x128xi32, #tpu.memory_space<vmem>>
      %dma_wait3A_187 = tpu.memref_squeeze %dma_wait3A_186 : memref<1x128xi32, #tpu.memory_space<vmem>> -> memref<128xi32, #tpu.memory_space<vmem>>
      %dma_wait3A_188 = arith.constant 0 : i32
      %dma_wait3A_189 = arith.constant 0 : i32
      %dma_wait3A_190 = tpu.memref_slice %arg2[%dma_wait3A_188, %dma_wait3A_189] : memref<10000x128xf32, #tpu.memory_space<hbm>> -> memref<10000x128xf32, #tpu.memory_space<hbm>>
      tpu.wait_indirect_dma semaphore(%arg12 : memref<!tpu.dma_semaphore, #tpu.memory_space<semaphore_mem>>) src(%dma_wait3A_190 : memref<10000x128xf32, #tpu.memory_space<hbm>>) dst(%arg9 : memref<128x128xf32, #tpu.memory_space<vmem>>)
      %mul3A_191 = arith.constant 2 : i32
      %mul3A_192 = arith.muli %mul3A_191, %scan3A_178 : i32
      "tpu.region"() ({
        %run_scoped3A = tpu.sem_alloc : memref<!tpu.dma_semaphore, #tpu.memory_space<semaphore_mem>>
        %dma_start3A_224 = arith.constant 0 : i32
        %dma_start3A_225 = tpu.memref_slice %arg7[%mul3A_192, %dma_start3A_224] : memref<16x128xi32, #tpu.memory_space<vmem>> -> memref<1x128xi32, #tpu.memory_space<vmem>>
        %dma_start3A_226 = tpu.memref_squeeze %dma_start3A_225 : memref<1x128xi32, #tpu.memory_space<vmem>> -> memref<128xi32, #tpu.memory_space<vmem>>
        %dma_start3A_227 = arith.constant 0 : i32
        %dma_start3A_228 = arith.constant 0 : i32
        %dma_start3A_229 = tpu.memref_slice %arg11[%dma_start3A_227, %dma_start3A_228] : memref<10240x128xf32, #tpu.memory_space<vmem_shared>> -> memref<10240x128xf32, #tpu.memory_space<vmem_shared>>
        tpu.enqueue_indirect_dma source(%arg9 : memref<128x128xf32, #tpu.memory_space<vmem>>) target(%dma_start3A_229 : memref<10240x128xf32, #tpu.memory_space<vmem_shared>>) offsets(%dma_start3A_226 : memref<128xi32, #tpu.memory_space<vmem>>) semaphore(%run_scoped3A : memref<!tpu.dma_semaphore, #tpu.memory_space<semaphore_mem>>) {add = true}
        %dma_wait3A_230 = arith.constant 0 : i32
        %dma_wait3A_231 = tpu.memref_slice %arg7[%mul3A_192, %dma_wait3A_230] : memref<16x128xi32, #tpu.memory_space<vmem>> -> memref<1x128xi32, #tpu.memory_space<vmem>>
        %dma_wait3A_232 = tpu.memref_squeeze %dma_wait3A_231 : memref<1x128xi32, #tpu.memory_space<vmem>> -> memref<128xi32, #tpu.memory_space<vmem>>
        %dma_wait3A_233 = arith.constant 0 : i32
        %dma_wait3A_234 = arith.constant 0 : i32
        %dma_wait3A_235 = tpu.memref_slice %arg11[%dma_wait3A_233, %dma_wait3A_234] : memref<10240x128xf32, #tpu.memory_space<vmem_shared>> -> memref<10240x128xf32, #tpu.memory_space<vmem_shared>>
        tpu.wait_indirect_dma semaphore(%run_scoped3A : memref<!tpu.dma_semaphore, #tpu.memory_space<semaphore_mem>>) src(%arg9 : memref<128x128xf32, #tpu.memory_space<vmem>>) dst(%dma_wait3A_235 : memref<10240x128xf32, #tpu.memory_space<vmem_shared>>)
        tpu.yield
      }) : () -> ()
      %add3A_193 = arith.constant 2 : i32
      %add3A_194 = arith.addi %add3A_183, %add3A_193 : i32
      %min3A = arith.constant 79 : i32
      %min3A_195 = arith.minsi %add3A_194, %min3A : i32
      %dma_start3A_196 = arith.constant 0 : i32
      %dma_start3A_197 = tpu.memref_slice %arg6[%min3A_195, %dma_start3A_196] : memref<80x128xi32, #tpu.memory_space<vmem>> -> memref<1x128xi32, #tpu.memory_space<vmem>>
      %dma_start3A_198 = tpu.memref_squeeze %dma_start3A_197 : memref<1x128xi32, #tpu.memory_space<vmem>> -> memref<128xi32, #tpu.memory_space<vmem>>
      %dma_start3A_199 = arith.constant 0 : i32
      %dma_start3A_200 = arith.constant 0 : i32
      %dma_start3A_201 = tpu.memref_slice %arg2[%dma_start3A_199, %dma_start3A_200] : memref<10000x128xf32, #tpu.memory_space<hbm>> -> memref<10000x128xf32, #tpu.memory_space<hbm>>
      tpu.enqueue_indirect_dma source(%dma_start3A_201 : memref<10000x128xf32, #tpu.memory_space<hbm>>) target(%arg9 : memref<128x128xf32, #tpu.memory_space<vmem>>) offsets(%dma_start3A_198 : memref<128xi32, #tpu.memory_space<vmem>>) semaphore(%arg12 : memref<!tpu.dma_semaphore, #tpu.memory_space<semaphore_mem>>)
      %dma_wait3A_202 = arith.constant 0 : i32
      %dma_wait3A_203 = arith.constant 0 : i32
      %dma_wait3A_204 = tpu.memref_slice %arg6[%dma_wait3A_202, %dma_wait3A_203] : memref<80x128xi32, #tpu.memory_space<vmem>> -> memref<1x128xi32, #tpu.memory_space<vmem>>
      %dma_wait3A_205 = tpu.memref_squeeze %dma_wait3A_204 : memref<1x128xi32, #tpu.memory_space<vmem>> -> memref<128xi32, #tpu.memory_space<vmem>>
      %dma_wait3A_206 = arith.constant 0 : i32
      %dma_wait3A_207 = arith.constant 0 : i32
      %dma_wait3A_208 = tpu.memref_slice %arg2[%dma_wait3A_206, %dma_wait3A_207] : memref<10000x128xf32, #tpu.memory_space<hbm>> -> memref<10000x128xf32, #tpu.memory_space<hbm>>
      tpu.wait_indirect_dma semaphore(%arg13 : memref<!tpu.dma_semaphore, #tpu.memory_space<semaphore_mem>>) src(%dma_wait3A_208 : memref<10000x128xf32, #tpu.memory_space<hbm>>) dst(%arg10 : memref<128x128xf32, #tpu.memory_space<vmem>>)
      %mul3A_209 = arith.constant 2 : i32
      %mul3A_210 = arith.muli %mul3A_209, %scan3A_178 : i32
      %add3A_211 = arith.constant 1 : i32
      %add3A_212 = arith.addi %mul3A_210, %add3A_211 : i32
      "tpu.region"() ({
        %run_scoped3A = tpu.sem_alloc : memref<!tpu.dma_semaphore, #tpu.memory_space<semaphore_mem>>
        %dma_start3A_224 = arith.constant 0 : i32
        %dma_start3A_225 = tpu.memref_slice %arg7[%add3A_212, %dma_start3A_224] : memref<16x128xi32, #tpu.memory_space<vmem>> -> memref<1x128xi32, #tpu.memory_space<vmem>>
        %dma_start3A_226 = tpu.memref_squeeze %dma_start3A_225 : memref<1x128xi32, #tpu.memory_space<vmem>> -> memref<128xi32, #tpu.memory_space<vmem>>
        %dma_start3A_227 = arith.constant 0 : i32
        %dma_start3A_228 = arith.constant 0 : i32
        %dma_start3A_229 = tpu.memref_slice %arg11[%dma_start3A_227, %dma_start3A_228] : memref<10240x128xf32, #tpu.memory_space<vmem_shared>> -> memref<10240x128xf32, #tpu.memory_space<vmem_shared>>
        tpu.enqueue_indirect_dma source(%arg10 : memref<128x128xf32, #tpu.memory_space<vmem>>) target(%dma_start3A_229 : memref<10240x128xf32, #tpu.memory_space<vmem_shared>>) offsets(%dma_start3A_226 : memref<128xi32, #tpu.memory_space<vmem>>) semaphore(%run_scoped3A : memref<!tpu.dma_semaphore, #tpu.memory_space<semaphore_mem>>) {add = true}
        %dma_wait3A_230 = arith.constant 0 : i32
        %dma_wait3A_231 = tpu.memref_slice %arg7[%add3A_212, %dma_wait3A_230] : memref<16x128xi32, #tpu.memory_space<vmem>> -> memref<1x128xi32, #tpu.memory_space<vmem>>
        %dma_wait3A_232 = tpu.memref_squeeze %dma_wait3A_231 : memref<1x128xi32, #tpu.memory_space<vmem>> -> memref<128xi32, #tpu.memory_space<vmem>>
        %dma_wait3A_233 = arith.constant 0 : i32
        %dma_wait3A_234 = arith.constant 0 : i32
        %dma_wait3A_235 = tpu.memref_slice %arg11[%dma_wait3A_233, %dma_wait3A_234] : memref<10240x128xf32, #tpu.memory_space<vmem_shared>> -> memref<10240x128xf32, #tpu.memory_space<vmem_shared>>
        tpu.wait_indirect_dma semaphore(%run_scoped3A : memref<!tpu.dma_semaphore, #tpu.memory_space<semaphore_mem>>) src(%arg10 : memref<128x128xf32, #tpu.memory_space<vmem>>) dst(%dma_wait3A_235 : memref<10240x128xf32, #tpu.memory_space<vmem_shared>>)
        tpu.yield
      }) : () -> ()
      %add3A_213 = arith.constant 3 : i32
      %add3A_214 = arith.addi %add3A_183, %add3A_213 : i32
      %min3A_215 = arith.constant 79 : i32
      %min3A_216 = arith.minsi %add3A_214, %min3A_215 : i32
      %dma_start3A_217 = arith.constant 0 : i32
      %dma_start3A_218 = tpu.memref_slice %arg6[%min3A_216, %dma_start3A_217] : memref<80x128xi32, #tpu.memory_space<vmem>> -> memref<1x128xi32, #tpu.memory_space<vmem>>
      %dma_start3A_219 = tpu.memref_squeeze %dma_start3A_218 : memref<1x128xi32, #tpu.memory_space<vmem>> -> memref<128xi32, #tpu.memory_space<vmem>>
      %dma_start3A_220 = arith.constant 0 : i32
      %dma_start3A_221 = arith.constant 0 : i32
      %dma_start3A_222 = tpu.memref_slice %arg2[%dma_start3A_220, %dma_start3A_221] : memref<10000x128xf32, #tpu.memory_space<hbm>> -> memref<10000x128xf32, #tpu.memory_space<hbm>>
      tpu.enqueue_indirect_dma source(%dma_start3A_222 : memref<10000x128xf32, #tpu.memory_space<hbm>>) target(%arg10 : memref<128x128xf32, #tpu.memory_space<vmem>>) offsets(%dma_start3A_219 : memref<128xi32, #tpu.memory_space<vmem>>) semaphore(%arg13 : memref<!tpu.dma_semaphore, #tpu.memory_space<semaphore_mem>>)
      %scan3A_223 = arith.constant 0 : i32
      scf.yield %scan3A_223 : i32
    }
    %scan3A_70 = arith.constant 8 : i32
    %dma_wait3A_71 = arith.constant 0 : i32
    %dma_wait3A_72 = arith.constant 0 : i32
    %dma_wait3A_73 = arith.constant 0 : i32
    %dma_wait3A_74 = tpu.memref_slice %arg4[%dma_wait3A_71, %dma_wait3A_72, %dma_wait3A_73] : memref<32x80x128xi32, #tpu.memory_space<hbm>> -> memref<1x16x128xi32, #tpu.memory_space<hbm>>
    %dma_wait3A_75 = tpu.memref_squeeze %dma_wait3A_74 : memref<1x16x128xi32, #tpu.memory_space<hbm>> -> memref<16x128xi32, #tpu.memory_space<hbm>>
    %dma_wait3A_76 = arith.constant 0 : i32
    %dma_wait3A_77 = arith.constant 0 : i32
    %dma_wait3A_78 = tpu.memref_slice %arg4[%dma_wait3A_71, %dma_wait3A_76, %dma_wait3A_77] : memref<32x80x128xi32, #tpu.memory_space<hbm>> -> memref<1x16x128xi32, #tpu.memory_space<hbm>>
    %dma_wait3A_79 = tpu.memref_squeeze %dma_wait3A_78 : memref<1x16x128xi32, #tpu.memory_space<hbm>> -> memref<16x128xi32, #tpu.memory_space<hbm>>
    tpu.wait_dma2 semaphore(%arg15 : memref<!tpu.dma_semaphore, #tpu.memory_space<semaphore_mem>>) src(%dma_wait3A_79 : memref<16x128xi32, #tpu.memory_space<hbm>>) dst(%arg8 : memref<16x128xi32, #tpu.memory_space<vmem>>)
    %dma_start3A_80 = arith.constant 32 : i32
    %dma_start3A_81 = arith.constant 0 : i32
    %dma_start3A_82 = tpu.memref_slice %arg4[%add3A, %dma_start3A_80, %dma_start3A_81] : memref<32x80x128xi32, #tpu.memory_space<hbm>> -> memref<1x16x128xi32, #tpu.memory_space<hbm>>
    %dma_start3A_83 = tpu.memref_squeeze %dma_start3A_82 : memref<1x16x128xi32, #tpu.memory_space<hbm>> -> memref<16x128xi32, #tpu.memory_space<hbm>>
    %dma_start3A_84 = arith.constant 32 : i32
    %dma_start3A_85 = arith.constant 0 : i32
    %dma_start3A_86 = tpu.memref_slice %arg4[%add3A, %dma_start3A_84, %dma_start3A_85] : memref<32x80x128xi32, #tpu.memory_space<hbm>> -> memref<1x16x128xi32, #tpu.memory_space<hbm>>
    %dma_start3A_87 = tpu.memref_squeeze %dma_start3A_86 : memref<1x16x128xi32, #tpu.memory_space<hbm>> -> memref<16x128xi32, #tpu.memory_space<hbm>>
    tpu.enqueue_dma source(%dma_start3A_87 : memref<16x128xi32, #tpu.memory_space<hbm>>) target(%arg7 : memref<16x128xi32, #tpu.memory_space<vmem>>) target_semaphore(%arg14 : memref<!tpu.dma_semaphore, #tpu.memory_space<semaphore_mem>>)
    %scan3A_88 = arith.constant 0 : i32
    %scan3A_89 = arith.constant 0 : i32
    %scan3A_90 = arith.constant 8 : i32
    %scan3A_91 = arith.addi %scan3A_89, %scan3A_90 : i32
    %scan3A_92 = arith.constant 1 : i32
    %scan3A_93 = scf.for %scan3A_178 = %scan3A_89 to %scan3A_91 step %scan3A_92 iter_args(%scan3A_179 = %scan3A_88) -> (i32)  : i32 {
      %mul3A_180 = arith.constant 2 : i32
      %mul3A_181 = arith.muli %mul3A_180, %scan3A_178 : i32
      %add3A_182 = arith.constant 16 : i32
      %add3A_183 = arith.addi %add3A_182, %mul3A_181 : i32
      %dma_wait3A_184 = arith.constant 0 : i32
      %dma_wait3A_185 = arith.constant 0 : i32
      %dma_wait3A_186 = tpu.memref_slice %arg6[%dma_wait3A_184, %dma_wait3A_185] : memref<80x128xi32, #tpu.memory_space<vmem>> -> memref<1x128xi32, #tpu.memory_space<vmem>>
      %dma_wait3A_187 = tpu.memref_squeeze %dma_wait3A_186 : memref<1x128xi32, #tpu.memory_space<vmem>> -> memref<128xi32, #tpu.memory_space<vmem>>
      %dma_wait3A_188 = arith.constant 0 : i32
      %dma_wait3A_189 = arith.constant 0 : i32
      %dma_wait3A_190 = tpu.memref_slice %arg2[%dma_wait3A_188, %dma_wait3A_189] : memref<10000x128xf32, #tpu.memory_space<hbm>> -> memref<10000x128xf32, #tpu.memory_space<hbm>>
      tpu.wait_indirect_dma semaphore(%arg12 : memref<!tpu.dma_semaphore, #tpu.memory_space<semaphore_mem>>) src(%dma_wait3A_190 : memref<10000x128xf32, #tpu.memory_space<hbm>>) dst(%arg9 : memref<128x128xf32, #tpu.memory_space<vmem>>)
      %mul3A_191 = arith.constant 2 : i32
      %mul3A_192 = arith.muli %mul3A_191, %scan3A_178 : i32
      "tpu.region"() ({
        %run_scoped3A = tpu.sem_alloc : memref<!tpu.dma_semaphore, #tpu.memory_space<semaphore_mem>>
        %dma_start3A_224 = arith.constant 0 : i32
        %dma_start3A_225 = tpu.memref_slice %arg8[%mul3A_192, %dma_start3A_224] : memref<16x128xi32, #tpu.memory_space<vmem>> -> memref<1x128xi32, #tpu.memory_space<vmem>>
        %dma_start3A_226 = tpu.memref_squeeze %dma_start3A_225 : memref<1x128xi32, #tpu.memory_space<vmem>> -> memref<128xi32, #tpu.memory_space<vmem>>
        %dma_start3A_227 = arith.constant 0 : i32
        %dma_start3A_228 = arith.constant 0 : i32
        %dma_start3A_229 = tpu.memref_slice %arg11[%dma_start3A_227, %dma_start3A_228] : memref<10240x128xf32, #tpu.memory_space<vmem_shared>> -> memref<10240x128xf32, #tpu.memory_space<vmem_shared>>
        tpu.enqueue_indirect_dma source(%arg9 : memref<128x128xf32, #tpu.memory_space<vmem>>) target(%dma_start3A_229 : memref<10240x128xf32, #tpu.memory_space<vmem_shared>>) offsets(%dma_start3A_226 : memref<128xi32, #tpu.memory_space<vmem>>) semaphore(%run_scoped3A : memref<!tpu.dma_semaphore, #tpu.memory_space<semaphore_mem>>) {add = true}
        %dma_wait3A_230 = arith.constant 0 : i32
        %dma_wait3A_231 = tpu.memref_slice %arg8[%mul3A_192, %dma_wait3A_230] : memref<16x128xi32, #tpu.memory_space<vmem>> -> memref<1x128xi32, #tpu.memory_space<vmem>>
        %dma_wait3A_232 = tpu.memref_squeeze %dma_wait3A_231 : memref<1x128xi32, #tpu.memory_space<vmem>> -> memref<128xi32, #tpu.memory_space<vmem>>
        %dma_wait3A_233 = arith.constant 0 : i32
        %dma_wait3A_234 = arith.constant 0 : i32
        %dma_wait3A_235 = tpu.memref_slice %arg11[%dma_wait3A_233, %dma_wait3A_234] : memref<10240x128xf32, #tpu.memory_space<vmem_shared>> -> memref<10240x128xf32, #tpu.memory_space<vmem_shared>>
        tpu.wait_indirect_dma semaphore(%run_scoped3A : memref<!tpu.dma_semaphore, #tpu.memory_space<semaphore_mem>>) src(%arg9 : memref<128x128xf32, #tpu.memory_space<vmem>>) dst(%dma_wait3A_235 : memref<10240x128xf32, #tpu.memory_space<vmem_shared>>)
        tpu.yield
      }) : () -> ()
      %add3A_193 = arith.constant 2 : i32
      %add3A_194 = arith.addi %add3A_183, %add3A_193 : i32
      %min3A = arith.constant 79 : i32
      %min3A_195 = arith.minsi %add3A_194, %min3A : i32
      %dma_start3A_196 = arith.constant 0 : i32
      %dma_start3A_197 = tpu.memref_slice %arg6[%min3A_195, %dma_start3A_196] : memref<80x128xi32, #tpu.memory_space<vmem>> -> memref<1x128xi32, #tpu.memory_space<vmem>>
      %dma_start3A_198 = tpu.memref_squeeze %dma_start3A_197 : memref<1x128xi32, #tpu.memory_space<vmem>> -> memref<128xi32, #tpu.memory_space<vmem>>
      %dma_start3A_199 = arith.constant 0 : i32
      %dma_start3A_200 = arith.constant 0 : i32
      %dma_start3A_201 = tpu.memref_slice %arg2[%dma_start3A_199, %dma_start3A_200] : memref<10000x128xf32, #tpu.memory_space<hbm>> -> memref<10000x128xf32, #tpu.memory_space<hbm>>
      tpu.enqueue_indirect_dma source(%dma_start3A_201 : memref<10000x128xf32, #tpu.memory_space<hbm>>) target(%arg9 : memref<128x128xf32, #tpu.memory_space<vmem>>) offsets(%dma_start3A_198 : memref<128xi32, #tpu.memory_space<vmem>>) semaphore(%arg12 : memref<!tpu.dma_semaphore, #tpu.memory_space<semaphore_mem>>)
      %dma_wait3A_202 = arith.constant 0 : i32
      %dma_wait3A_203 = arith.constant 0 : i32
      %dma_wait3A_204 = tpu.memref_slice %arg6[%dma_wait3A_202, %dma_wait3A_203] : memref<80x128xi32, #tpu.memory_space<vmem>> -> memref<1x128xi32, #tpu.memory_space<vmem>>
      %dma_wait3A_205 = tpu.memref_squeeze %dma_wait3A_204 : memref<1x128xi32, #tpu.memory_space<vmem>> -> memref<128xi32, #tpu.memory_space<vmem>>
      %dma_wait3A_206 = arith.constant 0 : i32
      %dma_wait3A_207 = arith.constant 0 : i32
      %dma_wait3A_208 = tpu.memref_slice %arg2[%dma_wait3A_206, %dma_wait3A_207] : memref<10000x128xf32, #tpu.memory_space<hbm>> -> memref<10000x128xf32, #tpu.memory_space<hbm>>
      tpu.wait_indirect_dma semaphore(%arg13 : memref<!tpu.dma_semaphore, #tpu.memory_space<semaphore_mem>>) src(%dma_wait3A_208 : memref<10000x128xf32, #tpu.memory_space<hbm>>) dst(%arg10 : memref<128x128xf32, #tpu.memory_space<vmem>>)
      %mul3A_209 = arith.constant 2 : i32
      %mul3A_210 = arith.muli %mul3A_209, %scan3A_178 : i32
      %add3A_211 = arith.constant 1 : i32
      %add3A_212 = arith.addi %mul3A_210, %add3A_211 : i32
      "tpu.region"() ({
        %run_scoped3A = tpu.sem_alloc : memref<!tpu.dma_semaphore, #tpu.memory_space<semaphore_mem>>
        %dma_start3A_224 = arith.constant 0 : i32
        %dma_start3A_225 = tpu.memref_slice %arg8[%add3A_212, %dma_start3A_224] : memref<16x128xi32, #tpu.memory_space<vmem>> -> memref<1x128xi32, #tpu.memory_space<vmem>>
        %dma_start3A_226 = tpu.memref_squeeze %dma_start3A_225 : memref<1x128xi32, #tpu.memory_space<vmem>> -> memref<128xi32, #tpu.memory_space<vmem>>
        %dma_start3A_227 = arith.constant 0 : i32
        %dma_start3A_228 = arith.constant 0 : i32
        %dma_start3A_229 = tpu.memref_slice %arg11[%dma_start3A_227, %dma_start3A_228] : memref<10240x128xf32, #tpu.memory_space<vmem_shared>> -> memref<10240x128xf32, #tpu.memory_space<vmem_shared>>
        tpu.enqueue_indirect_dma source(%arg10 : memref<128x128xf32, #tpu.memory_space<vmem>>) target(%dma_start3A_229 : memref<10240x128xf32, #tpu.memory_space<vmem_shared>>) offsets(%dma_start3A_226 : memref<128xi32, #tpu.memory_space<vmem>>) semaphore(%run_scoped3A : memref<!tpu.dma_semaphore, #tpu.memory_space<semaphore_mem>>) {add = true}
        %dma_wait3A_230 = arith.constant 0 : i32
        %dma_wait3A_231 = tpu.memref_slice %arg8[%add3A_212, %dma_wait3A_230] : memref<16x128xi32, #tpu.memory_space<vmem>> -> memref<1x128xi32, #tpu.memory_space<vmem>>
        %dma_wait3A_232 = tpu.memref_squeeze %dma_wait3A_231 : memref<1x128xi32, #tpu.memory_space<vmem>> -> memref<128xi32, #tpu.memory_space<vmem>>
        %dma_wait3A_233 = arith.constant 0 : i32
        %dma_wait3A_234 = arith.constant 0 : i32
        %dma_wait3A_235 = tpu.memref_slice %arg11[%dma_wait3A_233, %dma_wait3A_234] : memref<10240x128xf32, #tpu.memory_space<vmem_shared>> -> memref<10240x128xf32, #tpu.memory_space<vmem_shared>>
        tpu.wait_indirect_dma semaphore(%run_scoped3A : memref<!tpu.dma_semaphore, #tpu.memory_space<semaphore_mem>>) src(%arg10 : memref<128x128xf32, #tpu.memory_space<vmem>>) dst(%dma_wait3A_235 : memref<10240x128xf32, #tpu.memory_space<vmem_shared>>)
        tpu.yield
      }) : () -> ()
      %add3A_213 = arith.constant 3 : i32
      %add3A_214 = arith.addi %add3A_183, %add3A_213 : i32
      %min3A_215 = arith.constant 79 : i32
      %min3A_216 = arith.minsi %add3A_214, %min3A_215 : i32
      %dma_start3A_217 = arith.constant 0 : i32
      %dma_start3A_218 = tpu.memref_slice %arg6[%min3A_216, %dma_start3A_217] : memref<80x128xi32, #tpu.memory_space<vmem>> -> memref<1x128xi32, #tpu.memory_space<vmem>>
      %dma_start3A_219 = tpu.memref_squeeze %dma_start3A_218 : memref<1x128xi32, #tpu.memory_space<vmem>> -> memref<128xi32, #tpu.memory_space<vmem>>
      %dma_start3A_220 = arith.constant 0 : i32
      %dma_start3A_221 = arith.constant 0 : i32
      %dma_start3A_222 = tpu.memref_slice %arg2[%dma_start3A_220, %dma_start3A_221] : memref<10000x128xf32, #tpu.memory_space<hbm>> -> memref<10000x128xf32, #tpu.memory_space<hbm>>
      tpu.enqueue_indirect_dma source(%dma_start3A_222 : memref<10000x128xf32, #tpu.memory_space<hbm>>) target(%arg10 : memref<128x128xf32, #tpu.memory_space<vmem>>) offsets(%dma_start3A_219 : memref<128xi32, #tpu.memory_space<vmem>>) semaphore(%arg13 : memref<!tpu.dma_semaphore, #tpu.memory_space<semaphore_mem>>)
      %scan3A_223 = arith.constant 0 : i32
      scf.yield %scan3A_223 : i32
    }
    %scan3A_94 = arith.constant 8 : i32
    %dma_wait3A_95 = arith.constant 0 : i32
    %dma_wait3A_96 = arith.constant 0 : i32
    %dma_wait3A_97 = arith.constant 0 : i32
    %dma_wait3A_98 = tpu.memref_slice %arg4[%dma_wait3A_95, %dma_wait3A_96, %dma_wait3A_97] : memref<32x80x128xi32, #tpu.memory_space<hbm>> -> memref<1x16x128xi32, #tpu.memory_space<hbm>>
    %dma_wait3A_99 = tpu.memref_squeeze %dma_wait3A_98 : memref<1x16x128xi32, #tpu.memory_space<hbm>> -> memref<16x128xi32, #tpu.memory_space<hbm>>
    %dma_wait3A_100 = arith.constant 0 : i32
    %dma_wait3A_101 = arith.constant 0 : i32
    %dma_wait3A_102 = tpu.memref_slice %arg4[%dma_wait3A_95, %dma_wait3A_100, %dma_wait3A_101] : memref<32x80x128xi32, #tpu.memory_space<hbm>> -> memref<1x16x128xi32, #tpu.memory_space<hbm>>
    %dma_wait3A_103 = tpu.memref_squeeze %dma_wait3A_102 : memref<1x16x128xi32, #tpu.memory_space<hbm>> -> memref<16x128xi32, #tpu.memory_space<hbm>>
    tpu.wait_dma2 semaphore(%arg14 : memref<!tpu.dma_semaphore, #tpu.memory_space<semaphore_mem>>) src(%dma_wait3A_103 : memref<16x128xi32, #tpu.memory_space<hbm>>) dst(%arg7 : memref<16x128xi32, #tpu.memory_space<vmem>>)
    %dma_start3A_104 = arith.constant 48 : i32
    %dma_start3A_105 = arith.constant 0 : i32
    %dma_start3A_106 = tpu.memref_slice %arg4[%add3A, %dma_start3A_104, %dma_start3A_105] : memref<32x80x128xi32, #tpu.memory_space<hbm>> -> memref<1x16x128xi32, #tpu.memory_space<hbm>>
    %dma_start3A_107 = tpu.memref_squeeze %dma_start3A_106 : memref<1x16x128xi32, #tpu.memory_space<hbm>> -> memref<16x128xi32, #tpu.memory_space<hbm>>
    %dma_start3A_108 = arith.constant 48 : i32
    %dma_start3A_109 = arith.constant 0 : i32
    %dma_start3A_110 = tpu.memref_slice %arg4[%add3A, %dma_start3A_108, %dma_start3A_109] : memref<32x80x128xi32, #tpu.memory_space<hbm>> -> memref<1x16x128xi32, #tpu.memory_space<hbm>>
    %dma_start3A_111 = tpu.memref_squeeze %dma_start3A_110 : memref<1x16x128xi32, #tpu.memory_space<hbm>> -> memref<16x128xi32, #tpu.memory_space<hbm>>
    tpu.enqueue_dma source(%dma_start3A_111 : memref<16x128xi32, #tpu.memory_space<hbm>>) target(%arg8 : memref<16x128xi32, #tpu.memory_space<vmem>>) target_semaphore(%arg15 : memref<!tpu.dma_semaphore, #tpu.memory_space<semaphore_mem>>)
    %scan3A_112 = arith.constant 0 : i32
    %scan3A_113 = arith.constant 0 : i32
    %scan3A_114 = arith.constant 8 : i32
    %scan3A_115 = arith.addi %scan3A_113, %scan3A_114 : i32
    %scan3A_116 = arith.constant 1 : i32
    %scan3A_117 = scf.for %scan3A_178 = %scan3A_113 to %scan3A_115 step %scan3A_116 iter_args(%scan3A_179 = %scan3A_112) -> (i32)  : i32 {
      %mul3A_180 = arith.constant 2 : i32
      %mul3A_181 = arith.muli %mul3A_180, %scan3A_178 : i32
      %add3A_182 = arith.constant 32 : i32
      %add3A_183 = arith.addi %add3A_182, %mul3A_181 : i32
      %dma_wait3A_184 = arith.constant 0 : i32
      %dma_wait3A_185 = arith.constant 0 : i32
      %dma_wait3A_186 = tpu.memref_slice %arg6[%dma_wait3A_184, %dma_wait3A_185] : memref<80x128xi32, #tpu.memory_space<vmem>> -> memref<1x128xi32, #tpu.memory_space<vmem>>
      %dma_wait3A_187 = tpu.memref_squeeze %dma_wait3A_186 : memref<1x128xi32, #tpu.memory_space<vmem>> -> memref<128xi32, #tpu.memory_space<vmem>>
      %dma_wait3A_188 = arith.constant 0 : i32
      %dma_wait3A_189 = arith.constant 0 : i32
      %dma_wait3A_190 = tpu.memref_slice %arg2[%dma_wait3A_188, %dma_wait3A_189] : memref<10000x128xf32, #tpu.memory_space<hbm>> -> memref<10000x128xf32, #tpu.memory_space<hbm>>
      tpu.wait_indirect_dma semaphore(%arg12 : memref<!tpu.dma_semaphore, #tpu.memory_space<semaphore_mem>>) src(%dma_wait3A_190 : memref<10000x128xf32, #tpu.memory_space<hbm>>) dst(%arg9 : memref<128x128xf32, #tpu.memory_space<vmem>>)
      %mul3A_191 = arith.constant 2 : i32
      %mul3A_192 = arith.muli %mul3A_191, %scan3A_178 : i32
      "tpu.region"() ({
        %run_scoped3A = tpu.sem_alloc : memref<!tpu.dma_semaphore, #tpu.memory_space<semaphore_mem>>
        %dma_start3A_224 = arith.constant 0 : i32
        %dma_start3A_225 = tpu.memref_slice %arg7[%mul3A_192, %dma_start3A_224] : memref<16x128xi32, #tpu.memory_space<vmem>> -> memref<1x128xi32, #tpu.memory_space<vmem>>
        %dma_start3A_226 = tpu.memref_squeeze %dma_start3A_225 : memref<1x128xi32, #tpu.memory_space<vmem>> -> memref<128xi32, #tpu.memory_space<vmem>>
        %dma_start3A_227 = arith.constant 0 : i32
        %dma_start3A_228 = arith.constant 0 : i32
        %dma_start3A_229 = tpu.memref_slice %arg11[%dma_start3A_227, %dma_start3A_228] : memref<10240x128xf32, #tpu.memory_space<vmem_shared>> -> memref<10240x128xf32, #tpu.memory_space<vmem_shared>>
        tpu.enqueue_indirect_dma source(%arg9 : memref<128x128xf32, #tpu.memory_space<vmem>>) target(%dma_start3A_229 : memref<10240x128xf32, #tpu.memory_space<vmem_shared>>) offsets(%dma_start3A_226 : memref<128xi32, #tpu.memory_space<vmem>>) semaphore(%run_scoped3A : memref<!tpu.dma_semaphore, #tpu.memory_space<semaphore_mem>>) {add = true}
        %dma_wait3A_230 = arith.constant 0 : i32
        %dma_wait3A_231 = tpu.memref_slice %arg7[%mul3A_192, %dma_wait3A_230] : memref<16x128xi32, #tpu.memory_space<vmem>> -> memref<1x128xi32, #tpu.memory_space<vmem>>
        %dma_wait3A_232 = tpu.memref_squeeze %dma_wait3A_231 : memref<1x128xi32, #tpu.memory_space<vmem>> -> memref<128xi32, #tpu.memory_space<vmem>>
        %dma_wait3A_233 = arith.constant 0 : i32
        %dma_wait3A_234 = arith.constant 0 : i32
        %dma_wait3A_235 = tpu.memref_slice %arg11[%dma_wait3A_233, %dma_wait3A_234] : memref<10240x128xf32, #tpu.memory_space<vmem_shared>> -> memref<10240x128xf32, #tpu.memory_space<vmem_shared>>
        tpu.wait_indirect_dma semaphore(%run_scoped3A : memref<!tpu.dma_semaphore, #tpu.memory_space<semaphore_mem>>) src(%arg9 : memref<128x128xf32, #tpu.memory_space<vmem>>) dst(%dma_wait3A_235 : memref<10240x128xf32, #tpu.memory_space<vmem_shared>>)
        tpu.yield
      }) : () -> ()
      %add3A_193 = arith.constant 2 : i32
      %add3A_194 = arith.addi %add3A_183, %add3A_193 : i32
      %min3A = arith.constant 79 : i32
      %min3A_195 = arith.minsi %add3A_194, %min3A : i32
      %dma_start3A_196 = arith.constant 0 : i32
      %dma_start3A_197 = tpu.memref_slice %arg6[%min3A_195, %dma_start3A_196] : memref<80x128xi32, #tpu.memory_space<vmem>> -> memref<1x128xi32, #tpu.memory_space<vmem>>
      %dma_start3A_198 = tpu.memref_squeeze %dma_start3A_197 : memref<1x128xi32, #tpu.memory_space<vmem>> -> memref<128xi32, #tpu.memory_space<vmem>>
      %dma_start3A_199 = arith.constant 0 : i32
      %dma_start3A_200 = arith.constant 0 : i32
      %dma_start3A_201 = tpu.memref_slice %arg2[%dma_start3A_199, %dma_start3A_200] : memref<10000x128xf32, #tpu.memory_space<hbm>> -> memref<10000x128xf32, #tpu.memory_space<hbm>>
      tpu.enqueue_indirect_dma source(%dma_start3A_201 : memref<10000x128xf32, #tpu.memory_space<hbm>>) target(%arg9 : memref<128x128xf32, #tpu.memory_space<vmem>>) offsets(%dma_start3A_198 : memref<128xi32, #tpu.memory_space<vmem>>) semaphore(%arg12 : memref<!tpu.dma_semaphore, #tpu.memory_space<semaphore_mem>>)
      %dma_wait3A_202 = arith.constant 0 : i32
      %dma_wait3A_203 = arith.constant 0 : i32
      %dma_wait3A_204 = tpu.memref_slice %arg6[%dma_wait3A_202, %dma_wait3A_203] : memref<80x128xi32, #tpu.memory_space<vmem>> -> memref<1x128xi32, #tpu.memory_space<vmem>>
      %dma_wait3A_205 = tpu.memref_squeeze %dma_wait3A_204 : memref<1x128xi32, #tpu.memory_space<vmem>> -> memref<128xi32, #tpu.memory_space<vmem>>
      %dma_wait3A_206 = arith.constant 0 : i32
      %dma_wait3A_207 = arith.constant 0 : i32
      %dma_wait3A_208 = tpu.memref_slice %arg2[%dma_wait3A_206, %dma_wait3A_207] : memref<10000x128xf32, #tpu.memory_space<hbm>> -> memref<10000x128xf32, #tpu.memory_space<hbm>>
      tpu.wait_indirect_dma semaphore(%arg13 : memref<!tpu.dma_semaphore, #tpu.memory_space<semaphore_mem>>) src(%dma_wait3A_208 : memref<10000x128xf32, #tpu.memory_space<hbm>>) dst(%arg10 : memref<128x128xf32, #tpu.memory_space<vmem>>)
      %mul3A_209 = arith.constant 2 : i32
      %mul3A_210 = arith.muli %mul3A_209, %scan3A_178 : i32
      %add3A_211 = arith.constant 1 : i32
      %add3A_212 = arith.addi %mul3A_210, %add3A_211 : i32
      "tpu.region"() ({
        %run_scoped3A = tpu.sem_alloc : memref<!tpu.dma_semaphore, #tpu.memory_space<semaphore_mem>>
        %dma_start3A_224 = arith.constant 0 : i32
        %dma_start3A_225 = tpu.memref_slice %arg7[%add3A_212, %dma_start3A_224] : memref<16x128xi32, #tpu.memory_space<vmem>> -> memref<1x128xi32, #tpu.memory_space<vmem>>
        %dma_start3A_226 = tpu.memref_squeeze %dma_start3A_225 : memref<1x128xi32, #tpu.memory_space<vmem>> -> memref<128xi32, #tpu.memory_space<vmem>>
        %dma_start3A_227 = arith.constant 0 : i32
        %dma_start3A_228 = arith.constant 0 : i32
        %dma_start3A_229 = tpu.memref_slice %arg11[%dma_start3A_227, %dma_start3A_228] : memref<10240x128xf32, #tpu.memory_space<vmem_shared>> -> memref<10240x128xf32, #tpu.memory_space<vmem_shared>>
        tpu.enqueue_indirect_dma source(%arg10 : memref<128x128xf32, #tpu.memory_space<vmem>>) target(%dma_start3A_229 : memref<10240x128xf32, #tpu.memory_space<vmem_shared>>) offsets(%dma_start3A_226 : memref<128xi32, #tpu.memory_space<vmem>>) semaphore(%run_scoped3A : memref<!tpu.dma_semaphore, #tpu.memory_space<semaphore_mem>>) {add = true}
        %dma_wait3A_230 = arith.constant 0 : i32
        %dma_wait3A_231 = tpu.memref_slice %arg7[%add3A_212, %dma_wait3A_230] : memref<16x128xi32, #tpu.memory_space<vmem>> -> memref<1x128xi32, #tpu.memory_space<vmem>>
        %dma_wait3A_232 = tpu.memref_squeeze %dma_wait3A_231 : memref<1x128xi32, #tpu.memory_space<vmem>> -> memref<128xi32, #tpu.memory_space<vmem>>
        %dma_wait3A_233 = arith.constant 0 : i32
        %dma_wait3A_234 = arith.constant 0 : i32
        %dma_wait3A_235 = tpu.memref_slice %arg11[%dma_wait3A_233, %dma_wait3A_234] : memref<10240x128xf32, #tpu.memory_space<vmem_shared>> -> memref<10240x128xf32, #tpu.memory_space<vmem_shared>>
        tpu.wait_indirect_dma semaphore(%run_scoped3A : memref<!tpu.dma_semaphore, #tpu.memory_space<semaphore_mem>>) src(%arg10 : memref<128x128xf32, #tpu.memory_space<vmem>>) dst(%dma_wait3A_235 : memref<10240x128xf32, #tpu.memory_space<vmem_shared>>)
        tpu.yield
      }) : () -> ()
      %add3A_213 = arith.constant 3 : i32
      %add3A_214 = arith.addi %add3A_183, %add3A_213 : i32
      %min3A_215 = arith.constant 79 : i32
      %min3A_216 = arith.minsi %add3A_214, %min3A_215 : i32
      %dma_start3A_217 = arith.constant 0 : i32
      %dma_start3A_218 = tpu.memref_slice %arg6[%min3A_216, %dma_start3A_217] : memref<80x128xi32, #tpu.memory_space<vmem>> -> memref<1x128xi32, #tpu.memory_space<vmem>>
      %dma_start3A_219 = tpu.memref_squeeze %dma_start3A_218 : memref<1x128xi32, #tpu.memory_space<vmem>> -> memref<128xi32, #tpu.memory_space<vmem>>
      %dma_start3A_220 = arith.constant 0 : i32
      %dma_start3A_221 = arith.constant 0 : i32
      %dma_start3A_222 = tpu.memref_slice %arg2[%dma_start3A_220, %dma_start3A_221] : memref<10000x128xf32, #tpu.memory_space<hbm>> -> memref<10000x128xf32, #tpu.memory_space<hbm>>
      tpu.enqueue_indirect_dma source(%dma_start3A_222 : memref<10000x128xf32, #tpu.memory_space<hbm>>) target(%arg10 : memref<128x128xf32, #tpu.memory_space<vmem>>) offsets(%dma_start3A_219 : memref<128xi32, #tpu.memory_space<vmem>>) semaphore(%arg13 : memref<!tpu.dma_semaphore, #tpu.memory_space<semaphore_mem>>)
      %scan3A_223 = arith.constant 0 : i32
      scf.yield %scan3A_223 : i32
    }
    %scan3A_118 = arith.constant 8 : i32
    %dma_wait3A_119 = arith.constant 0 : i32
    %dma_wait3A_120 = arith.constant 0 : i32
    %dma_wait3A_121 = arith.constant 0 : i32
    %dma_wait3A_122 = tpu.memref_slice %arg4[%dma_wait3A_119, %dma_wait3A_120, %dma_wait3A_121] : memref<32x80x128xi32, #tpu.memory_space<hbm>> -> memref<1x16x128xi32, #tpu.memory_space<hbm>>
    %dma_wait3A_123 = tpu.memref_squeeze %dma_wait3A_122 : memref<1x16x128xi32, #tpu.memory_space<hbm>> -> memref<16x128xi32, #tpu.memory_space<hbm>>
    %dma_wait3A_124 = arith.constant 0 : i32
    %dma_wait3A_125 = arith.constant 0 : i32
    %dma_wait3A_126 = tpu.memref_slice %arg4[%dma_wait3A_119, %dma_wait3A_124, %dma_wait3A_125] : memref<32x80x128xi32, #tpu.memory_space<hbm>> -> memref<1x16x128xi32, #tpu.memory_space<hbm>>
    %dma_wait3A_127 = tpu.memref_squeeze %dma_wait3A_126 : memref<1x16x128xi32, #tpu.memory_space<hbm>> -> memref<16x128xi32, #tpu.memory_space<hbm>>
    tpu.wait_dma2 semaphore(%arg15 : memref<!tpu.dma_semaphore, #tpu.memory_space<semaphore_mem>>) src(%dma_wait3A_127 : memref<16x128xi32, #tpu.memory_space<hbm>>) dst(%arg8 : memref<16x128xi32, #tpu.memory_space<vmem>>)
    %dma_start3A_128 = arith.constant 64 : i32
    %dma_start3A_129 = arith.constant 0 : i32
    %dma_start3A_130 = tpu.memref_slice %arg4[%add3A, %dma_start3A_128, %dma_start3A_129] : memref<32x80x128xi32, #tpu.memory_space<hbm>> -> memref<1x16x128xi32, #tpu.memory_space<hbm>>
    %dma_start3A_131 = tpu.memref_squeeze %dma_start3A_130 : memref<1x16x128xi32, #tpu.memory_space<hbm>> -> memref<16x128xi32, #tpu.memory_space<hbm>>
    %dma_start3A_132 = arith.constant 64 : i32
    %dma_start3A_133 = arith.constant 0 : i32
    %dma_start3A_134 = tpu.memref_slice %arg4[%add3A, %dma_start3A_132, %dma_start3A_133] : memref<32x80x128xi32, #tpu.memory_space<hbm>> -> memref<1x16x128xi32, #tpu.memory_space<hbm>>
    %dma_start3A_135 = tpu.memref_squeeze %dma_start3A_134 : memref<1x16x128xi32, #tpu.memory_space<hbm>> -> memref<16x128xi32, #tpu.memory_space<hbm>>
    tpu.enqueue_dma source(%dma_start3A_135 : memref<16x128xi32, #tpu.memory_space<hbm>>) target(%arg7 : memref<16x128xi32, #tpu.memory_space<vmem>>) target_semaphore(%arg14 : memref<!tpu.dma_semaphore, #tpu.memory_space<semaphore_mem>>)
    %scan3A_136 = arith.constant 0 : i32
    %scan3A_137 = arith.constant 0 : i32
    %scan3A_138 = arith.constant 8 : i32
    %scan3A_139 = arith.addi %scan3A_137, %scan3A_138 : i32
    %scan3A_140 = arith.constant 1 : i32
    %scan3A_141 = scf.for %scan3A_178 = %scan3A_137 to %scan3A_139 step %scan3A_140 iter_args(%scan3A_179 = %scan3A_136) -> (i32)  : i32 {
      %mul3A_180 = arith.constant 2 : i32
      %mul3A_181 = arith.muli %mul3A_180, %scan3A_178 : i32
      %add3A_182 = arith.constant 48 : i32
      %add3A_183 = arith.addi %add3A_182, %mul3A_181 : i32
      %dma_wait3A_184 = arith.constant 0 : i32
      %dma_wait3A_185 = arith.constant 0 : i32
      %dma_wait3A_186 = tpu.memref_slice %arg6[%dma_wait3A_184, %dma_wait3A_185] : memref<80x128xi32, #tpu.memory_space<vmem>> -> memref<1x128xi32, #tpu.memory_space<vmem>>
      %dma_wait3A_187 = tpu.memref_squeeze %dma_wait3A_186 : memref<1x128xi32, #tpu.memory_space<vmem>> -> memref<128xi32, #tpu.memory_space<vmem>>
      %dma_wait3A_188 = arith.constant 0 : i32
      %dma_wait3A_189 = arith.constant 0 : i32
      %dma_wait3A_190 = tpu.memref_slice %arg2[%dma_wait3A_188, %dma_wait3A_189] : memref<10000x128xf32, #tpu.memory_space<hbm>> -> memref<10000x128xf32, #tpu.memory_space<hbm>>
      tpu.wait_indirect_dma semaphore(%arg12 : memref<!tpu.dma_semaphore, #tpu.memory_space<semaphore_mem>>) src(%dma_wait3A_190 : memref<10000x128xf32, #tpu.memory_space<hbm>>) dst(%arg9 : memref<128x128xf32, #tpu.memory_space<vmem>>)
      %mul3A_191 = arith.constant 2 : i32
      %mul3A_192 = arith.muli %mul3A_191, %scan3A_178 : i32
      "tpu.region"() ({
        %run_scoped3A = tpu.sem_alloc : memref<!tpu.dma_semaphore, #tpu.memory_space<semaphore_mem>>
        %dma_start3A_224 = arith.constant 0 : i32
        %dma_start3A_225 = tpu.memref_slice %arg8[%mul3A_192, %dma_start3A_224] : memref<16x128xi32, #tpu.memory_space<vmem>> -> memref<1x128xi32, #tpu.memory_space<vmem>>
        %dma_start3A_226 = tpu.memref_squeeze %dma_start3A_225 : memref<1x128xi32, #tpu.memory_space<vmem>> -> memref<128xi32, #tpu.memory_space<vmem>>
        %dma_start3A_227 = arith.constant 0 : i32
        %dma_start3A_228 = arith.constant 0 : i32
        %dma_start3A_229 = tpu.memref_slice %arg11[%dma_start3A_227, %dma_start3A_228] : memref<10240x128xf32, #tpu.memory_space<vmem_shared>> -> memref<10240x128xf32, #tpu.memory_space<vmem_shared>>
        tpu.enqueue_indirect_dma source(%arg9 : memref<128x128xf32, #tpu.memory_space<vmem>>) target(%dma_start3A_229 : memref<10240x128xf32, #tpu.memory_space<vmem_shared>>) offsets(%dma_start3A_226 : memref<128xi32, #tpu.memory_space<vmem>>) semaphore(%run_scoped3A : memref<!tpu.dma_semaphore, #tpu.memory_space<semaphore_mem>>) {add = true}
        %dma_wait3A_230 = arith.constant 0 : i32
        %dma_wait3A_231 = tpu.memref_slice %arg8[%mul3A_192, %dma_wait3A_230] : memref<16x128xi32, #tpu.memory_space<vmem>> -> memref<1x128xi32, #tpu.memory_space<vmem>>
        %dma_wait3A_232 = tpu.memref_squeeze %dma_wait3A_231 : memref<1x128xi32, #tpu.memory_space<vmem>> -> memref<128xi32, #tpu.memory_space<vmem>>
        %dma_wait3A_233 = arith.constant 0 : i32
        %dma_wait3A_234 = arith.constant 0 : i32
        %dma_wait3A_235 = tpu.memref_slice %arg11[%dma_wait3A_233, %dma_wait3A_234] : memref<10240x128xf32, #tpu.memory_space<vmem_shared>> -> memref<10240x128xf32, #tpu.memory_space<vmem_shared>>
        tpu.wait_indirect_dma semaphore(%run_scoped3A : memref<!tpu.dma_semaphore, #tpu.memory_space<semaphore_mem>>) src(%arg9 : memref<128x128xf32, #tpu.memory_space<vmem>>) dst(%dma_wait3A_235 : memref<10240x128xf32, #tpu.memory_space<vmem_shared>>)
        tpu.yield
      }) : () -> ()
      %add3A_193 = arith.constant 2 : i32
      %add3A_194 = arith.addi %add3A_183, %add3A_193 : i32
      %min3A = arith.constant 79 : i32
      %min3A_195 = arith.minsi %add3A_194, %min3A : i32
      %dma_start3A_196 = arith.constant 0 : i32
      %dma_start3A_197 = tpu.memref_slice %arg6[%min3A_195, %dma_start3A_196] : memref<80x128xi32, #tpu.memory_space<vmem>> -> memref<1x128xi32, #tpu.memory_space<vmem>>
      %dma_start3A_198 = tpu.memref_squeeze %dma_start3A_197 : memref<1x128xi32, #tpu.memory_space<vmem>> -> memref<128xi32, #tpu.memory_space<vmem>>
      %dma_start3A_199 = arith.constant 0 : i32
      %dma_start3A_200 = arith.constant 0 : i32
      %dma_start3A_201 = tpu.memref_slice %arg2[%dma_start3A_199, %dma_start3A_200] : memref<10000x128xf32, #tpu.memory_space<hbm>> -> memref<10000x128xf32, #tpu.memory_space<hbm>>
      tpu.enqueue_indirect_dma source(%dma_start3A_201 : memref<10000x128xf32, #tpu.memory_space<hbm>>) target(%arg9 : memref<128x128xf32, #tpu.memory_space<vmem>>) offsets(%dma_start3A_198 : memref<128xi32, #tpu.memory_space<vmem>>) semaphore(%arg12 : memref<!tpu.dma_semaphore, #tpu.memory_space<semaphore_mem>>)
      %dma_wait3A_202 = arith.constant 0 : i32
      %dma_wait3A_203 = arith.constant 0 : i32
      %dma_wait3A_204 = tpu.memref_slice %arg6[%dma_wait3A_202, %dma_wait3A_203] : memref<80x128xi32, #tpu.memory_space<vmem>> -> memref<1x128xi32, #tpu.memory_space<vmem>>
      %dma_wait3A_205 = tpu.memref_squeeze %dma_wait3A_204 : memref<1x128xi32, #tpu.memory_space<vmem>> -> memref<128xi32, #tpu.memory_space<vmem>>
      %dma_wait3A_206 = arith.constant 0 : i32
      %dma_wait3A_207 = arith.constant 0 : i32
      %dma_wait3A_208 = tpu.memref_slice %arg2[%dma_wait3A_206, %dma_wait3A_207] : memref<10000x128xf32, #tpu.memory_space<hbm>> -> memref<10000x128xf32, #tpu.memory_space<hbm>>
      tpu.wait_indirect_dma semaphore(%arg13 : memref<!tpu.dma_semaphore, #tpu.memory_space<semaphore_mem>>) src(%dma_wait3A_208 : memref<10000x128xf32, #tpu.memory_space<hbm>>) dst(%arg10 : memref<128x128xf32, #tpu.memory_space<vmem>>)
      %mul3A_209 = arith.constant 2 : i32
      %mul3A_210 = arith.muli %mul3A_209, %scan3A_178 : i32
      %add3A_211 = arith.constant 1 : i32
      %add3A_212 = arith.addi %mul3A_210, %add3A_211 : i32
      "tpu.region"() ({
        %run_scoped3A = tpu.sem_alloc : memref<!tpu.dma_semaphore, #tpu.memory_space<semaphore_mem>>
        %dma_start3A_224 = arith.constant 0 : i32
        %dma_start3A_225 = tpu.memref_slice %arg8[%add3A_212, %dma_start3A_224] : memref<16x128xi32, #tpu.memory_space<vmem>> -> memref<1x128xi32, #tpu.memory_space<vmem>>
        %dma_start3A_226 = tpu.memref_squeeze %dma_start3A_225 : memref<1x128xi32, #tpu.memory_space<vmem>> -> memref<128xi32, #tpu.memory_space<vmem>>
        %dma_start3A_227 = arith.constant 0 : i32
        %dma_start3A_228 = arith.constant 0 : i32
        %dma_start3A_229 = tpu.memref_slice %arg11[%dma_start3A_227, %dma_start3A_228] : memref<10240x128xf32, #tpu.memory_space<vmem_shared>> -> memref<10240x128xf32, #tpu.memory_space<vmem_shared>>
        tpu.enqueue_indirect_dma source(%arg10 : memref<128x128xf32, #tpu.memory_space<vmem>>) target(%dma_start3A_229 : memref<10240x128xf32, #tpu.memory_space<vmem_shared>>) offsets(%dma_start3A_226 : memref<128xi32, #tpu.memory_space<vmem>>) semaphore(%run_scoped3A : memref<!tpu.dma_semaphore, #tpu.memory_space<semaphore_mem>>) {add = true}
        %dma_wait3A_230 = arith.constant 0 : i32
        %dma_wait3A_231 = tpu.memref_slice %arg8[%add3A_212, %dma_wait3A_230] : memref<16x128xi32, #tpu.memory_space<vmem>> -> memref<1x128xi32, #tpu.memory_space<vmem>>
        %dma_wait3A_232 = tpu.memref_squeeze %dma_wait3A_231 : memref<1x128xi32, #tpu.memory_space<vmem>> -> memref<128xi32, #tpu.memory_space<vmem>>
        %dma_wait3A_233 = arith.constant 0 : i32
        %dma_wait3A_234 = arith.constant 0 : i32
        %dma_wait3A_235 = tpu.memref_slice %arg11[%dma_wait3A_233, %dma_wait3A_234] : memref<10240x128xf32, #tpu.memory_space<vmem_shared>> -> memref<10240x128xf32, #tpu.memory_space<vmem_shared>>
        tpu.wait_indirect_dma semaphore(%run_scoped3A : memref<!tpu.dma_semaphore, #tpu.memory_space<semaphore_mem>>) src(%arg10 : memref<128x128xf32, #tpu.memory_space<vmem>>) dst(%dma_wait3A_235 : memref<10240x128xf32, #tpu.memory_space<vmem_shared>>)
        tpu.yield
      }) : () -> ()
      %add3A_213 = arith.constant 3 : i32
      %add3A_214 = arith.addi %add3A_183, %add3A_213 : i32
      %min3A_215 = arith.constant 79 : i32
      %min3A_216 = arith.minsi %add3A_214, %min3A_215 : i32
      %dma_start3A_217 = arith.constant 0 : i32
      %dma_start3A_218 = tpu.memref_slice %arg6[%min3A_216, %dma_start3A_217] : memref<80x128xi32, #tpu.memory_space<vmem>> -> memref<1x128xi32, #tpu.memory_space<vmem>>
      %dma_start3A_219 = tpu.memref_squeeze %dma_start3A_218 : memref<1x128xi32, #tpu.memory_space<vmem>> -> memref<128xi32, #tpu.memory_space<vmem>>
      %dma_start3A_220 = arith.constant 0 : i32
      %dma_start3A_221 = arith.constant 0 : i32
      %dma_start3A_222 = tpu.memref_slice %arg2[%dma_start3A_220, %dma_start3A_221] : memref<10000x128xf32, #tpu.memory_space<hbm>> -> memref<10000x128xf32, #tpu.memory_space<hbm>>
      tpu.enqueue_indirect_dma source(%dma_start3A_222 : memref<10000x128xf32, #tpu.memory_space<hbm>>) target(%arg10 : memref<128x128xf32, #tpu.memory_space<vmem>>) offsets(%dma_start3A_219 : memref<128xi32, #tpu.memory_space<vmem>>) semaphore(%arg13 : memref<!tpu.dma_semaphore, #tpu.memory_space<semaphore_mem>>)
      %scan3A_223 = arith.constant 0 : i32
      scf.yield %scan3A_223 : i32
    }
    %scan3A_142 = arith.constant 8 : i32
    %dma_wait3A_143 = arith.constant 0 : i32
    %dma_wait3A_144 = arith.constant 0 : i32
    %dma_wait3A_145 = arith.constant 0 : i32
    %dma_wait3A_146 = tpu.memref_slice %arg4[%dma_wait3A_143, %dma_wait3A_144, %dma_wait3A_145] : memref<32x80x128xi32, #tpu.memory_space<hbm>> -> memref<1x16x128xi32, #tpu.memory_space<hbm>>
    %dma_wait3A_147 = tpu.memref_squeeze %dma_wait3A_146 : memref<1x16x128xi32, #tpu.memory_space<hbm>> -> memref<16x128xi32, #tpu.memory_space<hbm>>
    %dma_wait3A_148 = arith.constant 0 : i32
    %dma_wait3A_149 = arith.constant 0 : i32
    %dma_wait3A_150 = tpu.memref_slice %arg4[%dma_wait3A_143, %dma_wait3A_148, %dma_wait3A_149] : memref<32x80x128xi32, #tpu.memory_space<hbm>> -> memref<1x16x128xi32, #tpu.memory_space<hbm>>
    %dma_wait3A_151 = tpu.memref_squeeze %dma_wait3A_150 : memref<1x16x128xi32, #tpu.memory_space<hbm>> -> memref<16x128xi32, #tpu.memory_space<hbm>>
    tpu.wait_dma2 semaphore(%arg14 : memref<!tpu.dma_semaphore, #tpu.memory_space<semaphore_mem>>) src(%dma_wait3A_151 : memref<16x128xi32, #tpu.memory_space<hbm>>) dst(%arg7 : memref<16x128xi32, #tpu.memory_space<vmem>>)
    %scan3A_152 = arith.constant 0 : i32
    %scan3A_153 = arith.constant 0 : i32
    %scan3A_154 = arith.constant 8 : i32
    %scan3A_155 = arith.addi %scan3A_153, %scan3A_154 : i32
    %scan3A_156 = arith.constant 1 : i32
    %scan3A_157 = scf.for %scan3A_178 = %scan3A_153 to %scan3A_155 step %scan3A_156 iter_args(%scan3A_179 = %scan3A_152) -> (i32)  : i32 {
      %mul3A_180 = arith.constant 2 : i32
      %mul3A_181 = arith.muli %mul3A_180, %scan3A_178 : i32
      %add3A_182 = arith.constant 64 : i32
      %add3A_183 = arith.addi %add3A_182, %mul3A_181 : i32
      %dma_wait3A_184 = arith.constant 0 : i32
      %dma_wait3A_185 = arith.constant 0 : i32
      %dma_wait3A_186 = tpu.memref_slice %arg6[%dma_wait3A_184, %dma_wait3A_185] : memref<80x128xi32, #tpu.memory_space<vmem>> -> memref<1x128xi32, #tpu.memory_space<vmem>>
      %dma_wait3A_187 = tpu.memref_squeeze %dma_wait3A_186 : memref<1x128xi32, #tpu.memory_space<vmem>> -> memref<128xi32, #tpu.memory_space<vmem>>
      %dma_wait3A_188 = arith.constant 0 : i32
      %dma_wait3A_189 = arith.constant 0 : i32
      %dma_wait3A_190 = tpu.memref_slice %arg2[%dma_wait3A_188, %dma_wait3A_189] : memref<10000x128xf32, #tpu.memory_space<hbm>> -> memref<10000x128xf32, #tpu.memory_space<hbm>>
      tpu.wait_indirect_dma semaphore(%arg12 : memref<!tpu.dma_semaphore, #tpu.memory_space<semaphore_mem>>) src(%dma_wait3A_190 : memref<10000x128xf32, #tpu.memory_space<hbm>>) dst(%arg9 : memref<128x128xf32, #tpu.memory_space<vmem>>)
      %mul3A_191 = arith.constant 2 : i32
      %mul3A_192 = arith.muli %mul3A_191, %scan3A_178 : i32
      "tpu.region"() ({
        %run_scoped3A = tpu.sem_alloc : memref<!tpu.dma_semaphore, #tpu.memory_space<semaphore_mem>>
        %dma_start3A_224 = arith.constant 0 : i32
        %dma_start3A_225 = tpu.memref_slice %arg7[%mul3A_192, %dma_start3A_224] : memref<16x128xi32, #tpu.memory_space<vmem>> -> memref<1x128xi32, #tpu.memory_space<vmem>>
        %dma_start3A_226 = tpu.memref_squeeze %dma_start3A_225 : memref<1x128xi32, #tpu.memory_space<vmem>> -> memref<128xi32, #tpu.memory_space<vmem>>
        %dma_start3A_227 = arith.constant 0 : i32
        %dma_start3A_228 = arith.constant 0 : i32
        %dma_start3A_229 = tpu.memref_slice %arg11[%dma_start3A_227, %dma_start3A_228] : memref<10240x128xf32, #tpu.memory_space<vmem_shared>> -> memref<10240x128xf32, #tpu.memory_space<vmem_shared>>
        tpu.enqueue_indirect_dma source(%arg9 : memref<128x128xf32, #tpu.memory_space<vmem>>) target(%dma_start3A_229 : memref<10240x128xf32, #tpu.memory_space<vmem_shared>>) offsets(%dma_start3A_226 : memref<128xi32, #tpu.memory_space<vmem>>) semaphore(%run_scoped3A : memref<!tpu.dma_semaphore, #tpu.memory_space<semaphore_mem>>) {add = true}
        %dma_wait3A_230 = arith.constant 0 : i32
        %dma_wait3A_231 = tpu.memref_slice %arg7[%mul3A_192, %dma_wait3A_230] : memref<16x128xi32, #tpu.memory_space<vmem>> -> memref<1x128xi32, #tpu.memory_space<vmem>>
        %dma_wait3A_232 = tpu.memref_squeeze %dma_wait3A_231 : memref<1x128xi32, #tpu.memory_space<vmem>> -> memref<128xi32, #tpu.memory_space<vmem>>
        %dma_wait3A_233 = arith.constant 0 : i32
        %dma_wait3A_234 = arith.constant 0 : i32
        %dma_wait3A_235 = tpu.memref_slice %arg11[%dma_wait3A_233, %dma_wait3A_234] : memref<10240x128xf32, #tpu.memory_space<vmem_shared>> -> memref<10240x128xf32, #tpu.memory_space<vmem_shared>>
        tpu.wait_indirect_dma semaphore(%run_scoped3A : memref<!tpu.dma_semaphore, #tpu.memory_space<semaphore_mem>>) src(%arg9 : memref<128x128xf32, #tpu.memory_space<vmem>>) dst(%dma_wait3A_235 : memref<10240x128xf32, #tpu.memory_space<vmem_shared>>)
        tpu.yield
      }) : () -> ()
      %add3A_193 = arith.constant 2 : i32
      %add3A_194 = arith.addi %add3A_183, %add3A_193 : i32
      %min3A = arith.constant 79 : i32
      %min3A_195 = arith.minsi %add3A_194, %min3A : i32
      %dma_start3A_196 = arith.constant 0 : i32
      %dma_start3A_197 = tpu.memref_slice %arg6[%min3A_195, %dma_start3A_196] : memref<80x128xi32, #tpu.memory_space<vmem>> -> memref<1x128xi32, #tpu.memory_space<vmem>>
      %dma_start3A_198 = tpu.memref_squeeze %dma_start3A_197 : memref<1x128xi32, #tpu.memory_space<vmem>> -> memref<128xi32, #tpu.memory_space<vmem>>
      %dma_start3A_199 = arith.constant 0 : i32
      %dma_start3A_200 = arith.constant 0 : i32
      %dma_start3A_201 = tpu.memref_slice %arg2[%dma_start3A_199, %dma_start3A_200] : memref<10000x128xf32, #tpu.memory_space<hbm>> -> memref<10000x128xf32, #tpu.memory_space<hbm>>
      tpu.enqueue_indirect_dma source(%dma_start3A_201 : memref<10000x128xf32, #tpu.memory_space<hbm>>) target(%arg9 : memref<128x128xf32, #tpu.memory_space<vmem>>) offsets(%dma_start3A_198 : memref<128xi32, #tpu.memory_space<vmem>>) semaphore(%arg12 : memref<!tpu.dma_semaphore, #tpu.memory_space<semaphore_mem>>)
      %dma_wait3A_202 = arith.constant 0 : i32
      %dma_wait3A_203 = arith.constant 0 : i32
      %dma_wait3A_204 = tpu.memref_slice %arg6[%dma_wait3A_202, %dma_wait3A_203] : memref<80x128xi32, #tpu.memory_space<vmem>> -> memref<1x128xi32, #tpu.memory_space<vmem>>
      %dma_wait3A_205 = tpu.memref_squeeze %dma_wait3A_204 : memref<1x128xi32, #tpu.memory_space<vmem>> -> memref<128xi32, #tpu.memory_space<vmem>>
      %dma_wait3A_206 = arith.constant 0 : i32
      %dma_wait3A_207 = arith.constant 0 : i32
      %dma_wait3A_208 = tpu.memref_slice %arg2[%dma_wait3A_206, %dma_wait3A_207] : memref<10000x128xf32, #tpu.memory_space<hbm>> -> memref<10000x128xf32, #tpu.memory_space<hbm>>
      tpu.wait_indirect_dma semaphore(%arg13 : memref<!tpu.dma_semaphore, #tpu.memory_space<semaphore_mem>>) src(%dma_wait3A_208 : memref<10000x128xf32, #tpu.memory_space<hbm>>) dst(%arg10 : memref<128x128xf32, #tpu.memory_space<vmem>>)
      %mul3A_209 = arith.constant 2 : i32
      %mul3A_210 = arith.muli %mul3A_209, %scan3A_178 : i32
      %add3A_211 = arith.constant 1 : i32
      %add3A_212 = arith.addi %mul3A_210, %add3A_211 : i32
      "tpu.region"() ({
        %run_scoped3A = tpu.sem_alloc : memref<!tpu.dma_semaphore, #tpu.memory_space<semaphore_mem>>
        %dma_start3A_224 = arith.constant 0 : i32
        %dma_start3A_225 = tpu.memref_slice %arg7[%add3A_212, %dma_start3A_224] : memref<16x128xi32, #tpu.memory_space<vmem>> -> memref<1x128xi32, #tpu.memory_space<vmem>>
        %dma_start3A_226 = tpu.memref_squeeze %dma_start3A_225 : memref<1x128xi32, #tpu.memory_space<vmem>> -> memref<128xi32, #tpu.memory_space<vmem>>
        %dma_start3A_227 = arith.constant 0 : i32
        %dma_start3A_228 = arith.constant 0 : i32
        %dma_start3A_229 = tpu.memref_slice %arg11[%dma_start3A_227, %dma_start3A_228] : memref<10240x128xf32, #tpu.memory_space<vmem_shared>> -> memref<10240x128xf32, #tpu.memory_space<vmem_shared>>
        tpu.enqueue_indirect_dma source(%arg10 : memref<128x128xf32, #tpu.memory_space<vmem>>) target(%dma_start3A_229 : memref<10240x128xf32, #tpu.memory_space<vmem_shared>>) offsets(%dma_start3A_226 : memref<128xi32, #tpu.memory_space<vmem>>) semaphore(%run_scoped3A : memref<!tpu.dma_semaphore, #tpu.memory_space<semaphore_mem>>) {add = true}
        %dma_wait3A_230 = arith.constant 0 : i32
        %dma_wait3A_231 = tpu.memref_slice %arg7[%add3A_212, %dma_wait3A_230] : memref<16x128xi32, #tpu.memory_space<vmem>> -> memref<1x128xi32, #tpu.memory_space<vmem>>
        %dma_wait3A_232 = tpu.memref_squeeze %dma_wait3A_231 : memref<1x128xi32, #tpu.memory_space<vmem>> -> memref<128xi32, #tpu.memory_space<vmem>>
        %dma_wait3A_233 = arith.constant 0 : i32
        %dma_wait3A_234 = arith.constant 0 : i32
        %dma_wait3A_235 = tpu.memref_slice %arg11[%dma_wait3A_233, %dma_wait3A_234] : memref<10240x128xf32, #tpu.memory_space<vmem_shared>> -> memref<10240x128xf32, #tpu.memory_space<vmem_shared>>
        tpu.wait_indirect_dma semaphore(%run_scoped3A : memref<!tpu.dma_semaphore, #tpu.memory_space<semaphore_mem>>) src(%arg10 : memref<128x128xf32, #tpu.memory_space<vmem>>) dst(%dma_wait3A_235 : memref<10240x128xf32, #tpu.memory_space<vmem_shared>>)
        tpu.yield
      }) : () -> ()
      %add3A_213 = arith.constant 3 : i32
      %add3A_214 = arith.addi %add3A_183, %add3A_213 : i32
      %min3A_215 = arith.constant 79 : i32
      %min3A_216 = arith.minsi %add3A_214, %min3A_215 : i32
      %dma_start3A_217 = arith.constant 0 : i32
      %dma_start3A_218 = tpu.memref_slice %arg6[%min3A_216, %dma_start3A_217] : memref<80x128xi32, #tpu.memory_space<vmem>> -> memref<1x128xi32, #tpu.memory_space<vmem>>
      %dma_start3A_219 = tpu.memref_squeeze %dma_start3A_218 : memref<1x128xi32, #tpu.memory_space<vmem>> -> memref<128xi32, #tpu.memory_space<vmem>>
      %dma_start3A_220 = arith.constant 0 : i32
      %dma_start3A_221 = arith.constant 0 : i32
      %dma_start3A_222 = tpu.memref_slice %arg2[%dma_start3A_220, %dma_start3A_221] : memref<10000x128xf32, #tpu.memory_space<hbm>> -> memref<10000x128xf32, #tpu.memory_space<hbm>>
      tpu.enqueue_indirect_dma source(%dma_start3A_222 : memref<10000x128xf32, #tpu.memory_space<hbm>>) target(%arg10 : memref<128x128xf32, #tpu.memory_space<vmem>>) offsets(%dma_start3A_219 : memref<128xi32, #tpu.memory_space<vmem>>) semaphore(%arg13 : memref<!tpu.dma_semaphore, #tpu.memory_space<semaphore_mem>>)
      %scan3A_223 = arith.constant 0 : i32
      scf.yield %scan3A_223 : i32
    }
    %scan3A_158 = arith.constant 8 : i32
    %dma_wait3A_159 = arith.constant 0 : i32
    %dma_wait3A_160 = arith.constant 0 : i32
    %dma_wait3A_161 = tpu.memref_slice %arg6[%dma_wait3A_159, %dma_wait3A_160] : memref<80x128xi32, #tpu.memory_space<vmem>> -> memref<1x128xi32, #tpu.memory_space<vmem>>
    %dma_wait3A_162 = tpu.memref_squeeze %dma_wait3A_161 : memref<1x128xi32, #tpu.memory_space<vmem>> -> memref<128xi32, #tpu.memory_space<vmem>>
    %dma_wait3A_163 = arith.constant 0 : i32
    %dma_wait3A_164 = arith.constant 0 : i32
    %dma_wait3A_165 = tpu.memref_slice %arg2[%dma_wait3A_163, %dma_wait3A_164] : memref<10000x128xf32, #tpu.memory_space<hbm>> -> memref<10000x128xf32, #tpu.memory_space<hbm>>
    tpu.wait_indirect_dma semaphore(%arg12 : memref<!tpu.dma_semaphore, #tpu.memory_space<semaphore_mem>>) src(%dma_wait3A_165 : memref<10000x128xf32, #tpu.memory_space<hbm>>) dst(%arg9 : memref<128x128xf32, #tpu.memory_space<vmem>>)
    %dma_wait3A_166 = arith.constant 0 : i32
    %dma_wait3A_167 = arith.constant 0 : i32
    %dma_wait3A_168 = tpu.memref_slice %arg6[%dma_wait3A_166, %dma_wait3A_167] : memref<80x128xi32, #tpu.memory_space<vmem>> -> memref<1x128xi32, #tpu.memory_space<vmem>>
    %dma_wait3A_169 = tpu.memref_squeeze %dma_wait3A_168 : memref<1x128xi32, #tpu.memory_space<vmem>> -> memref<128xi32, #tpu.memory_space<vmem>>
    %dma_wait3A_170 = arith.constant 0 : i32
    %dma_wait3A_171 = arith.constant 0 : i32
    %dma_wait3A_172 = tpu.memref_slice %arg2[%dma_wait3A_170, %dma_wait3A_171] : memref<10000x128xf32, #tpu.memory_space<hbm>> -> memref<10000x128xf32, #tpu.memory_space<hbm>>
    tpu.wait_indirect_dma semaphore(%arg13 : memref<!tpu.dma_semaphore, #tpu.memory_space<semaphore_mem>>) src(%dma_wait3A_172 : memref<10000x128xf32, #tpu.memory_space<hbm>>) dst(%arg10 : memref<128x128xf32, #tpu.memory_space<vmem>>)
    %barrier3A_173 = arith.constant 0 : index
    tpu.barrier barrier_id(%barrier3A_173)
    %mul3A_174 = arith.constant 640 : i32
    %mul3A_175 = arith.muli %arg1, %mul3A_174 : i32
    %mul3A_176 = arith.constant 640 : i32
    %mul3A_177 = arith.muli %arg1, %mul3A_176 : i32
    "tpu.region"() ({
      %run_scoped3A = tpu.sem_alloc : memref<!tpu.dma_semaphore, #tpu.memory_space<semaphore_mem>>
      %dma_start3A_178 = arith.constant 0 : i32
      %dma_start3A_179 = tpu.memref_slice %arg5[%arg0, %mul3A_177, %dma_start3A_178] : memref<2x10240x128xf32, #tpu.memory_space<hbm>> -> memref<1x640x128xf32, #tpu.memory_space<hbm>>
      %dma_start3A_180 = tpu.memref_squeeze %dma_start3A_179 : memref<1x640x128xf32, #tpu.memory_space<hbm>> -> memref<640x128xf32, #tpu.memory_space<hbm>>
      %dma_start3A_181 = arith.constant 0 : i32
      %dma_start3A_182 = tpu.memref_slice %arg11[%mul3A_175, %dma_start3A_181] : memref<10240x128xf32, #tpu.memory_space<vmem_shared>> -> memref<640x128xf32, #tpu.memory_space<vmem_shared>>
      tpu.enqueue_dma source(%dma_start3A_182 : memref<640x128xf32, #tpu.memory_space<vmem_shared>>) target(%dma_start3A_180 : memref<640x128xf32, #tpu.memory_space<hbm>>) target_semaphore(%run_scoped3A : memref<!tpu.dma_semaphore, #tpu.memory_space<semaphore_mem>>)
      %dma_wait3A_183 = arith.constant 0 : i32
      %dma_wait3A_184 = tpu.memref_slice %arg5[%arg0, %mul3A_177, %dma_wait3A_183] : memref<2x10240x128xf32, #tpu.memory_space<hbm>> -> memref<1x640x128xf32, #tpu.memory_space<hbm>>
      %dma_wait3A_185 = tpu.memref_squeeze %dma_wait3A_184 : memref<1x640x128xf32, #tpu.memory_space<hbm>> -> memref<640x128xf32, #tpu.memory_space<hbm>>
      %dma_wait3A_186 = arith.constant 0 : i32
      %dma_wait3A_187 = tpu.memref_slice %arg11[%mul3A_175, %dma_wait3A_186] : memref<10240x128xf32, #tpu.memory_space<vmem_shared>> -> memref<640x128xf32, #tpu.memory_space<vmem_shared>>
      tpu.wait_dma2 semaphore(%run_scoped3A : memref<!tpu.dma_semaphore, #tpu.memory_space<semaphore_mem>>) src(%dma_wait3A_187 : memref<640x128xf32, #tpu.memory_space<vmem_shared>>) dst(%dma_wait3A_185 : memref<640x128xf32, #tpu.memory_space<hbm>>)
      tpu.yield
    }) : () -> ()
    return
  }
}

#map = affine_map<(d0, d1) -> (0, 0, 0)>
module attributes {stable_mosaic.version = 14 : i64} {
  func.func @_deg_body(%arg0: i32, %arg1: i32, %arg2: memref<32x80x128xi32, #tpu.memory_space<hbm>>, %arg3: memref<2x10240x128xf32, #tpu.memory_space<hbm>>, %arg4: memref<80x128xi32, #tpu.memory_space<vmem>>, %arg5: memref<128x128xf32, #tpu.memory_space<vmem>>, %arg6: memref<128x128xf32, #tpu.memory_space<vmem>>, %arg7: memref<10240x128xf32, #tpu.memory_space<vmem_shared>>) attributes {dimension_semantics = [#tpu.dimension_semantics<core_parallel>, #tpu.dimension_semantics<subcore_parallel>], iteration_bounds = array<i64: 2, 16>, scalar_prefetch = 0 : i64, scratch_operands = 4 : i64, tpu.core_type = #tpu.core_type<sc_vector_subcore>, window_params = [{transform_indices = #map}, {transform_indices = #map}]} {
    %mul3A = arith.constant 16 : i32
    %mul3A_0 = arith.muli %arg0, %mul3A : i32
    %add3A = arith.addi %mul3A_0, %arg1 : i32
    "tpu.region"() ({
      %run_scoped3A = tpu.sem_alloc : memref<!tpu.dma_semaphore, #tpu.memory_space<semaphore_mem>>
      %dma_start3A = arith.constant 0 : i32
      %dma_start3A_39 = arith.constant 0 : i32
      %dma_start3A_40 = tpu.memref_slice %arg2[%add3A, %dma_start3A, %dma_start3A_39] : memref<32x80x128xi32, #tpu.memory_space<hbm>> -> memref<1x80x128xi32, #tpu.memory_space<hbm>>
      %dma_start3A_41 = tpu.memref_squeeze %dma_start3A_40 : memref<1x80x128xi32, #tpu.memory_space<hbm>> -> memref<80x128xi32, #tpu.memory_space<hbm>>
      %dma_start3A_42 = arith.constant 0 : i32
      %dma_start3A_43 = arith.constant 0 : i32
      %dma_start3A_44 = tpu.memref_slice %arg2[%add3A, %dma_start3A_42, %dma_start3A_43] : memref<32x80x128xi32, #tpu.memory_space<hbm>> -> memref<1x80x128xi32, #tpu.memory_space<hbm>>
      %dma_start3A_45 = tpu.memref_squeeze %dma_start3A_44 : memref<1x80x128xi32, #tpu.memory_space<hbm>> -> memref<80x128xi32, #tpu.memory_space<hbm>>
      tpu.enqueue_dma source(%dma_start3A_45 : memref<80x128xi32, #tpu.memory_space<hbm>>) target(%arg4 : memref<80x128xi32, #tpu.memory_space<vmem>>) target_semaphore(%run_scoped3A : memref<!tpu.dma_semaphore, #tpu.memory_space<semaphore_mem>>)
      %dma_wait3A = arith.constant 0 : i32
      %dma_wait3A_46 = arith.constant 0 : i32
      %dma_wait3A_47 = tpu.memref_slice %arg2[%add3A, %dma_wait3A, %dma_wait3A_46] : memref<32x80x128xi32, #tpu.memory_space<hbm>> -> memref<1x80x128xi32, #tpu.memory_space<hbm>>
      %dma_wait3A_48 = tpu.memref_squeeze %dma_wait3A_47 : memref<1x80x128xi32, #tpu.memory_space<hbm>> -> memref<80x128xi32, #tpu.memory_space<hbm>>
      %dma_wait3A_49 = arith.constant 0 : i32
      %dma_wait3A_50 = arith.constant 0 : i32
      %dma_wait3A_51 = tpu.memref_slice %arg2[%add3A, %dma_wait3A_49, %dma_wait3A_50] : memref<32x80x128xi32, #tpu.memory_space<hbm>> -> memref<1x80x128xi32, #tpu.memory_space<hbm>>
      %dma_wait3A_52 = tpu.memref_squeeze %dma_wait3A_51 : memref<1x80x128xi32, #tpu.memory_space<hbm>> -> memref<80x128xi32, #tpu.memory_space<hbm>>
      tpu.wait_dma2 semaphore(%run_scoped3A : memref<!tpu.dma_semaphore, #tpu.memory_space<semaphore_mem>>) src(%dma_wait3A_52 : memref<80x128xi32, #tpu.memory_space<hbm>>) dst(%arg4 : memref<80x128xi32, #tpu.memory_space<vmem>>)
      tpu.yield
    }) : () -> ()
    %scan3A = arith.constant 0 : i32
    %scan3A_1 = arith.constant 0 : i32
    %scan3A_2 = arith.constant 128 : i32
    %scan3A_3 = arith.addi %scan3A_1, %scan3A_2 : i32
    %scan3A_4 = arith.constant 1 : i32
    %scan3A_5 = scf.for %scan3A_39 = %scan3A_1 to %scan3A_3 step %scan3A_4 iter_args(%scan3A_40 = %scan3A) -> (i32)  : i32 {
      %broadcast_in_dim3A = arith.constant 1.000000e+00 : f32
      %broadcast_in_dim3A_41 = vector.broadcast %broadcast_in_dim3A : f32 to vector<16xf32>
      %swap3A = arith.index_cast %scan3A_39 : i32 to index
      %swap3A_42 = arith.constant 0 : index
      %swap3A_43 = tpu.vector_load %arg5[%swap3A, %swap3A_42] {strides = array<i32>} : memref<128x128xf32, #tpu.memory_space<vmem>>, vector<1x16xf32>,
      %swap3A_44 = vector.shape_cast %swap3A_43 : vector<1x16xf32> to vector<16xf32>
      %swap3A_45 = vector.shape_cast %broadcast_in_dim3A_41 : vector<16xf32> to vector<1x16xf32>
      tpu.vector_store %arg5[%swap3A, %swap3A_42], %swap3A_45 {strides = array<i32>} : memref<128x128xf32, #tpu.memory_space<vmem>>, vector<1x16xf32>,
      %broadcast_in_dim3A_46 = arith.constant 0.000000e+00 : f32
      %broadcast_in_dim3A_47 = vector.broadcast %broadcast_in_dim3A_46 : f32 to vector<16xf32>
      %swap3A_48 = arith.index_cast %scan3A_39 : i32 to index
      %swap3A_49 = arith.constant 0 : index
      %swap3A_50 = tpu.vector_load %arg6[%swap3A_48, %swap3A_49] {strides = array<i32>} : memref<128x128xf32, #tpu.memory_space<vmem>>, vector<1x16xf32>,
      %swap3A_51 = vector.shape_cast %swap3A_50 : vector<1x16xf32> to vector<16xf32>
      %swap3A_52 = vector.shape_cast %broadcast_in_dim3A_47 : vector<16xf32> to vector<1x16xf32>
      tpu.vector_store %arg6[%swap3A_48, %swap3A_49], %swap3A_52 {strides = array<i32>} : memref<128x128xf32, #tpu.memory_space<vmem>>, vector<1x16xf32>,
      %broadcast_in_dim3A_53 = arith.constant 1.000000e+00 : f32
      %broadcast_in_dim3A_54 = vector.broadcast %broadcast_in_dim3A_53 : f32 to vector<16xf32>
      %swap3A_55 = arith.index_cast %scan3A_39 : i32 to index
      %swap3A_56 = arith.constant 16 : index
      %swap3A_57 = tpu.vector_load %arg5[%swap3A_55, %swap3A_56] {strides = array<i32>} : memref<128x128xf32, #tpu.memory_space<vmem>>, vector<1x16xf32>,
      %swap3A_58 = vector.shape_cast %swap3A_57 : vector<1x16xf32> to vector<16xf32>
      %swap3A_59 = vector.shape_cast %broadcast_in_dim3A_54 : vector<16xf32> to vector<1x16xf32>
      tpu.vector_store %arg5[%swap3A_55, %swap3A_56], %swap3A_59 {strides = array<i32>} : memref<128x128xf32, #tpu.memory_space<vmem>>, vector<1x16xf32>,
      %broadcast_in_dim3A_60 = arith.constant 0.000000e+00 : f32
      %broadcast_in_dim3A_61 = vector.broadcast %broadcast_in_dim3A_60 : f32 to vector<16xf32>
      %swap3A_62 = arith.index_cast %scan3A_39 : i32 to index
      %swap3A_63 = arith.constant 16 : index
      %swap3A_64 = tpu.vector_load %arg6[%swap3A_62, %swap3A_63] {strides = array<i32>} : memref<128x128xf32, #tpu.memory_space<vmem>>, vector<1x16xf32>,
      %swap3A_65 = vector.shape_cast %swap3A_64 : vector<1x16xf32> to vector<16xf32>
      %swap3A_66 = vector.shape_cast %broadcast_in_dim3A_61 : vector<16xf32> to vector<1x16xf32>
      tpu.vector_store %arg6[%swap3A_62, %swap3A_63], %swap3A_66 {strides = array<i32>} : memref<128x128xf32, #tpu.memory_space<vmem>>, vector<1x16xf32>,
      %broadcast_in_dim3A_67 = arith.constant 1.000000e+00 : f32
      %broadcast_in_dim3A_68 = vector.broadcast %broadcast_in_dim3A_67 : f32 to vector<16xf32>
      %swap3A_69 = arith.index_cast %scan3A_39 : i32 to index
      %swap3A_70 = arith.constant 32 : index
      %swap3A_71 = tpu.vector_load %arg5[%swap3A_69, %swap3A_70] {strides = array<i32>} : memref<128x128xf32, #tpu.memory_space<vmem>>, vector<1x16xf32>,
      %swap3A_72 = vector.shape_cast %swap3A_71 : vector<1x16xf32> to vector<16xf32>
      %swap3A_73 = vector.shape_cast %broadcast_in_dim3A_68 : vector<16xf32> to vector<1x16xf32>
      tpu.vector_store %arg5[%swap3A_69, %swap3A_70], %swap3A_73 {strides = array<i32>} : memref<128x128xf32, #tpu.memory_space<vmem>>, vector<1x16xf32>,
      %broadcast_in_dim3A_74 = arith.constant 0.000000e+00 : f32
      %broadcast_in_dim3A_75 = vector.broadcast %broadcast_in_dim3A_74 : f32 to vector<16xf32>
      %swap3A_76 = arith.index_cast %scan3A_39 : i32 to index
      %swap3A_77 = arith.constant 32 : index
      %swap3A_78 = tpu.vector_load %arg6[%swap3A_76, %swap3A_77] {strides = array<i32>} : memref<128x128xf32, #tpu.memory_space<vmem>>, vector<1x16xf32>,
      %swap3A_79 = vector.shape_cast %swap3A_78 : vector<1x16xf32> to vector<16xf32>
      %swap3A_80 = vector.shape_cast %broadcast_in_dim3A_75 : vector<16xf32> to vector<1x16xf32>
      tpu.vector_store %arg6[%swap3A_76, %swap3A_77], %swap3A_80 {strides = array<i32>} : memref<128x128xf32, #tpu.memory_space<vmem>>, vector<1x16xf32>,
      %broadcast_in_dim3A_81 = arith.constant 1.000000e+00 : f32
      %broadcast_in_dim3A_82 = vector.broadcast %broadcast_in_dim3A_81 : f32 to vector<16xf32>
      %swap3A_83 = arith.index_cast %scan3A_39 : i32 to index
      %swap3A_84 = arith.constant 48 : index
      %swap3A_85 = tpu.vector_load %arg5[%swap3A_83, %swap3A_84] {strides = array<i32>} : memref<128x128xf32, #tpu.memory_space<vmem>>, vector<1x16xf32>,
      %swap3A_86 = vector.shape_cast %swap3A_85 : vector<1x16xf32> to vector<16xf32>
      %swap3A_87 = vector.shape_cast %broadcast_in_dim3A_82 : vector<16xf32> to vector<1x16xf32>
      tpu.vector_store %arg5[%swap3A_83, %swap3A_84], %swap3A_87 {strides = array<i32>} : memref<128x128xf32, #tpu.memory_space<vmem>>, vector<1x16xf32>,
      %broadcast_in_dim3A_88 = arith.constant 0.000000e+00 : f32
      %broadcast_in_dim3A_89 = vector.broadcast %broadcast_in_dim3A_88 : f32 to vector<16xf32>
      %swap3A_90 = arith.index_cast %scan3A_39 : i32 to index
      %swap3A_91 = arith.constant 48 : index
      %swap3A_92 = tpu.vector_load %arg6[%swap3A_90, %swap3A_91] {strides = array<i32>} : memref<128x128xf32, #tpu.memory_space<vmem>>, vector<1x16xf32>,
      %swap3A_93 = vector.shape_cast %swap3A_92 : vector<1x16xf32> to vector<16xf32>
      %swap3A_94 = vector.shape_cast %broadcast_in_dim3A_89 : vector<16xf32> to vector<1x16xf32>
      tpu.vector_store %arg6[%swap3A_90, %swap3A_91], %swap3A_94 {strides = array<i32>} : memref<128x128xf32, #tpu.memory_space<vmem>>, vector<1x16xf32>,
      %broadcast_in_dim3A_95 = arith.constant 1.000000e+00 : f32
      %broadcast_in_dim3A_96 = vector.broadcast %broadcast_in_dim3A_95 : f32 to vector<16xf32>
      %swap3A_97 = arith.index_cast %scan3A_39 : i32 to index
      %swap3A_98 = arith.constant 64 : index
      %swap3A_99 = tpu.vector_load %arg5[%swap3A_97, %swap3A_98] {strides = array<i32>} : memref<128x128xf32, #tpu.memory_space<vmem>>, vector<1x16xf32>,
      %swap3A_100 = vector.shape_cast %swap3A_99 : vector<1x16xf32> to vector<16xf32>
      %swap3A_101 = vector.shape_cast %broadcast_in_dim3A_96 : vector<16xf32> to vector<1x16xf32>
      tpu.vector_store %arg5[%swap3A_97, %swap3A_98], %swap3A_101 {strides = array<i32>} : memref<128x128xf32, #tpu.memory_space<vmem>>, vector<1x16xf32>,
      %broadcast_in_dim3A_102 = arith.constant 0.000000e+00 : f32
      %broadcast_in_dim3A_103 = vector.broadcast %broadcast_in_dim3A_102 : f32 to vector<16xf32>
      %swap3A_104 = arith.index_cast %scan3A_39 : i32 to index
      %swap3A_105 = arith.constant 64 : index
      %swap3A_106 = tpu.vector_load %arg6[%swap3A_104, %swap3A_105] {strides = array<i32>} : memref<128x128xf32, #tpu.memory_space<vmem>>, vector<1x16xf32>,
      %swap3A_107 = vector.shape_cast %swap3A_106 : vector<1x16xf32> to vector<16xf32>
      %swap3A_108 = vector.shape_cast %broadcast_in_dim3A_103 : vector<16xf32> to vector<1x16xf32>
      tpu.vector_store %arg6[%swap3A_104, %swap3A_105], %swap3A_108 {strides = array<i32>} : memref<128x128xf32, #tpu.memory_space<vmem>>, vector<1x16xf32>,
      %broadcast_in_dim3A_109 = arith.constant 1.000000e+00 : f32
      %broadcast_in_dim3A_110 = vector.broadcast %broadcast_in_dim3A_109 : f32 to vector<16xf32>
      %swap3A_111 = arith.index_cast %scan3A_39 : i32 to index
      %swap3A_112 = arith.constant 80 : index
      %swap3A_113 = tpu.vector_load %arg5[%swap3A_111, %swap3A_112] {strides = array<i32>} : memref<128x128xf32, #tpu.memory_space<vmem>>, vector<1x16xf32>,
      %swap3A_114 = vector.shape_cast %swap3A_113 : vector<1x16xf32> to vector<16xf32>
      %swap3A_115 = vector.shape_cast %broadcast_in_dim3A_110 : vector<16xf32> to vector<1x16xf32>
      tpu.vector_store %arg5[%swap3A_111, %swap3A_112], %swap3A_115 {strides = array<i32>} : memref<128x128xf32, #tpu.memory_space<vmem>>, vector<1x16xf32>,
      %broadcast_in_dim3A_116 = arith.constant 0.000000e+00 : f32
      %broadcast_in_dim3A_117 = vector.broadcast %broadcast_in_dim3A_116 : f32 to vector<16xf32>
      %swap3A_118 = arith.index_cast %scan3A_39 : i32 to index
      %swap3A_119 = arith.constant 80 : index
      %swap3A_120 = tpu.vector_load %arg6[%swap3A_118, %swap3A_119] {strides = array<i32>} : memref<128x128xf32, #tpu.memory_space<vmem>>, vector<1x16xf32>,
      %swap3A_121 = vector.shape_cast %swap3A_120 : vector<1x16xf32> to vector<16xf32>
      %swap3A_122 = vector.shape_cast %broadcast_in_dim3A_117 : vector<16xf32> to vector<1x16xf32>
      tpu.vector_store %arg6[%swap3A_118, %swap3A_119], %swap3A_122 {strides = array<i32>} : memref<128x128xf32, #tpu.memory_space<vmem>>, vector<1x16xf32>,
      %broadcast_in_dim3A_123 = arith.constant 1.000000e+00 : f32
      %broadcast_in_dim3A_124 = vector.broadcast %broadcast_in_dim3A_123 : f32 to vector<16xf32>
      %swap3A_125 = arith.index_cast %scan3A_39 : i32 to index
      %swap3A_126 = arith.constant 96 : index
      %swap3A_127 = tpu.vector_load %arg5[%swap3A_125, %swap3A_126] {strides = array<i32>} : memref<128x128xf32, #tpu.memory_space<vmem>>, vector<1x16xf32>,
      %swap3A_128 = vector.shape_cast %swap3A_127 : vector<1x16xf32> to vector<16xf32>
      %swap3A_129 = vector.shape_cast %broadcast_in_dim3A_124 : vector<16xf32> to vector<1x16xf32>
      tpu.vector_store %arg5[%swap3A_125, %swap3A_126], %swap3A_129 {strides = array<i32>} : memref<128x128xf32, #tpu.memory_space<vmem>>, vector<1x16xf32>,
      %broadcast_in_dim3A_130 = arith.constant 0.000000e+00 : f32
      %broadcast_in_dim3A_131 = vector.broadcast %broadcast_in_dim3A_130 : f32 to vector<16xf32>
      %swap3A_132 = arith.index_cast %scan3A_39 : i32 to index
      %swap3A_133 = arith.constant 96 : index
      %swap3A_134 = tpu.vector_load %arg6[%swap3A_132, %swap3A_133] {strides = array<i32>} : memref<128x128xf32, #tpu.memory_space<vmem>>, vector<1x16xf32>,
      %swap3A_135 = vector.shape_cast %swap3A_134 : vector<1x16xf32> to vector<16xf32>
      %swap3A_136 = vector.shape_cast %broadcast_in_dim3A_131 : vector<16xf32> to vector<1x16xf32>
      tpu.vector_store %arg6[%swap3A_132, %swap3A_133], %swap3A_136 {strides = array<i32>} : memref<128x128xf32, #tpu.memory_space<vmem>>, vector<1x16xf32>,
      %broadcast_in_dim3A_137 = arith.constant 1.000000e+00 : f32
      %broadcast_in_dim3A_138 = vector.broadcast %broadcast_in_dim3A_137 : f32 to vector<16xf32>
      %swap3A_139 = arith.index_cast %scan3A_39 : i32 to index
      %swap3A_140 = arith.constant 112 : index
      %swap3A_141 = tpu.vector_load %arg5[%swap3A_139, %swap3A_140] {strides = array<i32>} : memref<128x128xf32, #tpu.memory_space<vmem>>, vector<1x16xf32>,
      %swap3A_142 = vector.shape_cast %swap3A_141 : vector<1x16xf32> to vector<16xf32>
      %swap3A_143 = vector.shape_cast %broadcast_in_dim3A_138 : vector<16xf32> to vector<1x16xf32>
      tpu.vector_store %arg5[%swap3A_139, %swap3A_140], %swap3A_143 {strides = array<i32>} : memref<128x128xf32, #tpu.memory_space<vmem>>, vector<1x16xf32>,
      %broadcast_in_dim3A_144 = arith.constant 0.000000e+00 : f32
      %broadcast_in_dim3A_145 = vector.broadcast %broadcast_in_dim3A_144 : f32 to vector<16xf32>
      %swap3A_146 = arith.index_cast %scan3A_39 : i32 to index
      %swap3A_147 = arith.constant 112 : index
      %swap3A_148 = tpu.vector_load %arg6[%swap3A_146, %swap3A_147] {strides = array<i32>} : memref<128x128xf32, #tpu.memory_space<vmem>>, vector<1x16xf32>,
      %swap3A_149 = vector.shape_cast %swap3A_148 : vector<1x16xf32> to vector<16xf32>
      %swap3A_150 = vector.shape_cast %broadcast_in_dim3A_145 : vector<16xf32> to vector<1x16xf32>
      tpu.vector_store %arg6[%swap3A_146, %swap3A_147], %swap3A_150 {strides = array<i32>} : memref<128x128xf32, #tpu.memory_space<vmem>>, vector<1x16xf32>,
      %scan3A_151 = arith.constant 0 : i32
      scf.yield %scan3A_151 : i32
    }
    %scan3A_6 = arith.constant 128 : i32
    %mul3A_7 = arith.constant 640 : i32
    %mul3A_8 = arith.muli %arg1, %mul3A_7 : i32
    %add3A_9 = arith.constant 0 : i32
    %add3A_10 = arith.addi %mul3A_8, %add3A_9 : i32
    "tpu.region"() ({
      %run_scoped3A = tpu.sem_alloc : memref<!tpu.dma_semaphore, #tpu.memory_space<semaphore_mem>>
      %dma_start3A = arith.constant 0 : i32
      %dma_start3A_39 = tpu.memref_slice %arg7[%add3A_10, %dma_start3A] : memref<10240x128xf32, #tpu.memory_space<vmem_shared>> -> memref<128x128xf32, #tpu.memory_space<vmem_shared>>
      %dma_start3A_40 = arith.constant 0 : i32
      %dma_start3A_41 = tpu.memref_slice %arg7[%add3A_10, %dma_start3A_40] : memref<10240x128xf32, #tpu.memory_space<vmem_shared>> -> memref<128x128xf32, #tpu.memory_space<vmem_shared>>
      tpu.enqueue_dma source(%arg6 : memref<128x128xf32, #tpu.memory_space<vmem>>) target(%dma_start3A_41 : memref<128x128xf32, #tpu.memory_space<vmem_shared>>) target_semaphore(%run_scoped3A : memref<!tpu.dma_semaphore, #tpu.memory_space<semaphore_mem>>)
      %dma_wait3A = arith.constant 0 : i32
      %dma_wait3A_42 = tpu.memref_slice %arg7[%add3A_10, %dma_wait3A] : memref<10240x128xf32, #tpu.memory_space<vmem_shared>> -> memref<128x128xf32, #tpu.memory_space<vmem_shared>>
      %dma_wait3A_43 = arith.constant 0 : i32
      %dma_wait3A_44 = tpu.memref_slice %arg7[%add3A_10, %dma_wait3A_43] : memref<10240x128xf32, #tpu.memory_space<vmem_shared>> -> memref<128x128xf32, #tpu.memory_space<vmem_shared>>
      tpu.wait_dma2 semaphore(%run_scoped3A : memref<!tpu.dma_semaphore, #tpu.memory_space<semaphore_mem>>) src(%arg6 : memref<128x128xf32, #tpu.memory_space<vmem>>) dst(%dma_wait3A_44 : memref<128x128xf32, #tpu.memory_space<vmem_shared>>)
      tpu.yield
    }) : () -> ()
    %mul3A_11 = arith.constant 640 : i32
    %mul3A_12 = arith.muli %arg1, %mul3A_11 : i32
    %add3A_13 = arith.constant 128 : i32
    %add3A_14 = arith.addi %mul3A_12, %add3A_13 : i32
    "tpu.region"() ({
      %run_scoped3A = tpu.sem_alloc : memref<!tpu.dma_semaphore, #tpu.memory_space<semaphore_mem>>
      %dma_start3A = arith.constant 0 : i32
      %dma_start3A_39 = tpu.memref_slice %arg7[%add3A_14, %dma_start3A] : memref<10240x128xf32, #tpu.memory_space<vmem_shared>> -> memref<128x128xf32, #tpu.memory_space<vmem_shared>>
      %dma_start3A_40 = arith.constant 0 : i32
      %dma_start3A_41 = tpu.memref_slice %arg7[%add3A_14, %dma_start3A_40] : memref<10240x128xf32, #tpu.memory_space<vmem_shared>> -> memref<128x128xf32, #tpu.memory_space<vmem_shared>>
      tpu.enqueue_dma source(%arg6 : memref<128x128xf32, #tpu.memory_space<vmem>>) target(%dma_start3A_41 : memref<128x128xf32, #tpu.memory_space<vmem_shared>>) target_semaphore(%run_scoped3A : memref<!tpu.dma_semaphore, #tpu.memory_space<semaphore_mem>>)
      %dma_wait3A = arith.constant 0 : i32
      %dma_wait3A_42 = tpu.memref_slice %arg7[%add3A_14, %dma_wait3A] : memref<10240x128xf32, #tpu.memory_space<vmem_shared>> -> memref<128x128xf32, #tpu.memory_space<vmem_shared>>
      %dma_wait3A_43 = arith.constant 0 : i32
      %dma_wait3A_44 = tpu.memref_slice %arg7[%add3A_14, %dma_wait3A_43] : memref<10240x128xf32, #tpu.memory_space<vmem_shared>> -> memref<128x128xf32, #tpu.memory_space<vmem_shared>>
      tpu.wait_dma2 semaphore(%run_scoped3A : memref<!tpu.dma_semaphore, #tpu.memory_space<semaphore_mem>>) src(%arg6 : memref<128x128xf32, #tpu.memory_space<vmem>>) dst(%dma_wait3A_44 : memref<128x128xf32, #tpu.memory_space<vmem_shared>>)
      tpu.yield
    }) : () -> ()
    %mul3A_15 = arith.constant 640 : i32
    %mul3A_16 = arith.muli %arg1, %mul3A_15 : i32
    %add3A_17 = arith.constant 256 : i32
    %add3A_18 = arith.addi %mul3A_16, %add3A_17 : i32
    "tpu.region"() ({
      %run_scoped3A = tpu.sem_alloc : memref<!tpu.dma_semaphore, #tpu.memory_space<semaphore_mem>>
      %dma_start3A = arith.constant 0 : i32
      %dma_start3A_39 = tpu.memref_slice %arg7[%add3A_18, %dma_start3A] : memref<10240x128xf32, #tpu.memory_space<vmem_shared>> -> memref<128x128xf32, #tpu.memory_space<vmem_shared>>
      %dma_start3A_40 = arith.constant 0 : i32
      %dma_start3A_41 = tpu.memref_slice %arg7[%add3A_18, %dma_start3A_40] : memref<10240x128xf32, #tpu.memory_space<vmem_shared>> -> memref<128x128xf32, #tpu.memory_space<vmem_shared>>
      tpu.enqueue_dma source(%arg6 : memref<128x128xf32, #tpu.memory_space<vmem>>) target(%dma_start3A_41 : memref<128x128xf32, #tpu.memory_space<vmem_shared>>) target_semaphore(%run_scoped3A : memref<!tpu.dma_semaphore, #tpu.memory_space<semaphore_mem>>)
      %dma_wait3A = arith.constant 0 : i32
      %dma_wait3A_42 = tpu.memref_slice %arg7[%add3A_18, %dma_wait3A] : memref<10240x128xf32, #tpu.memory_space<vmem_shared>> -> memref<128x128xf32, #tpu.memory_space<vmem_shared>>
      %dma_wait3A_43 = arith.constant 0 : i32
      %dma_wait3A_44 = tpu.memref_slice %arg7[%add3A_18, %dma_wait3A_43] : memref<10240x128xf32, #tpu.memory_space<vmem_shared>> -> memref<128x128xf32, #tpu.memory_space<vmem_shared>>
      tpu.wait_dma2 semaphore(%run_scoped3A : memref<!tpu.dma_semaphore, #tpu.memory_space<semaphore_mem>>) src(%arg6 : memref<128x128xf32, #tpu.memory_space<vmem>>) dst(%dma_wait3A_44 : memref<128x128xf32, #tpu.memory_space<vmem_shared>>)
      tpu.yield
    }) : () -> ()
    %mul3A_19 = arith.constant 640 : i32
    %mul3A_20 = arith.muli %arg1, %mul3A_19 : i32
    %add3A_21 = arith.constant 384 : i32
    %add3A_22 = arith.addi %mul3A_20, %add3A_21 : i32
    "tpu.region"() ({
      %run_scoped3A = tpu.sem_alloc : memref<!tpu.dma_semaphore, #tpu.memory_space<semaphore_mem>>
      %dma_start3A = arith.constant 0 : i32
      %dma_start3A_39 = tpu.memref_slice %arg7[%add3A_22, %dma_start3A] : memref<10240x128xf32, #tpu.memory_space<vmem_shared>> -> memref<128x128xf32, #tpu.memory_space<vmem_shared>>
      %dma_start3A_40 = arith.constant 0 : i32
      %dma_start3A_41 = tpu.memref_slice %arg7[%add3A_22, %dma_start3A_40] : memref<10240x128xf32, #tpu.memory_space<vmem_shared>> -> memref<128x128xf32, #tpu.memory_space<vmem_shared>>
      tpu.enqueue_dma source(%arg6 : memref<128x128xf32, #tpu.memory_space<vmem>>) target(%dma_start3A_41 : memref<128x128xf32, #tpu.memory_space<vmem_shared>>) target_semaphore(%run_scoped3A : memref<!tpu.dma_semaphore, #tpu.memory_space<semaphore_mem>>)
      %dma_wait3A = arith.constant 0 : i32
      %dma_wait3A_42 = tpu.memref_slice %arg7[%add3A_22, %dma_wait3A] : memref<10240x128xf32, #tpu.memory_space<vmem_shared>> -> memref<128x128xf32, #tpu.memory_space<vmem_shared>>
      %dma_wait3A_43 = arith.constant 0 : i32
      %dma_wait3A_44 = tpu.memref_slice %arg7[%add3A_22, %dma_wait3A_43] : memref<10240x128xf32, #tpu.memory_space<vmem_shared>> -> memref<128x128xf32, #tpu.memory_space<vmem_shared>>
      tpu.wait_dma2 semaphore(%run_scoped3A : memref<!tpu.dma_semaphore, #tpu.memory_space<semaphore_mem>>) src(%arg6 : memref<128x128xf32, #tpu.memory_space<vmem>>) dst(%dma_wait3A_44 : memref<128x128xf32, #tpu.memory_space<vmem_shared>>)
      tpu.yield
    }) : () -> ()
    %mul3A_23 = arith.constant 640 : i32
    %mul3A_24 = arith.muli %arg1, %mul3A_23 : i32
    %add3A_25 = arith.constant 512 : i32
    %add3A_26 = arith.addi %mul3A_24, %add3A_25 : i32
    "tpu.region"() ({
      %run_scoped3A = tpu.sem_alloc : memref<!tpu.dma_semaphore, #tpu.memory_space<semaphore_mem>>
      %dma_start3A = arith.constant 0 : i32
      %dma_start3A_39 = tpu.memref_slice %arg7[%add3A_26, %dma_start3A] : memref<10240x128xf32, #tpu.memory_space<vmem_shared>> -> memref<128x128xf32, #tpu.memory_space<vmem_shared>>
      %dma_start3A_40 = arith.constant 0 : i32
      %dma_start3A_41 = tpu.memref_slice %arg7[%add3A_26, %dma_start3A_40] : memref<10240x128xf32, #tpu.memory_space<vmem_shared>> -> memref<128x128xf32, #tpu.memory_space<vmem_shared>>
      tpu.enqueue_dma source(%arg6 : memref<128x128xf32, #tpu.memory_space<vmem>>) target(%dma_start3A_41 : memref<128x128xf32, #tpu.memory_space<vmem_shared>>) target_semaphore(%run_scoped3A : memref<!tpu.dma_semaphore, #tpu.memory_space<semaphore_mem>>)
      %dma_wait3A = arith.constant 0 : i32
      %dma_wait3A_42 = tpu.memref_slice %arg7[%add3A_26, %dma_wait3A] : memref<10240x128xf32, #tpu.memory_space<vmem_shared>> -> memref<128x128xf32, #tpu.memory_space<vmem_shared>>
      %dma_wait3A_43 = arith.constant 0 : i32
      %dma_wait3A_44 = tpu.memref_slice %arg7[%add3A_26, %dma_wait3A_43] : memref<10240x128xf32, #tpu.memory_space<vmem_shared>> -> memref<128x128xf32, #tpu.memory_space<vmem_shared>>
      tpu.wait_dma2 semaphore(%run_scoped3A : memref<!tpu.dma_semaphore, #tpu.memory_space<semaphore_mem>>) src(%arg6 : memref<128x128xf32, #tpu.memory_space<vmem>>) dst(%dma_wait3A_44 : memref<128x128xf32, #tpu.memory_space<vmem_shared>>)
      tpu.yield
    }) : () -> ()
    %barrier3A = arith.constant 0 : index
    tpu.barrier barrier_id(%barrier3A)
    %scan3A_27 = arith.constant 0 : i32
    %scan3A_28 = arith.constant 0 : i32
    %scan3A_29 = arith.constant 80 : i32
    %scan3A_30 = arith.addi %scan3A_28, %scan3A_29 : i32
    %scan3A_31 = arith.constant 1 : i32
    %scan3A_32 = scf.for %scan3A_39 = %scan3A_28 to %scan3A_30 step %scan3A_31 iter_args(%scan3A_40 = %scan3A_27) -> (i32)  : i32 {
      "tpu.region"() ({
        %run_scoped3A = tpu.sem_alloc : memref<!tpu.dma_semaphore, #tpu.memory_space<semaphore_mem>>
        %dma_start3A = arith.constant 0 : i32
        %dma_start3A_42 = tpu.memref_slice %arg4[%scan3A_39, %dma_start3A] : memref<80x128xi32, #tpu.memory_space<vmem>> -> memref<1x128xi32, #tpu.memory_space<vmem>>
        %dma_start3A_43 = tpu.memref_squeeze %dma_start3A_42 : memref<1x128xi32, #tpu.memory_space<vmem>> -> memref<128xi32, #tpu.memory_space<vmem>>
        %dma_start3A_44 = arith.constant 0 : i32
        %dma_start3A_45 = arith.constant 0 : i32
        %dma_start3A_46 = tpu.memref_slice %arg7[%dma_start3A_44, %dma_start3A_45] : memref<10240x128xf32, #tpu.memory_space<vmem_shared>> -> memref<10240x128xf32, #tpu.memory_space<vmem_shared>>
        tpu.enqueue_indirect_dma source(%arg5 : memref<128x128xf32, #tpu.memory_space<vmem>>) target(%dma_start3A_46 : memref<10240x128xf32, #tpu.memory_space<vmem_shared>>) offsets(%dma_start3A_43 : memref<128xi32, #tpu.memory_space<vmem>>) semaphore(%run_scoped3A : memref<!tpu.dma_semaphore, #tpu.memory_space<semaphore_mem>>) {add = true}
        %dma_wait3A = arith.constant 0 : i32
        %dma_wait3A_47 = tpu.memref_slice %arg4[%scan3A_39, %dma_wait3A] : memref<80x128xi32, #tpu.memory_space<vmem>> -> memref<1x128xi32, #tpu.memory_space<vmem>>
        %dma_wait3A_48 = tpu.memref_squeeze %dma_wait3A_47 : memref<1x128xi32, #tpu.memory_space<vmem>> -> memref<128xi32, #tpu.memory_space<vmem>>
        %dma_wait3A_49 = arith.constant 0 : i32
        %dma_wait3A_50 = arith.constant 0 : i32
        %dma_wait3A_51 = tpu.memref_slice %arg7[%dma_wait3A_49, %dma_wait3A_50] : memref<10240x128xf32, #tpu.memory_space<vmem_shared>> -> memref<10240x128xf32, #tpu.memory_space<vmem_shared>>
        tpu.wait_indirect_dma semaphore(%run_scoped3A : memref<!tpu.dma_semaphore, #tpu.memory_space<semaphore_mem>>) src(%arg5 : memref<128x128xf32, #tpu.memory_space<vmem>>) dst(%dma_wait3A_51 : memref<10240x128xf32, #tpu.memory_space<vmem_shared>>)
        tpu.yield
      }) : () -> ()
      %scan3A_41 = arith.constant 0 : i32
      scf.yield %scan3A_41 : i32
    }
    %scan3A_33 = arith.constant 80 : i32
    %barrier3A_34 = arith.constant 0 : index
    tpu.barrier barrier_id(%barrier3A_34)
    %mul3A_35 = arith.constant 640 : i32
    %mul3A_36 = arith.muli %arg1, %mul3A_35 : i32
    %mul3A_37 = arith.constant 640 : i32
    %mul3A_38 = arith.muli %arg1, %mul3A_37 : i32
    "tpu.region"() ({
      %run_scoped3A = tpu.sem_alloc : memref<!tpu.dma_semaphore, #tpu.memory_space<semaphore_mem>>
      %dma_start3A = arith.constant 0 : i32
      %dma_start3A_39 = tpu.memref_slice %arg3[%arg0, %mul3A_38, %dma_start3A] : memref<2x10240x128xf32, #tpu.memory_space<hbm>> -> memref<1x640x128xf32, #tpu.memory_space<hbm>>
      %dma_start3A_40 = tpu.memref_squeeze %dma_start3A_39 : memref<1x640x128xf32, #tpu.memory_space<hbm>> -> memref<640x128xf32, #tpu.memory_space<hbm>>
      %dma_start3A_41 = arith.constant 0 : i32
      %dma_start3A_42 = tpu.memref_slice %arg7[%mul3A_36, %dma_start3A_41] : memref<10240x128xf32, #tpu.memory_space<vmem_shared>> -> memref<640x128xf32, #tpu.memory_space<vmem_shared>>
      tpu.enqueue_dma source(%dma_start3A_42 : memref<640x128xf32, #tpu.memory_space<vmem_shared>>) target(%dma_start3A_40 : memref<640x128xf32, #tpu.memory_space<hbm>>) target_semaphore(%run_scoped3A : memref<!tpu.dma_semaphore, #tpu.memory_space<semaphore_mem>>)
      %dma_wait3A = arith.constant 0 : i32
      %dma_wait3A_43 = tpu.memref_slice %arg3[%arg0, %mul3A_38, %dma_wait3A] : memref<2x10240x128xf32, #tpu.memory_space<hbm>> -> memref<1x640x128xf32, #tpu.memory_space<hbm>>
      %dma_wait3A_44 = tpu.memref_squeeze %dma_wait3A_43 : memref<1x640x128xf32, #tpu.memory_space<hbm>> -> memref<640x128xf32, #tpu.memory_space<hbm>>
      %dma_wait3A_45 = arith.constant 0 : i32
      %dma_wait3A_46 = tpu.memref_slice %arg7[%mul3A_36, %dma_wait3A_45] : memref<10240x128xf32, #tpu.memory_space<vmem_shared>> -> memref<640x128xf32, #tpu.memory_space<vmem_shared>>
      tpu.wait_dma2 semaphore(%run_scoped3A : memref<!tpu.dma_semaphore, #tpu.memory_space<semaphore_mem>>) src(%dma_wait3A_46 : memref<640x128xf32, #tpu.memory_space<vmem_shared>>) dst(%dma_wait3A_44 : memref<640x128xf32, #tpu.memory_space<hbm>>)
      tpu.yield
    }) : () -> ()
    return
  }
}

module attributes {stable_mosaic.version = 14 : i64} {
  func.func @_tc_scale_h_body(%arg0: i32, %arg1: memref<1000x128xf32, #tpu.memory_space<vmem>>, %arg2: memref<2x1000x128xf32, #tpu.memory_space<vmem>>, %arg3: memref<1000x128xf32, #tpu.memory_space<vmem>>) attributes {dimension_semantics = [#tpu.dimension_semantics<arbitrary>], iteration_bounds = array<i64: 10>, scalar_prefetch = 0 : i64, scratch_operands = 0 : i64, tpu.core_type = #tpu.core_type<tc>, window_params = [{transform_indices = @transform_0, window_bounds = array<i64: 1000, 128>}, {transform_indices = @transform_1, window_bounds = array<i64: 2, 1000, 128>}, {transform_indices = @transform_2, window_bounds = array<i64: 1000, 128>}]} {
    %get3A = arith.constant 0 : index
    %get3A_0 = arith.constant 0 : index
    %get3A_1 = arith.constant 0 : index
    %get3A_2 = vector.load %arg2[%get3A, %get3A_0, %get3A_1] : memref<2x1000x128xf32, #tpu.memory_space<vmem>>, vector<2x1000x128xf32>
    %slice3A = vector.extract_strided_slice %get3A_2 {offsets = [0, 0, 0], sizes = [1, 1000, 1], strides = [1, 1, 1]} : vector<2x1000x128xf32> to vector<1x1000x1xf32>
    %squeeze3A = vector.shape_cast %slice3A : vector<1x1000x1xf32> to vector<1000xf32>
    %slice3A_3 = vector.extract_strided_slice %get3A_2 {offsets = [1, 0, 0], sizes = [1, 1000, 1], strides = [1, 1, 1]} : vector<2x1000x128xf32> to vector<1x1000x1xf32>
    %squeeze3A_4 = vector.shape_cast %slice3A_3 : vector<1x1000x1xf32> to vector<1000xf32>
    %add3A = arith.addf %squeeze3A, %squeeze3A_4 : vector<1000xf32>
    %max3A = arith.constant 1.000000e+00 : f32
    %max3A_5 = vector.broadcast %max3A : f32 to vector<1000xf32>
    %max3A_6 = arith.maximumf %add3A, %max3A_5 : vector<1000xf32>
    %rsqrt3A = math.rsqrt %max3A_6 : vector<1000xf32>
    %get3A_7 = arith.constant 0 : index
    %get3A_8 = arith.constant 0 : index
    %get3A_9 = vector.load %arg1[%get3A_7, %get3A_8] : memref<1000x128xf32, #tpu.memory_space<vmem>>, vector<1000x128xf32>
    %broadcast_in_dim3A = vector.shape_cast %rsqrt3A : vector<1000xf32> to vector<1000x1xf32>
    %mul3A = vector.broadcast %broadcast_in_dim3A : vector<1000x1xf32> to vector<1000x128xf32>
    %mul3A_10 = arith.mulf %get3A_9, %mul3A : vector<1000x128xf32>
    %swap3A = arith.constant 0 : index
    %swap3A_11 = arith.constant 0 : index
    %swap3A_12 = vector.load %arg3[%swap3A, %swap3A_11] : memref<1000x128xf32, #tpu.memory_space<vmem>>, vector<1000x128xf32>
    tpu.vector_store %arg3[%swap3A, %swap3A_11], %mul3A_10 {strides = array<i32>} : memref<1000x128xf32, #tpu.memory_space<vmem>>, vector<1000x128xf32>,
    return
  }
  func.func @transform_0(%arg0: i32) -> (i32, i32) {
    %c0_i32 = arith.constant 0 : i32
    %c0_i32_0 = arith.constant 0 : i32
    return %arg0, %c0_i32 : i32, i32
  }
  func.func @transform_1(%arg0: i32) -> (i32, i32, i32) {
    %c0_i32 = arith.constant 0 : i32
    %c0_i32_0 = arith.constant 0 : i32
    %c0_i32_1 = arith.constant 0 : i32
    return %c0_i32, %arg0, %c0_i32_0 : i32, i32, i32
  }
  func.func @transform_2(%arg0: i32) -> (i32, i32) {
    %c0_i32 = arith.constant 0 : i32
    %c0_i32_0 = arith.constant 0 : i32
    return %arg0, %c0_i32 : i32, i32
  }
}

module attributes {stable_mosaic.version = 14 : i64} {
  func.func @_tc_matmul_body(%arg0: i32, %arg1: memref<1000x128xf32, #tpu.memory_space<vmem>>, %arg2: memref<128x128xf32, #tpu.memory_space<vmem>>, %arg3: memref<1x128xf32, #tpu.memory_space<vmem>>, %arg4: memref<1000x128xf32, #tpu.memory_space<vmem>>) attributes {dimension_semantics = [#tpu.dimension_semantics<arbitrary>], iteration_bounds = array<i64: 10>, scalar_prefetch = 0 : i64, scratch_operands = 0 : i64, tpu.core_type = #tpu.core_type<tc>, window_params = [{transform_indices = @transform_0, window_bounds = array<i64: 1000, 128>}, {pipeline_mode = #tpu.pipeline_mode<synchronous>, transform_indices = @transform_1, window_bounds = array<i64: 128, 128>}, {pipeline_mode = #tpu.pipeline_mode<synchronous>, transform_indices = @transform_2, window_bounds = array<i64: 1, 128>}, {transform_indices = @transform_3, window_bounds = array<i64: 1000, 128>}]} {
    %get3A = arith.constant 0 : index
    %get3A_0 = arith.constant 0 : index
    %get3A_1 = vector.load %arg1[%get3A, %get3A_0] : memref<1000x128xf32, #tpu.memory_space<vmem>>, vector<1000x128xf32>
    %get3A_2 = arith.constant 0 : index
    %get3A_3 = arith.constant 0 : index
    %get3A_4 = vector.load %arg2[%get3A_2, %get3A_3] : memref<128x128xf32, #tpu.memory_space<vmem>>, vector<128x128xf32>
    %dot_general3A = arith.constant dense<0.000000e+00> : vector<1000x128xf32>
    %dot_general3A_5 = tpu.matmul %get3A_1, %get3A_4, %dot_general3A {dimension_numbers = #tpu.dot_dimension_numbers<[1], [0], [0], [1], [0, 0, 1, 1], [], []>, transpose_lhs_hint = false} : vector<1000x128xf32>, vector<128x128xf32>, vector<1000x128xf32> -> vector<1000x128xf32>
    %get3A_6 = arith.constant 0 : index
    %get3A_7 = arith.constant 0 : index
    %get3A_8 = vector.load %arg3[%get3A_6, %get3A_7] : memref<1x128xf32, #tpu.memory_space<vmem>>, vector<1x128xf32>
    %add3A = vector.broadcast %get3A_8 : vector<1x128xf32> to vector<1000x128xf32>
    %add3A_9 = arith.addf %dot_general3A_5, %add3A : vector<1000x128xf32>
    %swap3A = arith.constant 0 : index
    %swap3A_10 = arith.constant 0 : index
    %swap3A_11 = vector.load %arg4[%swap3A, %swap3A_10] : memref<1000x128xf32, #tpu.memory_space<vmem>>, vector<1000x128xf32>
    tpu.vector_store %arg4[%swap3A, %swap3A_10], %add3A_9 {strides = array<i32>} : memref<1000x128xf32, #tpu.memory_space<vmem>>, vector<1000x128xf32>,
    return
  }
  func.func @transform_0(%arg0: i32) -> (i32, i32) {
    %c0_i32 = arith.constant 0 : i32
    %c0_i32_0 = arith.constant 0 : i32
    return %arg0, %c0_i32 : i32, i32
  }
  func.func @transform_1(%arg0: i32) -> (i32, i32) {
    %c0_i32 = arith.constant 0 : i32
    %c0_i32_0 = arith.constant 0 : i32
    %c0_i32_1 = arith.constant 0 : i32
    return %c0_i32, %c0_i32_0 : i32, i32
  }
  func.func @transform_2(%arg0: i32) -> (i32, i32) {
    %c0_i32 = arith.constant 0 : i32
    %c0_i32_0 = arith.constant 0 : i32
    %c0_i32_1 = arith.constant 0 : i32
    return %c0_i32, %c0_i32_0 : i32, i32
  }
  func.func @transform_3(%arg0: i32) -> (i32, i32) {
    %c0_i32 = arith.constant 0 : i32
    %c0_i32_0 = arith.constant 0 : i32
    return %arg0, %c0_i32 : i32, i32
  }
}

module attributes {stable_mosaic.version = 14 : i64} {
  func.func @_lambda_(%arg0: i32, %arg1: memref<2x1000x128xf32, #tpu.memory_space<vmem>>, %arg2: memref<2x1000x128xf32, #tpu.memory_space<vmem>>, %arg3: memref<1000x128xf32, #tpu.memory_space<vmem>>) attributes {dimension_semantics = [#tpu.dimension_semantics<arbitrary>], iteration_bounds = array<i64: 10>, scalar_prefetch = 0 : i64, scratch_operands = 0 : i64, tpu.core_type = #tpu.core_type<tc>, window_params = [{transform_indices = @transform_0, window_bounds = array<i64: 2, 1000, 128>}, {transform_indices = @transform_1, window_bounds = array<i64: 2, 1000, 128>}, {transform_indices = @transform_2, window_bounds = array<i64: 1000, 128>}]} {
    %get3A = arith.constant 0 : index
    %get3A_0 = arith.constant 0 : index
    %get3A_1 = arith.constant 0 : index
    %get3A_2 = vector.load %arg2[%get3A, %get3A_0, %get3A_1] : memref<2x1000x128xf32, #tpu.memory_space<vmem>>, vector<2x1000x128xf32>
    %slice3A = vector.extract_strided_slice %get3A_2 {offsets = [0, 0, 0], sizes = [1, 1000, 1], strides = [1, 1, 1]} : vector<2x1000x128xf32> to vector<1x1000x1xf32>
    %squeeze3A = vector.shape_cast %slice3A : vector<1x1000x1xf32> to vector<1000xf32>
    %slice3A_3 = vector.extract_strided_slice %get3A_2 {offsets = [1, 0, 0], sizes = [1, 1000, 1], strides = [1, 1, 1]} : vector<2x1000x128xf32> to vector<1x1000x1xf32>
    %squeeze3A_4 = vector.shape_cast %slice3A_3 : vector<1x1000x1xf32> to vector<1000xf32>
    %add3A = arith.addf %squeeze3A, %squeeze3A_4 : vector<1000xf32>
    %max3A = arith.constant 1.000000e+00 : f32
    %max3A_5 = vector.broadcast %max3A : f32 to vector<1000xf32>
    %max3A_6 = arith.maximumf %add3A, %max3A_5 : vector<1000xf32>
    %rsqrt3A = math.rsqrt %max3A_6 : vector<1000xf32>
    %mul3A = arith.mulf %rsqrt3A, %rsqrt3A : vector<1000xf32>
    %get3A_7 = arith.constant 0 : index
    %get3A_8 = arith.constant 0 : index
    %get3A_9 = arith.constant 0 : index
    %get3A_10 = vector.load %arg1[%get3A_7, %get3A_8, %get3A_9] : memref<2x1000x128xf32, #tpu.memory_space<vmem>>, vector<1x1000x128xf32>
    %get3A_11 = vector.shape_cast %get3A_10 : vector<1x1000x128xf32> to vector<1000x128xf32>
    %get3A_12 = arith.constant 1 : index
    %get3A_13 = arith.constant 0 : index
    %get3A_14 = arith.constant 0 : index
    %get3A_15 = vector.load %arg1[%get3A_12, %get3A_13, %get3A_14] : memref<2x1000x128xf32, #tpu.memory_space<vmem>>, vector<1x1000x128xf32>
    %get3A_16 = vector.shape_cast %get3A_15 : vector<1x1000x128xf32> to vector<1000x128xf32>
    %add3A_17 = arith.addf %get3A_11, %get3A_16 : vector<1000x128xf32>
    %broadcast_in_dim3A = vector.shape_cast %mul3A : vector<1000xf32> to vector<1000x1xf32>
    %mul3A_18 = vector.broadcast %broadcast_in_dim3A : vector<1000x1xf32> to vector<1000x128xf32>
    %mul3A_19 = arith.mulf %add3A_17, %mul3A_18 : vector<1000x128xf32>
    %swap3A = arith.constant 0 : index
    %swap3A_20 = arith.constant 0 : index
    %swap3A_21 = vector.load %arg3[%swap3A, %swap3A_20] : memref<1000x128xf32, #tpu.memory_space<vmem>>, vector<1000x128xf32>
    tpu.vector_store %arg3[%swap3A, %swap3A_20], %mul3A_19 {strides = array<i32>} : memref<1000x128xf32, #tpu.memory_space<vmem>>, vector<1000x128xf32>,
    return
  }
  func.func @transform_0(%arg0: i32) -> (i32, i32, i32) {
    %c0_i32 = arith.constant 0 : i32
    %c0_i32_0 = arith.constant 0 : i32
    %c0_i32_1 = arith.constant 0 : i32
    return %c0_i32, %arg0, %c0_i32_0 : i32, i32, i32
  }
  func.func @transform_1(%arg0: i32) -> (i32, i32, i32) {
    %c0_i32 = arith.constant 0 : i32
    %c0_i32_0 = arith.constant 0 : i32
    %c0_i32_1 = arith.constant 0 : i32
    return %c0_i32, %arg0, %c0_i32_0 : i32, i32, i32
  }
  func.func @transform_2(%arg0: i32) -> (i32, i32) {
    %c0_i32 = arith.constant 0 : i32
    %c0_i32_0 = arith.constant 0 : i32
    return %arg0, %c0_i32 : i32, i32
  }
}

module attributes {stable_mosaic.version = 14 : i64} {
  func.func @_lambda_(%arg0: i32, %arg1: memref<2x1000x128xf32, #tpu.memory_space<vmem>>, %arg2: memref<2x1000x128xf32, #tpu.memory_space<vmem>>, %arg3: memref<1000x128xf32, #tpu.memory_space<vmem>>) attributes {dimension_semantics = [#tpu.dimension_semantics<arbitrary>], iteration_bounds = array<i64: 10>, scalar_prefetch = 0 : i64, scratch_operands = 0 : i64, tpu.core_type = #tpu.core_type<tc>, window_params = [{transform_indices = @transform_0, window_bounds = array<i64: 2, 1000, 128>}, {transform_indices = @transform_1, window_bounds = array<i64: 2, 1000, 128>}, {transform_indices = @transform_2, window_bounds = array<i64: 1000, 128>}]} {
    %get3A = arith.constant 0 : index
    %get3A_0 = arith.constant 0 : index
    %get3A_1 = arith.constant 0 : index
    %get3A_2 = vector.load %arg2[%get3A, %get3A_0, %get3A_1] : memref<2x1000x128xf32, #tpu.memory_space<vmem>>, vector<2x1000x128xf32>
    %slice3A = vector.extract_strided_slice %get3A_2 {offsets = [0, 0, 0], sizes = [1, 1000, 1], strides = [1, 1, 1]} : vector<2x1000x128xf32> to vector<1x1000x1xf32>
    %squeeze3A = vector.shape_cast %slice3A : vector<1x1000x1xf32> to vector<1000xf32>
    %slice3A_3 = vector.extract_strided_slice %get3A_2 {offsets = [1, 0, 0], sizes = [1, 1000, 1], strides = [1, 1, 1]} : vector<2x1000x128xf32> to vector<1x1000x1xf32>
    %squeeze3A_4 = vector.shape_cast %slice3A_3 : vector<1x1000x1xf32> to vector<1000xf32>
    %add3A = arith.addf %squeeze3A, %squeeze3A_4 : vector<1000xf32>
    %max3A = arith.constant 1.000000e+00 : f32
    %max3A_5 = vector.broadcast %max3A : f32 to vector<1000xf32>
    %max3A_6 = arith.maximumf %add3A, %max3A_5 : vector<1000xf32>
    %rsqrt3A = math.rsqrt %max3A_6 : vector<1000xf32>
    %get3A_7 = arith.constant 0 : index
    %get3A_8 = arith.constant 0 : index
    %get3A_9 = arith.constant 0 : index
    %get3A_10 = vector.load %arg1[%get3A_7, %get3A_8, %get3A_9] : memref<2x1000x128xf32, #tpu.memory_space<vmem>>, vector<1x1000x128xf32>
    %get3A_11 = vector.shape_cast %get3A_10 : vector<1x1000x128xf32> to vector<1000x128xf32>
    %get3A_12 = arith.constant 1 : index
    %get3A_13 = arith.constant 0 : index
    %get3A_14 = arith.constant 0 : index
    %get3A_15 = vector.load %arg1[%get3A_12, %get3A_13, %get3A_14] : memref<2x1000x128xf32, #tpu.memory_space<vmem>>, vector<1x1000x128xf32>
    %get3A_16 = vector.shape_cast %get3A_15 : vector<1x1000x128xf32> to vector<1000x128xf32>
    %add3A_17 = arith.addf %get3A_11, %get3A_16 : vector<1000x128xf32>
    %broadcast_in_dim3A = vector.shape_cast %rsqrt3A : vector<1000xf32> to vector<1000x1xf32>
    %mul3A = vector.broadcast %broadcast_in_dim3A : vector<1000x1xf32> to vector<1000x128xf32>
    %mul3A_18 = arith.mulf %add3A_17, %mul3A : vector<1000x128xf32>
    %swap3A = arith.constant 0 : index
    %swap3A_19 = arith.constant 0 : index
    %swap3A_20 = vector.load %arg3[%swap3A, %swap3A_19] : memref<1000x128xf32, #tpu.memory_space<vmem>>, vector<1000x128xf32>
    tpu.vector_store %arg3[%swap3A, %swap3A_19], %mul3A_18 {strides = array<i32>} : memref<1000x128xf32, #tpu.memory_space<vmem>>, vector<1000x128xf32>,
    return
  }
  func.func @transform_0(%arg0: i32) -> (i32, i32, i32) {
    %c0_i32 = arith.constant 0 : i32
    %c0_i32_0 = arith.constant 0 : i32
    %c0_i32_1 = arith.constant 0 : i32
    return %c0_i32, %arg0, %c0_i32_0 : i32, i32, i32
  }
  func.func @transform_1(%arg0: i32) -> (i32, i32, i32) {
    %c0_i32 = arith.constant 0 : i32
    %c0_i32_0 = arith.constant 0 : i32
    %c0_i32_1 = arith.constant 0 : i32
    return %c0_i32, %arg0, %c0_i32_0 : i32, i32, i32
  }
  func.func @transform_2(%arg0: i32) -> (i32, i32) {
    %c0_i32 = arith.constant 0 : i32
    %c0_i32_0 = arith.constant 0 : i32
    return %arg0, %c0_i32 : i32, i32
  }
}

</mosaic_0001>

<sc_bundles>
// kernel: kernel.12.cloned.1.call-start
scs
__scs_entry_jumppad:
0x0: {  	(pc) =	sbr.rel $0x88, $3  }
0x1: {  	(tag) =	ssettag $0x0;
	lr =	simm.s32 $0x1  }
0x2: {  	[smem:$0x3F9D] =	sst lr;
	_ =	strace $0xD0000000  }
0x3: {  	_ = 	snop  }
0x4: {  	_ = 	snop  }
0x5: {  	_ = 	snop  }
0x6: {  	_ = 	snop  }
0x7: {  	_ = 	snop  }
__scs_overlays_trampoline_lowered:
0x8: {  	[smem:$0x3FAC] =	sst s0  }
0x9: {  	[smem:$0x3FAD] =	sst s1  }
0xa: {  	[smem:$0x3FAE] =	sst s2  }
0xb: {  	[smem:$0x3FAF] =	sst s3  }
0xc: {  	[smem:$0x3FB0] =	sst s4  }
0xd: {  	[smem:$0x3FB1] =	sst s5  }
0xe: {  	[smem:$0x3FB2] =	sst s6  }
0xf: {  	[smem:$0x3FB3] =	sst s7  }
0x10: {  	[smem:$0x3FB4] =	sst s8  }
0x11: {  	[smem:$0x3FB5] =	sst s9;
	s0 =	simm.s32 @!p0 $0x0  }
0x12: {  	s1 =	sld [smem:$0x3F9B];
	s0 =	simm.s32 @p0 $0x1  }
0x13: {  	[smem:$0x3FB6] =	sst s0;
	s0 =	simm.s32 @!p1 $0x0  }
0x14: {  	s2 =	sld [smem:$0x3F9A];
	s0 =	simm.s32 @p1 $0x1  }
0x15: {  	[smem:$0x3FB7] =	sst s0;
	s0 =	simm.s32 @!p2 $0x0  }
0x16: {  	s3 =	sld [smem:$0x3FDB];
	s0 =	simm.s32 @p2 $0x1  }
0x17: {  	s4 =	simm.s32 $0x1BF5;
	[smem:$0x3FB9] =	sst s0  }
0x18: {  	s0 =	sld [smem:$0x3F9C];
	_ =	swait.ge [sflag:s4], $0x0  }
0x19: {  	s7 =	sld [smem:$0x3F9D]  }
0x1a: {  	s8 =	sadd.s32 $0xFFFFE003, lr  }
0x1b: {  	s9 =	sadd.s32 $0xFFFFFEF7, lr;
	s5 =	simm.s32 $0xFFFFFFFF;
	p2 =	slt.u32 s8, $0xFFFFF086  }
0x1c: {  	p1 =	slt.u32 s9, $0xF7A;
	s5 =	simm.s32 @!p2 $0x0  }
0x1d: {  	s5 =	simm.s32 @p1 $0x1;
	p0 =	seq.s32 s7, s2  }
0x1e: {  	s7 =	smul.u32 @!p0 $0xF7A, s2;
	p2 =	seq.s32 @!p0 s5, $0x0  }
0x1f: {  	s9 =	smul.u32 $0xF7A, s1;
	s8 =	simm.s32 @!p0 $0x1BF5;
	p2 =	por !p2, p0  }
0x20: {  	[sflag:s8] =	ssyncset.s32 @!p0 $0xFFFFF086;
	s6 =	sadd.s32 @!p0 s3, s7;
	s7 =	simm.s32 @!p0 $0x108  }
0x21: {  	s3 =	sadd.s32 s3, s9;
	s6 =	sadd.s32 @!p0 $0x88, s6;
	s7 =	simm.s32 @p2 $0x1082  }
0x22: {  	[simem:s7], [sflag:s8] =	dma.local @!p0 [hbm:s6], $0xF7A  }
0x23: {  	s9 =	sor.u32 $0xD0000000, s2;
	s6 =	simm.s32 $0x108;
	_ =	swait.ge @!p0 [sflag:s8], $0x0  }
0x24: {  	s3 =	sadd.s32 $0x88, s3;
	s6 =	simm.s32 @!p1 $0x1082;
	[sflag:s4] =	ssyncset.s32 $0xFFFFF086  }
0x25: {  	[simem:s6], [sflag:s4] =	dma.local [hbm:s3], $0xF7A  }
0x26: {  	[smem:$0x3F9D] =	sst s1;
	(tag) =	ssettag s2;
	_ =	strace s9  }
0x27: {  	s1 =	sld [smem:$0x3FAD]  }
0x28: {  	s2 =	sld [smem:$0x3FAE]  }
0x29: {  	s4 =	sld [smem:$0x3FB0]  }
0x2a: {  	p0 =	seq.s32 s5, $0x0;
	s5 =	sld [smem:$0x3FB1]  }
0x2b: {  	s6 =	sld [smem:$0x3FB2]  }
0x2c: {  	s7 =	sld [smem:$0x3FB3]  }
0x2d: {  	s3 =	simm.s32 $0x108;
	s8 =	sld [smem:$0x3FB4]  }
0x2e: {  	s3 =	simm.s32 @!p0 $0x1082;
	s9 =	sld [smem:$0x3FB5]  }
0x2f: {  	lr =	sadd.s32 s0, s3;
	s0 =	sld [smem:$0x3FAC]  }
0x30: {  	s3 =	sld [smem:$0x3FAF]  }
0x31: {  	[smem:$0x3FB8] =	sst s10  }
0x32: {  	s10 =	sld [smem:$0x3FB6];
	_ =	sdelay $0x3  }
0x33: {  	p0 =	seq.s32 s10, $0x1;
	s10 =	sld [smem:$0x3FB8];
	_ =	sdelay $0x3  }
0x34: {  	[smem:$0x3FB8] =	sst s10  }
0x35: {  	s10 =	sld [smem:$0x3FB7];
	_ =	sdelay $0x3  }
0x36: {  	p1 =	seq.s32 s10, $0x1;
	s10 =	sld [smem:$0x3FB8];
	_ =	sdelay $0x3  }
0x37: {  	[smem:$0x3FB8] =	sst s10  }
0x38: {  	s10 =	sld [smem:$0x3FB9]  }
0x39: {  	_ = 	snop;
	(pc) =	sbr.ind lr, $3  }
0x3a: {  	_ = 	snop  }
0x3b: {  	_ = 	snop  }
0x3c: {  	p2 =	seq.s32 s10, $0x1;
	s10 =	sld [smem:$0x3FB8]  }
0x3d: {  	_ =	shalt  }
0x3e: {  	_ =	shalt  }
0x3f: {  	_ =	shalt  }
0x40: {  	_ =	shalt  }
0x41: {  	_ =	shalt  }
0x42: {  	_ =	shalt  }
0x43: {  	_ =	shalt  }
0x44: {  	_ =	shalt  }
0x45: {  	_ =	shalt  }
0x46: {  	_ =	shalt  }
0x47: {  	_ =	shalt  }
0x48: {  	_ =	shalt  }
0x49: {  	_ =	shalt  }
0x4a: {  	_ =	shalt  }
0x4b: {  	_ =	shalt  }
0x4c: {  	_ =	shalt  }
0x4d: {  	_ =	shalt  }
0x4e: {  	_ =	shalt  }
0x4f: {  	_ =	shalt  }
0x50: {  	_ =	shalt  }
0x51: {  	_ =	shalt  }
0x52: {  	_ =	shalt  }
0x53: {  	_ =	shalt  }
0x54: {  	_ =	shalt  }
0x55: {  	_ =	shalt  }
0x56: {  	_ =	shalt  }
0x57: {  	_ =	shalt  }
0x58: {  	_ =	shalt  }
0x59: {  	_ =	shalt  }
0x5a: {  	_ =	shalt  }
0x5b: {  	_ =	shalt  }
0x5c: {  	_ =	shalt  }
0x5d: {  	_ =	shalt  }
0x5e: {  	_ =	shalt  }
0x5f: {  	_ =	shalt  }
0x60: {  	_ =	shalt  }
0x61: {  	_ =	shalt  }
0x62: {  	_ =	shalt  }
0x63: {  	_ =	shalt  }
0x64: {  	_ =	shalt  }
0x65: {  	_ =	shalt  }
0x66: {  	_ =	shalt  }
0x67: {  	_ =	shalt  }
0x68: {  	_ =	shalt  }
0x69: {  	_ =	shalt  }
0x6a: {  	_ =	shalt  }
0x6b: {  	_ =	shalt  }
0x6c: {  	_ =	shalt  }
0x6d: {  	_ =	shalt  }
0x6e: {  	_ =	shalt  }
0x6f: {  	_ =	shalt  }
0x70: {  	_ =	shalt  }
0x71: {  	_ =	shalt  }
0x72: {  	_ =	shalt  }
0x73: {  	_ =	shalt  }
0x74: {  	_ =	shalt  }
0x75: {  	_ =	shalt  }
0x76: {  	_ =	shalt  }
0x77: {  	_ =	shalt  }
0x78: {  	_ =	shalt  }
0x79: {  	_ =	shalt  }
0x7a: {  	_ =	shalt  }
0x7b: {  	_ =	shalt  }
0x7c: {  	_ =	shalt  }
0x7d: {  	_ =	shalt  }
0x7e: {  	_ =	shalt  }
0x7f: {  	_ =	shalt  }
0x80: {  	_ =	shalt  }
0x81: {  	_ =	shalt  }
0x82: {  	_ =	shalt  }
0x83: {  	_ =	shalt  }
0x84: {  	_ =	shalt  }
0x85: {  	_ =	shalt  }
0x86: {  	_ =	shalt  }
0x87: {  	_ =	shalt  }
.Lfunc_end0:
.L_simem_size_0:
called_computation.1_lowered:
.L_overlay_start_0:
0x88: {  	s2 =	sld [smem:$0x3FD9]  }
0x89: {  	s3 =	sld [smem:$0x3FFE];
	_ =	sdelay $0x1  }
0x8a: {  	s1 =	srdreg.scid  }
0x8b: {  	s0 =	sand.u32 $0x1, s1  }
0x8c: {  	s17 =	sshll.u32 s0, $0xA;
	s2 =	sadd.s32 s3, s2  }
0x8d: {  	s2 =	sadd.s32 s2, s17  }
0x8e: {  	[smem:$0x3FC4] =	sst s2  }
0x8f: {  	_ = 	snop  }
0x90: {  	s2 =	sld [smem:$0x3FD0];
	(tm) =	ssettm $0x1  }
0x91: {  	s18 =	sld [smem:$0x3FFB];
	_ =	sdelay $0x3  }
0x92: {  	_ =	strace s18  }
0x93: {  	s3 =	sld [smem:$0x3FFC];
	_ =	sdelay $0x3  }
0x94: {  	_ =	strace s3  }
0x95: {  	s3 =	sld [smem:$0x3FFD];
	_ =	sdelay $0x3  }
0x96: {  	_ =	strace s3  }
0x97: {  	_ =	strace $0x8FFFFFFF  }
0x98: {  	s19 =	sld [smem:$0x3FDB];
	_ =	sdelay $0x1  }
0x99: {  	s4 =	simm.s32 $_scs_section_size  }
0x9a: {  	s5 =	simm.s32 $_size__tile_overlayer_lowered;
	s6 =	simm.s32 $_tile_overlayer_lowered  }
0x9b: {  	s22 =	simm.s32 $0x1BFF;
	s21 =	sshll.u32 s6, $0x1;
	s3 =	sadd.s32 s4, s19  }
0x9c: {  	s7 =	simm.s32 $0x0;
	s20 =	sshll.u32 s5, $0x1;
	s5 =	sadd.s32 s21, s3  }
0x9d: {  	[timem:s7], [sflag:s22] =	dma.local [hbm:s5], s20  }
0x9e: {  	_ =	swait.ge [sflag:s22], s20  }
0x9f: {  	s4 =	ssub.s32 $0x0, s20;
	[sflag:s22] =	ssyncset.done $0x0  }
0xa0: {  	[sflag:s22] =	ssyncadd.s32 s4;
	_ =	sdelay $0x1  }
0xa1: {  	s23 =	simm.s32 $0x1B8B  }
0xa2: {  	_ =	swait.ge [sflag:s23], $0x1  }
0xa3: {  	[sflag:s23] =	ssyncset.done $0x0  }
0xa4: {  	s25 =	simm.s32 $0x1B8E;
	s24 =	sld [smem:$0x3FFE];
	[sflag:s23] =	ssyncadd.s32 $0xFFFFFFFF  }
0xa5: {  	s26 =	simm.s32 $execute0_lowered;
	[smem:$0x3FD2] =	sst s25  }
0xa6: {  	s5 =	sshll.u32 s26, $0x1;
	_ =	strace $0x80000049;
	[dreg:$0x1] =	wrdreg $0xFFFFFFFF  }
0xa7: {  	s28 =	simm.s32 $_size_execute0_lowered;
	s3 =	sadd.s32 s3, s5;
	[dreg:$0x0] =	wrdreg $0x0  }
0xa8: {  	s5 =	sshll.u32 s28, $0x1;
	[dreg:$0x2] =	wrdreg s3  }
0xa9: {  	[dreg:$0x3] =	wrdreg s5  }
0xaa: {  	[dreg:$0x4] =	wrdreg $0xC0  }
0xab: {  	_ =	task [dreg:s7], $0x5FFFF  }
0xac: {  	[dreg:$0x1] =	wrdreg $0xFFFFFFFF  }
0xad: {  	[dreg:$0x0] =	wrdreg $0x60  }
0xae: {  	[dreg:$0x2] =	wrdreg s2  }
0xaf: {  	[dreg:$0x3] =	wrdreg s24  }
0xb0: {  	[dreg:$0x4] =	wrdreg $0xB8000  }
0xb1: {  	[dreg:$0x5] =	wrdreg $0x9  }
0xb2: {  	_ =	task.clear_ibuf [dreg:s7], $0x6FFFF;
	_ =	strace $0x90000049  }
0xb3: {  	s29 =	simm.s32 $0x9;
	_ =	strace $0x8000004B  }
0xb4: {  	_ =	swait.ge [sflag:s29], $0x1  }
0xb5: {  	[sflag:s29] =	ssyncadd.s32 $0xFFFFFFFF  }
0xb6: {  	_ =	strace $0x9000004B  }
0xb7: {  	_ =	sfence  }
0xb8: {  	s30 =	sld [smem:$0x0];
	_ =	sdelay $0x2  }
0xb9: {  	s31 =	sshll.u32 s1, $0xD;
	s1 =	sshrl.u32 s1, $0x2  }
0xba: {  	s3 =	sand.u32 $0x4000, s31;
	s1 =	sadd.s32 s1, s30  }
0xbb: {  	s0 =	sor.u32 s3, s0;
	s1 =	sshll.u32 s1, $0x11  }
0xbc: {  	s0 =	sor.u32 s1, s0  }
0xbd: {  	s0 =	sadd.s32 $0x8F2B, s0  }
0xbe: {  	[sflag:s0] =	ssyncadd.remote.s32 $0x1  }
0xbf: {  	_ =	sfence.sel $0xFFFF  }
0xc0: {  	[dreg:$0x0] =	wrdreg $0xFFFFFFFF;
	(pc) =	sbr.abs _section_cstart, $3  }
0xc1: {  	[dreg:$0x1] =	wrdreg $0xFFFFFFFF  }
0xc2: {  	_ =	task.clear_ibuf [dreg:s7], $0x2FFFF;
	_ =	strace $0x9FFFFFFF  }
0xc3: {  	(tm) =	ssettm $0x7FFFFFFF  }
tec
execute0_lowered:
.L_overlay_start_1:
0x0: {  	(tag) =	ssettag $0x1  }
0x1: {  	s2 =	rddreg [dreg:$0x0]  }
0x2: {  	s0 =	srdreg.scid;
	s5 =	rddreg [dreg:$0x1]  }
0x3: {  	s4 =	stileid.u32;
	s3 =	rddreg [dreg:$0x2];
	s8 =	simm.s32 $0x0  }
0x4: {  	s28 =	simm.s32 $0x2;
	s15 =	simm.s32 $0x2800;
	s9 =	simm.s32 $0x3380  }
0x5: {  	s10 =	simm.s32 $0x3400;
	s11 =	simm.s32 $0x3480;
	s12 =	simm.s32 $0x3500  }
0x6: {  	s13 =	simm.s32 $0x3580;
	s14 =	simm.s32 $0x3600;
	s30 =	simm.s32 $0x3700  }
0x7: {  	s0 =	sand.u32 $0x1, s0;
	s7 =	smul.u32 $0x14000, s4;
	[smem:$0x7FF] =	sst s8  }
0x8: {  	s1 =	sshll.u32 s0, $0x4;
	s6 =	smul.u32 $0x140000, s0;
	s0 =	ssub.s32 $0x2, s0  }
0x9: {  	s1 =	sor.u32 s4, s1;
	s4 =	smul.u32 $0x50000, s4;
	s17 =	sshrl.u32 s0, $0x1  }
0xa: {  	s8 =	simm.s32 $0x3300;
	_ =	strace $0x8000004A;
	s0 =	ssub.s32 s0, s17  }
0xb: {  	s1 =	smul.u32 $0x2800, s1;
	s16 =	sshrl.u32 s4, $0x2;
	s0 =	smax.u32 s0, $0x1  }
0xc: {  	s6 =	sadd.s32 s7, s6;
	s18 =	sadd.s32 s16, s3;
	[dreg:$0xf] =	wrdreg s0  }
0xd: {  	s7 =	simm.s32 $0x3280;
	s20 =	sadd.s32 $0x4000, s18;
	[dreg:$0x10] =	wrdreg s18  }
0xe: {  	s6 =	sshrl.u32 s6, $0x3;
	s21 =	sadd.s32 $0x8000, s18;
	[dreg:$0x5] =	wrdreg s20  }
0xf: {  	s1 =	sshrl.u32 s1, $0x3;
	s22 =	sadd.s32 $0xC000, s18;
	[dreg:$0x6] =	wrdreg s21  }
0x10: {  	s6 =	sadd.s32 s6, s5;
	s23 =	sadd.s32 $0x10000, s18;
	[dreg:$0x7] =	wrdreg s22  }
0x11: {  	s1 =	sadd.s32 s1, s5;
	s31 =	sadd.s32 $0x66600, s6;
	[dreg:$0x8] =	wrdreg s23  }
0x12: {  	s17 =	simm.s32 $0x3680;
	s19 =	sadd.s32 $0x5C600, s1;
	[dreg:$0xe] =	wrdreg s31  }
0x13: {  	s0 =	simm.s32 $0x0;
	s24 =	sadd.s32 $0x2600, s1;
	[dreg:$0x4] =	wrdreg s19  }
0x14: {  	s16 =	simm.s32 $0x0;
	s25 =	sadd.s32 $0x2700, s1;
	[dreg:$0x9] =	wrdreg s24  }
0x15: {  	s18 =	simm.s32 $0x5;
	s26 =	sadd.s32 $0x2800, s1;
	[dreg:$0xa] =	wrdreg s25  }
0x16: {  	s6 =	simm.s32 $0x3200;
	s29 =	sadd.s32 $0x2900, s1;
	[dreg:$0xb] =	wrdreg s26  }
0x17: {  	s1 =	sadd.s32 $0x2A00, s1;
	s21 =	simm.s32 $0x80;
	[dreg:$0xc] =	wrdreg s29  }
0x18: {  	s22 =	simm.s32 $0x7800;
	s20 =	simm.s32 $0x3780;
	[dreg:$0xd] =	wrdreg s1  }
0x19: {  	v0 =	vimm.f32 $0.0e+00;
	s19 =	simm.s32 $0x3800;
	s25 =	simm.s32 $0x1;
	s24 =	simm.s32 $0x3080  }
.LBB2_1:
0x1a: {  	s29 =	rddreg [dreg:$0x4]  }
0x1b: {  	[tilespmem:s0], [sflag:$0x5] =	stream.linear.gather [hbm4b:s29+s0], $0x2800, $0x38;
	[tilespmem:$0x1F800] =	vst v63  }
0x1c: {  	_ =	swait.ge [sflag:s18], $0x2800  }
0x1d: {  	[sflag:s18] =	ssyncset.done $0x0  }
0x1e: {  	s31 =	simm.s32 $0x200;
	s29 =	simm.s32 $0x0;
	[sflag:s18] =	ssyncadd.s32 $0xFFFFD800  }
.LBB2_2:
0x1f: {  	p0 =	sne.s32 s31, $0xFE00;
	[tilespmem:s29+$0x3870] =	vst v0  }
0x20: {  	[tilespmem:s29+$0x3800] =	vst v0  }
0x21: {  	[tilespmem:s29+$0x3810] =	vst v0  }
.Ltmp0:
0x22: {  	[tilespmem:s29+$0x3820] =	vst v0;
	(pc) =	sbr.rel @p0 .LBB2_2-.Ltmp0, $4  }
0x23: {  	[tilespmem:s29+$0x3830] =	vst v0  }
0x24: {  	[tilespmem:s29+$0x3840] =	vst v0  }
0x25: {  	[tilespmem:s29+$0x3850] =	vst v0  }
0x26: {  	[tilespmem:s29+$0x3860] =	vst v0;
	s29 =	sshra.s32 s31, $0x2;
	s31 =	sadd.s32 $0x200, s31  }
0x27: {  	[tilespmem:s29+$0x3870] =	vst v0  }
0x28: {  	[tilespmem:s29+$0x3800] =	vst v0  }
0x29: {  	[tilespmem:s29+$0x3810] =	vst v0  }
0x2a: {  	[tilespmem:s29+$0x3820] =	vst v0  }
0x2b: {  	[tilespmem:s29+$0x3830] =	vst v0  }
0x2c: {  	[tilespmem:s29+$0x3840] =	vst v0  }
0x2d: {  	[tilespmem:s29+$0x3850] =	vst v0  }
0x2e: {  	[tilespmem:s29+$0x3860] =	vst v0;
	s31 =	rddreg [dreg:$0x10]  }
0x2f: {  	[spmem:s31] =	stream.linear.scatter [tilespmem:s19], [sflag:$0x5], $0x4000, $0x38;
	[tilespmem:$0x1F800] =	vst v63  }
0x30: {  	_ =	swait.ge [sflag:s18], $0x4000  }
0x31: {  	[sflag:s18] =	ssyncset.done $0x0  }
0x32: {  	s4 =	rddreg [dreg:$0x5];
	[sflag:s18] =	ssyncadd.s32 $0xFFFFC000  }
0x33: {  	[spmem:s4] =	stream.linear.scatter [tilespmem:s19], [sflag:$0x5], $0x4000, $0x38;
	[tilespmem:$0x1F800] =	vst v63  }
0x34: {  	_ =	swait.ge [sflag:s18], $0x4000  }
0x35: {  	[sflag:s18] =	ssyncset.done $0x0  }
0x36: {  	s5 =	rddreg [dreg:$0x6];
	[sflag:s18] =	ssyncadd.s32 $0xFFFFC000  }
0x37: {  	[spmem:s5] =	stream.linear.scatter [tilespmem:s19], [sflag:$0x5], $0x4000, $0x38;
	[tilespmem:$0x1F800] =	vst v63  }
0x38: {  	_ =	swait.ge [sflag:s18], $0x4000  }
0x39: {  	[sflag:s18] =	ssyncset.done $0x0  }
0x3a: {  	s23 =	rddreg [dreg:$0x7];
	[sflag:s18] =	ssyncadd.s32 $0xFFFFC000  }
0x3b: {  	[spmem:s23] =	stream.linear.scatter [tilespmem:s19], [sflag:$0x5], $0x4000, $0x38;
	[tilespmem:$0x1F800] =	vst v63  }
0x3c: {  	_ =	swait.ge [sflag:s18], $0x4000  }
0x3d: {  	[sflag:s18] =	ssyncset.done $0x0  }
0x3e: {  	s26 =	rddreg [dreg:$0x8];
	[sflag:s18] =	ssyncadd.s32 $0xFFFFC000  }
0x3f: {  	[spmem:s26] =	stream.linear.scatter [tilespmem:s19], [sflag:$0x5], $0x4000, $0x38;
	[tilespmem:$0x1F800] =	vst v63  }
0x40: {  	_ =	swait.ge [sflag:s18], $0x4000  }
0x41: {  	[sflag:s18] =	ssyncset.done $0x0  }
0x42: {  	s1 =	rddreg [dreg:$0x9];
	[sflag:s18] =	ssyncadd.s32 $0xFFFFC000  }
0x43: {  	[tilespmem:s15], [sflag:$0x3] =	stream.linear.gather [hbm4b:s1+s0], $0x800, $0x38;
	[tilespmem:$0x1F800] =	vst v63  }
0x44: {  	_ = 	snop  }
0x45: {  	[tilespmem:s19], [sflag:$0x1] =	stream.indirect.gather [hbm4b:s2+s21], $0x80, s0, s21, $0xb8;
	[tilespmem:$0x1F800] =	vst v63  }
0x46: {  	_ = 	snop  }
0x47: {  	[tilespmem:s22], [sflag:$0x2] =	stream.indirect.gather [hbm4b:s2+s21], $0x80, s21, s21, $0xb8;
	[tilespmem:$0x1F800] =	vst v63  }
0x48: {  	s1 =	simm.s32 $0x3;
	[bflag:$0x0] =	sbarrier.arrive $0xFFFF  }
0x49: {  	_ =	swait.ge [sflag:s1], $0x800  }
0x4a: {  	[sflag:s1] =	ssyncset.done $0x0  }
0x4b: {  	s5 =	simm.s32 $0x3000;
	s4 =	rddreg [dreg:$0xa];
	[sflag:s1] =	ssyncadd.s32 $0xFFFFF800  }
0x4c: {  	[tilespmem:s5], [sflag:$0x4] =	stream.linear.gather [hbm4b:s4+s0], $0x800, $0x38;
	[tilespmem:$0x1F800] =	vst v63  }
0x4d: {  	_ =	swait.ge [sflag:s25], $0x4000  }
0x4e: {  	[sflag:s25] =	ssyncset.done $0x0  }
0x4f: {  	[sflag:s25] =	ssyncadd.s32 $0xFFFFC000  }
0x50: {  	[spmem:s3] =	stream.indirect.scatter.add.f32 [tilespmem:s19], [sflag:$0x5], $0x80, s15, s21, $0xb8;
	[tilespmem:$0x1F800] =	vst v63  }
0x51: {  	_ =	swait.ge [sflag:s18], $0x4000  }
0x52: {  	[sflag:s18] =	ssyncset.done $0x0  }
0x53: {  	s26 =	simm.s32 $0x100;
	[sflag:s18] =	ssyncadd.s32 $0xFFFFC000  }
0x54: {  	[tilespmem:s19], [sflag:$0x1] =	stream.indirect.gather [hbm4b:s2+s21], $0x80, s26, s21, $0xb8;
	[tilespmem:$0x1F800] =	vst v63  }
0x55: {  	_ =	swait.ge [sflag:s28], $0x4000  }
0x56: {  	[sflag:s28] =	ssyncset.done $0x0  }
0x57: {  	s23 =	simm.s32 $0x2880;
	[sflag:s28] =	ssyncadd.s32 $0xFFFFC000  }
0x58: {  	[spmem:s3] =	stream.indirect.scatter.add.f32 [tilespmem:s22], [sflag:$0x5], $0x80, s23, s21, $0xb8;
	[tilespmem:$0x1F800] =	vst v63  }
0x59: {  	_ =	swait.ge [sflag:s18], $0x4000  }
0x5a: {  	[sflag:s18] =	ssyncset.done $0x0  }
0x5b: {  	s26 =	simm.s32 $0x180;
	[sflag:s18] =	ssyncadd.s32 $0xFFFFC000  }
0x5c: {  	[tilespmem:s22], [sflag:$0x2] =	stream.indirect.gather [hbm4b:s2+s21], $0x80, s26, s21, $0xb8;
	[tilespmem:$0x1F800] =	vst v63  }
0x5d: {  	_ =	swait.ge [sflag:s25], $0x4000  }
0x5e: {  	[sflag:s25] =	ssyncset.done $0x0  }
0x5f: {  	s29 =	simm.s32 $0x2900;
	[sflag:s25] =	ssyncadd.s32 $0xFFFFC000  }
0x60: {  	[spmem:s3] =	stream.indirect.scatter.add.f32 [tilespmem:s19], [sflag:$0x5], $0x80, s29, s21, $0xb8;
	[tilespmem:$0x1F800] =	vst v63  }
0x61: {  	_ =	swait.ge [sflag:s18], $0x4000  }
0x62: {  	[sflag:s18] =	ssyncset.done $0x0  }
0x63: {  	s4 =	simm.s32 $0x200;
	[sflag:s18] =	ssyncadd.s32 $0xFFFFC000  }
0x64: {  	[tilespmem:s19], [sflag:$0x1] =	stream.indirect.gather [hbm4b:s2+s21], $0x80, s4, s21, $0xb8;
	[tilespmem:$0x1F800] =	vst v63  }
0x65: {  	_ =	swait.ge [sflag:s28], $0x4000  }
0x66: {  	[sflag:s28] =	ssyncset.done $0x0  }
0x67: {  	s23 =	simm.s32 $0x2980;
	[sflag:s28] =	ssyncadd.s32 $0xFFFFC000  }
0x68: {  	[spmem:s3] =	stream.indirect.scatter.add.f32 [tilespmem:s22], [sflag:$0x5], $0x80, s23, s21, $0xb8;
	[tilespmem:$0x1F800] =	vst v63  }
0x69: {  	_ =	swait.ge [sflag:s18], $0x4000  }
0x6a: {  	[sflag:s18] =	ssyncset.done $0x0  }
0x6b: {  	s26 =	simm.s32 $0x280;
	[sflag:s18] =	ssyncadd.s32 $0xFFFFC000  }
0x6c: {  	[tilespmem:s22], [sflag:$0x2] =	stream.indirect.gather [hbm4b:s2+s21], $0x80, s26, s21, $0xb8;
	[tilespmem:$0x1F800] =	vst v63  }
0x6d: {  	_ =	swait.ge [sflag:s25], $0x4000  }
0x6e: {  	[sflag:s25] =	ssyncset.done $0x0  }
0x6f: {  	s29 =	simm.s32 $0x2A00;
	[sflag:s25] =	ssyncadd.s32 $0xFFFFC000  }
0x70: {  	[spmem:s3] =	stream.indirect.scatter.add.f32 [tilespmem:s19], [sflag:$0x5], $0x80, s29, s21, $0xb8;
	[tilespmem:$0x1F800] =	vst v63  }
0x71: {  	_ =	swait.ge [sflag:s18], $0x4000  }
0x72: {  	[sflag:s18] =	ssyncset.done $0x0  }
0x73: {  	s4 =	simm.s32 $0x300;
	[sflag:s18] =	ssyncadd.s32 $0xFFFFC000  }
0x74: {  	[tilespmem:s19], [sflag:$0x1] =	stream.indirect.gather [hbm4b:s2+s21], $0x80, s4, s21, $0xb8;
	[tilespmem:$0x1F800] =	vst v63  }
0x75: {  	_ =	swait.ge [sflag:s28], $0x4000  }
0x76: {  	[sflag:s28] =	ssyncset.done $0x0  }
0x77: {  	s23 =	simm.s32 $0x2A80;
	[sflag:s28] =	ssyncadd.s32 $0xFFFFC000  }
0x78: {  	[spmem:s3] =	stream.indirect.scatter.add.f32 [tilespmem:s22], [sflag:$0x5], $0x80, s23, s21, $0xb8;
	[tilespmem:$0x1F800] =	vst v63  }
0x79: {  	_ =	swait.ge [sflag:s18], $0x4000  }
0x7a: {  	[sflag:s18] =	ssyncset.done $0x0  }
0x7b: {  	s26 =	simm.s32 $0x380;
	[sflag:s18] =	ssyncadd.s32 $0xFFFFC000  }
0x7c: {  	[tilespmem:s22], [sflag:$0x2] =	stream.indirect.gather [hbm4b:s2+s21], $0x80, s26, s21, $0xb8;
	[tilespmem:$0x1F800] =	vst v63  }
0x7d: {  	_ =	swait.ge [sflag:s25], $0x4000  }
0x7e: {  	[sflag:s25] =	ssyncset.done $0x0  }
0x7f: {  	s29 =	simm.s32 $0x2B00;
	[sflag:s25] =	ssyncadd.s32 $0xFFFFC000  }
0x80: {  	[spmem:s3] =	stream.indirect.scatter.add.f32 [tilespmem:s19], [sflag:$0x5], $0x80, s29, s21, $0xb8;
	[tilespmem:$0x1F800] =	vst v63  }
0x81: {  	_ =	swait.ge [sflag:s18], $0x4000  }
0x82: {  	[sflag:s18] =	ssyncset.done $0x0  }
0x83: {  	s4 =	simm.s32 $0x400;
	[sflag:s18] =	ssyncadd.s32 $0xFFFFC000  }
0x84: {  	[tilespmem:s19], [sflag:$0x1] =	stream.indirect.gather [hbm4b:s2+s21], $0x80, s4, s21, $0xb8;
	[tilespmem:$0x1F800] =	vst v63  }
0x85: {  	_ =	swait.ge [sflag:s28], $0x4000  }
0x86: {  	[sflag:s28] =	ssyncset.done $0x0  }
0x87: {  	s23 =	simm.s32 $0x2B80;
	[sflag:s28] =	ssyncadd.s32 $0xFFFFC000  }
0x88: {  	[spmem:s3] =	stream.indirect.scatter.add.f32 [tilespmem:s22], [sflag:$0x5], $0x80, s23, s21, $0xb8;
	[tilespmem:$0x1F800] =	vst v63  }
0x89: {  	_ =	swait.ge [sflag:s18], $0x4000  }
0x8a: {  	[sflag:s18] =	ssyncset.done $0x0  }
0x8b: {  	s26 =	simm.s32 $0x480;
	[sflag:s18] =	ssyncadd.s32 $0xFFFFC000  }
0x8c: {  	[tilespmem:s22], [sflag:$0x2] =	stream.indirect.gather [hbm4b:s2+s21], $0x80, s26, s21, $0xb8;
	[tilespmem:$0x1F800] =	vst v63  }
0x8d: {  	_ =	swait.ge [sflag:s25], $0x4000  }
0x8e: {  	[sflag:s25] =	ssyncset.done $0x0  }
0x8f: {  	s29 =	simm.s32 $0x2C00;
	[sflag:s25] =	ssyncadd.s32 $0xFFFFC000  }
0x90: {  	[spmem:s3] =	stream.indirect.scatter.add.f32 [tilespmem:s19], [sflag:$0x5], $0x80, s29, s21, $0xb8;
	[tilespmem:$0x1F800] =	vst v63  }
0x91: {  	_ =	swait.ge [sflag:s18], $0x4000  }
0x92: {  	[sflag:s18] =	ssyncset.done $0x0  }
0x93: {  	s4 =	simm.s32 $0x500;
	[sflag:s18] =	ssyncadd.s32 $0xFFFFC000  }
0x94: {  	[tilespmem:s19], [sflag:$0x1] =	stream.indirect.gather [hbm4b:s2+s21], $0x80, s4, s21, $0xb8;
	[tilespmem:$0x1F800] =	vst v63  }
0x95: {  	_ =	swait.ge [sflag:s28], $0x4000  }
0x96: {  	[sflag:s28] =	ssyncset.done $0x0  }
0x97: {  	s23 =	simm.s32 $0x2C80;
	[sflag:s28] =	ssyncadd.s32 $0xFFFFC000  }
0x98: {  	[spmem:s3] =	stream.indirect.scatter.add.f32 [tilespmem:s22], [sflag:$0x5], $0x80, s23, s21, $0xb8;
	[tilespmem:$0x1F800] =	vst v63  }
0x99: {  	_ =	swait.ge [sflag:s18], $0x4000  }
0x9a: {  	[sflag:s18] =	ssyncset.done $0x0  }
0x9b: {  	s26 =	simm.s32 $0x580;
	[sflag:s18] =	ssyncadd.s32 $0xFFFFC000  }
0x9c: {  	[tilespmem:s22], [sflag:$0x2] =	stream.indirect.gather [hbm4b:s2+s21], $0x80, s26, s21, $0xb8;
	[tilespmem:$0x1F800] =	vst v63  }
0x9d: {  	_ =	swait.ge [sflag:s25], $0x4000  }
0x9e: {  	[sflag:s25] =	ssyncset.done $0x0  }
0x9f: {  	s29 =	simm.s32 $0x2D00;
	[sflag:s25] =	ssyncadd.s32 $0xFFFFC000  }
0xa0: {  	[spmem:s3] =	stream.indirect.scatter.add.f32 [tilespmem:s19], [sflag:$0x5], $0x80, s29, s21, $0xb8;
	[tilespmem:$0x1F800] =	vst v63  }
0xa1: {  	_ =	swait.ge [sflag:s18], $0x4000  }
0xa2: {  	[sflag:s18] =	ssyncset.done $0x0  }
0xa3: {  	s4 =	simm.s32 $0x600;
	[sflag:s18] =	ssyncadd.s32 $0xFFFFC000  }
0xa4: {  	[tilespmem:s19], [sflag:$0x1] =	stream.indirect.gather [hbm4b:s2+s21], $0x80, s4, s21, $0xb8;
	[tilespmem:$0x1F800] =	vst v63  }
0xa5: {  	_ =	swait.ge [sflag:s28], $0x4000  }
0xa6: {  	[sflag:s28] =	ssyncset.done $0x0  }
0xa7: {  	s23 =	simm.s32 $0x2D80;
	[sflag:s28] =	ssyncadd.s32 $0xFFFFC000  }
0xa8: {  	[spmem:s3] =	stream.indirect.scatter.add.f32 [tilespmem:s22], [sflag:$0x5], $0x80, s23, s21, $0xb8;
	[tilespmem:$0x1F800] =	vst v63  }
0xa9: {  	_ =	swait.ge [sflag:s18], $0x4000  }
0xaa: {  	[sflag:s18] =	ssyncset.done $0x0  }
0xab: {  	s26 =	simm.s32 $0x680;
	[sflag:s18] =	ssyncadd.s32 $0xFFFFC000  }
0xac: {  	[tilespmem:s22], [sflag:$0x2] =	stream.indirect.gather [hbm4b:s2+s21], $0x80, s26, s21, $0xb8;
	[tilespmem:$0x1F800] =	vst v63  }
0xad: {  	_ =	swait.ge [sflag:s25], $0x4000  }
0xae: {  	[sflag:s25] =	ssyncset.done $0x0  }
0xaf: {  	s29 =	simm.s32 $0x2E00;
	[sflag:s25] =	ssyncadd.s32 $0xFFFFC000  }
0xb0: {  	[spmem:s3] =	stream.indirect.scatter.add.f32 [tilespmem:s19], [sflag:$0x5], $0x80, s29, s21, $0xb8;
	[tilespmem:$0x1F800] =	vst v63  }
0xb1: {  	_ =	swait.ge [sflag:s18], $0x4000  }
0xb2: {  	[sflag:s18] =	ssyncset.done $0x0  }
0xb3: {  	s4 =	simm.s32 $0x700;
	[sflag:s18] =	ssyncadd.s32 $0xFFFFC000  }
0xb4: {  	[tilespmem:s19], [sflag:$0x1] =	stream.indirect.gather [hbm4b:s2+s21], $0x80, s4, s21, $0xb8;
	[tilespmem:$0x1F800] =	vst v63  }
0xb5: {  	_ =	swait.ge [sflag:s28], $0x4000  }
0xb6: {  	[sflag:s28] =	ssyncset.done $0x0  }
0xb7: {  	s23 =	simm.s32 $0x2E80;
	[sflag:s28] =	ssyncadd.s32 $0xFFFFC000  }
0xb8: {  	[spmem:s3] =	stream.indirect.scatter.add.f32 [tilespmem:s22], [sflag:$0x5], $0x80, s23, s21, $0xb8;
	[tilespmem:$0x1F800] =	vst v63  }
0xb9: {  	_ =	swait.ge [sflag:s18], $0x4000  }
0xba: {  	[sflag:s18] =	ssyncset.done $0x0  }
0xbb: {  	s26 =	simm.s32 $0x780;
	[sflag:s18] =	ssyncadd.s32 $0xFFFFC000  }
0xbc: {  	[tilespmem:s22], [sflag:$0x2] =	stream.indirect.gather [hbm4b:s2+s21], $0x80, s26, s21, $0xb8;
	[tilespmem:$0x1F800] =	vst v63  }
0xbd: {  	_ =	swait.ge [sflag:s25], $0x4000  }
0xbe: {  	[sflag:s25] =	ssyncset.done $0x0  }
0xbf: {  	s29 =	simm.s32 $0x2F00;
	[sflag:s25] =	ssyncadd.s32 $0xFFFFC000  }
0xc0: {  	[spmem:s3] =	stream.indirect.scatter.add.f32 [tilespmem:s19], [sflag:$0x5], $0x80, s29, s21, $0xb8;
	[tilespmem:$0x1F800] =	vst v63  }
0xc1: {  	_ =	swait.ge [sflag:s18], $0x4000  }
0xc2: {  	[sflag:s18] =	ssyncset.done $0x0  }
0xc3: {  	s0 =	simm.s32 $0x800;
	[sflag:s18] =	ssyncadd.s32 $0xFFFFC000  }
0xc4: {  	[tilespmem:s19], [sflag:$0x1] =	stream.indirect.gather [hbm4b:s2+s21], $0x80, s0, s21, $0xb8;
	[tilespmem:$0x1F800] =	vst v63  }
0xc5: {  	_ =	swait.ge [sflag:s28], $0x4000  }
0xc6: {  	[sflag:s28] =	ssyncset.done $0x0  }
0xc7: {  	s4 =	simm.s32 $0x2F80;
	[sflag:s28] =	ssyncadd.s32 $0xFFFFC000  }
0xc8: {  	[spmem:s3] =	stream.indirect.scatter.add.f32 [tilespmem:s22], [sflag:$0x5], $0x80, s4, s21, $0xb8;
	[tilespmem:$0x1F800] =	vst v63  }
0xc9: {  	_ =	swait.ge [sflag:s18], $0x4000  }
0xca: {  	[sflag:s18] =	ssyncset.done $0x0  }
0xcb: {  	s23 =	simm.s32 $0x880;
	s0 =	simm.s32 $0x4;
	[sflag:s18] =	ssyncadd.s32 $0xFFFFC000  }
0xcc: {  	[tilespmem:s22], [sflag:$0x2] =	stream.indirect.gather [hbm4b:s2+s21], $0x80, s23, s21, $0xb8;
	[tilespmem:$0x1F800] =	vst v63  }
0xcd: {  	_ =	swait.ge [sflag:s0], $0x800  }
0xce: {  	[sflag:s0] =	ssyncset.done $0x0  }
0xcf: {  	s23 =	simm.s32 $0x0;
	s26 =	rddreg [dreg:$0xb];
	[sflag:s0] =	ssyncadd.s32 $0xFFFFF800  }
0xd0: {  	[tilespmem:s15], [sflag:$0x3] =	stream.linear.gather [hbm4b:s26+s23], $0x800, $0x38;
	[tilespmem:$0x1F800] =	vst v63  }
0xd1: {  	_ =	swait.ge [sflag:s25], $0x4000  }
0xd2: {  	[sflag:s25] =	ssyncset.done $0x0  }
0xd3: {  	[sflag:s25] =	ssyncadd.s32 $0xFFFFC000  }
0xd4: {  	[spmem:s3] =	stream.indirect.scatter.add.f32 [tilespmem:s19], [sflag:$0x5], $0x80, s5, s21, $0xb8;
	[tilespmem:$0x1F800] =	vst v63  }
0xd5: {  	_ =	swait.ge [sflag:s18], $0x4000  }
0xd6: {  	[sflag:s18] =	ssyncset.done $0x0  }
0xd7: {  	s4 =	simm.s32 $0x900;
	[sflag:s18] =	ssyncadd.s32 $0xFFFFC000  }
0xd8: {  	[tilespmem:s19], [sflag:$0x1] =	stream.indirect.gather [hbm4b:s2+s21], $0x80, s4, s21, $0xb8;
	[tilespmem:$0x1F800] =	vst v63  }
0xd9: {  	_ =	swait.ge [sflag:s28], $0x4000  }
0xda: {  	[sflag:s28] =	ssyncset.done $0x0  }
0xdb: {  	[sflag:s28] =	ssyncadd.s32 $0xFFFFC000  }
0xdc: {  	[spmem:s3] =	stream.indirect.scatter.add.f32 [tilespmem:s22], [sflag:$0x5], $0x80, s24, s21, $0xb8;
	[tilespmem:$0x1F800] =	vst v63  }
0xdd: {  	_ =	swait.ge [sflag:s18], $0x4000  }
0xde: {  	[sflag:s18] =	ssyncset.done $0x0  }
0xdf: {  	s26 =	simm.s32 $0x980;
	[sflag:s18] =	ssyncadd.s32 $0xFFFFC000  }
0xe0: {  	[tilespmem:s22], [sflag:$0x2] =	stream.indirect.gather [hbm4b:s2+s21], $0x80, s26, s21, $0xb8;
	[tilespmem:$0x1F800] =	vst v63  }
0xe1: {  	_ =	swait.ge [sflag:s25], $0x4000  }
0xe2: {  	[sflag:s25] =	ssyncset.done $0x0  }
0xe3: {  	s26 =	simm.s32 $0x3100;
	[sflag:s25] =	ssyncadd.s32 $0xFFFFC000  }
0xe4: {  	[spmem:s3] =	stream.indirect.scatter.add.f32 [tilespmem:s19], [sflag:$0x5], $0x80, s26, s21, $0xb8;
	[tilespmem:$0x1F800] =	vst v63  }
0xe5: {  	_ =	swait.ge [sflag:s18], $0x4000  }
0xe6: {  	[sflag:s18] =	ssyncset.done $0x0  }
0xe7: {  	s4 =	simm.s32 $0xA00;
	[sflag:s18] =	ssyncadd.s32 $0xFFFFC000  }
0xe8: {  	[tilespmem:s19], [sflag:$0x1] =	stream.indirect.gather [hbm4b:s2+s21], $0x80, s4, s21, $0xb8;
	[tilespmem:$0x1F800] =	vst v63  }
0xe9: {  	_ =	swait.ge [sflag:s28], $0x4000  }
0xea: {  	[sflag:s28] =	ssyncset.done $0x0  }
0xeb: {  	s4 =	simm.s32 $0x3180;
	[sflag:s28] =	ssyncadd.s32 $0xFFFFC000  }
0xec: {  	[spmem:s3] =	stream.indirect.scatter.add.f32 [tilespmem:s22], [sflag:$0x5], $0x80, s4, s21, $0xb8;
	[tilespmem:$0x1F800] =	vst v63  }
0xed: {  	_ =	swait.ge [sflag:s18], $0x4000  }
0xee: {  	[sflag:s18] =	ssyncset.done $0x0  }
0xef: {  	s29 =	simm.s32 $0xA80;
	[sflag:s18] =	ssyncadd.s32 $0xFFFFC000  }
0xf0: {  	[tilespmem:s22], [sflag:$0x2] =	stream.indirect.gather [hbm4b:s2+s21], $0x80, s29, s21, $0xb8;
	[tilespmem:$0x1F800] =	vst v63  }
0xf1: {  	_ =	swait.ge [sflag:s25], $0x4000  }
0xf2: {  	[sflag:s25] =	ssyncset.done $0x0  }
0xf3: {  	[sflag:s25] =	ssyncadd.s32 $0xFFFFC000  }
0xf4: {  	[spmem:s3] =	stream.indirect.scatter.add.f32 [tilespmem:s19], [sflag:$0x5], $0x80, s6, s21, $0xb8;
	[tilespmem:$0x1F800] =	vst v63  }
0xf5: {  	_ =	swait.ge [sflag:s18], $0x4000  }
0xf6: {  	[sflag:s18] =	ssyncset.done $0x0  }
0xf7: {  	s29 =	simm.s32 $0xB00;
	[sflag:s18] =	ssyncadd.s32 $0xFFFFC000  }
0xf8: {  	[tilespmem:s19], [sflag:$0x1] =	stream.indirect.gather [hbm4b:s2+s21], $0x80, s29, s21, $0xb8;
	[tilespmem:$0x1F800] =	vst v63  }
0xf9: {  	_ =	swait.ge [sflag:s28], $0x4000  }
0xfa: {  	[sflag:s28] =	ssyncset.done $0x0  }
0xfb: {  	[sflag:s28] =	ssyncadd.s32 $0xFFFFC000  }
0xfc: {  	[spmem:s3] =	stream.indirect.scatter.add.f32 [tilespmem:s22], [sflag:$0x5], $0x80, s7, s21, $0xb8;
	[tilespmem:$0x1F800] =	vst v63  }
0xfd: {  	_ =	swait.ge [sflag:s18], $0x4000  }
0xfe: {  	[sflag:s18] =	ssyncset.done $0x0  }
0xff: {  	s29 =	simm.s32 $0xB80;
	[sflag:s18] =	ssyncadd.s32 $0xFFFFC000  }
0x100: {  	[tilespmem:s22], [sflag:$0x2] =	stream.indirect.gather [hbm4b:s2+s21], $0x80, s29, s21, $0xb8;
	[tilespmem:$0x1F800] =	vst v63  }
0x101: {  	_ =	swait.ge [sflag:s25], $0x4000  }
0x102: {  	[sflag:s25] =	ssyncset.done $0x0  }
0x103: {  	[sflag:s25] =	ssyncadd.s32 $0xFFFFC000  }
0x104: {  	[spmem:s3] =	stream.indirect.scatter.add.f32 [tilespmem:s19], [sflag:$0x5], $0x80, s8, s21, $0xb8;
	[tilespmem:$0x1F800] =	vst v63  }
0x105: {  	_ =	swait.ge [sflag:s18], $0x4000  }
0x106: {  	[sflag:s18] =	ssyncset.done $0x0  }
0x107: {  	s29 =	simm.s32 $0xC00;
	[sflag:s18] =	ssyncadd.s32 $0xFFFFC000  }
0x108: {  	[tilespmem:s19], [sflag:$0x1] =	stream.indirect.gather [hbm4b:s2+s21], $0x80, s29, s21, $0xb8;
	[tilespmem:$0x1F800] =	vst v63  }
0x109: {  	_ =	swait.ge [sflag:s28], $0x4000  }
0x10a: {  	[sflag:s28] =	ssyncset.done $0x0  }
0x10b: {  	[sflag:s28] =	ssyncadd.s32 $0xFFFFC000  }
0x10c: {  	[spmem:s3] =	stream.indirect.scatter.add.f32 [tilespmem:s22], [sflag:$0x5], $0x80, s9, s21, $0xb8;
	[tilespmem:$0x1F800] =	vst v63  }
0x10d: {  	_ =	swait.ge [sflag:s18], $0x4000  }
0x10e: {  	[sflag:s18] =	ssyncset.done $0x0  }
0x10f: {  	s29 =	simm.s32 $0xC80;
	[sflag:s18] =	ssyncadd.s32 $0xFFFFC000  }
0x110: {  	[tilespmem:s22], [sflag:$0x2] =	stream.indirect.gather [hbm4b:s2+s21], $0x80, s29, s21, $0xb8;
	[tilespmem:$0x1F800] =	vst v63  }
0x111: {  	_ =	swait.ge [sflag:s25], $0x4000  }
0x112: {  	[sflag:s25] =	ssyncset.done $0x0  }
0x113: {  	[sflag:s25] =	ssyncadd.s32 $0xFFFFC000  }
0x114: {  	[spmem:s3] =	stream.indirect.scatter.add.f32 [tilespmem:s19], [sflag:$0x5], $0x80, s10, s21, $0xb8;
	[tilespmem:$0x1F800] =	vst v63  }
0x115: {  	_ =	swait.ge [sflag:s18], $0x4000  }
0x116: {  	[sflag:s18] =	ssyncset.done $0x0  }
0x117: {  	s29 =	simm.s32 $0xD00;
	[sflag:s18] =	ssyncadd.s32 $0xFFFFC000  }
0x118: {  	[tilespmem:s19], [sflag:$0x1] =	stream.indirect.gather [hbm4b:s2+s21], $0x80, s29, s21, $0xb8;
	[tilespmem:$0x1F800] =	vst v63  }
0x119: {  	_ =	swait.ge [sflag:s28], $0x4000  }
0x11a: {  	[sflag:s28] =	ssyncset.done $0x0  }
0x11b: {  	[sflag:s28] =	ssyncadd.s32 $0xFFFFC000  }
0x11c: {  	[spmem:s3] =	stream.indirect.scatter.add.f32 [tilespmem:s22], [sflag:$0x5], $0x80, s11, s21, $0xb8;
	[tilespmem:$0x1F800] =	vst v63  }
0x11d: {  	_ =	swait.ge [sflag:s18], $0x4000  }
0x11e: {  	[sflag:s18] =	ssyncset.done $0x0  }
0x11f: {  	s29 =	simm.s32 $0xD80;
	[sflag:s18] =	ssyncadd.s32 $0xFFFFC000  }
0x120: {  	[tilespmem:s22], [sflag:$0x2] =	stream.indirect.gather [hbm4b:s2+s21], $0x80, s29, s21, $0xb8;
	[tilespmem:$0x1F800] =	vst v63  }
0x121: {  	_ =	swait.ge [sflag:s25], $0x4000  }
0x122: {  	[sflag:s25] =	ssyncset.done $0x0  }
0x123: {  	[sflag:s25] =	ssyncadd.s32 $0xFFFFC000  }
0x124: {  	[spmem:s3] =	stream.indirect.scatter.add.f32 [tilespmem:s19], [sflag:$0x5], $0x80, s12, s21, $0xb8;
	[tilespmem:$0x1F800] =	vst v63  }
0x125: {  	_ =	swait.ge [sflag:s18], $0x4000  }
0x126: {  	[sflag:s18] =	ssyncset.done $0x0  }
0x127: {  	s29 =	simm.s32 $0xE00;
	[sflag:s18] =	ssyncadd.s32 $0xFFFFC000  }
0x128: {  	[tilespmem:s19], [sflag:$0x1] =	stream.indirect.gather [hbm4b:s2+s21], $0x80, s29, s21, $0xb8;
	[tilespmem:$0x1F800] =	vst v63  }
0x129: {  	_ =	swait.ge [sflag:s28], $0x4000  }
0x12a: {  	[sflag:s28] =	ssyncset.done $0x0  }
0x12b: {  	[sflag:s28] =	ssyncadd.s32 $0xFFFFC000  }
0x12c: {  	[spmem:s3] =	stream.indirect.scatter.add.f32 [tilespmem:s22], [sflag:$0x5], $0x80, s13, s21, $0xb8;
	[tilespmem:$0x1F800] =	vst v63  }
0x12d: {  	_ =	swait.ge [sflag:s18], $0x4000  }
0x12e: {  	[sflag:s18] =	ssyncset.done $0x0  }
0x12f: {  	s29 =	simm.s32 $0xE80;
	[sflag:s18] =	ssyncadd.s32 $0xFFFFC000  }
0x130: {  	[tilespmem:s22], [sflag:$0x2] =	stream.indirect.gather [hbm4b:s2+s21], $0x80, s29, s21, $0xb8;
	[tilespmem:$0x1F800] =	vst v63  }
0x131: {  	_ =	swait.ge [sflag:s25], $0x4000  }
0x132: {  	[sflag:s25] =	ssyncset.done $0x0  }
0x133: {  	[sflag:s25] =	ssyncadd.s32 $0xFFFFC000  }
0x134: {  	[spmem:s3] =	stream.indirect.scatter.add.f32 [tilespmem:s19], [sflag:$0x5], $0x80, s14, s21, $0xb8;
	[tilespmem:$0x1F800] =	vst v63  }
0x135: {  	_ =	swait.ge [sflag:s18], $0x4000  }
0x136: {  	[sflag:s18] =	ssyncset.done $0x0  }
0x137: {  	s29 =	simm.s32 $0xF00;
	[sflag:s18] =	ssyncadd.s32 $0xFFFFC000  }
0x138: {  	[tilespmem:s19], [sflag:$0x1] =	stream.indirect.gather [hbm4b:s2+s21], $0x80, s29, s21, $0xb8;
	[tilespmem:$0x1F800] =	vst v63  }
0x139: {  	_ =	swait.ge [sflag:s28], $0x4000  }
0x13a: {  	[sflag:s28] =	ssyncset.done $0x0  }
0x13b: {  	[sflag:s28] =	ssyncadd.s32 $0xFFFFC000  }
0x13c: {  	[spmem:s3] =	stream.indirect.scatter.add.f32 [tilespmem:s22], [sflag:$0x5], $0x80, s17, s21, $0xb8;
	[tilespmem:$0x1F800] =	vst v63  }
0x13d: {  	_ =	swait.ge [sflag:s18], $0x4000  }
0x13e: {  	[sflag:s18] =	ssyncset.done $0x0  }
0x13f: {  	s29 =	simm.s32 $0xF80;
	[sflag:s18] =	ssyncadd.s32 $0xFFFFC000  }
0x140: {  	[tilespmem:s22], [sflag:$0x2] =	stream.indirect.gather [hbm4b:s2+s21], $0x80, s29, s21, $0xb8;
	[tilespmem:$0x1F800] =	vst v63  }
0x141: {  	_ =	swait.ge [sflag:s25], $0x4000  }
0x142: {  	[sflag:s25] =	ssyncset.done $0x0  }
0x143: {  	[sflag:s25] =	ssyncadd.s32 $0xFFFFC000  }
0x144: {  	[spmem:s3] =	stream.indirect.scatter.add.f32 [tilespmem:s19], [sflag:$0x5], $0x80, s30, s21, $0xb8;
	[tilespmem:$0x1F800] =	vst v63  }
0x145: {  	_ =	swait.ge [sflag:s18], $0x4000  }
0x146: {  	[sflag:s18] =	ssyncset.done $0x0  }
0x147: {  	s29 =	simm.s32 $0x1000;
	[sflag:s18] =	ssyncadd.s32 $0xFFFFC000  }
0x148: {  	[tilespmem:s19], [sflag:$0x1] =	stream.indirect.gather [hbm4b:s2+s21], $0x80, s29, s21, $0xb8;
	[tilespmem:$0x1F800] =	vst v63  }
0x149: {  	_ =	swait.ge [sflag:s28], $0x4000  }
0x14a: {  	[sflag:s28] =	ssyncset.done $0x0  }
0x14b: {  	[sflag:s28] =	ssyncadd.s32 $0xFFFFC000  }
0x14c: {  	[spmem:s3] =	stream.indirect.scatter.add.f32 [tilespmem:s22], [sflag:$0x5], $0x80, s20, s21, $0xb8;
	[tilespmem:$0x1F800] =	vst v63  }
0x14d: {  	_ =	swait.ge [sflag:s18], $0x4000  }
0x14e: {  	[sflag:s18] =	ssyncset.done $0x0  }
0x14f: {  	s29 =	simm.s32 $0x1080;
	[sflag:s18] =	ssyncadd.s32 $0xFFFFC000  }
0x150: {  	[tilespmem:s22], [sflag:$0x2] =	stream.indirect.gather [hbm4b:s2+s21], $0x80, s29, s21, $0xb8;
	[tilespmem:$0x1F800] =	vst v63  }
0x151: {  	_ =	swait.ge [sflag:s1], $0x800  }
0x152: {  	[sflag:s1] =	ssyncset.done $0x0  }
0x153: {  	s29 =	rddreg [dreg:$0xc];
	[sflag:s1] =	ssyncadd.s32 $0xFFFFF800  }
0x154: {  	[tilespmem:s5], [sflag:$0x4] =	stream.linear.gather [hbm4b:s29+s23], $0x800, $0x38;
	[tilespmem:$0x1F800] =	vst v63  }
0x155: {  	_ =	swait.ge [sflag:s25], $0x4000  }
0x156: {  	[sflag:s25] =	ssyncset.done $0x0  }
0x157: {  	[sflag:s25] =	ssyncadd.s32 $0xFFFFC000  }
0x158: {  	[spmem:s3] =	stream.indirect.scatter.add.f32 [tilespmem:s19], [sflag:$0x5], $0x80, s15, s21, $0xb8;
	[tilespmem:$0x1F800] =	vst v63  }
0x159: {  	_ =	swait.ge [sflag:s18], $0x4000  }
0x15a: {  	[sflag:s18] =	ssyncset.done $0x0  }
0x15b: {  	s29 =	simm.s32 $0x1100;
	[sflag:s18] =	ssyncadd.s32 $0xFFFFC000  }
0x15c: {  	[tilespmem:s19], [sflag:$0x1] =	stream.indirect.gather [hbm4b:s2+s21], $0x80, s29, s21, $0xb8;
	[tilespmem:$0x1F800] =	vst v63  }
0x15d: {  	_ =	swait.ge [sflag:s28], $0x4000  }
0x15e: {  	[sflag:s28] =	ssyncset.done $0x0  }
0x15f: {  	s29 =	simm.s32 $0x2880;
	[sflag:s28] =	ssyncadd.s32 $0xFFFFC000  }
0x160: {  	[spmem:s3] =	stream.indirect.scatter.add.f32 [tilespmem:s22], [sflag:$0x5], $0x80, s29, s21, $0xb8;
	[tilespmem:$0x1F800] =	vst v63  }
0x161: {  	_ =	swait.ge [sflag:s18], $0x4000  }
0x162: {  	[sflag:s18] =	ssyncset.done $0x0  }
0x163: {  	s29 =	simm.s32 $0x1180;
	[sflag:s18] =	ssyncadd.s32 $0xFFFFC000  }
0x164: {  	[tilespmem:s22], [sflag:$0x2] =	stream.indirect.gather [hbm4b:s2+s21], $0x80, s29, s21, $0xb8;
	[tilespmem:$0x1F800] =	vst v63  }
0x165: {  	_ =	swait.ge [sflag:s25], $0x4000  }
0x166: {  	[sflag:s25] =	ssyncset.done $0x0  }
0x167: {  	s29 =	simm.s32 $0x2900;
	[sflag:s25] =	ssyncadd.s32 $0xFFFFC000  }
0x168: {  	[spmem:s3] =	stream.indirect.scatter.add.f32 [tilespmem:s19], [sflag:$0x5], $0x80, s29, s21, $0xb8;
	[tilespmem:$0x1F800] =	vst v63  }
0x169: {  	_ =	swait.ge [sflag:s18], $0x4000  }
0x16a: {  	[sflag:s18] =	ssyncset.done $0x0  }
0x16b: {  	s29 =	simm.s32 $0x1200;
	[sflag:s18] =	ssyncadd.s32 $0xFFFFC000  }
0x16c: {  	[tilespmem:s19], [sflag:$0x1] =	stream.indirect.gather [hbm4b:s2+s21], $0x80, s29, s21, $0xb8;
	[tilespmem:$0x1F800] =	vst v63  }
0x16d: {  	_ =	swait.ge [sflag:s28], $0x4000  }
0x16e: {  	[sflag:s28] =	ssyncset.done $0x0  }
0x16f: {  	s29 =	simm.s32 $0x2980;
	[sflag:s28] =	ssyncadd.s32 $0xFFFFC000  }
0x170: {  	[spmem:s3] =	stream.indirect.scatter.add.f32 [tilespmem:s22], [sflag:$0x5], $0x80, s29, s21, $0xb8;
	[tilespmem:$0x1F800] =	vst v63  }
0x171: {  	_ =	swait.ge [sflag:s18], $0x4000  }
0x172: {  	[sflag:s18] =	ssyncset.done $0x0  }
0x173: {  	s29 =	simm.s32 $0x1280;
	[sflag:s18] =	ssyncadd.s32 $0xFFFFC000  }
0x174: {  	[tilespmem:s22], [sflag:$0x2] =	stream.indirect.gather [hbm4b:s2+s21], $0x80, s29, s21, $0xb8;
	[tilespmem:$0x1F800] =	vst v63  }
0x175: {  	_ =	swait.ge [sflag:s25], $0x4000  }
0x176: {  	[sflag:s25] =	ssyncset.done $0x0  }
0x177: {  	s29 =	simm.s32 $0x2A00;
	[sflag:s25] =	ssyncadd.s32 $0xFFFFC000  }
0x178: {  	[spmem:s3] =	stream.indirect.scatter.add.f32 [tilespmem:s19], [sflag:$0x5], $0x80, s29, s21, $0xb8;
	[tilespmem:$0x1F800] =	vst v63  }
0x179: {  	_ =	swait.ge [sflag:s18], $0x4000  }
0x17a: {  	[sflag:s18] =	ssyncset.done $0x0  }
0x17b: {  	s29 =	simm.s32 $0x1300;
	[sflag:s18] =	ssyncadd.s32 $0xFFFFC000  }
0x17c: {  	[tilespmem:s19], [sflag:$0x1] =	stream.indirect.gather [hbm4b:s2+s21], $0x80, s29, s21, $0xb8;
	[tilespmem:$0x1F800] =	vst v63  }
0x17d: {  	_ =	swait.ge [sflag:s28], $0x4000  }
0x17e: {  	[sflag:s28] =	ssyncset.done $0x0  }
0x17f: {  	s29 =	simm.s32 $0x2A80;
	[sflag:s28] =	ssyncadd.s32 $0xFFFFC000  }
0x180: {  	[spmem:s3] =	stream.indirect.scatter.add.f32 [tilespmem:s22], [sflag:$0x5], $0x80, s29, s21, $0xb8;
	[tilespmem:$0x1F800] =	vst v63  }
0x181: {  	_ =	swait.ge [sflag:s18], $0x4000  }
0x182: {  	[sflag:s18] =	ssyncset.done $0x0  }
0x183: {  	s29 =	simm.s32 $0x1380;
	[sflag:s18] =	ssyncadd.s32 $0xFFFFC000  }
0x184: {  	[tilespmem:s22], [sflag:$0x2] =	stream.indirect.gather [hbm4b:s2+s21], $0x80, s29, s21, $0xb8;
	[tilespmem:$0x1F800] =	vst v63  }
0x185: {  	_ =	swait.ge [sflag:s25], $0x4000  }
0x186: {  	[sflag:s25] =	ssyncset.done $0x0  }
0x187: {  	s29 =	simm.s32 $0x2B00;
	[sflag:s25] =	ssyncadd.s32 $0xFFFFC000  }
0x188: {  	[spmem:s3] =	stream.indirect.scatter.add.f32 [tilespmem:s19], [sflag:$0x5], $0x80, s29, s21, $0xb8;
	[tilespmem:$0x1F800] =	vst v63  }
0x189: {  	_ =	swait.ge [sflag:s18], $0x4000  }
0x18a: {  	[sflag:s18] =	ssyncset.done $0x0  }
0x18b: {  	s29 =	simm.s32 $0x1400;
	[sflag:s18] =	ssyncadd.s32 $0xFFFFC000  }
0x18c: {  	[tilespmem:s19], [sflag:$0x1] =	stream.indirect.gather [hbm4b:s2+s21], $0x80, s29, s21, $0xb8;
	[tilespmem:$0x1F800] =	vst v63  }
0x18d: {  	_ =	swait.ge [sflag:s28], $0x4000  }
0x18e: {  	[sflag:s28] =	ssyncset.done $0x0  }
0x18f: {  	s29 =	simm.s32 $0x2B80;
	[sflag:s28] =	ssyncadd.s32 $0xFFFFC000  }
0x190: {  	[spmem:s3] =	stream.indirect.scatter.add.f32 [tilespmem:s22], [sflag:$0x5], $0x80, s29, s21, $0xb8;
	[tilespmem:$0x1F800] =	vst v63  }
0x191: {  	_ =	swait.ge [sflag:s18], $0x4000  }
0x192: {  	[sflag:s18] =	ssyncset.done $0x0  }
0x193: {  	s29 =	simm.s32 $0x1480;
	[sflag:s18] =	ssyncadd.s32 $0xFFFFC000  }
0x194: {  	[tilespmem:s22], [sflag:$0x2] =	stream.indirect.gather [hbm4b:s2+s21], $0x80, s29, s21, $0xb8;
	[tilespmem:$0x1F800] =	vst v63  }
0x195: {  	_ =	swait.ge [sflag:s25], $0x4000  }
0x196: {  	[sflag:s25] =	ssyncset.done $0x0  }
0x197: {  	s29 =	simm.s32 $0x2C00;
	[sflag:s25] =	ssyncadd.s32 $0xFFFFC000  }
0x198: {  	[spmem:s3] =	stream.indirect.scatter.add.f32 [tilespmem:s19], [sflag:$0x5], $0x80, s29, s21, $0xb8;
	[tilespmem:$0x1F800] =	vst v63  }
0x199: {  	_ =	swait.ge [sflag:s18], $0x4000  }
0x19a: {  	[sflag:s18] =	ssyncset.done $0x0  }
0x19b: {  	s29 =	simm.s32 $0x1500;
	[sflag:s18] =	ssyncadd.s32 $0xFFFFC000  }
0x19c: {  	[tilespmem:s19], [sflag:$0x1] =	stream.indirect.gather [hbm4b:s2+s21], $0x80, s29, s21, $0xb8;
	[tilespmem:$0x1F800] =	vst v63  }
0x19d: {  	_ =	swait.ge [sflag:s28], $0x4000  }
0x19e: {  	[sflag:s28] =	ssyncset.done $0x0  }
0x19f: {  	s29 =	simm.s32 $0x2C80;
	[sflag:s28] =	ssyncadd.s32 $0xFFFFC000  }
0x1a0: {  	[spmem:s3] =	stream.indirect.scatter.add.f32 [tilespmem:s22], [sflag:$0x5], $0x80, s29, s21, $0xb8;
	[tilespmem:$0x1F800] =	vst v63  }
0x1a1: {  	_ =	swait.ge [sflag:s18], $0x4000  }
0x1a2: {  	[sflag:s18] =	ssyncset.done $0x0  }
0x1a3: {  	s29 =	simm.s32 $0x1580;
	[sflag:s18] =	ssyncadd.s32 $0xFFFFC000  }
0x1a4: {  	[tilespmem:s22], [sflag:$0x2] =	stream.indirect.gather [hbm4b:s2+s21], $0x80, s29, s21, $0xb8;
	[tilespmem:$0x1F800] =	vst v63  }
0x1a5: {  	_ =	swait.ge [sflag:s25], $0x4000  }
0x1a6: {  	[sflag:s25] =	ssyncset.done $0x0  }
0x1a7: {  	s29 =	simm.s32 $0x2D00;
	[sflag:s25] =	ssyncadd.s32 $0xFFFFC000  }
0x1a8: {  	[spmem:s3] =	stream.indirect.scatter.add.f32 [tilespmem:s19], [sflag:$0x5], $0x80, s29, s21, $0xb8;
	[tilespmem:$0x1F800] =	vst v63  }
0x1a9: {  	_ =	swait.ge [sflag:s18], $0x4000  }
0x1aa: {  	[sflag:s18] =	ssyncset.done $0x0  }
0x1ab: {  	s29 =	simm.s32 $0x1600;
	[sflag:s18] =	ssyncadd.s32 $0xFFFFC000  }
0x1ac: {  	[tilespmem:s19], [sflag:$0x1] =	stream.indirect.gather [hbm4b:s2+s21], $0x80, s29, s21, $0xb8;
	[tilespmem:$0x1F800] =	vst v63  }
0x1ad: {  	_ =	swait.ge [sflag:s28], $0x4000  }
0x1ae: {  	[sflag:s28] =	ssyncset.done $0x0  }
0x1af: {  	s29 =	simm.s32 $0x2D80;
	[sflag:s28] =	ssyncadd.s32 $0xFFFFC000  }
0x1b0: {  	[spmem:s3] =	stream.indirect.scatter.add.f32 [tilespmem:s22], [sflag:$0x5], $0x80, s29, s21, $0xb8;
	[tilespmem:$0x1F800] =	vst v63  }
0x1b1: {  	_ =	swait.ge [sflag:s18], $0x4000  }
0x1b2: {  	[sflag:s18] =	ssyncset.done $0x0  }
0x1b3: {  	s29 =	simm.s32 $0x1680;
	[sflag:s18] =	ssyncadd.s32 $0xFFFFC000  }
0x1b4: {  	[tilespmem:s22], [sflag:$0x2] =	stream.indirect.gather [hbm4b:s2+s21], $0x80, s29, s21, $0xb8;
	[tilespmem:$0x1F800] =	vst v63  }
0x1b5: {  	_ =	swait.ge [sflag:s25], $0x4000  }
0x1b6: {  	[sflag:s25] =	ssyncset.done $0x0  }
0x1b7: {  	s29 =	simm.s32 $0x2E00;
	[sflag:s25] =	ssyncadd.s32 $0xFFFFC000  }
0x1b8: {  	[spmem:s3] =	stream.indirect.scatter.add.f32 [tilespmem:s19], [sflag:$0x5], $0x80, s29, s21, $0xb8;
	[tilespmem:$0x1F800] =	vst v63  }
0x1b9: {  	_ =	swait.ge [sflag:s18], $0x4000  }
0x1ba: {  	[sflag:s18] =	ssyncset.done $0x0  }
0x1bb: {  	s29 =	simm.s32 $0x1700;
	[sflag:s18] =	ssyncadd.s32 $0xFFFFC000  }
0x1bc: {  	[tilespmem:s19], [sflag:$0x1] =	stream.indirect.gather [hbm4b:s2+s21], $0x80, s29, s21, $0xb8;
	[tilespmem:$0x1F800] =	vst v63  }
0x1bd: {  	_ =	swait.ge [sflag:s28], $0x4000  }
0x1be: {  	[sflag:s28] =	ssyncset.done $0x0  }
0x1bf: {  	s29 =	simm.s32 $0x2E80;
	[sflag:s28] =	ssyncadd.s32 $0xFFFFC000  }
0x1c0: {  	[spmem:s3] =	stream.indirect.scatter.add.f32 [tilespmem:s22], [sflag:$0x5], $0x80, s29, s21, $0xb8;
	[tilespmem:$0x1F800] =	vst v63  }
0x1c1: {  	_ =	swait.ge [sflag:s18], $0x4000  }
0x1c2: {  	[sflag:s18] =	ssyncset.done $0x0  }
0x1c3: {  	s29 =	simm.s32 $0x1780;
	[sflag:s18] =	ssyncadd.s32 $0xFFFFC000  }
0x1c4: {  	[tilespmem:s22], [sflag:$0x2] =	stream.indirect.gather [hbm4b:s2+s21], $0x80, s29, s21, $0xb8;
	[tilespmem:$0x1F800] =	vst v63  }
0x1c5: {  	_ =	swait.ge [sflag:s25], $0x4000  }
0x1c6: {  	[sflag:s25] =	ssyncset.done $0x0  }
0x1c7: {  	s29 =	simm.s32 $0x2F00;
	[sflag:s25] =	ssyncadd.s32 $0xFFFFC000  }
0x1c8: {  	[spmem:s3] =	stream.indirect.scatter.add.f32 [tilespmem:s19], [sflag:$0x5], $0x80, s29, s21, $0xb8;
	[tilespmem:$0x1F800] =	vst v63  }
0x1c9: {  	_ =	swait.ge [sflag:s18], $0x4000  }
0x1ca: {  	[sflag:s18] =	ssyncset.done $0x0  }
0x1cb: {  	s29 =	simm.s32 $0x1800;
	[sflag:s18] =	ssyncadd.s32 $0xFFFFC000  }
0x1cc: {  	[tilespmem:s19], [sflag:$0x1] =	stream.indirect.gather [hbm4b:s2+s21], $0x80, s29, s21, $0xb8;
	[tilespmem:$0x1F800] =	vst v63  }
0x1cd: {  	_ =	swait.ge [sflag:s28], $0x4000  }
0x1ce: {  	[sflag:s28] =	ssyncset.done $0x0  }
0x1cf: {  	s29 =	simm.s32 $0x2F80;
	[sflag:s28] =	ssyncadd.s32 $0xFFFFC000  }
0x1d0: {  	[spmem:s3] =	stream.indirect.scatter.add.f32 [tilespmem:s22], [sflag:$0x5], $0x80, s29, s21, $0xb8;
	[tilespmem:$0x1F800] =	vst v63  }
0x1d1: {  	_ =	swait.ge [sflag:s18], $0x4000  }
0x1d2: {  	[sflag:s18] =	ssyncset.done $0x0  }
0x1d3: {  	s29 =	simm.s32 $0x1880;
	[sflag:s18] =	ssyncadd.s32 $0xFFFFC000  }
0x1d4: {  	[tilespmem:s22], [sflag:$0x2] =	stream.indirect.gather [hbm4b:s2+s21], $0x80, s29, s21, $0xb8;
	[tilespmem:$0x1F800] =	vst v63  }
0x1d5: {  	_ =	swait.ge [sflag:s0], $0x800  }
0x1d6: {  	[sflag:s0] =	ssyncset.done $0x0  }
0x1d7: {  	s23 =	rddreg [dreg:$0xd];
	[sflag:s0] =	ssyncadd.s32 $0xFFFFF800;
	s0 =	simm.s32 $0x0  }
0x1d8: {  	[tilespmem:s15], [sflag:$0x3] =	stream.linear.gather [hbm4b:s23+s0], $0x800, $0x38;
	[tilespmem:$0x1F800] =	vst v63  }
0x1d9: {  	_ =	swait.ge [sflag:s25], $0x4000  }
0x1da: {  	[sflag:s25] =	ssyncset.done $0x0  }
0x1db: {  	[sflag:s25] =	ssyncadd.s32 $0xFFFFC000  }
0x1dc: {  	[spmem:s3] =	stream.indirect.scatter.add.f32 [tilespmem:s19], [sflag:$0x5], $0x80, s5, s21, $0xb8;
	[tilespmem:$0x1F800] =	vst v63  }
0x1dd: {  	_ =	swait.ge [sflag:s18], $0x4000  }
0x1de: {  	[sflag:s18] =	ssyncset.done $0x0  }
0x1df: {  	s29 =	simm.s32 $0x1900;
	[sflag:s18] =	ssyncadd.s32 $0xFFFFC000  }
0x1e0: {  	[tilespmem:s19], [sflag:$0x1] =	stream.indirect.gather [hbm4b:s2+s21], $0x80, s29, s21, $0xb8;
	[tilespmem:$0x1F800] =	vst v63  }
0x1e1: {  	_ =	swait.ge [sflag:s28], $0x4000  }
0x1e2: {  	[sflag:s28] =	ssyncset.done $0x0  }
0x1e3: {  	[sflag:s28] =	ssyncadd.s32 $0xFFFFC000  }
0x1e4: {  	[spmem:s3] =	stream.indirect.scatter.add.f32 [tilespmem:s22], [sflag:$0x5], $0x80, s24, s21, $0xb8;
	[tilespmem:$0x1F800] =	vst v63  }
0x1e5: {  	_ =	swait.ge [sflag:s18], $0x4000  }
0x1e6: {  	[sflag:s18] =	ssyncset.done $0x0  }
0x1e7: {  	s23 =	simm.s32 $0x1980;
	[sflag:s18] =	ssyncadd.s32 $0xFFFFC000  }
0x1e8: {  	[tilespmem:s22], [sflag:$0x2] =	stream.indirect.gather [hbm4b:s2+s21], $0x80, s23, s21, $0xb8;
	[tilespmem:$0x1F800] =	vst v63  }
0x1e9: {  	_ =	swait.ge [sflag:s25], $0x4000  }
0x1ea: {  	[sflag:s25] =	ssyncset.done $0x0  }
0x1eb: {  	[sflag:s25] =	ssyncadd.s32 $0xFFFFC000  }
0x1ec: {  	[spmem:s3] =	stream.indirect.scatter.add.f32 [tilespmem:s19], [sflag:$0x5], $0x80, s26, s21, $0xb8;
	[tilespmem:$0x1F800] =	vst v63  }
0x1ed: {  	_ =	swait.ge [sflag:s18], $0x4000  }
0x1ee: {  	[sflag:s18] =	ssyncset.done $0x0  }
0x1ef: {  	s26 =	simm.s32 $0x1A00;
	[sflag:s18] =	ssyncadd.s32 $0xFFFFC000  }
0x1f0: {  	[tilespmem:s19], [sflag:$0x1] =	stream.indirect.gather [hbm4b:s2+s21], $0x80, s26, s21, $0xb8;
	[tilespmem:$0x1F800] =	vst v63  }
0x1f1: {  	_ =	swait.ge [sflag:s28], $0x4000  }
0x1f2: {  	[sflag:s28] =	ssyncset.done $0x0  }
0x1f3: {  	[sflag:s28] =	ssyncadd.s32 $0xFFFFC000  }
0x1f4: {  	[spmem:s3] =	stream.indirect.scatter.add.f32 [tilespmem:s22], [sflag:$0x5], $0x80, s4, s21, $0xb8;
	[tilespmem:$0x1F800] =	vst v63  }
0x1f5: {  	_ =	swait.ge [sflag:s18], $0x4000  }
0x1f6: {  	[sflag:s18] =	ssyncset.done $0x0  }
0x1f7: {  	s29 =	simm.s32 $0x1A80;
	[sflag:s18] =	ssyncadd.s32 $0xFFFFC000  }
0x1f8: {  	[tilespmem:s22], [sflag:$0x2] =	stream.indirect.gather [hbm4b:s2+s21], $0x80, s29, s21, $0xb8;
	[tilespmem:$0x1F800] =	vst v63  }
0x1f9: {  	_ =	swait.ge [sflag:s25], $0x4000  }
0x1fa: {  	[sflag:s25] =	ssyncset.done $0x0  }
0x1fb: {  	[sflag:s25] =	ssyncadd.s32 $0xFFFFC000  }
0x1fc: {  	[spmem:s3] =	stream.indirect.scatter.add.f32 [tilespmem:s19], [sflag:$0x5], $0x80, s6, s21, $0xb8;
	[tilespmem:$0x1F800] =	vst v63  }
0x1fd: {  	_ =	swait.ge [sflag:s18], $0x4000  }
0x1fe: {  	[sflag:s18] =	ssyncset.done $0x0  }
0x1ff: {  	s5 =	simm.s32 $0x1B00;
	[sflag:s18] =	ssyncadd.s32 $0xFFFFC000  }
0x200: {  	[tilespmem:s19], [sflag:$0x1] =	stream.indirect.gather [hbm4b:s2+s21], $0x80, s5, s21, $0xb8;
	[tilespmem:$0x1F800] =	vst v63  }
0x201: {  	_ =	swait.ge [sflag:s28], $0x4000  }
0x202: {  	[sflag:s28] =	ssyncset.done $0x0  }
0x203: {  	[sflag:s28] =	ssyncadd.s32 $0xFFFFC000  }
0x204: {  	[spmem:s3] =	stream.indirect.scatter.add.f32 [tilespmem:s22], [sflag:$0x5], $0x80, s7, s21, $0xb8;
	[tilespmem:$0x1F800] =	vst v63  }
0x205: {  	_ =	swait.ge [sflag:s18], $0x4000  }
0x206: {  	[sflag:s18] =	ssyncset.done $0x0  }
0x207: {  	s23 =	simm.s32 $0x1B80;
	[sflag:s18] =	ssyncadd.s32 $0xFFFFC000  }
0x208: {  	[tilespmem:s22], [sflag:$0x2] =	stream.indirect.gather [hbm4b:s2+s21], $0x80, s23, s21, $0xb8;
	[tilespmem:$0x1F800] =	vst v63  }
0x209: {  	_ =	swait.ge [sflag:s25], $0x4000  }
0x20a: {  	[sflag:s25] =	ssyncset.done $0x0  }
0x20b: {  	[sflag:s25] =	ssyncadd.s32 $0xFFFFC000  }
0x20c: {  	[spmem:s3] =	stream.indirect.scatter.add.f32 [tilespmem:s19], [sflag:$0x5], $0x80, s8, s21, $0xb8;
	[tilespmem:$0x1F800] =	vst v63  }
0x20d: {  	_ =	swait.ge [sflag:s18], $0x4000  }
0x20e: {  	[sflag:s18] =	ssyncset.done $0x0  }
0x20f: {  	s26 =	simm.s32 $0x1C00;
	[sflag:s18] =	ssyncadd.s32 $0xFFFFC000  }
0x210: {  	[tilespmem:s19], [sflag:$0x1] =	stream.indirect.gather [hbm4b:s2+s21], $0x80, s26, s21, $0xb8;
	[tilespmem:$0x1F800] =	vst v63  }
0x211: {  	_ =	swait.ge [sflag:s28], $0x4000  }
0x212: {  	[sflag:s28] =	ssyncset.done $0x0  }
0x213: {  	[sflag:s28] =	ssyncadd.s32 $0xFFFFC000  }
0x214: {  	[spmem:s3] =	stream.indirect.scatter.add.f32 [tilespmem:s22], [sflag:$0x5], $0x80, s9, s21, $0xb8;
	[tilespmem:$0x1F800] =	vst v63  }
0x215: {  	_ =	swait.ge [sflag:s18], $0x4000  }
0x216: {  	[sflag:s18] =	ssyncset.done $0x0  }
0x217: {  	s29 =	simm.s32 $0x1C80;
	[sflag:s18] =	ssyncadd.s32 $0xFFFFC000  }
0x218: {  	[tilespmem:s22], [sflag:$0x2] =	stream.indirect.gather [hbm4b:s2+s21], $0x80, s29, s21, $0xb8;
	[tilespmem:$0x1F800] =	vst v63  }
0x219: {  	_ =	swait.ge [sflag:s25], $0x4000  }
0x21a: {  	[sflag:s25] =	ssyncset.done $0x0  }
0x21b: {  	[sflag:s25] =	ssyncadd.s32 $0xFFFFC000  }
0x21c: {  	[spmem:s3] =	stream.indirect.scatter.add.f32 [tilespmem:s19], [sflag:$0x5], $0x80, s10, s21, $0xb8;
	[tilespmem:$0x1F800] =	vst v63  }
0x21d: {  	_ =	swait.ge [sflag:s18], $0x4000  }
0x21e: {  	[sflag:s18] =	ssyncset.done $0x0  }
0x21f: {  	s5 =	simm.s32 $0x1D00;
	[sflag:s18] =	ssyncadd.s32 $0xFFFFC000  }
0x220: {  	[tilespmem:s19], [sflag:$0x1] =	stream.indirect.gather [hbm4b:s2+s21], $0x80, s5, s21, $0xb8;
	[tilespmem:$0x1F800] =	vst v63  }
0x221: {  	_ =	swait.ge [sflag:s28], $0x4000  }
0x222: {  	[sflag:s28] =	ssyncset.done $0x0  }
0x223: {  	[sflag:s28] =	ssyncadd.s32 $0xFFFFC000  }
0x224: {  	[spmem:s3] =	stream.indirect.scatter.add.f32 [tilespmem:s22], [sflag:$0x5], $0x80, s11, s21, $0xb8;
	[tilespmem:$0x1F800] =	vst v63  }
0x225: {  	_ =	swait.ge [sflag:s18], $0x4000  }
0x226: {  	[sflag:s18] =	ssyncset.done $0x0  }
0x227: {  	s23 =	simm.s32 $0x1D80;
	[sflag:s18] =	ssyncadd.s32 $0xFFFFC000  }
0x228: {  	[tilespmem:s22], [sflag:$0x2] =	stream.indirect.gather [hbm4b:s2+s21], $0x80, s23, s21, $0xb8;
	[tilespmem:$0x1F800] =	vst v63  }
0x229: {  	_ =	swait.ge [sflag:s25], $0x4000  }
0x22a: {  	[sflag:s25] =	ssyncset.done $0x0  }
0x22b: {  	[sflag:s25] =	ssyncadd.s32 $0xFFFFC000  }
0x22c: {  	[spmem:s3] =	stream.indirect.scatter.add.f32 [tilespmem:s19], [sflag:$0x5], $0x80, s12, s21, $0xb8;
	[tilespmem:$0x1F800] =	vst v63  }
0x22d: {  	_ =	swait.ge [sflag:s18], $0x4000  }
0x22e: {  	[sflag:s18] =	ssyncset.done $0x0  }
0x22f: {  	s26 =	simm.s32 $0x1E00;
	[sflag:s18] =	ssyncadd.s32 $0xFFFFC000  }
0x230: {  	[tilespmem:s19], [sflag:$0x1] =	stream.indirect.gather [hbm4b:s2+s21], $0x80, s26, s21, $0xb8;
	[tilespmem:$0x1F800] =	vst v63  }
0x231: {  	_ =	swait.ge [sflag:s28], $0x4000  }
0x232: {  	[sflag:s28] =	ssyncset.done $0x0  }
0x233: {  	[sflag:s28] =	ssyncadd.s32 $0xFFFFC000  }
0x234: {  	[spmem:s3] =	stream.indirect.scatter.add.f32 [tilespmem:s22], [sflag:$0x5], $0x80, s13, s21, $0xb8;
	[tilespmem:$0x1F800] =	vst v63  }
0x235: {  	_ =	swait.ge [sflag:s18], $0x4000  }
0x236: {  	[sflag:s18] =	ssyncset.done $0x0  }
0x237: {  	s29 =	simm.s32 $0x1E80;
	[sflag:s18] =	ssyncadd.s32 $0xFFFFC000  }
0x238: {  	[tilespmem:s22], [sflag:$0x2] =	stream.indirect.gather [hbm4b:s2+s21], $0x80, s29, s21, $0xb8;
	[tilespmem:$0x1F800] =	vst v63  }
0x239: {  	_ =	swait.ge [sflag:s25], $0x4000  }
0x23a: {  	[sflag:s25] =	ssyncset.done $0x0  }
0x23b: {  	[sflag:s25] =	ssyncadd.s32 $0xFFFFC000  }
0x23c: {  	[spmem:s3] =	stream.indirect.scatter.add.f32 [tilespmem:s19], [sflag:$0x5], $0x80, s14, s21, $0xb8;
	[tilespmem:$0x1F800] =	vst v63  }
0x23d: {  	_ =	swait.ge [sflag:s18], $0x4000  }
0x23e: {  	[sflag:s18] =	ssyncset.done $0x0  }
0x23f: {  	s5 =	simm.s32 $0x1F00;
	[sflag:s18] =	ssyncadd.s32 $0xFFFFC000  }
0x240: {  	[tilespmem:s19], [sflag:$0x1] =	stream.indirect.gather [hbm4b:s2+s21], $0x80, s5, s21, $0xb8;
	[tilespmem:$0x1F800] =	vst v63  }
0x241: {  	_ =	swait.ge [sflag:s28], $0x4000  }
0x242: {  	[sflag:s28] =	ssyncset.done $0x0  }
0x243: {  	[sflag:s28] =	ssyncadd.s32 $0xFFFFC000  }
0x244: {  	[spmem:s3] =	stream.indirect.scatter.add.f32 [tilespmem:s22], [sflag:$0x5], $0x80, s17, s21, $0xb8;
	[tilespmem:$0x1F800] =	vst v63  }
0x245: {  	_ =	swait.ge [sflag:s18], $0x4000  }
0x246: {  	[sflag:s18] =	ssyncset.done $0x0  }
0x247: {  	s23 =	simm.s32 $0x1F80;
	[sflag:s18] =	ssyncadd.s32 $0xFFFFC000  }
0x248: {  	[tilespmem:s22], [sflag:$0x2] =	stream.indirect.gather [hbm4b:s2+s21], $0x80, s23, s21, $0xb8;
	[tilespmem:$0x1F800] =	vst v63  }
0x249: {  	_ =	swait.ge [sflag:s25], $0x4000  }
0x24a: {  	[sflag:s25] =	ssyncset.done $0x0  }
0x24b: {  	[sflag:s25] =	ssyncadd.s32 $0xFFFFC000  }
0x24c: {  	[spmem:s3] =	stream.indirect.scatter.add.f32 [tilespmem:s19], [sflag:$0x5], $0x80, s30, s21, $0xb8;
	[tilespmem:$0x1F800] =	vst v63  }
0x24d: {  	_ =	swait.ge [sflag:s18], $0x4000  }
0x24e: {  	[sflag:s18] =	ssyncset.done $0x0  }
0x24f: {  	s26 =	simm.s32 $0x2000;
	[sflag:s18] =	ssyncadd.s32 $0xFFFFC000  }
0x250: {  	[tilespmem:s19], [sflag:$0x1] =	stream.indirect.gather [hbm4b:s2+s21], $0x80, s26, s21, $0xb8;
	[tilespmem:$0x1F800] =	vst v63  }
0x251: {  	_ =	swait.ge [sflag:s28], $0x4000  }
0x252: {  	[sflag:s28] =	ssyncset.done $0x0  }
0x253: {  	[sflag:s28] =	ssyncadd.s32 $0xFFFFC000  }
0x254: {  	[spmem:s3] =	stream.indirect.scatter.add.f32 [tilespmem:s22], [sflag:$0x5], $0x80, s20, s21, $0xb8;
	[tilespmem:$0x1F800] =	vst v63  }
0x255: {  	_ =	swait.ge [sflag:s18], $0x4000  }
0x256: {  	[sflag:s18] =	ssyncset.done $0x0  }
0x257: {  	s29 =	simm.s32 $0x2080;
	[sflag:s18] =	ssyncadd.s32 $0xFFFFC000  }
0x258: {  	[tilespmem:s22], [sflag:$0x2] =	stream.indirect.gather [hbm4b:s2+s21], $0x80, s29, s21, $0xb8;
	[tilespmem:$0x1F800] =	vst v63  }
0x259: {  	_ =	swait.ge [sflag:s1], $0x800  }
0x25a: {  	[sflag:s1] =	ssyncset.done $0x0  }
0x25b: {  	[sflag:s1] =	ssyncadd.s32 $0xFFFFF800  }
0x25c: {  	_ =	swait.ge [sflag:s25], $0x4000  }
0x25d: {  	[sflag:s25] =	ssyncset.done $0x0  }
0x25e: {  	[sflag:s25] =	ssyncadd.s32 $0xFFFFC000  }
0x25f: {  	[spmem:s3] =	stream.indirect.scatter.add.f32 [tilespmem:s19], [sflag:$0x5], $0x80, s15, s21, $0xb8;
	[tilespmem:$0x1F800] =	vst v63  }
0x260: {  	_ =	swait.ge [sflag:s18], $0x4000  }
0x261: {  	[sflag:s18] =	ssyncset.done $0x0  }
0x262: {  	s5 =	simm.s32 $0x2100;
	[sflag:s18] =	ssyncadd.s32 $0xFFFFC000  }
0x263: {  	[tilespmem:s19], [sflag:$0x1] =	stream.indirect.gather [hbm4b:s2+s21], $0x80, s5, s21, $0xb8;
	[tilespmem:$0x1F800] =	vst v63  }
0x264: {  	_ =	swait.ge [sflag:s28], $0x4000  }
0x265: {  	[sflag:s28] =	ssyncset.done $0x0  }
0x266: {  	s23 =	simm.s32 $0x2880;
	[sflag:s28] =	ssyncadd.s32 $0xFFFFC000  }
0x267: {  	[spmem:s3] =	stream.indirect.scatter.add.f32 [tilespmem:s22], [sflag:$0x5], $0x80, s23, s21, $0xb8;
	[tilespmem:$0x1F800] =	vst v63  }
0x268: {  	_ =	swait.ge [sflag:s18], $0x4000  }
0x269: {  	[sflag:s18] =	ssyncset.done $0x0  }
0x26a: {  	s26 =	simm.s32 $0x2180;
	[sflag:s18] =	ssyncadd.s32 $0xFFFFC000  }
0x26b: {  	[tilespmem:s22], [sflag:$0x2] =	stream.indirect.gather [hbm4b:s2+s21], $0x80, s26, s21, $0xb8;
	[tilespmem:$0x1F800] =	vst v63  }
0x26c: {  	_ =	swait.ge [sflag:s25], $0x4000  }
0x26d: {  	[sflag:s25] =	ssyncset.done $0x0  }
0x26e: {  	s29 =	simm.s32 $0x2900;
	[sflag:s25] =	ssyncadd.s32 $0xFFFFC000  }
0x26f: {  	[spmem:s3] =	stream.indirect.scatter.add.f32 [tilespmem:s19], [sflag:$0x5], $0x80, s29, s21, $0xb8;
	[tilespmem:$0x1F800] =	vst v63  }
0x270: {  	_ =	swait.ge [sflag:s18], $0x4000  }
0x271: {  	[sflag:s18] =	ssyncset.done $0x0  }
0x272: {  	s4 =	simm.s32 $0x2200;
	[sflag:s18] =	ssyncadd.s32 $0xFFFFC000  }
0x273: {  	[tilespmem:s19], [sflag:$0x1] =	stream.indirect.gather [hbm4b:s2+s21], $0x80, s4, s21, $0xb8;
	[tilespmem:$0x1F800] =	vst v63  }
0x274: {  	_ =	swait.ge [sflag:s28], $0x4000  }
0x275: {  	[sflag:s28] =	ssyncset.done $0x0  }
0x276: {  	s5 =	simm.s32 $0x2980;
	[sflag:s28] =	ssyncadd.s32 $0xFFFFC000  }
0x277: {  	[spmem:s3] =	stream.indirect.scatter.add.f32 [tilespmem:s22], [sflag:$0x5], $0x80, s5, s21, $0xb8;
	[tilespmem:$0x1F800] =	vst v63  }
0x278: {  	_ =	swait.ge [sflag:s18], $0x4000  }
0x279: {  	[sflag:s18] =	ssyncset.done $0x0  }
0x27a: {  	s23 =	simm.s32 $0x2280;
	[sflag:s18] =	ssyncadd.s32 $0xFFFFC000  }
0x27b: {  	[tilespmem:s22], [sflag:$0x2] =	stream.indirect.gather [hbm4b:s2+s21], $0x80, s23, s21, $0xb8;
	[tilespmem:$0x1F800] =	vst v63  }
0x27c: {  	_ =	swait.ge [sflag:s25], $0x4000  }
0x27d: {  	[sflag:s25] =	ssyncset.done $0x0  }
0x27e: {  	s26 =	simm.s32 $0x2A00;
	[sflag:s25] =	ssyncadd.s32 $0xFFFFC000  }
0x27f: {  	[spmem:s3] =	stream.indirect.scatter.add.f32 [tilespmem:s19], [sflag:$0x5], $0x80, s26, s21, $0xb8;
	[tilespmem:$0x1F800] =	vst v63  }
0x280: {  	_ =	swait.ge [sflag:s18], $0x4000  }
0x281: {  	[sflag:s18] =	ssyncset.done $0x0  }
0x282: {  	s29 =	simm.s32 $0x2300;
	[sflag:s18] =	ssyncadd.s32 $0xFFFFC000  }
0x283: {  	[tilespmem:s19], [sflag:$0x1] =	stream.indirect.gather [hbm4b:s2+s21], $0x80, s29, s21, $0xb8;
	[tilespmem:$0x1F800] =	vst v63  }
0x284: {  	_ =	swait.ge [sflag:s28], $0x4000  }
0x285: {  	[sflag:s28] =	ssyncset.done $0x0  }
0x286: {  	s4 =	simm.s32 $0x2A80;
	[sflag:s28] =	ssyncadd.s32 $0xFFFFC000  }
0x287: {  	[spmem:s3] =	stream.indirect.scatter.add.f32 [tilespmem:s22], [sflag:$0x5], $0x80, s4, s21, $0xb8;
	[tilespmem:$0x1F800] =	vst v63  }
0x288: {  	_ =	swait.ge [sflag:s18], $0x4000  }
0x289: {  	[sflag:s18] =	ssyncset.done $0x0  }
0x28a: {  	s5 =	simm.s32 $0x2380;
	[sflag:s18] =	ssyncadd.s32 $0xFFFFC000  }
0x28b: {  	[tilespmem:s22], [sflag:$0x2] =	stream.indirect.gather [hbm4b:s2+s21], $0x80, s5, s21, $0xb8;
	[tilespmem:$0x1F800] =	vst v63  }
0x28c: {  	_ =	swait.ge [sflag:s25], $0x4000  }
0x28d: {  	[sflag:s25] =	ssyncset.done $0x0  }
0x28e: {  	s23 =	simm.s32 $0x2B00;
	[sflag:s25] =	ssyncadd.s32 $0xFFFFC000  }
0x28f: {  	[spmem:s3] =	stream.indirect.scatter.add.f32 [tilespmem:s19], [sflag:$0x5], $0x80, s23, s21, $0xb8;
	[tilespmem:$0x1F800] =	vst v63  }
0x290: {  	_ =	swait.ge [sflag:s18], $0x4000  }
0x291: {  	[sflag:s18] =	ssyncset.done $0x0  }
0x292: {  	s26 =	simm.s32 $0x2400;
	[sflag:s18] =	ssyncadd.s32 $0xFFFFC000  }
0x293: {  	[tilespmem:s19], [sflag:$0x1] =	stream.indirect.gather [hbm4b:s2+s21], $0x80, s26, s21, $0xb8;
	[tilespmem:$0x1F800] =	vst v63  }
0x294: {  	_ =	swait.ge [sflag:s28], $0x4000  }
0x295: {  	[sflag:s28] =	ssyncset.done $0x0  }
0x296: {  	s29 =	simm.s32 $0x2B80;
	[sflag:s28] =	ssyncadd.s32 $0xFFFFC000  }
0x297: {  	[spmem:s3] =	stream.indirect.scatter.add.f32 [tilespmem:s22], [sflag:$0x5], $0x80, s29, s21, $0xb8;
	[tilespmem:$0x1F800] =	vst v63  }
0x298: {  	_ =	swait.ge [sflag:s18], $0x4000  }
0x299: {  	[sflag:s18] =	ssyncset.done $0x0  }
0x29a: {  	s4 =	simm.s32 $0x2480;
	[sflag:s18] =	ssyncadd.s32 $0xFFFFC000  }
0x29b: {  	[tilespmem:s22], [sflag:$0x2] =	stream.indirect.gather [hbm4b:s2+s21], $0x80, s4, s21, $0xb8;
	[tilespmem:$0x1F800] =	vst v63  }
0x29c: {  	_ =	swait.ge [sflag:s25], $0x4000  }
0x29d: {  	[sflag:s25] =	ssyncset.done $0x0  }
0x29e: {  	s5 =	simm.s32 $0x2C00;
	[sflag:s25] =	ssyncadd.s32 $0xFFFFC000  }
0x29f: {  	[spmem:s3] =	stream.indirect.scatter.add.f32 [tilespmem:s19], [sflag:$0x5], $0x80, s5, s21, $0xb8;
	[tilespmem:$0x1F800] =	vst v63  }
0x2a0: {  	_ =	swait.ge [sflag:s18], $0x4000  }
0x2a1: {  	[sflag:s18] =	ssyncset.done $0x0  }
0x2a2: {  	s23 =	simm.s32 $0x2500;
	[sflag:s18] =	ssyncadd.s32 $0xFFFFC000  }
0x2a3: {  	[tilespmem:s19], [sflag:$0x1] =	stream.indirect.gather [hbm4b:s2+s21], $0x80, s23, s21, $0xb8;
	[tilespmem:$0x1F800] =	vst v63  }
0x2a4: {  	_ =	swait.ge [sflag:s28], $0x4000  }
0x2a5: {  	[sflag:s28] =	ssyncset.done $0x0  }
0x2a6: {  	s26 =	simm.s32 $0x2C80;
	[sflag:s28] =	ssyncadd.s32 $0xFFFFC000  }
0x2a7: {  	[spmem:s3] =	stream.indirect.scatter.add.f32 [tilespmem:s22], [sflag:$0x5], $0x80, s26, s21, $0xb8;
	[tilespmem:$0x1F800] =	vst v63  }
0x2a8: {  	_ =	swait.ge [sflag:s18], $0x4000  }
0x2a9: {  	[sflag:s18] =	ssyncset.done $0x0  }
0x2aa: {  	s29 =	simm.s32 $0x2580;
	[sflag:s18] =	ssyncadd.s32 $0xFFFFC000  }
0x2ab: {  	[tilespmem:s22], [sflag:$0x2] =	stream.indirect.gather [hbm4b:s2+s21], $0x80, s29, s21, $0xb8;
	[tilespmem:$0x1F800] =	vst v63  }
0x2ac: {  	_ =	swait.ge [sflag:s25], $0x4000  }
0x2ad: {  	[sflag:s25] =	ssyncset.done $0x0  }
0x2ae: {  	s4 =	simm.s32 $0x2D00;
	[sflag:s25] =	ssyncadd.s32 $0xFFFFC000  }
0x2af: {  	[spmem:s3] =	stream.indirect.scatter.add.f32 [tilespmem:s19], [sflag:$0x5], $0x80, s4, s21, $0xb8;
	[tilespmem:$0x1F800] =	vst v63  }
0x2b0: {  	_ =	swait.ge [sflag:s18], $0x4000  }
0x2b1: {  	[sflag:s18] =	ssyncset.done $0x0  }
0x2b2: {  	s5 =	simm.s32 $0x2600;
	[sflag:s18] =	ssyncadd.s32 $0xFFFFC000  }
0x2b3: {  	[tilespmem:s19], [sflag:$0x1] =	stream.indirect.gather [hbm4b:s2+s21], $0x80, s5, s21, $0xb8;
	[tilespmem:$0x1F800] =	vst v63  }
0x2b4: {  	_ =	swait.ge [sflag:s28], $0x4000  }
0x2b5: {  	[sflag:s28] =	ssyncset.done $0x0  }
0x2b6: {  	s23 =	simm.s32 $0x2D80;
	[sflag:s28] =	ssyncadd.s32 $0xFFFFC000  }
0x2b7: {  	[spmem:s3] =	stream.indirect.scatter.add.f32 [tilespmem:s22], [sflag:$0x5], $0x80, s23, s21, $0xb8;
	[tilespmem:$0x1F800] =	vst v63  }
0x2b8: {  	_ =	swait.ge [sflag:s18], $0x4000  }
0x2b9: {  	[sflag:s18] =	ssyncset.done $0x0  }
0x2ba: {  	s26 =	simm.s32 $0x2680;
	[sflag:s18] =	ssyncadd.s32 $0xFFFFC000  }
0x2bb: {  	[tilespmem:s22], [sflag:$0x2] =	stream.indirect.gather [hbm4b:s2+s21], $0x80, s26, s21, $0xb8;
	[tilespmem:$0x1F800] =	vst v63  }
0x2bc: {  	_ =	swait.ge [sflag:s25], $0x4000  }
0x2bd: {  	[sflag:s25] =	ssyncset.done $0x0  }
0x2be: {  	s29 =	simm.s32 $0x2E00;
	[sflag:s25] =	ssyncadd.s32 $0xFFFFC000  }
0x2bf: {  	[spmem:s3] =	stream.indirect.scatter.add.f32 [tilespmem:s19], [sflag:$0x5], $0x80, s29, s21, $0xb8;
	[tilespmem:$0x1F800] =	vst v63  }
0x2c0: {  	_ =	swait.ge [sflag:s18], $0x4000  }
0x2c1: {  	[sflag:s18] =	ssyncset.done $0x0  }
0x2c2: {  	s4 =	simm.s32 $0x2700;
	[sflag:s18] =	ssyncadd.s32 $0xFFFFC000  }
0x2c3: {  	[tilespmem:s19], [sflag:$0x1] =	stream.indirect.gather [hbm4b:s2+s21], $0x80, s4, s21, $0xb8;
	[tilespmem:$0x1F800] =	vst v63  }
0x2c4: {  	_ =	swait.ge [sflag:s28], $0x4000  }
0x2c5: {  	[sflag:s28] =	ssyncset.done $0x0  }
0x2c6: {  	s5 =	simm.s32 $0x2E80;
	[sflag:s28] =	ssyncadd.s32 $0xFFFFC000  }
0x2c7: {  	[spmem:s3] =	stream.indirect.scatter.add.f32 [tilespmem:s22], [sflag:$0x5], $0x80, s5, s21, $0xb8;
	[tilespmem:$0x1F800] =	vst v63  }
0x2c8: {  	_ =	swait.ge [sflag:s18], $0x4000  }
0x2c9: {  	[sflag:s18] =	ssyncset.done $0x0  }
0x2ca: {  	s23 =	simm.s32 $0x2780;
	[sflag:s18] =	ssyncadd.s32 $0xFFFFC000  }
0x2cb: {  	[tilespmem:s22], [sflag:$0x2] =	stream.indirect.gather [hbm4b:s2+s21], $0x80, s23, s21, $0xb8;
	[tilespmem:$0x1F800] =	vst v63  }
0x2cc: {  	_ =	swait.ge [sflag:s25], $0x4000  }
0x2cd: {  	[sflag:s25] =	ssyncset.done $0x0  }
0x2ce: {  	s26 =	simm.s32 $0x2F00;
	[sflag:s25] =	ssyncadd.s32 $0xFFFFC000  }
0x2cf: {  	[spmem:s3] =	stream.indirect.scatter.add.f32 [tilespmem:s19], [sflag:$0x5], $0x80, s26, s21, $0xb8;
	[tilespmem:$0x1F800] =	vst v63  }
0x2d0: {  	_ =	swait.ge [sflag:s18], $0x4000  }
0x2d1: {  	[sflag:s18] =	ssyncset.done $0x0  }
0x2d2: {  	[sflag:s18] =	ssyncadd.s32 $0xFFFFC000  }
0x2d3: {  	[tilespmem:s19], [sflag:$0x1] =	stream.indirect.gather [hbm4b:s2+s21], $0x80, s23, s21, $0xb8;
	[tilespmem:$0x1F800] =	vst v63  }
0x2d4: {  	_ =	swait.ge [sflag:s28], $0x4000  }
0x2d5: {  	[sflag:s28] =	ssyncset.done $0x0  }
0x2d6: {  	s29 =	simm.s32 $0x2F80;
	[sflag:s28] =	ssyncadd.s32 $0xFFFFC000  }
0x2d7: {  	[spmem:s3] =	stream.indirect.scatter.add.f32 [tilespmem:s22], [sflag:$0x5], $0x80, s29, s21, $0xb8;
	[tilespmem:$0x1F800] =	vst v63  }
0x2d8: {  	_ =	swait.ge [sflag:s18], $0x4000  }
0x2d9: {  	[sflag:s18] =	ssyncset.done $0x0  }
0x2da: {  	[sflag:s18] =	ssyncadd.s32 $0xFFFFC000  }
0x2db: {  	[tilespmem:s22], [sflag:$0x2] =	stream.indirect.gather [hbm4b:s2+s21], $0x80, s23, s21, $0xb8;
	[tilespmem:$0x1F800] =	vst v63  }
0x2dc: {  	_ =	swait.ge [sflag:s25], $0x4000  }
0x2dd: {  	[sflag:s25] =	ssyncset.done $0x0  }
0x2de: {  	[sflag:s25] =	ssyncadd.s32 $0xFFFFC000  }
0x2df: {  	_ =	swait.ge [sflag:s28], $0x4000  }
0x2e0: {  	[sflag:s28] =	ssyncset.done $0x0  }
0x2e1: {  	s5 =	stileid.u32;
	[sflag:s28] =	ssyncadd.s32 $0xFFFFC000  }
0x2e2: {  	s29 =	sshll.u32 s5, $0x6;
	[bflag:$0x0] =	sbarrier.arrive $0xFFFF  }
0x2e3: {  	s31 =	sshrl.u32 s31, $0x3;
	s29 =	sor.u32 $0x1C05, s29;
	s23 =	rddreg [dreg:$0xe]  }
0x2e4: {  	[hbm:s23], [sflag:s29] =	dma.local [spmem:s31], $0x2800  }
0x2e5: {  	_ =	swait.ge [sflag:s18], $0x2800  }
0x2e6: {  	s16 =	sadd.s32 $0x1, s16;
	s31 =	rddreg [dreg:$0xf]  }
0x2e7: {  	p0 =	sne.s32 s16, s31  }
.Ltmp1:
0x2e8: {  	_ = 	snop;
	(pc) =	sbr.rel @p0 .LBB2_1-.Ltmp1, $3  }
0x2e9: {  	_ =	sdelay $0x1  }
0x2ea: {  	[sflag:s18] =	ssyncset.done $0x0  }
0x2eb: {  	[sflag:s18] =	ssyncadd.s32 $0xFFFFD800  }
0x2ec: {  	_ =	sfence.sel $0x180000  }
0x2ed: {  	[bflag:$0x0] =	sbarrier.arrive $0xFFFF  }
0x2ee: {  	_ =	strace $0x9000004A  }
0x2ef: {  	s0 =	stileid.u32;
	[bflag:$0x2] =	sbarrier.arrive $0xFFFF  }
0x2f0: {  	p0 =	sne.s32 s0, $0x0;
	s0 =	rddreg [dreg:$0x3]  }
0x2f1: {  	s0 =	sadd.s32 @!p0 $0x100000, s0  }
0x2f2: {  	[sflag:s0] =	ssyncadd.tile.s32 @!p0 $0x1;
	_ =	shalt  }
.Lfunc_end2:
_tile_overlayer_lowered:
.L_overlay_start_2:
0x2f3: {  	(tag) =	ssettag $0x2  }
0x2f4: {  	s0 =	rddreg [dreg:$0x0];
	s2 =	stileid.u32  }
0x2f5: {  	s1 =	rddreg [dreg:$0x1];
	p0 =	sne.s32 s2, $0x0  }
0x2f6: {  	s3 =	rddreg [dreg:$0x2];
	[bflag:$0x3] =	sbarrier.arrive $0xFFFF;
	s2 =	simm.s32 @!p0 $0x1C05  }
0x2f7: {  	[timem:s3], [sflag:s2] =	dma.local @!p0 [hbm:s0], s1  }
0x2f8: {  	s0 =	simm.s32 @!p0 $0x5  }
0x2f9: {  	_ =	swait.ge @!p0 [sflag:s0], s1  }
0x2fa: {  	s1 =	ssub.s32 @!p0 $0x0, s1;
	[sflag:s0] =	ssyncset.done @!p0 $0x0  }
0x2fb: {  	[sflag:s0] =	ssyncadd.s32 @!p0 s1  }
0x2fc: {  	[bflag:$0x3] =	sbarrier.arrive $0xFFFF  }
0x2fd: {  	_ =	shalt  }

// kernel: kernel.15.cloned.1.call-start
scs
__scs_entry_jumppad:
0x0: {  	(pc) =	sbr.rel $0x88, $3  }
0x1: {  	(tag) =	ssettag $0x0;
	lr =	simm.s32 $0x1  }
0x2: {  	[smem:$0x3F9D] =	sst lr;
	_ =	strace $0xD0000000  }
0x3: {  	_ = 	snop  }
0x4: {  	_ = 	snop  }
0x5: {  	_ = 	snop  }
0x6: {  	_ = 	snop  }
0x7: {  	_ = 	snop  }
__scs_overlays_trampoline_lowered:
0x8: {  	[smem:$0x3FAC] =	sst s0  }
0x9: {  	[smem:$0x3FAD] =	sst s1  }
0xa: {  	[smem:$0x3FAE] =	sst s2  }
0xb: {  	[smem:$0x3FAF] =	sst s3  }
0xc: {  	[smem:$0x3FB0] =	sst s4  }
0xd: {  	[smem:$0x3FB1] =	sst s5  }
0xe: {  	[smem:$0x3FB2] =	sst s6  }
0xf: {  	[smem:$0x3FB3] =	sst s7  }
0x10: {  	[smem:$0x3FB4] =	sst s8  }
0x11: {  	[smem:$0x3FB5] =	sst s9;
	s0 =	simm.s32 @!p0 $0x0  }
0x12: {  	s1 =	sld [smem:$0x3F9B];
	s0 =	simm.s32 @p0 $0x1  }
0x13: {  	[smem:$0x3FB6] =	sst s0;
	s0 =	simm.s32 @!p1 $0x0  }
0x14: {  	s2 =	sld [smem:$0x3F9A];
	s0 =	simm.s32 @p1 $0x1  }
0x15: {  	[smem:$0x3FB7] =	sst s0;
	s0 =	simm.s32 @!p2 $0x0  }
0x16: {  	s3 =	sld [smem:$0x3FDB];
	s0 =	simm.s32 @p2 $0x1  }
0x17: {  	s4 =	simm.s32 $0x1BF5;
	[smem:$0x3FB9] =	sst s0  }
0x18: {  	s0 =	sld [smem:$0x3F9C];
	_ =	swait.ge [sflag:s4], $0x0  }
0x19: {  	s7 =	sld [smem:$0x3F9D]  }
0x1a: {  	s8 =	sadd.s32 $0xFFFFE003, lr  }
0x1b: {  	s9 =	sadd.s32 $0xFFFFFEF7, lr;
	s5 =	simm.s32 $0xFFFFFFFF;
	p2 =	slt.u32 s8, $0xFFFFF086  }
0x1c: {  	p1 =	slt.u32 s9, $0xF7A;
	s5 =	simm.s32 @!p2 $0x0  }
0x1d: {  	s5 =	simm.s32 @p1 $0x1;
	p0 =	seq.s32 s7, s2  }
0x1e: {  	s7 =	smul.u32 @!p0 $0xF7A, s2;
	p2 =	seq.s32 @!p0 s5, $0x0  }
0x1f: {  	s9 =	smul.u32 $0xF7A, s1;
	s8 =	simm.s32 @!p0 $0x1BF5;
	p2 =	por !p2, p0  }
0x20: {  	[sflag:s8] =	ssyncset.s32 @!p0 $0xFFFFF086;
	s6 =	sadd.s32 @!p0 s3, s7;
	s7 =	simm.s32 @!p0 $0x108  }
0x21: {  	s3 =	sadd.s32 s3, s9;
	s6 =	sadd.s32 @!p0 $0x88, s6;
	s7 =	simm.s32 @p2 $0x1082  }
0x22: {  	[simem:s7], [sflag:s8] =	dma.local @!p0 [hbm:s6], $0xF7A  }
0x23: {  	s9 =	sor.u32 $0xD0000000, s2;
	s6 =	simm.s32 $0x108;
	_ =	swait.ge @!p0 [sflag:s8], $0x0  }
0x24: {  	s3 =	sadd.s32 $0x88, s3;
	s6 =	simm.s32 @!p1 $0x1082;
	[sflag:s4] =	ssyncset.s32 $0xFFFFF086  }
0x25: {  	[simem:s6], [sflag:s4] =	dma.local [hbm:s3], $0xF7A  }
0x26: {  	[smem:$0x3F9D] =	sst s1;
	(tag) =	ssettag s2;
	_ =	strace s9  }
0x27: {  	s1 =	sld [smem:$0x3FAD]  }
0x28: {  	s2 =	sld [smem:$0x3FAE]  }
0x29: {  	s4 =	sld [smem:$0x3FB0]  }
0x2a: {  	p0 =	seq.s32 s5, $0x0;
	s5 =	sld [smem:$0x3FB1]  }
0x2b: {  	s6 =	sld [smem:$0x3FB2]  }
0x2c: {  	s7 =	sld [smem:$0x3FB3]  }
0x2d: {  	s3 =	simm.s32 $0x108;
	s8 =	sld [smem:$0x3FB4]  }
0x2e: {  	s3 =	simm.s32 @!p0 $0x1082;
	s9 =	sld [smem:$0x3FB5]  }
0x2f: {  	lr =	sadd.s32 s0, s3;
	s0 =	sld [smem:$0x3FAC]  }
0x30: {  	s3 =	sld [smem:$0x3FAF]  }
0x31: {  	[smem:$0x3FB8] =	sst s10  }
0x32: {  	s10 =	sld [smem:$0x3FB6];
	_ =	sdelay $0x3  }
0x33: {  	p0 =	seq.s32 s10, $0x1;
	s10 =	sld [smem:$0x3FB8];
	_ =	sdelay $0x3  }
0x34: {  	[smem:$0x3FB8] =	sst s10  }
0x35: {  	s10 =	sld [smem:$0x3FB7];
	_ =	sdelay $0x3  }
0x36: {  	p1 =	seq.s32 s10, $0x1;
	s10 =	sld [smem:$0x3FB8];
	_ =	sdelay $0x3  }
0x37: {  	[smem:$0x3FB8] =	sst s10  }
0x38: {  	s10 =	sld [smem:$0x3FB9]  }
0x39: {  	_ = 	snop;
	(pc) =	sbr.ind lr, $3  }
0x3a: {  	_ = 	snop  }
0x3b: {  	_ = 	snop  }
0x3c: {  	p2 =	seq.s32 s10, $0x1;
	s10 =	sld [smem:$0x3FB8]  }
0x3d: {  	_ =	shalt  }
0x3e: {  	_ =	shalt  }
0x3f: {  	_ =	shalt  }
0x40: {  	_ =	shalt  }
0x41: {  	_ =	shalt  }
0x42: {  	_ =	shalt  }
0x43: {  	_ =	shalt  }
0x44: {  	_ =	shalt  }
0x45: {  	_ =	shalt  }
0x46: {  	_ =	shalt  }
0x47: {  	_ =	shalt  }
0x48: {  	_ =	shalt  }
0x49: {  	_ =	shalt  }
0x4a: {  	_ =	shalt  }
0x4b: {  	_ =	shalt  }
0x4c: {  	_ =	shalt  }
0x4d: {  	_ =	shalt  }
0x4e: {  	_ =	shalt  }
0x4f: {  	_ =	shalt  }
0x50: {  	_ =	shalt  }
0x51: {  	_ =	shalt  }
0x52: {  	_ =	shalt  }
0x53: {  	_ =	shalt  }
0x54: {  	_ =	shalt  }
0x55: {  	_ =	shalt  }
0x56: {  	_ =	shalt  }
0x57: {  	_ =	shalt  }
0x58: {  	_ =	shalt  }
0x59: {  	_ =	shalt  }
0x5a: {  	_ =	shalt  }
0x5b: {  	_ =	shalt  }
0x5c: {  	_ =	shalt  }
0x5d: {  	_ =	shalt  }
0x5e: {  	_ =	shalt  }
0x5f: {  	_ =	shalt  }
0x60: {  	_ =	shalt  }
0x61: {  	_ =	shalt  }
0x62: {  	_ =	shalt  }
0x63: {  	_ =	shalt  }
0x64: {  	_ =	shalt  }
0x65: {  	_ =	shalt  }
0x66: {  	_ =	shalt  }
0x67: {  	_ =	shalt  }
0x68: {  	_ =	shalt  }
0x69: {  	_ =	shalt  }
0x6a: {  	_ =	shalt  }
0x6b: {  	_ =	shalt  }
0x6c: {  	_ =	shalt  }
0x6d: {  	_ =	shalt  }
0x6e: {  	_ =	shalt  }
0x6f: {  	_ =	shalt  }
0x70: {  	_ =	shalt  }
0x71: {  	_ =	shalt  }
0x72: {  	_ =	shalt  }
0x73: {  	_ =	shalt  }
0x74: {  	_ =	shalt  }
0x75: {  	_ =	shalt  }
0x76: {  	_ =	shalt  }
0x77: {  	_ =	shalt  }
0x78: {  	_ =	shalt  }
0x79: {  	_ =	shalt  }
0x7a: {  	_ =	shalt  }
0x7b: {  	_ =	shalt  }
0x7c: {  	_ =	shalt  }
0x7d: {  	_ =	shalt  }
0x7e: {  	_ =	shalt  }
0x7f: {  	_ =	shalt  }
0x80: {  	_ =	shalt  }
0x81: {  	_ =	shalt  }
0x82: {  	_ =	shalt  }
0x83: {  	_ =	shalt  }
0x84: {  	_ =	shalt  }
0x85: {  	_ =	shalt  }
0x86: {  	_ =	shalt  }
0x87: {  	_ =	shalt  }
.Lfunc_end0:
.L_simem_size_0:
called_computation.2_lowered:
.L_overlay_start_0:
0x88: {  	s2 =	sld [smem:$0x3FD9]  }
0x89: {  	s3 =	sld [smem:$0x3FFE];
	_ =	sdelay $0x1  }
0x8a: {  	s1 =	srdreg.scid  }
0x8b: {  	s0 =	sand.u32 $0x1, s1  }
0x8c: {  	s17 =	sshll.u32 s0, $0xA;
	s2 =	sadd.s32 s3, s2  }
0x8d: {  	s2 =	sadd.s32 s2, s17  }
0x8e: {  	[smem:$0x3FC4] =	sst s2  }
0x8f: {  	_ = 	snop  }
0x90: {  	s2 =	sld [smem:$0x3FD0];
	(tm) =	ssettm $0x1  }
0x91: {  	s18 =	sld [smem:$0x3FFB];
	_ =	sdelay $0x3  }
0x92: {  	_ =	strace s18  }
0x93: {  	s3 =	sld [smem:$0x3FFC];
	_ =	sdelay $0x3  }
0x94: {  	_ =	strace s3  }
0x95: {  	s3 =	sld [smem:$0x3FFD];
	_ =	sdelay $0x3  }
0x96: {  	_ =	strace s3  }
0x97: {  	_ =	strace $0x8FFFFFFF  }
0x98: {  	s19 =	sld [smem:$0x3FDB];
	_ =	sdelay $0x1  }
0x99: {  	s4 =	simm.s32 $_scs_section_size  }
0x9a: {  	s5 =	simm.s32 $_size__tile_overlayer_lowered;
	s6 =	simm.s32 $_tile_overlayer_lowered  }
0x9b: {  	s22 =	simm.s32 $0x1BFF;
	s21 =	sshll.u32 s6, $0x1;
	s3 =	sadd.s32 s4, s19  }
0x9c: {  	s7 =	simm.s32 $0x0;
	s20 =	sshll.u32 s5, $0x1;
	s5 =	sadd.s32 s21, s3  }
0x9d: {  	[timem:s7], [sflag:s22] =	dma.local [hbm:s5], s20  }
0x9e: {  	_ =	swait.ge [sflag:s22], s20  }
0x9f: {  	s4 =	ssub.s32 $0x0, s20;
	[sflag:s22] =	ssyncset.done $0x0  }
0xa0: {  	[sflag:s22] =	ssyncadd.s32 s4;
	_ =	sdelay $0x1  }
0xa1: {  	s23 =	simm.s32 $0x1B8B  }
0xa2: {  	_ =	swait.ge [sflag:s23], $0x1  }
0xa3: {  	[sflag:s23] =	ssyncset.done $0x0  }
0xa4: {  	s25 =	simm.s32 $0x1B8E;
	s24 =	sld [smem:$0x3FFE];
	[sflag:s23] =	ssyncadd.s32 $0xFFFFFFFF  }
0xa5: {  	s26 =	simm.s32 $execute0_lowered;
	[smem:$0x3FD2] =	sst s25  }
0xa6: {  	s5 =	sshll.u32 s26, $0x1;
	_ =	strace $0x8000004C;
	[dreg:$0x1] =	wrdreg $0xFFFFFFFF  }
0xa7: {  	s28 =	simm.s32 $_size_execute0_lowered;
	s3 =	sadd.s32 s3, s5;
	[dreg:$0x0] =	wrdreg $0x0  }
0xa8: {  	s5 =	sshll.u32 s28, $0x1;
	[dreg:$0x2] =	wrdreg s3  }
0xa9: {  	[dreg:$0x3] =	wrdreg s5  }
0xaa: {  	[dreg:$0x4] =	wrdreg $0xC0  }
0xab: {  	_ =	task [dreg:s7], $0x5FFFF  }
0xac: {  	[dreg:$0x1] =	wrdreg $0xFFFFFFFF  }
0xad: {  	[dreg:$0x0] =	wrdreg $0x60  }
0xae: {  	[dreg:$0x2] =	wrdreg s2  }
0xaf: {  	[dreg:$0x3] =	wrdreg s24  }
0xb0: {  	[dreg:$0x4] =	wrdreg $0xB8000  }
0xb1: {  	[dreg:$0x5] =	wrdreg $0x9  }
0xb2: {  	_ =	task.clear_ibuf [dreg:s7], $0x6FFFF;
	_ =	strace $0x9000004C  }
0xb3: {  	s29 =	simm.s32 $0x9;
	_ =	strace $0x8000004E  }
0xb4: {  	_ =	swait.ge [sflag:s29], $0x1  }
0xb5: {  	[sflag:s29] =	ssyncadd.s32 $0xFFFFFFFF  }
0xb6: {  	_ =	strace $0x9000004E  }
0xb7: {  	_ =	sfence  }
0xb8: {  	s30 =	sld [smem:$0x0];
	_ =	sdelay $0x2  }
0xb9: {  	s31 =	sshll.u32 s1, $0xD;
	s1 =	sshrl.u32 s1, $0x2  }
0xba: {  	s3 =	sand.u32 $0x4000, s31;
	s1 =	sadd.s32 s1, s30  }
0xbb: {  	s0 =	sor.u32 s3, s0;
	s1 =	sshll.u32 s1, $0x11  }
0xbc: {  	s0 =	sor.u32 s1, s0  }
0xbd: {  	s0 =	sadd.s32 $0x8F2B, s0  }
0xbe: {  	[sflag:s0] =	ssyncadd.remote.s32 $0x1  }
0xbf: {  	_ =	sfence.sel $0xFFFF  }
0xc0: {  	[dreg:$0x0] =	wrdreg $0xFFFFFFFF;
	(pc) =	sbr.abs _section_cstart, $3  }
0xc1: {  	[dreg:$0x1] =	wrdreg $0xFFFFFFFF  }
0xc2: {  	_ =	task.clear_ibuf [dreg:s7], $0x2FFFF;
	_ =	strace $0x9FFFFFFF  }
0xc3: {  	(tm) =	ssettm $0x7FFFFFFF  }
tec
execute0_lowered:
.L_overlay_start_1:
0x0: {  	(tag) =	ssettag $0x1  }
0x1: {  	s2 =	rddreg [dreg:$0x0]  }
0x2: {  	s0 =	srdreg.scid;
	s5 =	rddreg [dreg:$0x1]  }
0x3: {  	s4 =	stileid.u32;
	s3 =	rddreg [dreg:$0x2];
	s8 =	simm.s32 $0x0  }
0x4: {  	s28 =	simm.s32 $0x2;
	s15 =	simm.s32 $0x2800;
	s9 =	simm.s32 $0x3380  }
0x5: {  	s10 =	simm.s32 $0x3400;
	s11 =	simm.s32 $0x3480;
	s12 =	simm.s32 $0x3500  }
0x6: {  	s13 =	simm.s32 $0x3580;
	s14 =	simm.s32 $0x3600;
	s30 =	simm.s32 $0x3700  }
0x7: {  	s0 =	sand.u32 $0x1, s0;
	s7 =	smul.u32 $0x14000, s4;
	[smem:$0x7FF] =	sst s8  }
0x8: {  	s1 =	sshll.u32 s0, $0x4;
	s6 =	smul.u32 $0x140000, s0;
	s0 =	ssub.s32 $0x2, s0  }
0x9: {  	s1 =	sor.u32 s4, s1;
	s4 =	smul.u32 $0x50000, s4;
	s17 =	sshrl.u32 s0, $0x1  }
0xa: {  	s8 =	simm.s32 $0x3300;
	_ =	strace $0x8000004D;
	s0 =	ssub.s32 s0, s17  }
0xb: {  	s1 =	smul.u32 $0x2800, s1;
	s16 =	sshrl.u32 s4, $0x2;
	s0 =	smax.u32 s0, $0x1  }
0xc: {  	s6 =	sadd.s32 s7, s6;
	s18 =	sadd.s32 s16, s3;
	[dreg:$0xf] =	wrdreg s0  }
0xd: {  	s7 =	simm.s32 $0x3280;
	s20 =	sadd.s32 $0x4000, s18;
	[dreg:$0x10] =	wrdreg s18  }
0xe: {  	s6 =	sshrl.u32 s6, $0x3;
	s21 =	sadd.s32 $0x8000, s18;
	[dreg:$0x5] =	wrdreg s20  }
0xf: {  	s1 =	sshrl.u32 s1, $0x3;
	s22 =	sadd.s32 $0xC000, s18;
	[dreg:$0x6] =	wrdreg s21  }
0x10: {  	s6 =	sadd.s32 s6, s5;
	s23 =	sadd.s32 $0x10000, s18;
	[dreg:$0x7] =	wrdreg s22  }
0x11: {  	s1 =	sadd.s32 s1, s5;
	s31 =	sadd.s32 $0x66600, s6;
	[dreg:$0x8] =	wrdreg s23  }
0x12: {  	s17 =	simm.s32 $0x3680;
	s19 =	sadd.s32 $0x5C600, s1;
	[dreg:$0xe] =	wrdreg s31  }
0x13: {  	s0 =	simm.s32 $0x0;
	s24 =	sadd.s32 $0x2600, s1;
	[dreg:$0x4] =	wrdreg s19  }
0x14: {  	s16 =	simm.s32 $0x0;
	s25 =	sadd.s32 $0x2700, s1;
	[dreg:$0x9] =	wrdreg s24  }
0x15: {  	s18 =	simm.s32 $0x5;
	s26 =	sadd.s32 $0x2800, s1;
	[dreg:$0xa] =	wrdreg s25  }
0x16: {  	s6 =	simm.s32 $0x3200;
	s29 =	sadd.s32 $0x2900, s1;
	[dreg:$0xb] =	wrdreg s26  }
0x17: {  	s1 =	sadd.s32 $0x2A00, s1;
	s21 =	simm.s32 $0x80;
	[dreg:$0xc] =	wrdreg s29  }
0x18: {  	s22 =	simm.s32 $0x7800;
	s20 =	simm.s32 $0x3780;
	[dreg:$0xd] =	wrdreg s1  }
0x19: {  	v0 =	vimm.f32 $0.0e+00;
	s19 =	simm.s32 $0x3800;
	s25 =	simm.s32 $0x1;
	s24 =	simm.s32 $0x3080  }
.LBB2_1:
0x1a: {  	s29 =	rddreg [dreg:$0x4]  }
0x1b: {  	[tilespmem:s0], [sflag:$0x5] =	stream.linear.gather [hbm4b:s29+s0], $0x2800, $0x38;
	[tilespmem:$0x1F800] =	vst v63  }
0x1c: {  	_ =	swait.ge [sflag:s18], $0x2800  }
0x1d: {  	[sflag:s18] =	ssyncset.done $0x0  }
0x1e: {  	s31 =	simm.s32 $0x200;
	s29 =	simm.s32 $0x0;
	[sflag:s18] =	ssyncadd.s32 $0xFFFFD800  }
.LBB2_2:
0x1f: {  	p0 =	sne.s32 s31, $0xFE00;
	[tilespmem:s29+$0x3870] =	vst v0  }
0x20: {  	[tilespmem:s29+$0x3800] =	vst v0  }
0x21: {  	[tilespmem:s29+$0x3810] =	vst v0  }
.Ltmp0:
0x22: {  	[tilespmem:s29+$0x3820] =	vst v0;
	(pc) =	sbr.rel @p0 .LBB2_2-.Ltmp0, $4  }
0x23: {  	[tilespmem:s29+$0x3830] =	vst v0  }
0x24: {  	[tilespmem:s29+$0x3840] =	vst v0  }
0x25: {  	[tilespmem:s29+$0x3850] =	vst v0  }
0x26: {  	[tilespmem:s29+$0x3860] =	vst v0;
	s29 =	sshra.s32 s31, $0x2;
	s31 =	sadd.s32 $0x200, s31  }
0x27: {  	[tilespmem:s29+$0x3870] =	vst v0  }
0x28: {  	[tilespmem:s29+$0x3800] =	vst v0  }
0x29: {  	[tilespmem:s29+$0x3810] =	vst v0  }
0x2a: {  	[tilespmem:s29+$0x3820] =	vst v0  }
0x2b: {  	[tilespmem:s29+$0x3830] =	vst v0  }
0x2c: {  	[tilespmem:s29+$0x3840] =	vst v0  }
0x2d: {  	[tilespmem:s29+$0x3850] =	vst v0  }
0x2e: {  	[tilespmem:s29+$0x3860] =	vst v0;
	s31 =	rddreg [dreg:$0x10]  }
0x2f: {  	[spmem:s31] =	stream.linear.scatter [tilespmem:s19], [sflag:$0x5], $0x4000, $0x38;
	[tilespmem:$0x1F800] =	vst v63  }
0x30: {  	_ =	swait.ge [sflag:s18], $0x4000  }
0x31: {  	[sflag:s18] =	ssyncset.done $0x0  }
0x32: {  	s4 =	rddreg [dreg:$0x5];
	[sflag:s18] =	ssyncadd.s32 $0xFFFFC000  }
0x33: {  	[spmem:s4] =	stream.linear.scatter [tilespmem:s19], [sflag:$0x5], $0x4000, $0x38;
	[tilespmem:$0x1F800] =	vst v63  }
0x34: {  	_ =	swait.ge [sflag:s18], $0x4000  }
0x35: {  	[sflag:s18] =	ssyncset.done $0x0  }
0x36: {  	s5 =	rddreg [dreg:$0x6];
	[sflag:s18] =	ssyncadd.s32 $0xFFFFC000  }
0x37: {  	[spmem:s5] =	stream.linear.scatter [tilespmem:s19], [sflag:$0x5], $0x4000, $0x38;
	[tilespmem:$0x1F800] =	vst v63  }
0x38: {  	_ =	swait.ge [sflag:s18], $0x4000  }
0x39: {  	[sflag:s18] =	ssyncset.done $0x0  }
0x3a: {  	s23 =	rddreg [dreg:$0x7];
	[sflag:s18] =	ssyncadd.s32 $0xFFFFC000  }
0x3b: {  	[spmem:s23] =	stream.linear.scatter [tilespmem:s19], [sflag:$0x5], $0x4000, $0x38;
	[tilespmem:$0x1F800] =	vst v63  }
0x3c: {  	_ =	swait.ge [sflag:s18], $0x4000  }
0x3d: {  	[sflag:s18] =	ssyncset.done $0x0  }
0x3e: {  	s26 =	rddreg [dreg:$0x8];
	[sflag:s18] =	ssyncadd.s32 $0xFFFFC000  }
0x3f: {  	[spmem:s26] =	stream.linear.scatter [tilespmem:s19], [sflag:$0x5], $0x4000, $0x38;
	[tilespmem:$0x1F800] =	vst v63  }
0x40: {  	_ =	swait.ge [sflag:s18], $0x4000  }
0x41: {  	[sflag:s18] =	ssyncset.done $0x0  }
0x42: {  	s1 =	rddreg [dreg:$0x9];
	[sflag:s18] =	ssyncadd.s32 $0xFFFFC000  }
0x43: {  	[tilespmem:s15], [sflag:$0x3] =	stream.linear.gather [hbm4b:s1+s0], $0x800, $0x38;
	[tilespmem:$0x1F800] =	vst v63  }
0x44: {  	_ = 	snop  }
0x45: {  	[tilespmem:s19], [sflag:$0x1] =	stream.indirect.gather [hbm4b:s2+s21], $0x80, s0, s21, $0xb8;
	[tilespmem:$0x1F800] =	vst v63  }
0x46: {  	_ = 	snop  }
0x47: {  	[tilespmem:s22], [sflag:$0x2] =	stream.indirect.gather [hbm4b:s2+s21], $0x80, s21, s21, $0xb8;
	[tilespmem:$0x1F800] =	vst v63  }
0x48: {  	s1 =	simm.s32 $0x3;
	[bflag:$0x0] =	sbarrier.arrive $0xFFFF  }
0x49: {  	_ =	swait.ge [sflag:s1], $0x800  }
0x4a: {  	[sflag:s1] =	ssyncset.done $0x0  }
0x4b: {  	s5 =	simm.s32 $0x3000;
	s4 =	rddreg [dreg:$0xa];
	[sflag:s1] =	ssyncadd.s32 $0xFFFFF800  }
0x4c: {  	[tilespmem:s5], [sflag:$0x4] =	stream.linear.gather [hbm4b:s4+s0], $0x800, $0x38;
	[tilespmem:$0x1F800] =	vst v63  }
0x4d: {  	_ =	swait.ge [sflag:s25], $0x4000  }
0x4e: {  	[sflag:s25] =	ssyncset.done $0x0  }
0x4f: {  	[sflag:s25] =	ssyncadd.s32 $0xFFFFC000  }
0x50: {  	[spmem:s3] =	stream.indirect.scatter.add.f32 [tilespmem:s19], [sflag:$0x5], $0x80, s15, s21, $0xb8;
	[tilespmem:$0x1F800] =	vst v63  }
0x51: {  	_ =	swait.ge [sflag:s18], $0x4000  }
0x52: {  	[sflag:s18] =	ssyncset.done $0x0  }
0x53: {  	s26 =	simm.s32 $0x100;
	[sflag:s18] =	ssyncadd.s32 $0xFFFFC000  }
0x54: {  	[tilespmem:s19], [sflag:$0x1] =	stream.indirect.gather [hbm4b:s2+s21], $0x80, s26, s21, $0xb8;
	[tilespmem:$0x1F800] =	vst v63  }
0x55: {  	_ =	swait.ge [sflag:s28], $0x4000  }
0x56: {  	[sflag:s28] =	ssyncset.done $0x0  }
0x57: {  	s23 =	simm.s32 $0x2880;
	[sflag:s28] =	ssyncadd.s32 $0xFFFFC000  }
0x58: {  	[spmem:s3] =	stream.indirect.scatter.add.f32 [tilespmem:s22], [sflag:$0x5], $0x80, s23, s21, $0xb8;
	[tilespmem:$0x1F800] =	vst v63  }
0x59: {  	_ =	swait.ge [sflag:s18], $0x4000  }
0x5a: {  	[sflag:s18] =	ssyncset.done $0x0  }
0x5b: {  	s26 =	simm.s32 $0x180;
	[sflag:s18] =	ssyncadd.s32 $0xFFFFC000  }
0x5c: {  	[tilespmem:s22], [sflag:$0x2] =	stream.indirect.gather [hbm4b:s2+s21], $0x80, s26, s21, $0xb8;
	[tilespmem:$0x1F800] =	vst v63  }
0x5d: {  	_ =	swait.ge [sflag:s25], $0x4000  }
0x5e: {  	[sflag:s25] =	ssyncset.done $0x0  }
0x5f: {  	s29 =	simm.s32 $0x2900;
	[sflag:s25] =	ssyncadd.s32 $0xFFFFC000  }
0x60: {  	[spmem:s3] =	stream.indirect.scatter.add.f32 [tilespmem:s19], [sflag:$0x5], $0x80, s29, s21, $0xb8;
	[tilespmem:$0x1F800] =	vst v63  }
0x61: {  	_ =	swait.ge [sflag:s18], $0x4000  }
0x62: {  	[sflag:s18] =	ssyncset.done $0x0  }
0x63: {  	s4 =	simm.s32 $0x200;
	[sflag:s18] =	ssyncadd.s32 $0xFFFFC000  }
0x64: {  	[tilespmem:s19], [sflag:$0x1] =	stream.indirect.gather [hbm4b:s2+s21], $0x80, s4, s21, $0xb8;
	[tilespmem:$0x1F800] =	vst v63  }
0x65: {  	_ =	swait.ge [sflag:s28], $0x4000  }
0x66: {  	[sflag:s28] =	ssyncset.done $0x0  }
0x67: {  	s23 =	simm.s32 $0x2980;
	[sflag:s28] =	ssyncadd.s32 $0xFFFFC000  }
0x68: {  	[spmem:s3] =	stream.indirect.scatter.add.f32 [tilespmem:s22], [sflag:$0x5], $0x80, s23, s21, $0xb8;
	[tilespmem:$0x1F800] =	vst v63  }
0x69: {  	_ =	swait.ge [sflag:s18], $0x4000  }
0x6a: {  	[sflag:s18] =	ssyncset.done $0x0  }
0x6b: {  	s26 =	simm.s32 $0x280;
	[sflag:s18] =	ssyncadd.s32 $0xFFFFC000  }
0x6c: {  	[tilespmem:s22], [sflag:$0x2] =	stream.indirect.gather [hbm4b:s2+s21], $0x80, s26, s21, $0xb8;
	[tilespmem:$0x1F800] =	vst v63  }
0x6d: {  	_ =	swait.ge [sflag:s25], $0x4000  }
0x6e: {  	[sflag:s25] =	ssyncset.done $0x0  }
0x6f: {  	s29 =	simm.s32 $0x2A00;
	[sflag:s25] =	ssyncadd.s32 $0xFFFFC000  }
0x70: {  	[spmem:s3] =	stream.indirect.scatter.add.f32 [tilespmem:s19], [sflag:$0x5], $0x80, s29, s21, $0xb8;
	[tilespmem:$0x1F800] =	vst v63  }
0x71: {  	_ =	swait.ge [sflag:s18], $0x4000  }
0x72: {  	[sflag:s18] =	ssyncset.done $0x0  }
0x73: {  	s4 =	simm.s32 $0x300;
	[sflag:s18] =	ssyncadd.s32 $0xFFFFC000  }
0x74: {  	[tilespmem:s19], [sflag:$0x1] =	stream.indirect.gather [hbm4b:s2+s21], $0x80, s4, s21, $0xb8;
	[tilespmem:$0x1F800] =	vst v63  }
0x75: {  	_ =	swait.ge [sflag:s28], $0x4000  }
0x76: {  	[sflag:s28] =	ssyncset.done $0x0  }
0x77: {  	s23 =	simm.s32 $0x2A80;
	[sflag:s28] =	ssyncadd.s32 $0xFFFFC000  }
0x78: {  	[spmem:s3] =	stream.indirect.scatter.add.f32 [tilespmem:s22], [sflag:$0x5], $0x80, s23, s21, $0xb8;
	[tilespmem:$0x1F800] =	vst v63  }
0x79: {  	_ =	swait.ge [sflag:s18], $0x4000  }
0x7a: {  	[sflag:s18] =	ssyncset.done $0x0  }
0x7b: {  	s26 =	simm.s32 $0x380;
	[sflag:s18] =	ssyncadd.s32 $0xFFFFC000  }
0x7c: {  	[tilespmem:s22], [sflag:$0x2] =	stream.indirect.gather [hbm4b:s2+s21], $0x80, s26, s21, $0xb8;
	[tilespmem:$0x1F800] =	vst v63  }
0x7d: {  	_ =	swait.ge [sflag:s25], $0x4000  }
0x7e: {  	[sflag:s25] =	ssyncset.done $0x0  }
0x7f: {  	s29 =	simm.s32 $0x2B00;
	[sflag:s25] =	ssyncadd.s32 $0xFFFFC000  }
0x80: {  	[spmem:s3] =	stream.indirect.scatter.add.f32 [tilespmem:s19], [sflag:$0x5], $0x80, s29, s21, $0xb8;
	[tilespmem:$0x1F800] =	vst v63  }
0x81: {  	_ =	swait.ge [sflag:s18], $0x4000  }
0x82: {  	[sflag:s18] =	ssyncset.done $0x0  }
0x83: {  	s4 =	simm.s32 $0x400;
	[sflag:s18] =	ssyncadd.s32 $0xFFFFC000  }
0x84: {  	[tilespmem:s19], [sflag:$0x1] =	stream.indirect.gather [hbm4b:s2+s21], $0x80, s4, s21, $0xb8;
	[tilespmem:$0x1F800] =	vst v63  }
0x85: {  	_ =	swait.ge [sflag:s28], $0x4000  }
0x86: {  	[sflag:s28] =	ssyncset.done $0x0  }
0x87: {  	s23 =	simm.s32 $0x2B80;
	[sflag:s28] =	ssyncadd.s32 $0xFFFFC000  }
0x88: {  	[spmem:s3] =	stream.indirect.scatter.add.f32 [tilespmem:s22], [sflag:$0x5], $0x80, s23, s21, $0xb8;
	[tilespmem:$0x1F800] =	vst v63  }
0x89: {  	_ =	swait.ge [sflag:s18], $0x4000  }
0x8a: {  	[sflag:s18] =	ssyncset.done $0x0  }
0x8b: {  	s26 =	simm.s32 $0x480;
	[sflag:s18] =	ssyncadd.s32 $0xFFFFC000  }
0x8c: {  	[tilespmem:s22], [sflag:$0x2] =	stream.indirect.gather [hbm4b:s2+s21], $0x80, s26, s21, $0xb8;
	[tilespmem:$0x1F800] =	vst v63  }
0x8d: {  	_ =	swait.ge [sflag:s25], $0x4000  }
0x8e: {  	[sflag:s25] =	ssyncset.done $0x0  }
0x8f: {  	s29 =	simm.s32 $0x2C00;
	[sflag:s25] =	ssyncadd.s32 $0xFFFFC000  }
0x90: {  	[spmem:s3] =	stream.indirect.scatter.add.f32 [tilespmem:s19], [sflag:$0x5], $0x80, s29, s21, $0xb8;
	[tilespmem:$0x1F800] =	vst v63  }
0x91: {  	_ =	swait.ge [sflag:s18], $0x4000  }
0x92: {  	[sflag:s18] =	ssyncset.done $0x0  }
0x93: {  	s4 =	simm.s32 $0x500;
	[sflag:s18] =	ssyncadd.s32 $0xFFFFC000  }
0x94: {  	[tilespmem:s19], [sflag:$0x1] =	stream.indirect.gather [hbm4b:s2+s21], $0x80, s4, s21, $0xb8;
	[tilespmem:$0x1F800] =	vst v63  }
0x95: {  	_ =	swait.ge [sflag:s28], $0x4000  }
0x96: {  	[sflag:s28] =	ssyncset.done $0x0  }
0x97: {  	s23 =	simm.s32 $0x2C80;
	[sflag:s28] =	ssyncadd.s32 $0xFFFFC000  }
0x98: {  	[spmem:s3] =	stream.indirect.scatter.add.f32 [tilespmem:s22], [sflag:$0x5], $0x80, s23, s21, $0xb8;
	[tilespmem:$0x1F800] =	vst v63  }
0x99: {  	_ =	swait.ge [sflag:s18], $0x4000  }
0x9a: {  	[sflag:s18] =	ssyncset.done $0x0  }
0x9b: {  	s26 =	simm.s32 $0x580;
	[sflag:s18] =	ssyncadd.s32 $0xFFFFC000  }
0x9c: {  	[tilespmem:s22], [sflag:$0x2] =	stream.indirect.gather [hbm4b:s2+s21], $0x80, s26, s21, $0xb8;
	[tilespmem:$0x1F800] =	vst v63  }
0x9d: {  	_ =	swait.ge [sflag:s25], $0x4000  }
0x9e: {  	[sflag:s25] =	ssyncset.done $0x0  }
0x9f: {  	s29 =	simm.s32 $0x2D00;
	[sflag:s25] =	ssyncadd.s32 $0xFFFFC000  }
0xa0: {  	[spmem:s3] =	stream.indirect.scatter.add.f32 [tilespmem:s19], [sflag:$0x5], $0x80, s29, s21, $0xb8;
	[tilespmem:$0x1F800] =	vst v63  }
0xa1: {  	_ =	swait.ge [sflag:s18], $0x4000  }
0xa2: {  	[sflag:s18] =	ssyncset.done $0x0  }
0xa3: {  	s4 =	simm.s32 $0x600;
	[sflag:s18] =	ssyncadd.s32 $0xFFFFC000  }
0xa4: {  	[tilespmem:s19], [sflag:$0x1] =	stream.indirect.gather [hbm4b:s2+s21], $0x80, s4, s21, $0xb8;
	[tilespmem:$0x1F800] =	vst v63  }
0xa5: {  	_ =	swait.ge [sflag:s28], $0x4000  }
0xa6: {  	[sflag:s28] =	ssyncset.done $0x0  }
0xa7: {  	s23 =	simm.s32 $0x2D80;
	[sflag:s28] =	ssyncadd.s32 $0xFFFFC000  }
0xa8: {  	[spmem:s3] =	stream.indirect.scatter.add.f32 [tilespmem:s22], [sflag:$0x5], $0x80, s23, s21, $0xb8;
	[tilespmem:$0x1F800] =	vst v63  }
0xa9: {  	_ =	swait.ge [sflag:s18], $0x4000  }
0xaa: {  	[sflag:s18] =	ssyncset.done $0x0  }
0xab: {  	s26 =	simm.s32 $0x680;
	[sflag:s18] =	ssyncadd.s32 $0xFFFFC000  }
0xac: {  	[tilespmem:s22], [sflag:$0x2] =	stream.indirect.gather [hbm4b:s2+s21], $0x80, s26, s21, $0xb8;
	[tilespmem:$0x1F800] =	vst v63  }
0xad: {  	_ =	swait.ge [sflag:s25], $0x4000  }
0xae: {  	[sflag:s25] =	ssyncset.done $0x0  }
0xaf: {  	s29 =	simm.s32 $0x2E00;
	[sflag:s25] =	ssyncadd.s32 $0xFFFFC000  }
0xb0: {  	[spmem:s3] =	stream.indirect.scatter.add.f32 [tilespmem:s19], [sflag:$0x5], $0x80, s29, s21, $0xb8;
	[tilespmem:$0x1F800] =	vst v63  }
0xb1: {  	_ =	swait.ge [sflag:s18], $0x4000  }
0xb2: {  	[sflag:s18] =	ssyncset.done $0x0  }
0xb3: {  	s4 =	simm.s32 $0x700;
	[sflag:s18] =	ssyncadd.s32 $0xFFFFC000  }
0xb4: {  	[tilespmem:s19], [sflag:$0x1] =	stream.indirect.gather [hbm4b:s2+s21], $0x80, s4, s21, $0xb8;
	[tilespmem:$0x1F800] =	vst v63  }
0xb5: {  	_ =	swait.ge [sflag:s28], $0x4000  }
0xb6: {  	[sflag:s28] =	ssyncset.done $0x0  }
0xb7: {  	s23 =	simm.s32 $0x2E80;
	[sflag:s28] =	ssyncadd.s32 $0xFFFFC000  }
0xb8: {  	[spmem:s3] =	stream.indirect.scatter.add.f32 [tilespmem:s22], [sflag:$0x5], $0x80, s23, s21, $0xb8;
	[tilespmem:$0x1F800] =	vst v63  }
0xb9: {  	_ =	swait.ge [sflag:s18], $0x4000  }
0xba: {  	[sflag:s18] =	ssyncset.done $0x0  }
0xbb: {  	s26 =	simm.s32 $0x780;
	[sflag:s18] =	ssyncadd.s32 $0xFFFFC000  }
0xbc: {  	[tilespmem:s22], [sflag:$0x2] =	stream.indirect.gather [hbm4b:s2+s21], $0x80, s26, s21, $0xb8;
	[tilespmem:$0x1F800] =	vst v63  }
0xbd: {  	_ =	swait.ge [sflag:s25], $0x4000  }
0xbe: {  	[sflag:s25] =	ssyncset.done $0x0  }
0xbf: {  	s29 =	simm.s32 $0x2F00;
	[sflag:s25] =	ssyncadd.s32 $0xFFFFC000  }
0xc0: {  	[spmem:s3] =	stream.indirect.scatter.add.f32 [tilespmem:s19], [sflag:$0x5], $0x80, s29, s21, $0xb8;
	[tilespmem:$0x1F800] =	vst v63  }
0xc1: {  	_ =	swait.ge [sflag:s18], $0x4000  }
0xc2: {  	[sflag:s18] =	ssyncset.done $0x0  }
0xc3: {  	s0 =	simm.s32 $0x800;
	[sflag:s18] =	ssyncadd.s32 $0xFFFFC000  }
0xc4: {  	[tilespmem:s19], [sflag:$0x1] =	stream.indirect.gather [hbm4b:s2+s21], $0x80, s0, s21, $0xb8;
	[tilespmem:$0x1F800] =	vst v63  }
0xc5: {  	_ =	swait.ge [sflag:s28], $0x4000  }
0xc6: {  	[sflag:s28] =	ssyncset.done $0x0  }
0xc7: {  	s4 =	simm.s32 $0x2F80;
	[sflag:s28] =	ssyncadd.s32 $0xFFFFC000  }
0xc8: {  	[spmem:s3] =	stream.indirect.scatter.add.f32 [tilespmem:s22], [sflag:$0x5], $0x80, s4, s21, $0xb8;
	[tilespmem:$0x1F800] =	vst v63  }
0xc9: {  	_ =	swait.ge [sflag:s18], $0x4000  }
0xca: {  	[sflag:s18] =	ssyncset.done $0x0  }
0xcb: {  	s23 =	simm.s32 $0x880;
	s0 =	simm.s32 $0x4;
	[sflag:s18] =	ssyncadd.s32 $0xFFFFC000  }
0xcc: {  	[tilespmem:s22], [sflag:$0x2] =	stream.indirect.gather [hbm4b:s2+s21], $0x80, s23, s21, $0xb8;
	[tilespmem:$0x1F800] =	vst v63  }
0xcd: {  	_ =	swait.ge [sflag:s0], $0x800  }
0xce: {  	[sflag:s0] =	ssyncset.done $0x0  }
0xcf: {  	s23 =	simm.s32 $0x0;
	s26 =	rddreg [dreg:$0xb];
	[sflag:s0] =	ssyncadd.s32 $0xFFFFF800  }
0xd0: {  	[tilespmem:s15], [sflag:$0x3] =	stream.linear.gather [hbm4b:s26+s23], $0x800, $0x38;
	[tilespmem:$0x1F800] =	vst v63  }
0xd1: {  	_ =	swait.ge [sflag:s25], $0x4000  }
0xd2: {  	[sflag:s25] =	ssyncset.done $0x0  }
0xd3: {  	[sflag:s25] =	ssyncadd.s32 $0xFFFFC000  }
0xd4: {  	[spmem:s3] =	stream.indirect.scatter.add.f32 [tilespmem:s19], [sflag:$0x5], $0x80, s5, s21, $0xb8;
	[tilespmem:$0x1F800] =	vst v63  }
0xd5: {  	_ =	swait.ge [sflag:s18], $0x4000  }
0xd6: {  	[sflag:s18] =	ssyncset.done $0x0  }
0xd7: {  	s4 =	simm.s32 $0x900;
	[sflag:s18] =	ssyncadd.s32 $0xFFFFC000  }
0xd8: {  	[tilespmem:s19], [sflag:$0x1] =	stream.indirect.gather [hbm4b:s2+s21], $0x80, s4, s21, $0xb8;
	[tilespmem:$0x1F800] =	vst v63  }
0xd9: {  	_ =	swait.ge [sflag:s28], $0x4000  }
0xda: {  	[sflag:s28] =	ssyncset.done $0x0  }
0xdb: {  	[sflag:s28] =	ssyncadd.s32 $0xFFFFC000  }
0xdc: {  	[spmem:s3] =	stream.indirect.scatter.add.f32 [tilespmem:s22], [sflag:$0x5], $0x80, s24, s21, $0xb8;
	[tilespmem:$0x1F800] =	vst v63  }
0xdd: {  	_ =	swait.ge [sflag:s18], $0x4000  }
0xde: {  	[sflag:s18] =	ssyncset.done $0x0  }
0xdf: {  	s26 =	simm.s32 $0x980;
	[sflag:s18] =	ssyncadd.s32 $0xFFFFC000  }
0xe0: {  	[tilespmem:s22], [sflag:$0x2] =	stream.indirect.gather [hbm4b:s2+s21], $0x80, s26, s21, $0xb8;
	[tilespmem:$0x1F800] =	vst v63  }
0xe1: {  	_ =	swait.ge [sflag:s25], $0x4000  }
0xe2: {  	[sflag:s25] =	ssyncset.done $0x0  }
0xe3: {  	s26 =	simm.s32 $0x3100;
	[sflag:s25] =	ssyncadd.s32 $0xFFFFC000  }
0xe4: {  	[spmem:s3] =	stream.indirect.scatter.add.f32 [tilespmem:s19], [sflag:$0x5], $0x80, s26, s21, $0xb8;
	[tilespmem:$0x1F800] =	vst v63  }
0xe5: {  	_ =	swait.ge [sflag:s18], $0x4000  }
0xe6: {  	[sflag:s18] =	ssyncset.done $0x0  }
0xe7: {  	s4 =	simm.s32 $0xA00;
	[sflag:s18] =	ssyncadd.s32 $0xFFFFC000  }
0xe8: {  	[tilespmem:s19], [sflag:$0x1] =	stream.indirect.gather [hbm4b:s2+s21], $0x80, s4, s21, $0xb8;
	[tilespmem:$0x1F800] =	vst v63  }
0xe9: {  	_ =	swait.ge [sflag:s28], $0x4000  }
0xea: {  	[sflag:s28] =	ssyncset.done $0x0  }
0xeb: {  	s4 =	simm.s32 $0x3180;
	[sflag:s28] =	ssyncadd.s32 $0xFFFFC000  }
0xec: {  	[spmem:s3] =	stream.indirect.scatter.add.f32 [tilespmem:s22], [sflag:$0x5], $0x80, s4, s21, $0xb8;
	[tilespmem:$0x1F800] =	vst v63  }
0xed: {  	_ =	swait.ge [sflag:s18], $0x4000  }
0xee: {  	[sflag:s18] =	ssyncset.done $0x0  }
0xef: {  	s29 =	simm.s32 $0xA80;
	[sflag:s18] =	ssyncadd.s32 $0xFFFFC000  }
0xf0: {  	[tilespmem:s22], [sflag:$0x2] =	stream.indirect.gather [hbm4b:s2+s21], $0x80, s29, s21, $0xb8;
	[tilespmem:$0x1F800] =	vst v63  }
0xf1: {  	_ =	swait.ge [sflag:s25], $0x4000  }
0xf2: {  	[sflag:s25] =	ssyncset.done $0x0  }
0xf3: {  	[sflag:s25] =	ssyncadd.s32 $0xFFFFC000  }
0xf4: {  	[spmem:s3] =	stream.indirect.scatter.add.f32 [tilespmem:s19], [sflag:$0x5], $0x80, s6, s21, $0xb8;
	[tilespmem:$0x1F800] =	vst v63  }
0xf5: {  	_ =	swait.ge [sflag:s18], $0x4000  }
0xf6: {  	[sflag:s18] =	ssyncset.done $0x0  }
0xf7: {  	s29 =	simm.s32 $0xB00;
	[sflag:s18] =	ssyncadd.s32 $0xFFFFC000  }
0xf8: {  	[tilespmem:s19], [sflag:$0x1] =	stream.indirect.gather [hbm4b:s2+s21], $0x80, s29, s21, $0xb8;
	[tilespmem:$0x1F800] =	vst v63  }
0xf9: {  	_ =	swait.ge [sflag:s28], $0x4000  }
0xfa: {  	[sflag:s28] =	ssyncset.done $0x0  }
0xfb: {  	[sflag:s28] =	ssyncadd.s32 $0xFFFFC000  }
0xfc: {  	[spmem:s3] =	stream.indirect.scatter.add.f32 [tilespmem:s22], [sflag:$0x5], $0x80, s7, s21, $0xb8;
	[tilespmem:$0x1F800] =	vst v63  }
0xfd: {  	_ =	swait.ge [sflag:s18], $0x4000  }
0xfe: {  	[sflag:s18] =	ssyncset.done $0x0  }
0xff: {  	s29 =	simm.s32 $0xB80;
	[sflag:s18] =	ssyncadd.s32 $0xFFFFC000  }
0x100: {  	[tilespmem:s22], [sflag:$0x2] =	stream.indirect.gather [hbm4b:s2+s21], $0x80, s29, s21, $0xb8;
	[tilespmem:$0x1F800] =	vst v63  }
0x101: {  	_ =	swait.ge [sflag:s25], $0x4000  }
0x102: {  	[sflag:s25] =	ssyncset.done $0x0  }
0x103: {  	[sflag:s25] =	ssyncadd.s32 $0xFFFFC000  }
0x104: {  	[spmem:s3] =	stream.indirect.scatter.add.f32 [tilespmem:s19], [sflag:$0x5], $0x80, s8, s21, $0xb8;
	[tilespmem:$0x1F800] =	vst v63  }
0x105: {  	_ =	swait.ge [sflag:s18], $0x4000  }
0x106: {  	[sflag:s18] =	ssyncset.done $0x0  }
0x107: {  	s29 =	simm.s32 $0xC00;
	[sflag:s18] =	ssyncadd.s32 $0xFFFFC000  }
0x108: {  	[tilespmem:s19], [sflag:$0x1] =	stream.indirect.gather [hbm4b:s2+s21], $0x80, s29, s21, $0xb8;
	[tilespmem:$0x1F800] =	vst v63  }
0x109: {  	_ =	swait.ge [sflag:s28], $0x4000  }
0x10a: {  	[sflag:s28] =	ssyncset.done $0x0  }
0x10b: {  	[sflag:s28] =	ssyncadd.s32 $0xFFFFC000  }
0x10c: {  	[spmem:s3] =	stream.indirect.scatter.add.f32 [tilespmem:s22], [sflag:$0x5], $0x80, s9, s21, $0xb8;
	[tilespmem:$0x1F800] =	vst v63  }
0x10d: {  	_ =	swait.ge [sflag:s18], $0x4000  }
0x10e: {  	[sflag:s18] =	ssyncset.done $0x0  }
0x10f: {  	s29 =	simm.s32 $0xC80;
	[sflag:s18] =	ssyncadd.s32 $0xFFFFC000  }
0x110: {  	[tilespmem:s22], [sflag:$0x2] =	stream.indirect.gather [hbm4b:s2+s21], $0x80, s29, s21, $0xb8;
	[tilespmem:$0x1F800] =	vst v63  }
0x111: {  	_ =	swait.ge [sflag:s25], $0x4000  }
0x112: {  	[sflag:s25] =	ssyncset.done $0x0  }
0x113: {  	[sflag:s25] =	ssyncadd.s32 $0xFFFFC000  }
0x114: {  	[spmem:s3] =	stream.indirect.scatter.add.f32 [tilespmem:s19], [sflag:$0x5], $0x80, s10, s21, $0xb8;
	[tilespmem:$0x1F800] =	vst v63  }
0x115: {  	_ =	swait.ge [sflag:s18], $0x4000  }
0x116: {  	[sflag:s18] =	ssyncset.done $0x0  }
0x117: {  	s29 =	simm.s32 $0xD00;
	[sflag:s18] =	ssyncadd.s32 $0xFFFFC000  }
0x118: {  	[tilespmem:s19], [sflag:$0x1] =	stream.indirect.gather [hbm4b:s2+s21], $0x80, s29, s21, $0xb8;
	[tilespmem:$0x1F800] =	vst v63  }
0x119: {  	_ =	swait.ge [sflag:s28], $0x4000  }
0x11a: {  	[sflag:s28] =	ssyncset.done $0x0  }
0x11b: {  	[sflag:s28] =	ssyncadd.s32 $0xFFFFC000  }
0x11c: {  	[spmem:s3] =	stream.indirect.scatter.add.f32 [tilespmem:s22], [sflag:$0x5], $0x80, s11, s21, $0xb8;
	[tilespmem:$0x1F800] =	vst v63  }
0x11d: {  	_ =	swait.ge [sflag:s18], $0x4000  }
0x11e: {  	[sflag:s18] =	ssyncset.done $0x0  }
0x11f: {  	s29 =	simm.s32 $0xD80;
	[sflag:s18] =	ssyncadd.s32 $0xFFFFC000  }
0x120: {  	[tilespmem:s22], [sflag:$0x2] =	stream.indirect.gather [hbm4b:s2+s21], $0x80, s29, s21, $0xb8;
	[tilespmem:$0x1F800] =	vst v63  }
0x121: {  	_ =	swait.ge [sflag:s25], $0x4000  }
0x122: {  	[sflag:s25] =	ssyncset.done $0x0  }
0x123: {  	[sflag:s25] =	ssyncadd.s32 $0xFFFFC000  }
0x124: {  	[spmem:s3] =	stream.indirect.scatter.add.f32 [tilespmem:s19], [sflag:$0x5], $0x80, s12, s21, $0xb8;
	[tilespmem:$0x1F800] =	vst v63  }
0x125: {  	_ =	swait.ge [sflag:s18], $0x4000  }
0x126: {  	[sflag:s18] =	ssyncset.done $0x0  }
0x127: {  	s29 =	simm.s32 $0xE00;
	[sflag:s18] =	ssyncadd.s32 $0xFFFFC000  }
0x128: {  	[tilespmem:s19], [sflag:$0x1] =	stream.indirect.gather [hbm4b:s2+s21], $0x80, s29, s21, $0xb8;
	[tilespmem:$0x1F800] =	vst v63  }
0x129: {  	_ =	swait.ge [sflag:s28], $0x4000  }
0x12a: {  	[sflag:s28] =	ssyncset.done $0x0  }
0x12b: {  	[sflag:s28] =	ssyncadd.s32 $0xFFFFC000  }
0x12c: {  	[spmem:s3] =	stream.indirect.scatter.add.f32 [tilespmem:s22], [sflag:$0x5], $0x80, s13, s21, $0xb8;
	[tilespmem:$0x1F800] =	vst v63  }
0x12d: {  	_ =	swait.ge [sflag:s18], $0x4000  }
0x12e: {  	[sflag:s18] =	ssyncset.done $0x0  }
0x12f: {  	s29 =	simm.s32 $0xE80;
	[sflag:s18] =	ssyncadd.s32 $0xFFFFC000  }
0x130: {  	[tilespmem:s22], [sflag:$0x2] =	stream.indirect.gather [hbm4b:s2+s21], $0x80, s29, s21, $0xb8;
	[tilespmem:$0x1F800] =	vst v63  }
0x131: {  	_ =	swait.ge [sflag:s25], $0x4000  }
0x132: {  	[sflag:s25] =	ssyncset.done $0x0  }
0x133: {  	[sflag:s25] =	ssyncadd.s32 $0xFFFFC000  }
0x134: {  	[spmem:s3] =	stream.indirect.scatter.add.f32 [tilespmem:s19], [sflag:$0x5], $0x80, s14, s21, $0xb8;
	[tilespmem:$0x1F800] =	vst v63  }
0x135: {  	_ =	swait.ge [sflag:s18], $0x4000  }
0x136: {  	[sflag:s18] =	ssyncset.done $0x0  }
0x137: {  	s29 =	simm.s32 $0xF00;
	[sflag:s18] =	ssyncadd.s32 $0xFFFFC000  }
0x138: {  	[tilespmem:s19], [sflag:$0x1] =	stream.indirect.gather [hbm4b:s2+s21], $0x80, s29, s21, $0xb8;
	[tilespmem:$0x1F800] =	vst v63  }
0x139: {  	_ =	swait.ge [sflag:s28], $0x4000  }
0x13a: {  	[sflag:s28] =	ssyncset.done $0x0  }
0x13b: {  	[sflag:s28] =	ssyncadd.s32 $0xFFFFC000  }
0x13c: {  	[spmem:s3] =	stream.indirect.scatter.add.f32 [tilespmem:s22], [sflag:$0x5], $0x80, s17, s21, $0xb8;
	[tilespmem:$0x1F800] =	vst v63  }
0x13d: {  	_ =	swait.ge [sflag:s18], $0x4000  }
0x13e: {  	[sflag:s18] =	ssyncset.done $0x0  }
0x13f: {  	s29 =	simm.s32 $0xF80;
	[sflag:s18] =	ssyncadd.s32 $0xFFFFC000  }
0x140: {  	[tilespmem:s22], [sflag:$0x2] =	stream.indirect.gather [hbm4b:s2+s21], $0x80, s29, s21, $0xb8;
	[tilespmem:$0x1F800] =	vst v63  }
0x141: {  	_ =	swait.ge [sflag:s25], $0x4000  }
0x142: {  	[sflag:s25] =	ssyncset.done $0x0  }
0x143: {  	[sflag:s25] =	ssyncadd.s32 $0xFFFFC000  }
0x144: {  	[spmem:s3] =	stream.indirect.scatter.add.f32 [tilespmem:s19], [sflag:$0x5], $0x80, s30, s21, $0xb8;
	[tilespmem:$0x1F800] =	vst v63  }
0x145: {  	_ =	swait.ge [sflag:s18], $0x4000  }
0x146: {  	[sflag:s18] =	ssyncset.done $0x0  }
0x147: {  	s29 =	simm.s32 $0x1000;
	[sflag:s18] =	ssyncadd.s32 $0xFFFFC000  }
0x148: {  	[tilespmem:s19], [sflag:$0x1] =	stream.indirect.gather [hbm4b:s2+s21], $0x80, s29, s21, $0xb8;
	[tilespmem:$0x1F800] =	vst v63  }
0x149: {  	_ =	swait.ge [sflag:s28], $0x4000  }
0x14a: {  	[sflag:s28] =	ssyncset.done $0x0  }
0x14b: {  	[sflag:s28] =	ssyncadd.s32 $0xFFFFC000  }
0x14c: {  	[spmem:s3] =	stream.indirect.scatter.add.f32 [tilespmem:s22], [sflag:$0x5], $0x80, s20, s21, $0xb8;
	[tilespmem:$0x1F800] =	vst v63  }
0x14d: {  	_ =	swait.ge [sflag:s18], $0x4000  }
0x14e: {  	[sflag:s18] =	ssyncset.done $0x0  }
0x14f: {  	s29 =	simm.s32 $0x1080;
	[sflag:s18] =	ssyncadd.s32 $0xFFFFC000  }
0x150: {  	[tilespmem:s22], [sflag:$0x2] =	stream.indirect.gather [hbm4b:s2+s21], $0x80, s29, s21, $0xb8;
	[tilespmem:$0x1F800] =	vst v63  }
0x151: {  	_ =	swait.ge [sflag:s1], $0x800  }
0x152: {  	[sflag:s1] =	ssyncset.done $0x0  }
0x153: {  	s29 =	rddreg [dreg:$0xc];
	[sflag:s1] =	ssyncadd.s32 $0xFFFFF800  }
0x154: {  	[tilespmem:s5], [sflag:$0x4] =	stream.linear.gather [hbm4b:s29+s23], $0x800, $0x38;
	[tilespmem:$0x1F800] =	vst v63  }
0x155: {  	_ =	swait.ge [sflag:s25], $0x4000  }
0x156: {  	[sflag:s25] =	ssyncset.done $0x0  }
0x157: {  	[sflag:s25] =	ssyncadd.s32 $0xFFFFC000  }
0x158: {  	[spmem:s3] =	stream.indirect.scatter.add.f32 [tilespmem:s19], [sflag:$0x5], $0x80, s15, s21, $0xb8;
	[tilespmem:$0x1F800] =	vst v63  }
0x159: {  	_ =	swait.ge [sflag:s18], $0x4000  }
0x15a: {  	[sflag:s18] =	ssyncset.done $0x0  }
0x15b: {  	s29 =	simm.s32 $0x1100;
	[sflag:s18] =	ssyncadd.s32 $0xFFFFC000  }
0x15c: {  	[tilespmem:s19], [sflag:$0x1] =	stream.indirect.gather [hbm4b:s2+s21], $0x80, s29, s21, $0xb8;
	[tilespmem:$0x1F800] =	vst v63  }
0x15d: {  	_ =	swait.ge [sflag:s28], $0x4000  }
0x15e: {  	[sflag:s28] =	ssyncset.done $0x0  }
0x15f: {  	s29 =	simm.s32 $0x2880;
	[sflag:s28] =	ssyncadd.s32 $0xFFFFC000  }
0x160: {  	[spmem:s3] =	stream.indirect.scatter.add.f32 [tilespmem:s22], [sflag:$0x5], $0x80, s29, s21, $0xb8;
	[tilespmem:$0x1F800] =	vst v63  }
0x161: {  	_ =	swait.ge [sflag:s18], $0x4000  }
0x162: {  	[sflag:s18] =	ssyncset.done $0x0  }
0x163: {  	s29 =	simm.s32 $0x1180;
	[sflag:s18] =	ssyncadd.s32 $0xFFFFC000  }
0x164: {  	[tilespmem:s22], [sflag:$0x2] =	stream.indirect.gather [hbm4b:s2+s21], $0x80, s29, s21, $0xb8;
	[tilespmem:$0x1F800] =	vst v63  }
0x165: {  	_ =	swait.ge [sflag:s25], $0x4000  }
0x166: {  	[sflag:s25] =	ssyncset.done $0x0  }
0x167: {  	s29 =	simm.s32 $0x2900;
	[sflag:s25] =	ssyncadd.s32 $0xFFFFC000  }
0x168: {  	[spmem:s3] =	stream.indirect.scatter.add.f32 [tilespmem:s19], [sflag:$0x5], $0x80, s29, s21, $0xb8;
	[tilespmem:$0x1F800] =	vst v63  }
0x169: {  	_ =	swait.ge [sflag:s18], $0x4000  }
0x16a: {  	[sflag:s18] =	ssyncset.done $0x0  }
0x16b: {  	s29 =	simm.s32 $0x1200;
	[sflag:s18] =	ssyncadd.s32 $0xFFFFC000  }
0x16c: {  	[tilespmem:s19], [sflag:$0x1] =	stream.indirect.gather [hbm4b:s2+s21], $0x80, s29, s21, $0xb8;
	[tilespmem:$0x1F800] =	vst v63  }
0x16d: {  	_ =	swait.ge [sflag:s28], $0x4000  }
0x16e: {  	[sflag:s28] =	ssyncset.done $0x0  }
0x16f: {  	s29 =	simm.s32 $0x2980;
	[sflag:s28] =	ssyncadd.s32 $0xFFFFC000  }
0x170: {  	[spmem:s3] =	stream.indirect.scatter.add.f32 [tilespmem:s22], [sflag:$0x5], $0x80, s29, s21, $0xb8;
	[tilespmem:$0x1F800] =	vst v63  }
0x171: {  	_ =	swait.ge [sflag:s18], $0x4000  }
0x172: {  	[sflag:s18] =	ssyncset.done $0x0  }
0x173: {  	s29 =	simm.s32 $0x1280;
	[sflag:s18] =	ssyncadd.s32 $0xFFFFC000  }
0x174: {  	[tilespmem:s22], [sflag:$0x2] =	stream.indirect.gather [hbm4b:s2+s21], $0x80, s29, s21, $0xb8;
	[tilespmem:$0x1F800] =	vst v63  }
0x175: {  	_ =	swait.ge [sflag:s25], $0x4000  }
0x176: {  	[sflag:s25] =	ssyncset.done $0x0  }
0x177: {  	s29 =	simm.s32 $0x2A00;
	[sflag:s25] =	ssyncadd.s32 $0xFFFFC000  }
0x178: {  	[spmem:s3] =	stream.indirect.scatter.add.f32 [tilespmem:s19], [sflag:$0x5], $0x80, s29, s21, $0xb8;
	[tilespmem:$0x1F800] =	vst v63  }
0x179: {  	_ =	swait.ge [sflag:s18], $0x4000  }
0x17a: {  	[sflag:s18] =	ssyncset.done $0x0  }
0x17b: {  	s29 =	simm.s32 $0x1300;
	[sflag:s18] =	ssyncadd.s32 $0xFFFFC000  }
0x17c: {  	[tilespmem:s19], [sflag:$0x1] =	stream.indirect.gather [hbm4b:s2+s21], $0x80, s29, s21, $0xb8;
	[tilespmem:$0x1F800] =	vst v63  }
0x17d: {  	_ =	swait.ge [sflag:s28], $0x4000  }
0x17e: {  	[sflag:s28] =	ssyncset.done $0x0  }
0x17f: {  	s29 =	simm.s32 $0x2A80;
	[sflag:s28] =	ssyncadd.s32 $0xFFFFC000  }
0x180: {  	[spmem:s3] =	stream.indirect.scatter.add.f32 [tilespmem:s22], [sflag:$0x5], $0x80, s29, s21, $0xb8;
	[tilespmem:$0x1F800] =	vst v63  }
0x181: {  	_ =	swait.ge [sflag:s18], $0x4000  }
0x182: {  	[sflag:s18] =	ssyncset.done $0x0  }
0x183: {  	s29 =	simm.s32 $0x1380;
	[sflag:s18] =	ssyncadd.s32 $0xFFFFC000  }
0x184: {  	[tilespmem:s22], [sflag:$0x2] =	stream.indirect.gather [hbm4b:s2+s21], $0x80, s29, s21, $0xb8;
	[tilespmem:$0x1F800] =	vst v63  }
0x185: {  	_ =	swait.ge [sflag:s25], $0x4000  }
0x186: {  	[sflag:s25] =	ssyncset.done $0x0  }
0x187: {  	s29 =	simm.s32 $0x2B00;
	[sflag:s25] =	ssyncadd.s32 $0xFFFFC000  }
0x188: {  	[spmem:s3] =	stream.indirect.scatter.add.f32 [tilespmem:s19], [sflag:$0x5], $0x80, s29, s21, $0xb8;
	[tilespmem:$0x1F800] =	vst v63  }
0x189: {  	_ =	swait.ge [sflag:s18], $0x4000  }
0x18a: {  	[sflag:s18] =	ssyncset.done $0x0  }
0x18b: {  	s29 =	simm.s32 $0x1400;
	[sflag:s18] =	ssyncadd.s32 $0xFFFFC000  }
0x18c: {  	[tilespmem:s19], [sflag:$0x1] =	stream.indirect.gather [hbm4b:s2+s21], $0x80, s29, s21, $0xb8;
	[tilespmem:$0x1F800] =	vst v63  }
0x18d: {  	_ =	swait.ge [sflag:s28], $0x4000  }
0x18e: {  	[sflag:s28] =	ssyncset.done $0x0  }
0x18f: {  	s29 =	simm.s32 $0x2B80;
	[sflag:s28] =	ssyncadd.s32 $0xFFFFC000  }
0x190: {  	[spmem:s3] =	stream.indirect.scatter.add.f32 [tilespmem:s22], [sflag:$0x5], $0x80, s29, s21, $0xb8;
	[tilespmem:$0x1F800] =	vst v63  }
0x191: {  	_ =	swait.ge [sflag:s18], $0x4000  }
0x192: {  	[sflag:s18] =	ssyncset.done $0x0  }
0x193: {  	s29 =	simm.s32 $0x1480;
	[sflag:s18] =	ssyncadd.s32 $0xFFFFC000  }
0x194: {  	[tilespmem:s22], [sflag:$0x2] =	stream.indirect.gather [hbm4b:s2+s21], $0x80, s29, s21, $0xb8;
	[tilespmem:$0x1F800] =	vst v63  }
0x195: {  	_ =	swait.ge [sflag:s25], $0x4000  }
0x196: {  	[sflag:s25] =	ssyncset.done $0x0  }
0x197: {  	s29 =	simm.s32 $0x2C00;
	[sflag:s25] =	ssyncadd.s32 $0xFFFFC000  }
0x198: {  	[spmem:s3] =	stream.indirect.scatter.add.f32 [tilespmem:s19], [sflag:$0x5], $0x80, s29, s21, $0xb8;
	[tilespmem:$0x1F800] =	vst v63  }
0x199: {  	_ =	swait.ge [sflag:s18], $0x4000  }
0x19a: {  	[sflag:s18] =	ssyncset.done $0x0  }
0x19b: {  	s29 =	simm.s32 $0x1500;
	[sflag:s18] =	ssyncadd.s32 $0xFFFFC000  }
0x19c: {  	[tilespmem:s19], [sflag:$0x1] =	stream.indirect.gather [hbm4b:s2+s21], $0x80, s29, s21, $0xb8;
	[tilespmem:$0x1F800] =	vst v63  }
0x19d: {  	_ =	swait.ge [sflag:s28], $0x4000  }
0x19e: {  	[sflag:s28] =	ssyncset.done $0x0  }
0x19f: {  	s29 =	simm.s32 $0x2C80;
	[sflag:s28] =	ssyncadd.s32 $0xFFFFC000  }
0x1a0: {  	[spmem:s3] =	stream.indirect.scatter.add.f32 [tilespmem:s22], [sflag:$0x5], $0x80, s29, s21, $0xb8;
	[tilespmem:$0x1F800] =	vst v63  }
0x1a1: {  	_ =	swait.ge [sflag:s18], $0x4000  }
0x1a2: {  	[sflag:s18] =	ssyncset.done $0x0  }
0x1a3: {  	s29 =	simm.s32 $0x1580;
	[sflag:s18] =	ssyncadd.s32 $0xFFFFC000  }
0x1a4: {  	[tilespmem:s22], [sflag:$0x2] =	stream.indirect.gather [hbm4b:s2+s21], $0x80, s29, s21, $0xb8;
	[tilespmem:$0x1F800] =	vst v63  }
0x1a5: {  	_ =	swait.ge [sflag:s25], $0x4000  }
0x1a6: {  	[sflag:s25] =	ssyncset.done $0x0  }
0x1a7: {  	s29 =	simm.s32 $0x2D00;
	[sflag:s25] =	ssyncadd.s32 $0xFFFFC000  }
0x1a8: {  	[spmem:s3] =	stream.indirect.scatter.add.f32 [tilespmem:s19], [sflag:$0x5], $0x80, s29, s21, $0xb8;
	[tilespmem:$0x1F800] =	vst v63  }
0x1a9: {  	_ =	swait.ge [sflag:s18], $0x4000  }
0x1aa: {  	[sflag:s18] =	ssyncset.done $0x0  }
0x1ab: {  	s29 =	simm.s32 $0x1600;
	[sflag:s18] =	ssyncadd.s32 $0xFFFFC000  }
0x1ac: {  	[tilespmem:s19], [sflag:$0x1] =	stream.indirect.gather [hbm4b:s2+s21], $0x80, s29, s21, $0xb8;
	[tilespmem:$0x1F800] =	vst v63  }
0x1ad: {  	_ =	swait.ge [sflag:s28], $0x4000  }
0x1ae: {  	[sflag:s28] =	ssyncset.done $0x0  }
0x1af: {  	s29 =	simm.s32 $0x2D80;
	[sflag:s28] =	ssyncadd.s32 $0xFFFFC000  }
0x1b0: {  	[spmem:s3] =	stream.indirect.scatter.add.f32 [tilespmem:s22], [sflag:$0x5], $0x80, s29, s21, $0xb8;
	[tilespmem:$0x1F800] =	vst v63  }
0x1b1: {  	_ =	swait.ge [sflag:s18], $0x4000  }
0x1b2: {  	[sflag:s18] =	ssyncset.done $0x0  }
0x1b3: {  	s29 =	simm.s32 $0x1680;
	[sflag:s18] =	ssyncadd.s32 $0xFFFFC000  }
0x1b4: {  	[tilespmem:s22], [sflag:$0x2] =	stream.indirect.gather [hbm4b:s2+s21], $0x80, s29, s21, $0xb8;
	[tilespmem:$0x1F800] =	vst v63  }
0x1b5: {  	_ =	swait.ge [sflag:s25], $0x4000  }
0x1b6: {  	[sflag:s25] =	ssyncset.done $0x0  }
0x1b7: {  	s29 =	simm.s32 $0x2E00;
	[sflag:s25] =	ssyncadd.s32 $0xFFFFC000  }
0x1b8: {  	[spmem:s3] =	stream.indirect.scatter.add.f32 [tilespmem:s19], [sflag:$0x5], $0x80, s29, s21, $0xb8;
	[tilespmem:$0x1F800] =	vst v63  }
0x1b9: {  	_ =	swait.ge [sflag:s18], $0x4000  }
0x1ba: {  	[sflag:s18] =	ssyncset.done $0x0  }
0x1bb: {  	s29 =	simm.s32 $0x1700;
	[sflag:s18] =	ssyncadd.s32 $0xFFFFC000  }
0x1bc: {  	[tilespmem:s19], [sflag:$0x1] =	stream.indirect.gather [hbm4b:s2+s21], $0x80, s29, s21, $0xb8;
	[tilespmem:$0x1F800] =	vst v63  }
0x1bd: {  	_ =	swait.ge [sflag:s28], $0x4000  }
0x1be: {  	[sflag:s28] =	ssyncset.done $0x0  }
0x1bf: {  	s29 =	simm.s32 $0x2E80;
	[sflag:s28] =	ssyncadd.s32 $0xFFFFC000  }
0x1c0: {  	[spmem:s3] =	stream.indirect.scatter.add.f32 [tilespmem:s22], [sflag:$0x5], $0x80, s29, s21, $0xb8;
	[tilespmem:$0x1F800] =	vst v63  }
0x1c1: {  	_ =	swait.ge [sflag:s18], $0x4000  }
0x1c2: {  	[sflag:s18] =	ssyncset.done $0x0  }
0x1c3: {  	s29 =	simm.s32 $0x1780;
	[sflag:s18] =	ssyncadd.s32 $0xFFFFC000  }
0x1c4: {  	[tilespmem:s22], [sflag:$0x2] =	stream.indirect.gather [hbm4b:s2+s21], $0x80, s29, s21, $0xb8;
	[tilespmem:$0x1F800] =	vst v63  }
0x1c5: {  	_ =	swait.ge [sflag:s25], $0x4000  }
0x1c6: {  	[sflag:s25] =	ssyncset.done $0x0  }
0x1c7: {  	s29 =	simm.s32 $0x2F00;
	[sflag:s25] =	ssyncadd.s32 $0xFFFFC000  }
0x1c8: {  	[spmem:s3] =	stream.indirect.scatter.add.f32 [tilespmem:s19], [sflag:$0x5], $0x80, s29, s21, $0xb8;
	[tilespmem:$0x1F800] =	vst v63  }
0x1c9: {  	_ =	swait.ge [sflag:s18], $0x4000  }
0x1ca: {  	[sflag:s18] =	ssyncset.done $0x0  }
0x1cb: {  	s29 =	simm.s32 $0x1800;
	[sflag:s18] =	ssyncadd.s32 $0xFFFFC000  }
0x1cc: {  	[tilespmem:s19], [sflag:$0x1] =	stream.indirect.gather [hbm4b:s2+s21], $0x80, s29, s21, $0xb8;
	[tilespmem:$0x1F800] =	vst v63  }
0x1cd: {  	_ =	swait.ge [sflag:s28], $0x4000  }
0x1ce: {  	[sflag:s28] =	ssyncset.done $0x0  }
0x1cf: {  	s29 =	simm.s32 $0x2F80;
	[sflag:s28] =	ssyncadd.s32 $0xFFFFC000  }
0x1d0: {  	[spmem:s3] =	stream.indirect.scatter.add.f32 [tilespmem:s22], [sflag:$0x5], $0x80, s29, s21, $0xb8;
	[tilespmem:$0x1F800] =	vst v63  }
0x1d1: {  	_ =	swait.ge [sflag:s18], $0x4000  }
0x1d2: {  	[sflag:s18] =	ssyncset.done $0x0  }
0x1d3: {  	s29 =	simm.s32 $0x1880;
	[sflag:s18] =	ssyncadd.s32 $0xFFFFC000  }
0x1d4: {  	[tilespmem:s22], [sflag:$0x2] =	stream.indirect.gather [hbm4b:s2+s21], $0x80, s29, s21, $0xb8;
	[tilespmem:$0x1F800] =	vst v63  }
0x1d5: {  	_ =	swait.ge [sflag:s0], $0x800  }
0x1d6: {  	[sflag:s0] =	ssyncset.done $0x0  }
0x1d7: {  	s23 =	rddreg [dreg:$0xd];
	[sflag:s0] =	ssyncadd.s32 $0xFFFFF800;
	s0 =	simm.s32 $0x0  }
0x1d8: {  	[tilespmem:s15], [sflag:$0x3] =	stream.linear.gather [hbm4b:s23+s0], $0x800, $0x38;
	[tilespmem:$0x1F800] =	vst v63  }
0x1d9: {  	_ =	swait.ge [sflag:s25], $0x4000  }
0x1da: {  	[sflag:s25] =	ssyncset.done $0x0  }
0x1db: {  	[sflag:s25] =	ssyncadd.s32 $0xFFFFC000  }
0x1dc: {  	[spmem:s3] =	stream.indirect.scatter.add.f32 [tilespmem:s19], [sflag:$0x5], $0x80, s5, s21, $0xb8;
	[tilespmem:$0x1F800] =	vst v63  }
0x1dd: {  	_ =	swait.ge [sflag:s18], $0x4000  }
0x1de: {  	[sflag:s18] =	ssyncset.done $0x0  }
0x1df: {  	s29 =	simm.s32 $0x1900;
	[sflag:s18] =	ssyncadd.s32 $0xFFFFC000  }
0x1e0: {  	[tilespmem:s19], [sflag:$0x1] =	stream.indirect.gather [hbm4b:s2+s21], $0x80, s29, s21, $0xb8;
	[tilespmem:$0x1F800] =	vst v63  }
0x1e1: {  	_ =	swait.ge [sflag:s28], $0x4000  }
0x1e2: {  	[sflag:s28] =	ssyncset.done $0x0  }
0x1e3: {  	[sflag:s28] =	ssyncadd.s32 $0xFFFFC000  }
0x1e4: {  	[spmem:s3] =	stream.indirect.scatter.add.f32 [tilespmem:s22], [sflag:$0x5], $0x80, s24, s21, $0xb8;
	[tilespmem:$0x1F800] =	vst v63  }
0x1e5: {  	_ =	swait.ge [sflag:s18], $0x4000  }
0x1e6: {  	[sflag:s18] =	ssyncset.done $0x0  }
0x1e7: {  	s23 =	simm.s32 $0x1980;
	[sflag:s18] =	ssyncadd.s32 $0xFFFFC000  }
0x1e8: {  	[tilespmem:s22], [sflag:$0x2] =	stream.indirect.gather [hbm4b:s2+s21], $0x80, s23, s21, $0xb8;
	[tilespmem:$0x1F800] =	vst v63  }
0x1e9: {  	_ =	swait.ge [sflag:s25], $0x4000  }
0x1ea: {  	[sflag:s25] =	ssyncset.done $0x0  }
0x1eb: {  	[sflag:s25] =	ssyncadd.s32 $0xFFFFC000  }
0x1ec: {  	[spmem:s3] =	stream.indirect.scatter.add.f32 [tilespmem:s19], [sflag:$0x5], $0x80, s26, s21, $0xb8;
	[tilespmem:$0x1F800] =	vst v63  }
0x1ed: {  	_ =	swait.ge [sflag:s18], $0x4000  }
0x1ee: {  	[sflag:s18] =	ssyncset.done $0x0  }
0x1ef: {  	s26 =	simm.s32 $0x1A00;
	[sflag:s18] =	ssyncadd.s32 $0xFFFFC000  }
0x1f0: {  	[tilespmem:s19], [sflag:$0x1] =	stream.indirect.gather [hbm4b:s2+s21], $0x80, s26, s21, $0xb8;
	[tilespmem:$0x1F800] =	vst v63  }
0x1f1: {  	_ =	swait.ge [sflag:s28], $0x4000  }
0x1f2: {  	[sflag:s28] =	ssyncset.done $0x0  }
0x1f3: {  	[sflag:s28] =	ssyncadd.s32 $0xFFFFC000  }
0x1f4: {  	[spmem:s3] =	stream.indirect.scatter.add.f32 [tilespmem:s22], [sflag:$0x5], $0x80, s4, s21, $0xb8;
	[tilespmem:$0x1F800] =	vst v63  }
0x1f5: {  	_ =	swait.ge [sflag:s18], $0x4000  }
0x1f6: {  	[sflag:s18] =	ssyncset.done $0x0  }
0x1f7: {  	s29 =	simm.s32 $0x1A80;
	[sflag:s18] =	ssyncadd.s32 $0xFFFFC000  }
0x1f8: {  	[tilespmem:s22], [sflag:$0x2] =	stream.indirect.gather [hbm4b:s2+s21], $0x80, s29, s21, $0xb8;
	[tilespmem:$0x1F800] =	vst v63  }
0x1f9: {  	_ =	swait.ge [sflag:s25], $0x4000  }
0x1fa: {  	[sflag:s25] =	ssyncset.done $0x0  }
0x1fb: {  	[sflag:s25] =	ssyncadd.s32 $0xFFFFC000  }
0x1fc: {  	[spmem:s3] =	stream.indirect.scatter.add.f32 [tilespmem:s19], [sflag:$0x5], $0x80, s6, s21, $0xb8;
	[tilespmem:$0x1F800] =	vst v63  }
0x1fd: {  	_ =	swait.ge [sflag:s18], $0x4000  }
0x1fe: {  	[sflag:s18] =	ssyncset.done $0x0  }
0x1ff: {  	s5 =	simm.s32 $0x1B00;
	[sflag:s18] =	ssyncadd.s32 $0xFFFFC000  }
0x200: {  	[tilespmem:s19], [sflag:$0x1] =	stream.indirect.gather [hbm4b:s2+s21], $0x80, s5, s21, $0xb8;
	[tilespmem:$0x1F800] =	vst v63  }
0x201: {  	_ =	swait.ge [sflag:s28], $0x4000  }
0x202: {  	[sflag:s28] =	ssyncset.done $0x0  }
0x203: {  	[sflag:s28] =	ssyncadd.s32 $0xFFFFC000  }
0x204: {  	[spmem:s3] =	stream.indirect.scatter.add.f32 [tilespmem:s22], [sflag:$0x5], $0x80, s7, s21, $0xb8;
	[tilespmem:$0x1F800] =	vst v63  }
0x205: {  	_ =	swait.ge [sflag:s18], $0x4000  }
0x206: {  	[sflag:s18] =	ssyncset.done $0x0  }
0x207: {  	s23 =	simm.s32 $0x1B80;
	[sflag:s18] =	ssyncadd.s32 $0xFFFFC000  }
0x208: {  	[tilespmem:s22], [sflag:$0x2] =	stream.indirect.gather [hbm4b:s2+s21], $0x80, s23, s21, $0xb8;
	[tilespmem:$0x1F800] =	vst v63  }
0x209: {  	_ =	swait.ge [sflag:s25], $0x4000  }
0x20a: {  	[sflag:s25] =	ssyncset.done $0x0  }
0x20b: {  	[sflag:s25] =	ssyncadd.s32 $0xFFFFC000  }
0x20c: {  	[spmem:s3] =	stream.indirect.scatter.add.f32 [tilespmem:s19], [sflag:$0x5], $0x80, s8, s21, $0xb8;
	[tilespmem:$0x1F800] =	vst v63  }
0x20d: {  	_ =	swait.ge [sflag:s18], $0x4000  }
0x20e: {  	[sflag:s18] =	ssyncset.done $0x0  }
0x20f: {  	s26 =	simm.s32 $0x1C00;
	[sflag:s18] =	ssyncadd.s32 $0xFFFFC000  }
0x210: {  	[tilespmem:s19], [sflag:$0x1] =	stream.indirect.gather [hbm4b:s2+s21], $0x80, s26, s21, $0xb8;
	[tilespmem:$0x1F800] =	vst v63  }
0x211: {  	_ =	swait.ge [sflag:s28], $0x4000  }
0x212: {  	[sflag:s28] =	ssyncset.done $0x0  }
0x213: {  	[sflag:s28] =	ssyncadd.s32 $0xFFFFC000  }
0x214: {  	[spmem:s3] =	stream.indirect.scatter.add.f32 [tilespmem:s22], [sflag:$0x5], $0x80, s9, s21, $0xb8;
	[tilespmem:$0x1F800] =	vst v63  }
0x215: {  	_ =	swait.ge [sflag:s18], $0x4000  }
0x216: {  	[sflag:s18] =	ssyncset.done $0x0  }
0x217: {  	s29 =	simm.s32 $0x1C80;
	[sflag:s18] =	ssyncadd.s32 $0xFFFFC000  }
0x218: {  	[tilespmem:s22], [sflag:$0x2] =	stream.indirect.gather [hbm4b:s2+s21], $0x80, s29, s21, $0xb8;
	[tilespmem:$0x1F800] =	vst v63  }
0x219: {  	_ =	swait.ge [sflag:s25], $0x4000  }
0x21a: {  	[sflag:s25] =	ssyncset.done $0x0  }
0x21b: {  	[sflag:s25] =	ssyncadd.s32 $0xFFFFC000  }
0x21c: {  	[spmem:s3] =	stream.indirect.scatter.add.f32 [tilespmem:s19], [sflag:$0x5], $0x80, s10, s21, $0xb8;
	[tilespmem:$0x1F800] =	vst v63  }
0x21d: {  	_ =	swait.ge [sflag:s18], $0x4000  }
0x21e: {  	[sflag:s18] =	ssyncset.done $0x0  }
0x21f: {  	s5 =	simm.s32 $0x1D00;
	[sflag:s18] =	ssyncadd.s32 $0xFFFFC000  }
0x220: {  	[tilespmem:s19], [sflag:$0x1] =	stream.indirect.gather [hbm4b:s2+s21], $0x80, s5, s21, $0xb8;
	[tilespmem:$0x1F800] =	vst v63  }
0x221: {  	_ =	swait.ge [sflag:s28], $0x4000  }
0x222: {  	[sflag:s28] =	ssyncset.done $0x0  }
0x223: {  	[sflag:s28] =	ssyncadd.s32 $0xFFFFC000  }
0x224: {  	[spmem:s3] =	stream.indirect.scatter.add.f32 [tilespmem:s22], [sflag:$0x5], $0x80, s11, s21, $0xb8;
	[tilespmem:$0x1F800] =	vst v63  }
0x225: {  	_ =	swait.ge [sflag:s18], $0x4000  }
0x226: {  	[sflag:s18] =	ssyncset.done $0x0  }
0x227: {  	s23 =	simm.s32 $0x1D80;
	[sflag:s18] =	ssyncadd.s32 $0xFFFFC000  }
0x228: {  	[tilespmem:s22], [sflag:$0x2] =	stream.indirect.gather [hbm4b:s2+s21], $0x80, s23, s21, $0xb8;
	[tilespmem:$0x1F800] =	vst v63  }
0x229: {  	_ =	swait.ge [sflag:s25], $0x4000  }
0x22a: {  	[sflag:s25] =	ssyncset.done $0x0  }
0x22b: {  	[sflag:s25] =	ssyncadd.s32 $0xFFFFC000  }
0x22c: {  	[spmem:s3] =	stream.indirect.scatter.add.f32 [tilespmem:s19], [sflag:$0x5], $0x80, s12, s21, $0xb8;
	[tilespmem:$0x1F800] =	vst v63  }
0x22d: {  	_ =	swait.ge [sflag:s18], $0x4000  }
0x22e: {  	[sflag:s18] =	ssyncset.done $0x0  }
0x22f: {  	s26 =	simm.s32 $0x1E00;
	[sflag:s18] =	ssyncadd.s32 $0xFFFFC000  }
0x230: {  	[tilespmem:s19], [sflag:$0x1] =	stream.indirect.gather [hbm4b:s2+s21], $0x80, s26, s21, $0xb8;
	[tilespmem:$0x1F800] =	vst v63  }
0x231: {  	_ =	swait.ge [sflag:s28], $0x4000  }
0x232: {  	[sflag:s28] =	ssyncset.done $0x0  }
0x233: {  	[sflag:s28] =	ssyncadd.s32 $0xFFFFC000  }
0x234: {  	[spmem:s3] =	stream.indirect.scatter.add.f32 [tilespmem:s22], [sflag:$0x5], $0x80, s13, s21, $0xb8;
	[tilespmem:$0x1F800] =	vst v63  }
0x235: {  	_ =	swait.ge [sflag:s18], $0x4000  }
0x236: {  	[sflag:s18] =	ssyncset.done $0x0  }
0x237: {  	s29 =	simm.s32 $0x1E80;
	[sflag:s18] =	ssyncadd.s32 $0xFFFFC000  }
0x238: {  	[tilespmem:s22], [sflag:$0x2] =	stream.indirect.gather [hbm4b:s2+s21], $0x80, s29, s21, $0xb8;
	[tilespmem:$0x1F800] =	vst v63  }
0x239: {  	_ =	swait.ge [sflag:s25], $0x4000  }
0x23a: {  	[sflag:s25] =	ssyncset.done $0x0  }
0x23b: {  	[sflag:s25] =	ssyncadd.s32 $0xFFFFC000  }
0x23c: {  	[spmem:s3] =	stream.indirect.scatter.add.f32 [tilespmem:s19], [sflag:$0x5], $0x80, s14, s21, $0xb8;
	[tilespmem:$0x1F800] =	vst v63  }
0x23d: {  	_ =	swait.ge [sflag:s18], $0x4000  }
0x23e: {  	[sflag:s18] =	ssyncset.done $0x0  }
0x23f: {  	s5 =	simm.s32 $0x1F00;
	[sflag:s18] =	ssyncadd.s32 $0xFFFFC000  }
0x240: {  	[tilespmem:s19], [sflag:$0x1] =	stream.indirect.gather [hbm4b:s2+s21], $0x80, s5, s21, $0xb8;
	[tilespmem:$0x1F800] =	vst v63  }
0x241: {  	_ =	swait.ge [sflag:s28], $0x4000  }
0x242: {  	[sflag:s28] =	ssyncset.done $0x0  }
0x243: {  	[sflag:s28] =	ssyncadd.s32 $0xFFFFC000  }
0x244: {  	[spmem:s3] =	stream.indirect.scatter.add.f32 [tilespmem:s22], [sflag:$0x5], $0x80, s17, s21, $0xb8;
	[tilespmem:$0x1F800] =	vst v63  }
0x245: {  	_ =	swait.ge [sflag:s18], $0x4000  }
0x246: {  	[sflag:s18] =	ssyncset.done $0x0  }
0x247: {  	s23 =	simm.s32 $0x1F80;
	[sflag:s18] =	ssyncadd.s32 $0xFFFFC000  }
0x248: {  	[tilespmem:s22], [sflag:$0x2] =	stream.indirect.gather [hbm4b:s2+s21], $0x80, s23, s21, $0xb8;
	[tilespmem:$0x1F800] =	vst v63  }
0x249: {  	_ =	swait.ge [sflag:s25], $0x4000  }
0x24a: {  	[sflag:s25] =	ssyncset.done $0x0  }
0x24b: {  	[sflag:s25] =	ssyncadd.s32 $0xFFFFC000  }
0x24c: {  	[spmem:s3] =	stream.indirect.scatter.add.f32 [tilespmem:s19], [sflag:$0x5], $0x80, s30, s21, $0xb8;
	[tilespmem:$0x1F800] =	vst v63  }
0x24d: {  	_ =	swait.ge [sflag:s18], $0x4000  }
0x24e: {  	[sflag:s18] =	ssyncset.done $0x0  }
0x24f: {  	s26 =	simm.s32 $0x2000;
	[sflag:s18] =	ssyncadd.s32 $0xFFFFC000  }
0x250: {  	[tilespmem:s19], [sflag:$0x1] =	stream.indirect.gather [hbm4b:s2+s21], $0x80, s26, s21, $0xb8;
	[tilespmem:$0x1F800] =	vst v63  }
0x251: {  	_ =	swait.ge [sflag:s28], $0x4000  }
0x252: {  	[sflag:s28] =	ssyncset.done $0x0  }
0x253: {  	[sflag:s28] =	ssyncadd.s32 $0xFFFFC000  }
0x254: {  	[spmem:s3] =	stream.indirect.scatter.add.f32 [tilespmem:s22], [sflag:$0x5], $0x80, s20, s21, $0xb8;
	[tilespmem:$0x1F800] =	vst v63  }
0x255: {  	_ =	swait.ge [sflag:s18], $0x4000  }
0x256: {  	[sflag:s18] =	ssyncset.done $0x0  }
0x257: {  	s29 =	simm.s32 $0x2080;
	[sflag:s18] =	ssyncadd.s32 $0xFFFFC000  }
0x258: {  	[tilespmem:s22], [sflag:$0x2] =	stream.indirect.gather [hbm4b:s2+s21], $0x80, s29, s21, $0xb8;
	[tilespmem:$0x1F800] =	vst v63  }
0x259: {  	_ =	swait.ge [sflag:s1], $0x800  }
0x25a: {  	[sflag:s1] =	ssyncset.done $0x0  }
0x25b: {  	[sflag:s1] =	ssyncadd.s32 $0xFFFFF800  }
0x25c: {  	_ =	swait.ge [sflag:s25], $0x4000  }
0x25d: {  	[sflag:s25] =	ssyncset.done $0x0  }
0x25e: {  	[sflag:s25] =	ssyncadd.s32 $0xFFFFC000  }
0x25f: {  	[spmem:s3] =	stream.indirect.scatter.add.f32 [tilespmem:s19], [sflag:$0x5], $0x80, s15, s21, $0xb8;
	[tilespmem:$0x1F800] =	vst v63  }
0x260: {  	_ =	swait.ge [sflag:s18], $0x4000  }
0x261: {  	[sflag:s18] =	ssyncset.done $0x0  }
0x262: {  	s5 =	simm.s32 $0x2100;
	[sflag:s18] =	ssyncadd.s32 $0xFFFFC000  }
0x263: {  	[tilespmem:s19], [sflag:$0x1] =	stream.indirect.gather [hbm4b:s2+s21], $0x80, s5, s21, $0xb8;
	[tilespmem:$0x1F800] =	vst v63  }
0x264: {  	_ =	swait.ge [sflag:s28], $0x4000  }
0x265: {  	[sflag:s28] =	ssyncset.done $0x0  }
0x266: {  	s23 =	simm.s32 $0x2880;
	[sflag:s28] =	ssyncadd.s32 $0xFFFFC000  }
0x267: {  	[spmem:s3] =	stream.indirect.scatter.add.f32 [tilespmem:s22], [sflag:$0x5], $0x80, s23, s21, $0xb8;
	[tilespmem:$0x1F800] =	vst v63  }
0x268: {  	_ =	swait.ge [sflag:s18], $0x4000  }
0x269: {  	[sflag:s18] =	ssyncset.done $0x0  }
0x26a: {  	s26 =	simm.s32 $0x2180;
	[sflag:s18] =	ssyncadd.s32 $0xFFFFC000  }
0x26b: {  	[tilespmem:s22], [sflag:$0x2] =	stream.indirect.gather [hbm4b:s2+s21], $0x80, s26, s21, $0xb8;
	[tilespmem:$0x1F800] =	vst v63  }
0x26c: {  	_ =	swait.ge [sflag:s25], $0x4000  }
0x26d: {  	[sflag:s25] =	ssyncset.done $0x0  }
0x26e: {  	s29 =	simm.s32 $0x2900;
	[sflag:s25] =	ssyncadd.s32 $0xFFFFC000  }
0x26f: {  	[spmem:s3] =	stream.indirect.scatter.add.f32 [tilespmem:s19], [sflag:$0x5], $0x80, s29, s21, $0xb8;
	[tilespmem:$0x1F800] =	vst v63  }
0x270: {  	_ =	swait.ge [sflag:s18], $0x4000  }
0x271: {  	[sflag:s18] =	ssyncset.done $0x0  }
0x272: {  	s4 =	simm.s32 $0x2200;
	[sflag:s18] =	ssyncadd.s32 $0xFFFFC000  }
0x273: {  	[tilespmem:s19], [sflag:$0x1] =	stream.indirect.gather [hbm4b:s2+s21], $0x80, s4, s21, $0xb8;
	[tilespmem:$0x1F800] =	vst v63  }
0x274: {  	_ =	swait.ge [sflag:s28], $0x4000  }
0x275: {  	[sflag:s28] =	ssyncset.done $0x0  }
0x276: {  	s5 =	simm.s32 $0x2980;
	[sflag:s28] =	ssyncadd.s32 $0xFFFFC000  }
0x277: {  	[spmem:s3] =	stream.indirect.scatter.add.f32 [tilespmem:s22], [sflag:$0x5], $0x80, s5, s21, $0xb8;
	[tilespmem:$0x1F800] =	vst v63  }
0x278: {  	_ =	swait.ge [sflag:s18], $0x4000  }
0x279: {  	[sflag:s18] =	ssyncset.done $0x0  }
0x27a: {  	s23 =	simm.s32 $0x2280;
	[sflag:s18] =	ssyncadd.s32 $0xFFFFC000  }
0x27b: {  	[tilespmem:s22], [sflag:$0x2] =	stream.indirect.gather [hbm4b:s2+s21], $0x80, s23, s21, $0xb8;
	[tilespmem:$0x1F800] =	vst v63  }
0x27c: {  	_ =	swait.ge [sflag:s25], $0x4000  }
0x27d: {  	[sflag:s25] =	ssyncset.done $0x0  }
0x27e: {  	s26 =	simm.s32 $0x2A00;
	[sflag:s25] =	ssyncadd.s32 $0xFFFFC000  }
0x27f: {  	[spmem:s3] =	stream.indirect.scatter.add.f32 [tilespmem:s19], [sflag:$0x5], $0x80, s26, s21, $0xb8;
	[tilespmem:$0x1F800] =	vst v63  }
0x280: {  	_ =	swait.ge [sflag:s18], $0x4000  }
0x281: {  	[sflag:s18] =	ssyncset.done $0x0  }
0x282: {  	s29 =	simm.s32 $0x2300;
	[sflag:s18] =	ssyncadd.s32 $0xFFFFC000  }
0x283: {  	[tilespmem:s19], [sflag:$0x1] =	stream.indirect.gather [hbm4b:s2+s21], $0x80, s29, s21, $0xb8;
	[tilespmem:$0x1F800] =	vst v63  }
0x284: {  	_ =	swait.ge [sflag:s28], $0x4000  }
0x285: {  	[sflag:s28] =	ssyncset.done $0x0  }
0x286: {  	s4 =	simm.s32 $0x2A80;
	[sflag:s28] =	ssyncadd.s32 $0xFFFFC000  }
0x287: {  	[spmem:s3] =	stream.indirect.scatter.add.f32 [tilespmem:s22], [sflag:$0x5], $0x80, s4, s21, $0xb8;
	[tilespmem:$0x1F800] =	vst v63  }
0x288: {  	_ =	swait.ge [sflag:s18], $0x4000  }
0x289: {  	[sflag:s18] =	ssyncset.done $0x0  }
0x28a: {  	s5 =	simm.s32 $0x2380;
	[sflag:s18] =	ssyncadd.s32 $0xFFFFC000  }
0x28b: {  	[tilespmem:s22], [sflag:$0x2] =	stream.indirect.gather [hbm4b:s2+s21], $0x80, s5, s21, $0xb8;
	[tilespmem:$0x1F800] =	vst v63  }
0x28c: {  	_ =	swait.ge [sflag:s25], $0x4000  }
0x28d: {  	[sflag:s25] =	ssyncset.done $0x0  }
0x28e: {  	s23 =	simm.s32 $0x2B00;
	[sflag:s25] =	ssyncadd.s32 $0xFFFFC000  }
0x28f: {  	[spmem:s3] =	stream.indirect.scatter.add.f32 [tilespmem:s19], [sflag:$0x5], $0x80, s23, s21, $0xb8;
	[tilespmem:$0x1F800] =	vst v63  }
0x290: {  	_ =	swait.ge [sflag:s18], $0x4000  }
0x291: {  	[sflag:s18] =	ssyncset.done $0x0  }
0x292: {  	s26 =	simm.s32 $0x2400;
	[sflag:s18] =	ssyncadd.s32 $0xFFFFC000  }
0x293: {  	[tilespmem:s19], [sflag:$0x1] =	stream.indirect.gather [hbm4b:s2+s21], $0x80, s26, s21, $0xb8;
	[tilespmem:$0x1F800] =	vst v63  }
0x294: {  	_ =	swait.ge [sflag:s28], $0x4000  }
0x295: {  	[sflag:s28] =	ssyncset.done $0x0  }
0x296: {  	s29 =	simm.s32 $0x2B80;
	[sflag:s28] =	ssyncadd.s32 $0xFFFFC000  }
0x297: {  	[spmem:s3] =	stream.indirect.scatter.add.f32 [tilespmem:s22], [sflag:$0x5], $0x80, s29, s21, $0xb8;
	[tilespmem:$0x1F800] =	vst v63  }
0x298: {  	_ =	swait.ge [sflag:s18], $0x4000  }
0x299: {  	[sflag:s18] =	ssyncset.done $0x0  }
0x29a: {  	s4 =	simm.s32 $0x2480;
	[sflag:s18] =	ssyncadd.s32 $0xFFFFC000  }
0x29b: {  	[tilespmem:s22], [sflag:$0x2] =	stream.indirect.gather [hbm4b:s2+s21], $0x80, s4, s21, $0xb8;
	[tilespmem:$0x1F800] =	vst v63  }
0x29c: {  	_ =	swait.ge [sflag:s25], $0x4000  }
0x29d: {  	[sflag:s25] =	ssyncset.done $0x0  }
0x29e: {  	s5 =	simm.s32 $0x2C00;
	[sflag:s25] =	ssyncadd.s32 $0xFFFFC000  }
0x29f: {  	[spmem:s3] =	stream.indirect.scatter.add.f32 [tilespmem:s19], [sflag:$0x5], $0x80, s5, s21, $0xb8;
	[tilespmem:$0x1F800] =	vst v63  }
0x2a0: {  	_ =	swait.ge [sflag:s18], $0x4000  }
0x2a1: {  	[sflag:s18] =	ssyncset.done $0x0  }
0x2a2: {  	s23 =	simm.s32 $0x2500;
	[sflag:s18] =	ssyncadd.s32 $0xFFFFC000  }
0x2a3: {  	[tilespmem:s19], [sflag:$0x1] =	stream.indirect.gather [hbm4b:s2+s21], $0x80, s23, s21, $0xb8;
	[tilespmem:$0x1F800] =	vst v63  }
0x2a4: {  	_ =	swait.ge [sflag:s28], $0x4000  }
0x2a5: {  	[sflag:s28] =	ssyncset.done $0x0  }
0x2a6: {  	s26 =	simm.s32 $0x2C80;
	[sflag:s28] =	ssyncadd.s32 $0xFFFFC000  }
0x2a7: {  	[spmem:s3] =	stream.indirect.scatter.add.f32 [tilespmem:s22], [sflag:$0x5], $0x80, s26, s21, $0xb8;
	[tilespmem:$0x1F800] =	vst v63  }
0x2a8: {  	_ =	swait.ge [sflag:s18], $0x4000  }
0x2a9: {  	[sflag:s18] =	ssyncset.done $0x0  }
0x2aa: {  	s29 =	simm.s32 $0x2580;
	[sflag:s18] =	ssyncadd.s32 $0xFFFFC000  }
0x2ab: {  	[tilespmem:s22], [sflag:$0x2] =	stream.indirect.gather [hbm4b:s2+s21], $0x80, s29, s21, $0xb8;
	[tilespmem:$0x1F800] =	vst v63  }
0x2ac: {  	_ =	swait.ge [sflag:s25], $0x4000  }
0x2ad: {  	[sflag:s25] =	ssyncset.done $0x0  }
0x2ae: {  	s4 =	simm.s32 $0x2D00;
	[sflag:s25] =	ssyncadd.s32 $0xFFFFC000  }
0x2af: {  	[spmem:s3] =	stream.indirect.scatter.add.f32 [tilespmem:s19], [sflag:$0x5], $0x80, s4, s21, $0xb8;
	[tilespmem:$0x1F800] =	vst v63  }
0x2b0: {  	_ =	swait.ge [sflag:s18], $0x4000  }
0x2b1: {  	[sflag:s18] =	ssyncset.done $0x0  }
0x2b2: {  	s5 =	simm.s32 $0x2600;
	[sflag:s18] =	ssyncadd.s32 $0xFFFFC000  }
0x2b3: {  	[tilespmem:s19], [sflag:$0x1] =	stream.indirect.gather [hbm4b:s2+s21], $0x80, s5, s21, $0xb8;
	[tilespmem:$0x1F800] =	vst v63  }
0x2b4: {  	_ =	swait.ge [sflag:s28], $0x4000  }
0x2b5: {  	[sflag:s28] =	ssyncset.done $0x0  }
0x2b6: {  	s23 =	simm.s32 $0x2D80;
	[sflag:s28] =	ssyncadd.s32 $0xFFFFC000  }
0x2b7: {  	[spmem:s3] =	stream.indirect.scatter.add.f32 [tilespmem:s22], [sflag:$0x5], $0x80, s23, s21, $0xb8;
	[tilespmem:$0x1F800] =	vst v63  }
0x2b8: {  	_ =	swait.ge [sflag:s18], $0x4000  }
0x2b9: {  	[sflag:s18] =	ssyncset.done $0x0  }
0x2ba: {  	s26 =	simm.s32 $0x2680;
	[sflag:s18] =	ssyncadd.s32 $0xFFFFC000  }
0x2bb: {  	[tilespmem:s22], [sflag:$0x2] =	stream.indirect.gather [hbm4b:s2+s21], $0x80, s26, s21, $0xb8;
	[tilespmem:$0x1F800] =	vst v63  }
0x2bc: {  	_ =	swait.ge [sflag:s25], $0x4000  }
0x2bd: {  	[sflag:s25] =	ssyncset.done $0x0  }
0x2be: {  	s29 =	simm.s32 $0x2E00;
	[sflag:s25] =	ssyncadd.s32 $0xFFFFC000  }
0x2bf: {  	[spmem:s3] =	stream.indirect.scatter.add.f32 [tilespmem:s19], [sflag:$0x5], $0x80, s29, s21, $0xb8;
	[tilespmem:$0x1F800] =	vst v63  }
0x2c0: {  	_ =	swait.ge [sflag:s18], $0x4000  }
0x2c1: {  	[sflag:s18] =	ssyncset.done $0x0  }
0x2c2: {  	s4 =	simm.s32 $0x2700;
	[sflag:s18] =	ssyncadd.s32 $0xFFFFC000  }
0x2c3: {  	[tilespmem:s19], [sflag:$0x1] =	stream.indirect.gather [hbm4b:s2+s21], $0x80, s4, s21, $0xb8;
	[tilespmem:$0x1F800] =	vst v63  }
0x2c4: {  	_ =	swait.ge [sflag:s28], $0x4000  }
0x2c5: {  	[sflag:s28] =	ssyncset.done $0x0  }
0x2c6: {  	s5 =	simm.s32 $0x2E80;
	[sflag:s28] =	ssyncadd.s32 $0xFFFFC000  }
0x2c7: {  	[spmem:s3] =	stream.indirect.scatter.add.f32 [tilespmem:s22], [sflag:$0x5], $0x80, s5, s21, $0xb8;
	[tilespmem:$0x1F800] =	vst v63  }
0x2c8: {  	_ =	swait.ge [sflag:s18], $0x4000  }
0x2c9: {  	[sflag:s18] =	ssyncset.done $0x0  }
0x2ca: {  	s23 =	simm.s32 $0x2780;
	[sflag:s18] =	ssyncadd.s32 $0xFFFFC000  }
0x2cb: {  	[tilespmem:s22], [sflag:$0x2] =	stream.indirect.gather [hbm4b:s2+s21], $0x80, s23, s21, $0xb8;
	[tilespmem:$0x1F800] =	vst v63  }
0x2cc: {  	_ =	swait.ge [sflag:s25], $0x4000  }
0x2cd: {  	[sflag:s25] =	ssyncset.done $0x0  }
0x2ce: {  	s26 =	simm.s32 $0x2F00;
	[sflag:s25] =	ssyncadd.s32 $0xFFFFC000  }
0x2cf: {  	[spmem:s3] =	stream.indirect.scatter.add.f32 [tilespmem:s19], [sflag:$0x5], $0x80, s26, s21, $0xb8;
	[tilespmem:$0x1F800] =	vst v63  }
0x2d0: {  	_ =	swait.ge [sflag:s18], $0x4000  }
0x2d1: {  	[sflag:s18] =	ssyncset.done $0x0  }
0x2d2: {  	[sflag:s18] =	ssyncadd.s32 $0xFFFFC000  }
0x2d3: {  	[tilespmem:s19], [sflag:$0x1] =	stream.indirect.gather [hbm4b:s2+s21], $0x80, s23, s21, $0xb8;
	[tilespmem:$0x1F800] =	vst v63  }
0x2d4: {  	_ =	swait.ge [sflag:s28], $0x4000  }
0x2d5: {  	[sflag:s28] =	ssyncset.done $0x0  }
0x2d6: {  	s29 =	simm.s32 $0x2F80;
	[sflag:s28] =	ssyncadd.s32 $0xFFFFC000  }
0x2d7: {  	[spmem:s3] =	stream.indirect.scatter.add.f32 [tilespmem:s22], [sflag:$0x5], $0x80, s29, s21, $0xb8;
	[tilespmem:$0x1F800] =	vst v63  }
0x2d8: {  	_ =	swait.ge [sflag:s18], $0x4000  }
0x2d9: {  	[sflag:s18] =	ssyncset.done $0x0  }
0x2da: {  	[sflag:s18] =	ssyncadd.s32 $0xFFFFC000  }
0x2db: {  	[tilespmem:s22], [sflag:$0x2] =	stream.indirect.gather [hbm4b:s2+s21], $0x80, s23, s21, $0xb8;
	[tilespmem:$0x1F800] =	vst v63  }
0x2dc: {  	_ =	swait.ge [sflag:s25], $0x4000  }
0x2dd: {  	[sflag:s25] =	ssyncset.done $0x0  }
0x2de: {  	[sflag:s25] =	ssyncadd.s32 $0xFFFFC000  }
0x2df: {  	_ =	swait.ge [sflag:s28], $0x4000  }
0x2e0: {  	[sflag:s28] =	ssyncset.done $0x0  }
0x2e1: {  	s5 =	stileid.u32;
	[sflag:s28] =	ssyncadd.s32 $0xFFFFC000  }
0x2e2: {  	s29 =	sshll.u32 s5, $0x6;
	[bflag:$0x0] =	sbarrier.arrive $0xFFFF  }
0x2e3: {  	s31 =	sshrl.u32 s31, $0x3;
	s29 =	sor.u32 $0x1C05, s29;
	s23 =	rddreg [dreg:$0xe]  }
0x2e4: {  	[hbm:s23], [sflag:s29] =	dma.local [spmem:s31], $0x2800  }
0x2e5: {  	_ =	swait.ge [sflag:s18], $0x2800  }
0x2e6: {  	s16 =	sadd.s32 $0x1, s16;
	s31 =	rddreg [dreg:$0xf]  }
0x2e7: {  	p0 =	sne.s32 s16, s31  }
.Ltmp1:
0x2e8: {  	_ = 	snop;
	(pc) =	sbr.rel @p0 .LBB2_1-.Ltmp1, $3  }
0x2e9: {  	_ =	sdelay $0x1  }
0x2ea: {  	[sflag:s18] =	ssyncset.done $0x0  }
0x2eb: {  	[sflag:s18] =	ssyncadd.s32 $0xFFFFD800  }
0x2ec: {  	_ =	sfence.sel $0x180000  }
0x2ed: {  	[bflag:$0x0] =	sbarrier.arrive $0xFFFF  }
0x2ee: {  	_ =	strace $0x9000004D  }
0x2ef: {  	s0 =	stileid.u32;
	[bflag:$0x2] =	sbarrier.arrive $0xFFFF  }
0x2f0: {  	p0 =	sne.s32 s0, $0x0;
	s0 =	rddreg [dreg:$0x3]  }
0x2f1: {  	s0 =	sadd.s32 @!p0 $0x100000, s0  }
0x2f2: {  	[sflag:s0] =	ssyncadd.tile.s32 @!p0 $0x1;
	_ =	shalt  }
.Lfunc_end2:
_tile_overlayer_lowered:
.L_overlay_start_2:
0x2f3: {  	(tag) =	ssettag $0x2  }
0x2f4: {  	s0 =	rddreg [dreg:$0x0];
	s2 =	stileid.u32  }
0x2f5: {  	s1 =	rddreg [dreg:$0x1];
	p0 =	sne.s32 s2, $0x0  }
0x2f6: {  	s3 =	rddreg [dreg:$0x2];
	[bflag:$0x3] =	sbarrier.arrive $0xFFFF;
	s2 =	simm.s32 @!p0 $0x1C05  }
0x2f7: {  	[timem:s3], [sflag:s2] =	dma.local @!p0 [hbm:s0], s1  }
0x2f8: {  	s0 =	simm.s32 @!p0 $0x5  }
0x2f9: {  	_ =	swait.ge @!p0 [sflag:s0], s1  }
0x2fa: {  	s1 =	ssub.s32 @!p0 $0x0, s1;
	[sflag:s0] =	ssyncset.done @!p0 $0x0  }
0x2fb: {  	[sflag:s0] =	ssyncadd.s32 @!p0 s1  }
0x2fc: {  	[bflag:$0x3] =	sbarrier.arrive $0xFFFF  }
0x2fd: {  	_ =	shalt  }

// kernel: kernel.9.cloned.1.call-start
scs
__scs_entry_jumppad:
0x0: {  	(pc) =	sbr.rel $0x88, $3  }
0x1: {  	(tag) =	ssettag $0x0;
	lr =	simm.s32 $0x1  }
0x2: {  	[smem:$0x3F9D] =	sst lr;
	_ =	strace $0xD0000000  }
0x3: {  	_ = 	snop  }
0x4: {  	_ = 	snop  }
0x5: {  	_ = 	snop  }
0x6: {  	_ = 	snop  }
0x7: {  	_ = 	snop  }
__scs_overlays_trampoline_lowered:
0x8: {  	[smem:$0x3FAC] =	sst s0  }
0x9: {  	[smem:$0x3FAD] =	sst s1  }
0xa: {  	[smem:$0x3FAE] =	sst s2  }
0xb: {  	[smem:$0x3FAF] =	sst s3  }
0xc: {  	[smem:$0x3FB0] =	sst s4  }
0xd: {  	[smem:$0x3FB1] =	sst s5  }
0xe: {  	[smem:$0x3FB2] =	sst s6  }
0xf: {  	[smem:$0x3FB3] =	sst s7  }
0x10: {  	[smem:$0x3FB4] =	sst s8  }
0x11: {  	[smem:$0x3FB5] =	sst s9;
	s0 =	simm.s32 @!p0 $0x0  }
0x12: {  	s1 =	sld [smem:$0x3F9B];
	s0 =	simm.s32 @p0 $0x1  }
0x13: {  	[smem:$0x3FB6] =	sst s0;
	s0 =	simm.s32 @!p1 $0x0  }
0x14: {  	s2 =	sld [smem:$0x3F9A];
	s0 =	simm.s32 @p1 $0x1  }
0x15: {  	[smem:$0x3FB7] =	sst s0;
	s0 =	simm.s32 @!p2 $0x0  }
0x16: {  	s3 =	sld [smem:$0x3FDB];
	s0 =	simm.s32 @p2 $0x1  }
0x17: {  	s4 =	simm.s32 $0x1BF5;
	[smem:$0x3FB9] =	sst s0  }
0x18: {  	s0 =	sld [smem:$0x3F9C];
	_ =	swait.ge [sflag:s4], $0x0  }
0x19: {  	s7 =	sld [smem:$0x3F9D]  }
0x1a: {  	s8 =	sadd.s32 $0xFFFFE003, lr  }
0x1b: {  	s9 =	sadd.s32 $0xFFFFFEF7, lr;
	s5 =	simm.s32 $0xFFFFFFFF;
	p2 =	slt.u32 s8, $0xFFFFF086  }
0x1c: {  	p1 =	slt.u32 s9, $0xF7A;
	s5 =	simm.s32 @!p2 $0x0  }
0x1d: {  	s5 =	simm.s32 @p1 $0x1;
	p0 =	seq.s32 s7, s2  }
0x1e: {  	s7 =	smul.u32 @!p0 $0xF7A, s2;
	p2 =	seq.s32 @!p0 s5, $0x0  }
0x1f: {  	s9 =	smul.u32 $0xF7A, s1;
	s8 =	simm.s32 @!p0 $0x1BF5;
	p2 =	por !p2, p0  }
0x20: {  	[sflag:s8] =	ssyncset.s32 @!p0 $0xFFFFF086;
	s6 =	sadd.s32 @!p0 s3, s7;
	s7 =	simm.s32 @!p0 $0x108  }
0x21: {  	s3 =	sadd.s32 s3, s9;
	s6 =	sadd.s32 @!p0 $0x88, s6;
	s7 =	simm.s32 @p2 $0x1082  }
0x22: {  	[simem:s7], [sflag:s8] =	dma.local @!p0 [hbm:s6], $0xF7A  }
0x23: {  	s9 =	sor.u32 $0xD0000000, s2;
	s6 =	simm.s32 $0x108;
	_ =	swait.ge @!p0 [sflag:s8], $0x0  }
0x24: {  	s3 =	sadd.s32 $0x88, s3;
	s6 =	simm.s32 @!p1 $0x1082;
	[sflag:s4] =	ssyncset.s32 $0xFFFFF086  }
0x25: {  	[simem:s6], [sflag:s4] =	dma.local [hbm:s3], $0xF7A  }
0x26: {  	[smem:$0x3F9D] =	sst s1;
	(tag) =	ssettag s2;
	_ =	strace s9  }
0x27: {  	s1 =	sld [smem:$0x3FAD]  }
0x28: {  	s2 =	sld [smem:$0x3FAE]  }
0x29: {  	s4 =	sld [smem:$0x3FB0]  }
0x2a: {  	p0 =	seq.s32 s5, $0x0;
	s5 =	sld [smem:$0x3FB1]  }
0x2b: {  	s6 =	sld [smem:$0x3FB2]  }
0x2c: {  	s7 =	sld [smem:$0x3FB3]  }
0x2d: {  	s3 =	simm.s32 $0x108;
	s8 =	sld [smem:$0x3FB4]  }
0x2e: {  	s3 =	simm.s32 @!p0 $0x1082;
	s9 =	sld [smem:$0x3FB5]  }
0x2f: {  	lr =	sadd.s32 s0, s3;
	s0 =	sld [smem:$0x3FAC]  }
0x30: {  	s3 =	sld [smem:$0x3FAF]  }
0x31: {  	[smem:$0x3FB8] =	sst s10  }
0x32: {  	s10 =	sld [smem:$0x3FB6];
	_ =	sdelay $0x3  }
0x33: {  	p0 =	seq.s32 s10, $0x1;
	s10 =	sld [smem:$0x3FB8];
	_ =	sdelay $0x3  }
0x34: {  	[smem:$0x3FB8] =	sst s10  }
0x35: {  	s10 =	sld [smem:$0x3FB7];
	_ =	sdelay $0x3  }
0x36: {  	p1 =	seq.s32 s10, $0x1;
	s10 =	sld [smem:$0x3FB8];
	_ =	sdelay $0x3  }
0x37: {  	[smem:$0x3FB8] =	sst s10  }
0x38: {  	s10 =	sld [smem:$0x3FB9]  }
0x39: {  	_ = 	snop;
	(pc) =	sbr.ind lr, $3  }
0x3a: {  	_ = 	snop  }
0x3b: {  	_ = 	snop  }
0x3c: {  	p2 =	seq.s32 s10, $0x1;
	s10 =	sld [smem:$0x3FB8]  }
0x3d: {  	_ =	shalt  }
0x3e: {  	_ =	shalt  }
0x3f: {  	_ =	shalt  }
0x40: {  	_ =	shalt  }
0x41: {  	_ =	shalt  }
0x42: {  	_ =	shalt  }
0x43: {  	_ =	shalt  }
0x44: {  	_ =	shalt  }
0x45: {  	_ =	shalt  }
0x46: {  	_ =	shalt  }
0x47: {  	_ =	shalt  }
0x48: {  	_ =	shalt  }
0x49: {  	_ =	shalt  }
0x4a: {  	_ =	shalt  }
0x4b: {  	_ =	shalt  }
0x4c: {  	_ =	shalt  }
0x4d: {  	_ =	shalt  }
0x4e: {  	_ =	shalt  }
0x4f: {  	_ =	shalt  }
0x50: {  	_ =	shalt  }
0x51: {  	_ =	shalt  }
0x52: {  	_ =	shalt  }
0x53: {  	_ =	shalt  }
0x54: {  	_ =	shalt  }
0x55: {  	_ =	shalt  }
0x56: {  	_ =	shalt  }
0x57: {  	_ =	shalt  }
0x58: {  	_ =	shalt  }
0x59: {  	_ =	shalt  }
0x5a: {  	_ =	shalt  }
0x5b: {  	_ =	shalt  }
0x5c: {  	_ =	shalt  }
0x5d: {  	_ =	shalt  }
0x5e: {  	_ =	shalt  }
0x5f: {  	_ =	shalt  }
0x60: {  	_ =	shalt  }
0x61: {  	_ =	shalt  }
0x62: {  	_ =	shalt  }
0x63: {  	_ =	shalt  }
0x64: {  	_ =	shalt  }
0x65: {  	_ =	shalt  }
0x66: {  	_ =	shalt  }
0x67: {  	_ =	shalt  }
0x68: {  	_ =	shalt  }
0x69: {  	_ =	shalt  }
0x6a: {  	_ =	shalt  }
0x6b: {  	_ =	shalt  }
0x6c: {  	_ =	shalt  }
0x6d: {  	_ =	shalt  }
0x6e: {  	_ =	shalt  }
0x6f: {  	_ =	shalt  }
0x70: {  	_ =	shalt  }
0x71: {  	_ =	shalt  }
0x72: {  	_ =	shalt  }
0x73: {  	_ =	shalt  }
0x74: {  	_ =	shalt  }
0x75: {  	_ =	shalt  }
0x76: {  	_ =	shalt  }
0x77: {  	_ =	shalt  }
0x78: {  	_ =	shalt  }
0x79: {  	_ =	shalt  }
0x7a: {  	_ =	shalt  }
0x7b: {  	_ =	shalt  }
0x7c: {  	_ =	shalt  }
0x7d: {  	_ =	shalt  }
0x7e: {  	_ =	shalt  }
0x7f: {  	_ =	shalt  }
0x80: {  	_ =	shalt  }
0x81: {  	_ =	shalt  }
0x82: {  	_ =	shalt  }
0x83: {  	_ =	shalt  }
0x84: {  	_ =	shalt  }
0x85: {  	_ =	shalt  }
0x86: {  	_ =	shalt  }
0x87: {  	_ =	shalt  }
.Lfunc_end0:
.L_simem_size_0:
called_computation_lowered:
.L_overlay_start_0:
0x88: {  	s2 =	sld [smem:$0x3FD9]  }
0x89: {  	s3 =	sld [smem:$0x3FFE];
	_ =	sdelay $0x1  }
0x8a: {  	s1 =	srdreg.scid  }
0x8b: {  	s0 =	sand.u32 $0x1, s1  }
0x8c: {  	s16 =	sshll.u32 s0, $0xA;
	s2 =	sadd.s32 s3, s2  }
0x8d: {  	s2 =	sadd.s32 s2, s16  }
0x8e: {  	[smem:$0x3FC4] =	sst s2  }
0x8f: {  	_ = 	snop  }
0x90: {  	(tm) =	ssettm $0x1  }
0x91: {  	s17 =	sld [smem:$0x3FFB];
	_ =	sdelay $0x3  }
0x92: {  	_ =	strace s17  }
0x93: {  	s2 =	sld [smem:$0x3FFC];
	_ =	sdelay $0x3  }
0x94: {  	_ =	strace s2  }
0x95: {  	s2 =	sld [smem:$0x3FFD];
	_ =	sdelay $0x3  }
0x96: {  	_ =	strace s2  }
0x97: {  	_ =	strace $0x8FFFFFFF  }
0x98: {  	s18 =	sld [smem:$0x3FDB];
	_ =	sdelay $0x1  }
0x99: {  	s19 =	simm.s32 $_scs_section_size  }
0x9a: {  	s4 =	simm.s32 $_size__tile_overlayer_lowered;
	s5 =	simm.s32 $_tile_overlayer_lowered  }
0x9b: {  	s22 =	simm.s32 $0x1BFF;
	s21 =	sshll.u32 s5, $0x1;
	s2 =	sadd.s32 s19, s18  }
0x9c: {  	s6 =	simm.s32 $0x0;
	s20 =	sshll.u32 s4, $0x1;
	s4 =	sadd.s32 s21, s2  }
0x9d: {  	[timem:s6], [sflag:s22] =	dma.local [hbm:s4], s20  }
0x9e: {  	_ =	swait.ge [sflag:s22], s20  }
0x9f: {  	s3 =	ssub.s32 $0x0, s20;
	[sflag:s22] =	ssyncset.done $0x0  }
0xa0: {  	[sflag:s22] =	ssyncadd.s32 s3;
	_ =	sdelay $0x1  }
0xa1: {  	s23 =	simm.s32 $0x1B8B  }
0xa2: {  	_ =	swait.ge [sflag:s23], $0x1  }
0xa3: {  	[sflag:s23] =	ssyncset.done $0x0  }
0xa4: {  	s25 =	simm.s32 $0x1B8E;
	s24 =	sld [smem:$0x3FFE];
	[sflag:s23] =	ssyncadd.s32 $0xFFFFFFFF  }
0xa5: {  	s26 =	simm.s32 $execute0_lowered;
	[smem:$0x3FD2] =	sst s25  }
0xa6: {  	s4 =	sshll.u32 s26, $0x1;
	_ =	strace $0x80000046;
	[dreg:$0x1] =	wrdreg $0xFFFFFFFF  }
0xa7: {  	s28 =	simm.s32 $_size_execute0_lowered;
	s2 =	sadd.s32 s2, s4;
	[dreg:$0x0] =	wrdreg $0x0  }
0xa8: {  	s4 =	sshll.u32 s28, $0x1;
	[dreg:$0x2] =	wrdreg s2  }
0xa9: {  	[dreg:$0x3] =	wrdreg s4  }
0xaa: {  	[dreg:$0x4] =	wrdreg $0xC0  }
0xab: {  	_ =	task [dreg:s6], $0x5FFFF  }
0xac: {  	[dreg:$0x1] =	wrdreg $0xFFFFFFFF  }
0xad: {  	[dreg:$0x0] =	wrdreg $0x60  }
0xae: {  	[dreg:$0x2] =	wrdreg s24  }
0xaf: {  	[dreg:$0x3] =	wrdreg $0xA8000  }
0xb0: {  	[dreg:$0x4] =	wrdreg $0x9  }
0xb1: {  	_ =	task.clear_ibuf [dreg:s6], $0x5FFFF;
	_ =	strace $0x90000046  }
0xb2: {  	s29 =	simm.s32 $0x9;
	_ =	strace $0x80000048  }
0xb3: {  	_ =	swait.ge [sflag:s29], $0x1  }
0xb4: {  	[sflag:s29] =	ssyncadd.s32 $0xFFFFFFFF  }
0xb5: {  	_ =	strace $0x90000048  }
0xb6: {  	_ =	sfence  }
0xb7: {  	s30 =	sld [smem:$0x0];
	_ =	sdelay $0x2  }
0xb8: {  	s31 =	sshll.u32 s1, $0xD;
	s1 =	sshrl.u32 s1, $0x2  }
0xb9: {  	s3 =	sand.u32 $0x4000, s31;
	s1 =	sadd.s32 s1, s30  }
0xba: {  	s0 =	sor.u32 s3, s0;
	s1 =	sshll.u32 s1, $0x11  }
0xbb: {  	s0 =	sor.u32 s1, s0  }
0xbc: {  	s0 =	sadd.s32 $0x8F2B, s0  }
0xbd: {  	[sflag:s0] =	ssyncadd.remote.s32 $0x1  }
0xbe: {  	_ =	sfence.sel $0xFFFF  }
0xbf: {  	[dreg:$0x0] =	wrdreg $0xFFFFFFFF;
	(pc) =	sbr.abs _section_cstart, $3  }
0xc0: {  	[dreg:$0x1] =	wrdreg $0xFFFFFFFF  }
0xc1: {  	_ =	task.clear_ibuf [dreg:s6], $0x2FFFF;
	_ =	strace $0x9FFFFFFF  }
0xc2: {  	(tm) =	ssettm $0x7FFFFFFF  }
0xc3: {  	_ =	shalt  }
tec
execute0_lowered:
.L_overlay_start_1:
0x0: {  	(tag) =	ssettag $0x1  }
0x1: {  	s5 =	rddreg [dreg:$0x0]  }
0x2: {  	s0 =	srdreg.scid;
	s2 =	rddreg [dreg:$0x1]  }
0x3: {  	s3 =	simm.s32 $0x0;
	s12 =	simm.s32 $0x1;
	s13 =	simm.s32 $0x6800  }
0x4: {  	s14 =	simm.s32 $0x80;
	s15 =	simm.s32 $0x2800;
	s4 =	sand.u32 $0x1, s0  }
0x5: {  	s18 =	simm.s32 $0x0;
	s0 =	stileid.u32;
	s7 =	smul.u32 $0x140000, s4  }
0x6: {  	[smem:$0x7FF] =	sst s3;
	s1 =	sshll.u32 s4, $0x4;
	s8 =	smul.u32 $0x14000, s0  }
0x7: {  	s9 =	smul.u32 $0x50000, s0;
	s4 =	ssub.s32 $0x2, s4;
	s16 =	sshll.u32 s0, $0x6  }
0x8: {  	s1 =	sor.u32 s0, s1;
	s31 =	sshrl.u32 s4, $0x1;
	s16 =	sor.u32 $0x1C01, s16  }
0x9: {  	s6 =	smul.u32 $0x500, s1;
	s1 =	rddreg [dreg:$0x2];
	_ =	strace $0x80000047  }
0xa: {  	s7 =	sadd.s32 s8, s7;
	s9 =	sshrl.u32 s9, $0x2;
	s11 =	ssub.s32 s4, s31  }
0xb: {  	s7 =	sshrl.u32 s7, $0x3;
	s4 =	sadd.s32 s9, s2;
	s11 =	smax.u32 s11, $0x1  }
0xc: {  	s6 =	sadd.s32 s6, s5;
	s10 =	sadd.s32 s7, s5;
	s7 =	sadd.s32 $0x8000, s4  }
0xd: {  	s8 =	sadd.s32 $0xC000, s4;
	s9 =	sadd.s32 $0x10000, s4;
	s17 =	sshrl.u32 s4, $0x3  }
0xe: {  	v0 =	vimm.f32 $1.000000000e+00;
	v1 =	vimm.f32 $0.0e+00;
	s5 =	sadd.s32 $0x2600, s6;
	s6 =	sadd.s32 $0x4000, s4;
	s10 =	sadd.s32 $0xC600, s10  }
.LBB2_1:
0xf: {  	[tilespmem:s3], [sflag:$0x1] =	stream.linear.gather [hbm4b:s5+s3], $0x2800, $0x38;
	[tilespmem:$0x1E800] =	vst v63  }
0x10: {  	_ =	swait.ge [sflag:s12], $0x2800  }
0x11: {  	[sflag:s12] =	ssyncset.done $0x0  }
0x12: {  	s19 =	simm.s32 $0x0;
	s20 =	simm.s32 $0x200;
	[sflag:s12] =	ssyncadd.s32 $0xFFFFD800  }
.LBB2_2:
0x13: {  	p0 =	sne.s32 s20, $0xFE00;
	[tilespmem:s19+$0x6870] =	vst v1  }
0x14: {  	[tilespmem:s19+$0x2800] =	vst v0  }
0x15: {  	[tilespmem:s19+$0x6800] =	vst v1  }
0x16: {  	[tilespmem:s19+$0x2810] =	vst v0  }
0x17: {  	[tilespmem:s19+$0x6810] =	vst v1  }
0x18: {  	[tilespmem:s19+$0x2820] =	vst v0  }
0x19: {  	[tilespmem:s19+$0x6820] =	vst v1  }
0x1a: {  	[tilespmem:s19+$0x2830] =	vst v0  }
0x1b: {  	[tilespmem:s19+$0x6830] =	vst v1  }
0x1c: {  	[tilespmem:s19+$0x2840] =	vst v0  }
0x1d: {  	[tilespmem:s19+$0x6840] =	vst v1  }
.Ltmp0:
0x1e: {  	[tilespmem:s19+$0x2850] =	vst v0;
	(pc) =	sbr.rel @p0 .LBB2_2-.Ltmp0, $4  }
0x1f: {  	[tilespmem:s19+$0x6850] =	vst v1  }
0x20: {  	[tilespmem:s19+$0x2860] =	vst v0  }
0x21: {  	[tilespmem:s19+$0x6860] =	vst v1  }
0x22: {  	[tilespmem:s19+$0x2870] =	vst v0;
	s19 =	sshra.s32 s20, $0x2;
	s20 =	sadd.s32 $0x200, s20  }
0x23: {  	[tilespmem:s19+$0x6870] =	vst v1  }
0x24: {  	[tilespmem:s19+$0x2800] =	vst v0  }
0x25: {  	[tilespmem:s19+$0x6800] =	vst v1  }
0x26: {  	[tilespmem:s19+$0x2810] =	vst v0  }
0x27: {  	[tilespmem:s19+$0x6810] =	vst v1  }
0x28: {  	[tilespmem:s19+$0x2820] =	vst v0  }
0x29: {  	[tilespmem:s19+$0x6820] =	vst v1  }
0x2a: {  	[tilespmem:s19+$0x2830] =	vst v0  }
0x2b: {  	[tilespmem:s19+$0x6830] =	vst v1  }
0x2c: {  	[tilespmem:s19+$0x2840] =	vst v0  }
0x2d: {  	[tilespmem:s19+$0x6840] =	vst v1  }
0x2e: {  	[tilespmem:s19+$0x2850] =	vst v0  }
0x2f: {  	[tilespmem:s19+$0x6850] =	vst v1  }
0x30: {  	[tilespmem:s19+$0x2860] =	vst v0  }
0x31: {  	[tilespmem:s19+$0x6860] =	vst v1  }
0x32: {  	[tilespmem:s19+$0x2870] =	vst v0  }
0x33: {  	[spmem:s4] =	stream.linear.scatter [tilespmem:s13], [sflag:$0x1], $0x4000, $0x38;
	[tilespmem:$0x1E800] =	vst v63  }
0x34: {  	_ =	swait.ge [sflag:s12], $0x4000  }
0x35: {  	[sflag:s12] =	ssyncset.done $0x0  }
0x36: {  	[sflag:s12] =	ssyncadd.s32 $0xFFFFC000  }
0x37: {  	[spmem:s6] =	stream.linear.scatter [tilespmem:s13], [sflag:$0x1], $0x4000, $0x38;
	[tilespmem:$0x1E800] =	vst v63  }
0x38: {  	_ =	swait.ge [sflag:s12], $0x4000  }
0x39: {  	[sflag:s12] =	ssyncset.done $0x0  }
0x3a: {  	[sflag:s12] =	ssyncadd.s32 $0xFFFFC000  }
0x3b: {  	[spmem:s7] =	stream.linear.scatter [tilespmem:s13], [sflag:$0x1], $0x4000, $0x38;
	[tilespmem:$0x1E800] =	vst v63  }
0x3c: {  	_ =	swait.ge [sflag:s12], $0x4000  }
0x3d: {  	[sflag:s12] =	ssyncset.done $0x0  }
0x3e: {  	[sflag:s12] =	ssyncadd.s32 $0xFFFFC000  }
0x3f: {  	[spmem:s8] =	stream.linear.scatter [tilespmem:s13], [sflag:$0x1], $0x4000, $0x38;
	[tilespmem:$0x1E800] =	vst v63  }
0x40: {  	_ =	swait.ge [sflag:s12], $0x4000  }
0x41: {  	[sflag:s12] =	ssyncset.done $0x0  }
0x42: {  	[sflag:s12] =	ssyncadd.s32 $0xFFFFC000  }
0x43: {  	[spmem:s9] =	stream.linear.scatter [tilespmem:s13], [sflag:$0x1], $0x4000, $0x38;
	[tilespmem:$0x1E800] =	vst v63  }
0x44: {  	_ =	swait.ge [sflag:s12], $0x4000  }
0x45: {  	[sflag:s12] =	ssyncset.done $0x0  }
0x46: {  	[sflag:s12] =	ssyncadd.s32 $0xFFFFC000  }
0x47: {  	s31 =	simm.s32 $0x0;
	[bflag:$0x0] =	sbarrier.arrive $0xFFFF  }
0x48: {  	[spmem:s2] =	stream.indirect.scatter.add.f32 [tilespmem:s15], [sflag:$0x1], $0x80, s31, s14, $0xb8;
	[tilespmem:$0x1E800] =	vst v63  }
0x49: {  	_ =	swait.ge [sflag:s12], $0x4000  }
0x4a: {  	s19 =	simm.s32 $0x200;
	[sflag:s12] =	ssyncset.done $0x0  }
.LBB2_4:
0x4b: {  	s20 =	sshra.s32 s19, $0x2;
	[sflag:s12] =	ssyncadd.s32 $0xFFFFC000;
	p0 =	sne.s32 s19, $0x9E00  }
0x4c: {  	[spmem:s2] =	stream.indirect.scatter.add.f32 [tilespmem:s15], [sflag:$0x1], $0x80, s20, s14, $0xb8;
	[tilespmem:$0x1E800] =	vst v63  }
.Ltmp1:
0x4d: {  	_ = 	snop;
	(pc) =	sbr.rel @p0 .LBB2_4-.Ltmp1, $4  }
0x4e: {  	_ = 	snop  }
0x4f: {  	s19 =	sadd.s32 $0x200, s19  }
0x50: {  	_ =	swait.ge [sflag:s12], $0x4000  }
0x51: {  	[sflag:s12] =	ssyncset.done $0x0  }
0x52: {  	s18 =	sadd.s32 $0x1, s18  }
0x53: {  	[sflag:s12] =	ssyncadd.s32 $0xFFFFC000;
	p0 =	sne.s32 s18, s11  }
.Ltmp2:
0x54: {  	[bflag:$0x0] =	sbarrier.arrive $0xFFFF;
	(pc) =	sbr.rel @p0 .LBB2_1-.Ltmp2, $4  }
0x55: {  	[hbm:s10], [sflag:s16] =	dma.local [spmem:s17], $0x2800  }
0x56: {  	_ =	swait.ge [sflag:s12], $0x2800  }
0x57: {  	[sflag:s12] =	ssyncset.done $0x0  }
0x58: {  	[sflag:s12] =	ssyncadd.s32 $0xFFFFD800  }
0x59: {  	_ =	sfence.sel $0x180000  }
0x5a: {  	[bflag:$0x0] =	sbarrier.arrive $0xFFFF  }
0x5b: {  	p0 =	sne.s32 s0, $0x0;
	_ =	strace $0x90000047  }
0x5c: {  	s0 =	sadd.s32 @!p0 $0x100000, s1;
	[bflag:$0x2] =	sbarrier.arrive $0xFFFF  }
0x5d: {  	[sflag:s0] =	ssyncadd.tile.s32 @!p0 $0x1;
	_ =	shalt  }
.Lfunc_end2:
_tile_overlayer_lowered:
.L_overlay_start_2:
0x5e: {  	(tag) =	ssettag $0x2  }
0x5f: {  	s0 =	rddreg [dreg:$0x0];
	s2 =	stileid.u32  }
0x60: {  	s1 =	rddreg [dreg:$0x1];
	p0 =	sne.s32 s2, $0x0  }
0x61: {  	s3 =	rddreg [dreg:$0x2];
	[bflag:$0x3] =	sbarrier.arrive $0xFFFF;
	s2 =	simm.s32 @!p0 $0x1C01  }
0x62: {  	[timem:s3], [sflag:s2] =	dma.local @!p0 [hbm:s0], s1  }
0x63: {  	s0 =	simm.s32 @!p0 $0x1  }
0x64: {  	_ =	swait.ge @!p0 [sflag:s0], s1  }
0x65: {  	s1 =	ssub.s32 @!p0 $0x0, s1;
	[sflag:s0] =	ssyncset.done @!p0 $0x0  }
0x66: {  	[sflag:s0] =	ssyncadd.s32 @!p0 s1  }
0x67: {  	[bflag:$0x3] =	sbarrier.arrive $0xFFFF  }
0x68: {  	_ =	shalt  }

</sc_bundles>
